<compile_context>
chip_gen: v7x
topology: tpu7x:2x2x1
jax: 0.10.2.dev20260603
libtpu: 0.0.44.dev20260713+nightly
codegen_flags: <defaults>
</compile_context>

<pallas_src>
import functools

import jax
import jax.numpy as jnp
from jax import lax
from jax.experimental import pallas as pl
from jax.experimental.pallas import tpu as pltpu
from jax.experimental.pallas import tpu_sc as plsc

_H = 224
_W = 224
_PAD = 16
_MAXR = 4
_HP = _H + 2 * _PAD
_WP = _W + 2 * _PAD
_NP = 128
_NG = _NP // 16
_YU = 56
_SLAB = _YU + 2 * _PAD
_OCH = 4


def _boxmean_body(x_ref, out_ref):
    img = x_ref[0, 0]
    top = img[0:1, :]
    bot = img[_H - 1:_H, :]
    pimg = jnp.concatenate([top] * _MAXR + [img] + [bot] * _MAXR, axis=0)
    left = pimg[:, 0:1]
    right = pimg[:, _W - 1:_W]
    pimg = jnp.concatenate([left] * _MAXR + [pimg] + [right] * _MAXR,
                           axis=1)
    for r in range(1, _MAXR + 1):
        rs = pimg[_MAXR - r:_MAXR - r + _H, :]
        for k in range(-r + 1, r + 1):
            rs = rs + pimg[_MAXR + k:_MAXR + k + _H, :]
        bs = rs[:, _MAXR - r:_MAXR - r + _W]
        for k in range(-r + 1, r + 1):
            bs = bs + rs[:, _MAXR + k:_MAXR + k + _W]
        m = bs * (1.0 / float((2 * r + 1) ** 2))
        base = (r - 1) * _HP
        rowpad = jnp.concatenate(
            [jnp.broadcast_to(m[0:1, :], (_PAD, _W)), m,
             jnp.broadcast_to(m[_H - 1:_H, :], (_PAD, _W))], axis=0)
        out_ref[base:base + _HP, _PAD:_PAD + _W] = rowpad
        lcol = out_ref[base:base + _HP, _PAD:_PAD + 1]
        out_ref[base:base + _HP, 0:_PAD] = jnp.broadcast_to(lcol,
                                                            (_HP, _PAD))
        rcol = out_ref[base:base + _HP, _PAD + _W - 1:_PAD + _W]
        out_ref[base:base + _HP, _PAD + _W:_WP] = jnp.broadcast_to(
            rcol, (_HP, _PAD))


def _boxmean_rows(x):
    B = x.shape[0]
    return pl.pallas_call(
        _boxmean_body,
        grid=(B,),
        in_specs=[pl.BlockSpec((1, 1, _H, _W), lambda b: (b, 0, 0, 0))],
        out_specs=pl.BlockSpec((_MAXR * _HP, _WP), lambda b: (b, 0)),
        out_shape=jax.ShapeDtypeStruct((B * _MAXR * _HP, _WP), jnp.float32),
    )(x)


def _sc_sample_body(mrows, params, thrt, out,
                    par_v, thr_v, slabs, oba, obb, ssem, oa, ob):
    wid = lax.axis_index("s") * 2 + lax.axis_index("c")
    b = wid // 16
    rem = wid - b * 16
    g = rem // 2
    half = rem - g * 2
    obufs = (oba, obb)
    osems = (oa, ob)

    pltpu.sync_copy(params.at[g], par_v)
    pltpu.sync_copy(thrt.at[g], thr_v)
    par_sy1 = par_v[0]
    par_sy2 = par_v[1]
    par_sx1 = par_v[2]
    par_sx2 = par_v[3]
    ridxv = par_v[4]
    thrv = thr_v[...]
    fbase1 = (ridxv * _SLAB + par_sy1) * _WP + par_sx1
    fbase2 = (ridxv * _SLAB + par_sy2) * _WP + par_sx2

    def unit_body(u, _):
        y0 = half * (2 * _YU) + u * _YU

        def slab_copy(rr):
            return pltpu.make_async_copy(
                mrows.at[pl.ds(((b * _MAXR + rr) * _HP + y0) * _WP,
                               _SLAB * _WP)],
                slabs.at[pl.ds(rr * _SLAB * _WP, _SLAB * _WP)], ssem)

        for rr in range(_MAXR):
            slab_copy(rr).start()
        for rr in range(_MAXR):
            slab_copy(rr).wait()

        def out_copy(c, pi):
            return pltpu.make_async_copy(
                obufs[pi],
                out.at[b, pl.ds(y0 + c * _OCH, _OCH), :,
                       pl.ds(g * 16, 16)],
                osems[pi])

        for c in range(_YU // _OCH):
            pi = c % 2
            if c >= 2:
                out_copy(c - 2, pi).wait()
            ob_ref = obufs[pi]
            y = c * _OCH
            ybase1 = fbase1 + y * _WP
            ybase2 = fbase2 + y * _WP

            @plsc.parallel_loop(0, _W, unroll=2,
                                carry=(ybase1, ybase2))
            def _cols(x, idx):
                i1, i2 = idx
                for yy in range(_OCH):
                    v1 = plsc.load_gather(slabs, [i1 + yy * _WP])
                    v2 = plsc.load_gather(slabs, [i2 + yy * _WP])
                    ob_ref[yy, x, :] = v1 - v2 - thrv
                return (i1 + 1, i2 + 1)

            out_copy(c, pi).start()
        nch = _YU // _OCH
        out_copy(nch - 2, (nch - 2) % 2).wait()
        out_copy(nch - 1, (nch - 1) % 2).wait()
        return 0

    lax.fori_loop(0, 2, unit_body, 0)


def _sc_sample(mrows, params, thrt, B):
    mesh = plsc.VectorSubcoreMesh(core_axis_name="c", subcore_axis_name="s")
    f = functools.partial(
        pl.kernel,
        mesh=mesh,
        out_type=jax.ShapeDtypeStruct((B, _H, _W, _NP), jnp.float32),
        scratch_types=[
            pltpu.VMEM((5, 16), jnp.int32),
            pltpu.VMEM((16,), jnp.float32),
            pltpu.VMEM((_MAXR * _SLAB * _WP,), jnp.float32),
            pltpu.VMEM((_OCH, _W, 16), jnp.float32),
            pltpu.VMEM((_OCH, _W, 16), jnp.float32),
            pltpu.SemaphoreType.DMA,
            pltpu.SemaphoreType.DMA,
            pltpu.SemaphoreType.DMA,
        ],
        compiler_params=pltpu.CompilerParams(use_tc_tiling_on_sc=False,
                                             needs_layout_passes=False),
    )(_sc_sample_body)
    return f(mrows, params, thrt)


@jax.jit
def kernel(x, offset_x1, offset_x2, offset_y1, offset_y2, thresholds, radii):
    B = x.shape[0]
    mrows = _boxmean_rows(x)

    s1y = (jnp.floor(offset_y1) + _PAD).astype(jnp.int32)
    s1x = (jnp.floor(offset_x1) + _PAD).astype(jnp.int32)
    s2y = (jnp.floor(offset_y2) + _PAD).astype(jnp.int32)
    s2x = (jnp.floor(offset_x2) + _PAD).astype(jnp.int32)
    ridx = (radii - 1).astype(jnp.int32)

    params = jnp.stack([s1y, s2y, s1x, s2x, ridx],
                       axis=0).reshape(5, _NG, 16).transpose(1, 0, 2)
    thrt = thresholds.astype(jnp.float32).reshape(_NG, 16)

    out4 = _sc_sample(mrows.reshape(-1), params, thrt, B)
    return jnp.transpose(out4, (0, 3, 1, 2))

# --- scband reference (transcript-rebuilt; emitter-appended) ---
"""Pipeline reference for scband-baddescriptor-137438953975 (READ-ONLY COPY).

The authoritative reference and input builder live on the scoring server;
editing this copy changes nothing except your own understanding.
"""

import jax, jax.numpy as jnp
import numpy as np

NUM_PAIRS = 128


def _get_bad_learned_params(num_pairs):
    k = jax.random.key(42)
    k1, k2, k3 = jax.random.split(k, 3)
    coords = jax.random.uniform(k1, (num_pairs, 4), minval=0.0, maxval=32.0, dtype=jnp.float32)
    radii = jax.random.randint(k2, (num_pairs,), 1, 5)
    thresholds = jax.random.normal(k3, (num_pairs,), dtype=jnp.float32) * 0.1
    return coords, radii, thresholds


def setup_inputs(seed: int = 0) -> dict:
    key = jax.random.key(seed)
    x = jax.random.uniform(key, (2, 1, 224, 224), dtype=jnp.float32)
    coords, radii, thresholds = _get_bad_learned_params(NUM_PAIRS)
    return {
        "x": x,
        "offset_x1": coords[:, 0] - 16.0,
        "offset_x2": coords[:, 1] - 16.0,
        "offset_y1": coords[:, 2] - 16.0,
        "offset_y2": coords[:, 3] - 16.0,
        "thresholds": thresholds,
        "radii": radii.astype(jnp.int64),
    }


def reference(x, offset_x1, offset_x2, offset_y1, offset_y2, thresholds, radii):
    B, _, H, W = x.shape
    num_pairs = radii.shape[0]

    def _impl(max_radius):
        area = ((2.0 * radii.astype(jnp.float32) + 1.0) ** 2).reshape(-1, 1, 1)
        x_padded = jnp.pad(x, ((0, 0), (0, 0), (max_radius, max_radius), (max_radius, max_radius)), mode='edge')
        integral = jnp.cumsum(jnp.cumsum(x_padded, axis=2), axis=3)
        integral = jnp.pad(integral, ((0, 0), (0, 0), (1, 0), (1, 0)), mode='constant', constant_values=0.0)[:, 0]
        Hp1, Wp1 = integral.shape[1], integral.shape[2]
        base_y = jnp.arange(H, dtype=x.dtype).reshape(1, H, 1)
        base_x = jnp.arange(W, dtype=x.dtype).reshape(1, 1, W)
        radii_i64 = radii.reshape(-1, 1, 1)
        flat = integral.reshape(B, -1)

        def box_mean_for_offsets(offset_y, offset_x):
            center_y = jnp.clip(base_y + offset_y.reshape(-1, 1, 1), 0.0, float(H - 1))
            center_x = jnp.clip(base_x + offset_x.reshape(-1, 1, 1), 0.0, float(W - 1))
            center_y_i64 = center_y.astype(jnp.int64) + max_radius
            center_x_i64 = center_x.astype(jnp.int64) + max_radius
            y0 = center_y_i64 - radii_i64
            x0 = center_x_i64 - radii_i64
            y1 = center_y_i64 + radii_i64 + 1
            x1 = center_x_i64 + radii_i64 + 1

            def gather(y_idx, x_idx):
                linear_idx = (y_idx * Wp1 + x_idx).reshape(-1)
                return jnp.take(flat, linear_idx, axis=1).reshape(B, num_pairs, H, W)

            area_sum = gather(y1, x1) - gather(y0, x1) - gather(y1, x0) + gather(y0, x0)
            return area_sum / area.astype(x.dtype)

        sample1 = box_mean_for_offsets(offset_y1, offset_x1)
        sample2 = box_mean_for_offsets(offset_y2, offset_x2)
        diff = sample1 - sample2
        centered = diff - thresholds.reshape(1, -1, 1, 1).astype(diff.dtype)
        return centered

    branches = [lambda r=r: _impl(r) for r in range(1, 5)]
    return jax.lax.switch(jnp.max(radii).astype(jnp.int32) - 1, branches)

if __name__ == "__main__":
    import jax
    _d = setup_inputs()
    print(jax.jit(kernel)(*tuple(_d.values())))

</pallas_src>

<mosaic_0001>
#map = affine_map<(d0, d1) -> (0)>
#map1 = affine_map<(d0, d1) -> (0, 0, 0)>
#map2 = affine_map<(d0, d1) -> (0, 0)>
#map3 = affine_map<(d0, d1) -> (0, 0, 0, 0)>
module attributes {stable_mosaic.version = 14 : i64} {
  func.func @_sc_sample_body(%arg0: i32, %arg1: i32, %arg2: memref<524288xf32, #tpu.memory_space<hbm>>, %arg3: memref<8x5x16xi32, #tpu.memory_space<hbm>>, %arg4: memref<8x16xf32, #tpu.memory_space<hbm>>, %arg5: memref<2x224x224x128xf32, #tpu.memory_space<hbm>>, %arg6: memref<5x16xi32, #tpu.memory_space<vmem>>, %arg7: memref<16xf32, #tpu.memory_space<vmem>>, %arg8: memref<90112xf32, #tpu.memory_space<vmem>>, %arg9: memref<4x224x16xf32, #tpu.memory_space<vmem>>, %arg10: memref<4x224x16xf32, #tpu.memory_space<vmem>>, %arg11: memref<!tpu.dma_semaphore, #tpu.memory_space<semaphore_mem>>, %arg12: memref<!tpu.dma_semaphore, #tpu.memory_space<semaphore_mem>>, %arg13: memref<!tpu.dma_semaphore, #tpu.memory_space<semaphore_mem>>) attributes {dimension_semantics = [#tpu.dimension_semantics<core_parallel>, #tpu.dimension_semantics<subcore_parallel>], iteration_bounds = array<i64: 2, 16>, scalar_prefetch = 0 : i64, scratch_operands = 8 : i64, tpu.core_type = #tpu.core_type<sc_vector_subcore>, window_params = [{transform_indices = #map}, {transform_indices = #map1}, {transform_indices = #map2}, {transform_indices = #map3}]} {
    %mul3A = arith.constant 2 : i32
    %mul3A_0 = arith.muli %arg1, %mul3A : i32
    %add3A = arith.addi %mul3A_0, %arg0 : i32
    %jit3A = arith.constant 16 : i32
    %div3A = arith.divsi %add3A, %jit3A : i32
    %sign3A = arith.constant 0 : i32
    %sign3A_1 = arith.cmpi sgt, %add3A, %sign3A : i32
    %sign3A_2 = arith.extui %sign3A_1 : i1 to i32
    %sign3A_3 = arith.constant 0 : i32
    %sign3A_4 = arith.cmpi slt, %add3A, %sign3A_3 : i32
    %sign3A_5 = arith.extui %sign3A_4 : i1 to i32
    %sign3A_6 = arith.subi %sign3A_2, %sign3A_5 : i32
    %sign3A_7 = arith.constant 0 : i32
    %sign3A_8 = arith.cmpi sgt, %jit3A, %sign3A_7 : i32
    %sign3A_9 = arith.extui %sign3A_8 : i1 to i32
    %sign3A_10 = arith.constant 0 : i32
    %sign3A_11 = arith.cmpi slt, %jit3A, %sign3A_10 : i32
    %sign3A_12 = arith.extui %sign3A_11 : i1 to i32
    %sign3A_13 = arith.subi %sign3A_9, %sign3A_12 : i32
    %ne3A = arith.cmpi ne, %sign3A_6, %sign3A_13 : i32
    %rem3A = arith.remsi %add3A, %jit3A : i32
    %ne3A_14 = arith.constant 0 : i32
    %ne3A_15 = arith.cmpi ne, %rem3A, %ne3A_14 : i32
    %and3A = arith.andi %ne3A, %ne3A_15 : i1
    %sub3A = arith.constant 1 : i32
    %sub3A_16 = arith.subi %div3A, %sub3A : i32
    %select_n3A = arith.select %and3A, %sub3A_16, %div3A : i32
    %mul3A_17 = arith.constant 16 : i32
    %mul3A_18 = arith.muli %select_n3A, %mul3A_17 : i32
    %sub3A_19 = arith.subi %add3A, %mul3A_18 : i32
    %jit3A_20 = arith.constant 2 : i32
    %div3A_21 = arith.divsi %sub3A_19, %jit3A_20 : i32
    %sign3A_22 = arith.constant 0 : i32
    %sign3A_23 = arith.cmpi sgt, %sub3A_19, %sign3A_22 : i32
    %sign3A_24 = arith.extui %sign3A_23 : i1 to i32
    %sign3A_25 = arith.constant 0 : i32
    %sign3A_26 = arith.cmpi slt, %sub3A_19, %sign3A_25 : i32
    %sign3A_27 = arith.extui %sign3A_26 : i1 to i32
    %sign3A_28 = arith.subi %sign3A_24, %sign3A_27 : i32
    %sign3A_29 = arith.constant 0 : i32
    %sign3A_30 = arith.cmpi sgt, %jit3A_20, %sign3A_29 : i32
    %sign3A_31 = arith.extui %sign3A_30 : i1 to i32
    %sign3A_32 = arith.constant 0 : i32
    %sign3A_33 = arith.cmpi slt, %jit3A_20, %sign3A_32 : i32
    %sign3A_34 = arith.extui %sign3A_33 : i1 to i32
    %sign3A_35 = arith.subi %sign3A_31, %sign3A_34 : i32
    %ne3A_36 = arith.cmpi ne, %sign3A_28, %sign3A_35 : i32
    %rem3A_37 = arith.remsi %sub3A_19, %jit3A_20 : i32
    %ne3A_38 = arith.constant 0 : i32
    %ne3A_39 = arith.cmpi ne, %rem3A_37, %ne3A_38 : i32
    %and3A_40 = arith.andi %ne3A_36, %ne3A_39 : i1
    %sub3A_41 = arith.constant 1 : i32
    %sub3A_42 = arith.subi %div3A_21, %sub3A_41 : i32
    %select_n3A_43 = arith.select %and3A_40, %sub3A_42, %div3A_21 : i32
    %mul3A_44 = arith.constant 2 : i32
    %mul3A_45 = arith.muli %select_n3A_43, %mul3A_44 : i32
    %sub3A_46 = arith.subi %sub3A_19, %mul3A_45 : i32
    "tpu.region"() ({
      %run_scoped3A = tpu.sem_alloc : memref<!tpu.dma_semaphore, #tpu.memory_space<semaphore_mem>>
      %dma_start3A = arith.constant 0 : i32
      %dma_start3A_90 = arith.constant 0 : i32
      %dma_start3A_91 = tpu.memref_slice %arg3[%select_n3A_43, %dma_start3A, %dma_start3A_90] : memref<8x5x16xi32, #tpu.memory_space<hbm>> -> memref<1x5x16xi32, #tpu.memory_space<hbm>>
      %dma_start3A_92 = tpu.memref_squeeze %dma_start3A_91 : memref<1x5x16xi32, #tpu.memory_space<hbm>> -> memref<5x16xi32, #tpu.memory_space<hbm>>
      %dma_start3A_93 = arith.constant 0 : i32
      %dma_start3A_94 = arith.constant 0 : i32
      %dma_start3A_95 = tpu.memref_slice %arg3[%select_n3A_43, %dma_start3A_93, %dma_start3A_94] : memref<8x5x16xi32, #tpu.memory_space<hbm>> -> memref<1x5x16xi32, #tpu.memory_space<hbm>>
      %dma_start3A_96 = tpu.memref_squeeze %dma_start3A_95 : memref<1x5x16xi32, #tpu.memory_space<hbm>> -> memref<5x16xi32, #tpu.memory_space<hbm>>
      tpu.enqueue_dma source(%dma_start3A_96 : memref<5x16xi32, #tpu.memory_space<hbm>>) target(%arg6 : memref<5x16xi32, #tpu.memory_space<vmem>>) target_semaphore(%run_scoped3A : memref<!tpu.dma_semaphore, #tpu.memory_space<semaphore_mem>>)
      %dma_wait3A = arith.constant 0 : i32
      %dma_wait3A_97 = arith.constant 0 : i32
      %dma_wait3A_98 = tpu.memref_slice %arg3[%select_n3A_43, %dma_wait3A, %dma_wait3A_97] : memref<8x5x16xi32, #tpu.memory_space<hbm>> -> memref<1x5x16xi32, #tpu.memory_space<hbm>>
      %dma_wait3A_99 = tpu.memref_squeeze %dma_wait3A_98 : memref<1x5x16xi32, #tpu.memory_space<hbm>> -> memref<5x16xi32, #tpu.memory_space<hbm>>
      %dma_wait3A_100 = arith.constant 0 : i32
      %dma_wait3A_101 = arith.constant 0 : i32
      %dma_wait3A_102 = tpu.memref_slice %arg3[%select_n3A_43, %dma_wait3A_100, %dma_wait3A_101] : memref<8x5x16xi32, #tpu.memory_space<hbm>> -> memref<1x5x16xi32, #tpu.memory_space<hbm>>
      %dma_wait3A_103 = tpu.memref_squeeze %dma_wait3A_102 : memref<1x5x16xi32, #tpu.memory_space<hbm>> -> memref<5x16xi32, #tpu.memory_space<hbm>>
      tpu.wait_dma2 semaphore(%run_scoped3A : memref<!tpu.dma_semaphore, #tpu.memory_space<semaphore_mem>>) src(%dma_wait3A_103 : memref<5x16xi32, #tpu.memory_space<hbm>>) dst(%arg6 : memref<5x16xi32, #tpu.memory_space<vmem>>)
      tpu.yield
    }) : () -> ()
    "tpu.region"() ({
      %run_scoped3A = tpu.sem_alloc : memref<!tpu.dma_semaphore, #tpu.memory_space<semaphore_mem>>
      %dma_start3A = arith.constant 0 : i32
      %dma_start3A_90 = tpu.memref_slice %arg4[%select_n3A_43, %dma_start3A] : memref<8x16xf32, #tpu.memory_space<hbm>> -> memref<1x16xf32, #tpu.memory_space<hbm>>
      %dma_start3A_91 = tpu.memref_squeeze %dma_start3A_90 : memref<1x16xf32, #tpu.memory_space<hbm>> -> memref<16xf32, #tpu.memory_space<hbm>>
      %dma_start3A_92 = arith.constant 0 : i32
      %dma_start3A_93 = tpu.memref_slice %arg4[%select_n3A_43, %dma_start3A_92] : memref<8x16xf32, #tpu.memory_space<hbm>> -> memref<1x16xf32, #tpu.memory_space<hbm>>
      %dma_start3A_94 = tpu.memref_squeeze %dma_start3A_93 : memref<1x16xf32, #tpu.memory_space<hbm>> -> memref<16xf32, #tpu.memory_space<hbm>>
      tpu.enqueue_dma source(%dma_start3A_94 : memref<16xf32, #tpu.memory_space<hbm>>) target(%arg7 : memref<16xf32, #tpu.memory_space<vmem>>) target_semaphore(%run_scoped3A : memref<!tpu.dma_semaphore, #tpu.memory_space<semaphore_mem>>)
      %dma_wait3A = arith.constant 0 : i32
      %dma_wait3A_95 = tpu.memref_slice %arg4[%select_n3A_43, %dma_wait3A] : memref<8x16xf32, #tpu.memory_space<hbm>> -> memref<1x16xf32, #tpu.memory_space<hbm>>
      %dma_wait3A_96 = tpu.memref_squeeze %dma_wait3A_95 : memref<1x16xf32, #tpu.memory_space<hbm>> -> memref<16xf32, #tpu.memory_space<hbm>>
      %dma_wait3A_97 = arith.constant 0 : i32
      %dma_wait3A_98 = tpu.memref_slice %arg4[%select_n3A_43, %dma_wait3A_97] : memref<8x16xf32, #tpu.memory_space<hbm>> -> memref<1x16xf32, #tpu.memory_space<hbm>>
      %dma_wait3A_99 = tpu.memref_squeeze %dma_wait3A_98 : memref<1x16xf32, #tpu.memory_space<hbm>> -> memref<16xf32, #tpu.memory_space<hbm>>
      tpu.wait_dma2 semaphore(%run_scoped3A : memref<!tpu.dma_semaphore, #tpu.memory_space<semaphore_mem>>) src(%dma_wait3A_99 : memref<16xf32, #tpu.memory_space<hbm>>) dst(%arg7 : memref<16xf32, #tpu.memory_space<vmem>>)
      tpu.yield
    }) : () -> ()
    %get3A = arith.constant 0 : i32
    %get3A_47 = arith.index_cast %get3A : i32 to index
    %get3A_48 = arith.constant 0 : index
    %get3A_49 = tpu.vector_load %arg6[%get3A_47, %get3A_48] {strides = array<i32>} : memref<5x16xi32, #tpu.memory_space<vmem>>, vector<16xi32>,
    %get3A_50 = arith.constant 1 : i32
    %get3A_51 = arith.index_cast %get3A_50 : i32 to index
    %get3A_52 = arith.constant 0 : index
    %get3A_53 = tpu.vector_load %arg6[%get3A_51, %get3A_52] {strides = array<i32>} : memref<5x16xi32, #tpu.memory_space<vmem>>, vector<16xi32>,
    %get3A_54 = arith.constant 2 : i32
    %get3A_55 = arith.index_cast %get3A_54 : i32 to index
    %get3A_56 = arith.constant 0 : index
    %get3A_57 = tpu.vector_load %arg6[%get3A_55, %get3A_56] {strides = array<i32>} : memref<5x16xi32, #tpu.memory_space<vmem>>, vector<16xi32>,
    %get3A_58 = arith.constant 3 : i32
    %get3A_59 = arith.index_cast %get3A_58 : i32 to index
    %get3A_60 = arith.constant 0 : index
    %get3A_61 = tpu.vector_load %arg6[%get3A_59, %get3A_60] {strides = array<i32>} : memref<5x16xi32, #tpu.memory_space<vmem>>, vector<16xi32>,
    %get3A_62 = arith.constant 4 : i32
    %get3A_63 = arith.index_cast %get3A_62 : i32 to index
    %get3A_64 = arith.constant 0 : index
    %get3A_65 = tpu.vector_load %arg6[%get3A_63, %get3A_64] {strides = array<i32>} : memref<5x16xi32, #tpu.memory_space<vmem>>, vector<16xi32>,
    %get3A_66 = arith.constant 0 : index
    %get3A_67 = tpu.vector_load %arg7[%get3A_66] {strides = array<i32>} : memref<16xf32, #tpu.memory_space<vmem>>, vector<16xf32>,
    %mul3A_68 = arith.constant 88 : i32
    %mul3A_69 = vector.broadcast %mul3A_68 : i32 to vector<16xi32>
    %mul3A_70 = arith.muli %get3A_65, %mul3A_69 : vector<16xi32>
    %add3A_71 = arith.addi %mul3A_70, %get3A_49 : vector<16xi32>
    %mul3A_72 = arith.constant 256 : i32
    %mul3A_73 = vector.broadcast %mul3A_72 : i32 to vector<16xi32>
    %mul3A_74 = arith.muli %add3A_71, %mul3A_73 : vector<16xi32>
    %add3A_75 = arith.addi %mul3A_74, %get3A_57 : vector<16xi32>
    %mul3A_76 = arith.constant 88 : i32
    %mul3A_77 = vector.broadcast %mul3A_76 : i32 to vector<16xi32>
    %mul3A_78 = arith.muli %get3A_65, %mul3A_77 : vector<16xi32>
    %add3A_79 = arith.addi %mul3A_78, %get3A_53 : vector<16xi32>
    %mul3A_80 = arith.constant 256 : i32
    %mul3A_81 = vector.broadcast %mul3A_80 : i32 to vector<16xi32>
    %mul3A_82 = arith.muli %add3A_79, %mul3A_81 : vector<16xi32>
    %add3A_83 = arith.addi %mul3A_82, %get3A_61 : vector<16xi32>
    %scan3A = arith.constant 0 : i32
    %scan3A_84 = arith.constant 0 : i32
    %scan3A_85 = arith.constant 2 : i32
    %scan3A_86 = arith.addi %scan3A_84, %scan3A_85 : i32
    %scan3A_87 = arith.constant 1 : i32
    %scan3A_88 = scf.for %scan3A_90 = %scan3A_84 to %scan3A_86 step %scan3A_87 iter_args(%scan3A_91 = %scan3A) -> (i32)  : i32 {
      %mul3A_92 = arith.constant 112 : i32
      %mul3A_93 = arith.muli %sub3A_46, %mul3A_92 : i32
      %mul3A_94 = arith.constant 56 : i32
      %mul3A_95 = arith.muli %scan3A_90, %mul3A_94 : i32
      %add3A_96 = arith.addi %mul3A_93, %mul3A_95 : i32
      %mul3A_97 = arith.constant 4 : i32
      %mul3A_98 = arith.muli %select_n3A, %mul3A_97 : i32
      %add3A_99 = arith.constant 0 : i32
      %add3A_100 = arith.addi %mul3A_98, %add3A_99 : i32
      %mul3A_101 = arith.constant 256 : i32
      %mul3A_102 = arith.muli %add3A_100, %mul3A_101 : i32
      %add3A_103 = arith.addi %mul3A_102, %add3A_96 : i32
      %mul3A_104 = arith.constant 256 : i32
      %mul3A_105 = arith.muli %add3A_103, %mul3A_104 : i32
      %dma_start3A = arith.constant 0 : i32
      %dma_start3A_106 = tpu.memref_slice %arg8[%dma_start3A] : memref<90112xf32, #tpu.memory_space<vmem>> -> memref<22528xf32, #tpu.memory_space<vmem>>
      %dma_start3A_107 = tpu.memref_slice %arg2[%mul3A_105] : memref<524288xf32, #tpu.memory_space<hbm>> -> memref<22528xf32, #tpu.memory_space<hbm>>
      %dma_start3A_108 = arith.constant 0 : i32
      %dma_start3A_109 = tpu.memref_slice %arg8[%dma_start3A_108] : memref<90112xf32, #tpu.memory_space<vmem>> -> memref<22528xf32, #tpu.memory_space<vmem>>
      %dma_start3A_110 = tpu.memref_slice %arg2[%mul3A_105] : memref<524288xf32, #tpu.memory_space<hbm>> -> memref<22528xf32, #tpu.memory_space<hbm>>
      tpu.enqueue_dma source(%dma_start3A_110 : memref<22528xf32, #tpu.memory_space<hbm>>) target(%dma_start3A_109 : memref<22528xf32, #tpu.memory_space<vmem>>) target_semaphore(%arg11 : memref<!tpu.dma_semaphore, #tpu.memory_space<semaphore_mem>>)
      %mul3A_111 = arith.constant 4 : i32
      %mul3A_112 = arith.muli %select_n3A, %mul3A_111 : i32
      %add3A_113 = arith.constant 1 : i32
      %add3A_114 = arith.addi %mul3A_112, %add3A_113 : i32
      %mul3A_115 = arith.constant 256 : i32
      %mul3A_116 = arith.muli %add3A_114, %mul3A_115 : i32
      %add3A_117 = arith.addi %mul3A_116, %add3A_96 : i32
      %mul3A_118 = arith.constant 256 : i32
      %mul3A_119 = arith.muli %add3A_117, %mul3A_118 : i32
      %dma_start3A_120 = arith.constant 22528 : i32
      %dma_start3A_121 = tpu.memref_slice %arg8[%dma_start3A_120] : memref<90112xf32, #tpu.memory_space<vmem>> -> memref<22528xf32, #tpu.memory_space<vmem>>
      %dma_start3A_122 = tpu.memref_slice %arg2[%mul3A_119] : memref<524288xf32, #tpu.memory_space<hbm>> -> memref<22528xf32, #tpu.memory_space<hbm>>
      %dma_start3A_123 = arith.constant 22528 : i32
      %dma_start3A_124 = tpu.memref_slice %arg8[%dma_start3A_123] : memref<90112xf32, #tpu.memory_space<vmem>> -> memref<22528xf32, #tpu.memory_space<vmem>>
      %dma_start3A_125 = tpu.memref_slice %arg2[%mul3A_119] : memref<524288xf32, #tpu.memory_space<hbm>> -> memref<22528xf32, #tpu.memory_space<hbm>>
      tpu.enqueue_dma source(%dma_start3A_125 : memref<22528xf32, #tpu.memory_space<hbm>>) target(%dma_start3A_124 : memref<22528xf32, #tpu.memory_space<vmem>>) target_semaphore(%arg11 : memref<!tpu.dma_semaphore, #tpu.memory_space<semaphore_mem>>)
      %mul3A_126 = arith.constant 4 : i32
      %mul3A_127 = arith.muli %select_n3A, %mul3A_126 : i32
      %add3A_128 = arith.constant 2 : i32
      %add3A_129 = arith.addi %mul3A_127, %add3A_128 : i32
      %mul3A_130 = arith.constant 256 : i32
      %mul3A_131 = arith.muli %add3A_129, %mul3A_130 : i32
      %add3A_132 = arith.addi %mul3A_131, %add3A_96 : i32
      %mul3A_133 = arith.constant 256 : i32
      %mul3A_134 = arith.muli %add3A_132, %mul3A_133 : i32
      %dma_start3A_135 = arith.constant 45056 : i32
      %dma_start3A_136 = tpu.memref_slice %arg8[%dma_start3A_135] : memref<90112xf32, #tpu.memory_space<vmem>> -> memref<22528xf32, #tpu.memory_space<vmem>>
      %dma_start3A_137 = tpu.memref_slice %arg2[%mul3A_134] : memref<524288xf32, #tpu.memory_space<hbm>> -> memref<22528xf32, #tpu.memory_space<hbm>>
      %dma_start3A_138 = arith.constant 45056 : i32
      %dma_start3A_139 = tpu.memref_slice %arg8[%dma_start3A_138] : memref<90112xf32, #tpu.memory_space<vmem>> -> memref<22528xf32, #tpu.memory_space<vmem>>
      %dma_start3A_140 = tpu.memref_slice %arg2[%mul3A_134] : memref<524288xf32, #tpu.memory_space<hbm>> -> memref<22528xf32, #tpu.memory_space<hbm>>
      tpu.enqueue_dma source(%dma_start3A_140 : memref<22528xf32, #tpu.memory_space<hbm>>) target(%dma_start3A_139 : memref<22528xf32, #tpu.memory_space<vmem>>) target_semaphore(%arg11 : memref<!tpu.dma_semaphore, #tpu.memory_space<semaphore_mem>>)
      %mul3A_141 = arith.constant 4 : i32
      %mul3A_142 = arith.muli %select_n3A, %mul3A_141 : i32
      %add3A_143 = arith.constant 3 : i32
      %add3A_144 = arith.addi %mul3A_142, %add3A_143 : i32
      %mul3A_145 = arith.constant 256 : i32
      %mul3A_146 = arith.muli %add3A_144, %mul3A_145 : i32
      %add3A_147 = arith.addi %mul3A_146, %add3A_96 : i32
      %mul3A_148 = arith.constant 256 : i32
      %mul3A_149 = arith.muli %add3A_147, %mul3A_148 : i32
      %dma_start3A_150 = arith.constant 67584 : i32
      %dma_start3A_151 = tpu.memref_slice %arg8[%dma_start3A_150] : memref<90112xf32, #tpu.memory_space<vmem>> -> memref<22528xf32, #tpu.memory_space<vmem>>
      %dma_start3A_152 = tpu.memref_slice %arg2[%mul3A_149] : memref<524288xf32, #tpu.memory_space<hbm>> -> memref<22528xf32, #tpu.memory_space<hbm>>
      %dma_start3A_153 = arith.constant 67584 : i32
      %dma_start3A_154 = tpu.memref_slice %arg8[%dma_start3A_153] : memref<90112xf32, #tpu.memory_space<vmem>> -> memref<22528xf32, #tpu.memory_space<vmem>>
      %dma_start3A_155 = tpu.memref_slice %arg2[%mul3A_149] : memref<524288xf32, #tpu.memory_space<hbm>> -> memref<22528xf32, #tpu.memory_space<hbm>>
      tpu.enqueue_dma source(%dma_start3A_155 : memref<22528xf32, #tpu.memory_space<hbm>>) target(%dma_start3A_154 : memref<22528xf32, #tpu.memory_space<vmem>>) target_semaphore(%arg11 : memref<!tpu.dma_semaphore, #tpu.memory_space<semaphore_mem>>)
      %mul3A_156 = arith.constant 4 : i32
      %mul3A_157 = arith.muli %select_n3A, %mul3A_156 : i32
      %add3A_158 = arith.constant 0 : i32
      %add3A_159 = arith.addi %mul3A_157, %add3A_158 : i32
      %mul3A_160 = arith.constant 256 : i32
      %mul3A_161 = arith.muli %add3A_159, %mul3A_160 : i32
      %add3A_162 = arith.addi %mul3A_161, %add3A_96 : i32
      %mul3A_163 = arith.constant 256 : i32
      %mul3A_164 = arith.muli %add3A_162, %mul3A_163 : i32
      %dma_wait3A = arith.constant 0 : i32
      %dma_wait3A_165 = tpu.memref_slice %arg8[%dma_wait3A] : memref<90112xf32, #tpu.memory_space<vmem>> -> memref<22528xf32, #tpu.memory_space<vmem>>
      %dma_wait3A_166 = tpu.memref_slice %arg2[%mul3A_164] : memref<524288xf32, #tpu.memory_space<hbm>> -> memref<22528xf32, #tpu.memory_space<hbm>>
      %dma_wait3A_167 = arith.constant 0 : i32
      %dma_wait3A_168 = tpu.memref_slice %arg8[%dma_wait3A_167] : memref<90112xf32, #tpu.memory_space<vmem>> -> memref<22528xf32, #tpu.memory_space<vmem>>
      %dma_wait3A_169 = tpu.memref_slice %arg2[%mul3A_164] : memref<524288xf32, #tpu.memory_space<hbm>> -> memref<22528xf32, #tpu.memory_space<hbm>>
      tpu.wait_dma2 semaphore(%arg11 : memref<!tpu.dma_semaphore, #tpu.memory_space<semaphore_mem>>) src(%dma_wait3A_169 : memref<22528xf32, #tpu.memory_space<hbm>>) dst(%dma_wait3A_168 : memref<22528xf32, #tpu.memory_space<vmem>>)
      %mul3A_170 = arith.constant 4 : i32
      %mul3A_171 = arith.muli %select_n3A, %mul3A_170 : i32
      %add3A_172 = arith.constant 1 : i32
      %add3A_173 = arith.addi %mul3A_171, %add3A_172 : i32
      %mul3A_174 = arith.constant 256 : i32
      %mul3A_175 = arith.muli %add3A_173, %mul3A_174 : i32
      %add3A_176 = arith.addi %mul3A_175, %add3A_96 : i32
      %mul3A_177 = arith.constant 256 : i32
      %mul3A_178 = arith.muli %add3A_176, %mul3A_177 : i32
      %dma_wait3A_179 = arith.constant 22528 : i32
      %dma_wait3A_180 = tpu.memref_slice %arg8[%dma_wait3A_179] : memref<90112xf32, #tpu.memory_space<vmem>> -> memref<22528xf32, #tpu.memory_space<vmem>>
      %dma_wait3A_181 = tpu.memref_slice %arg2[%mul3A_178] : memref<524288xf32, #tpu.memory_space<hbm>> -> memref<22528xf32, #tpu.memory_space<hbm>>
      %dma_wait3A_182 = arith.constant 22528 : i32
      %dma_wait3A_183 = tpu.memref_slice %arg8[%dma_wait3A_182] : memref<90112xf32, #tpu.memory_space<vmem>> -> memref<22528xf32, #tpu.memory_space<vmem>>
      %dma_wait3A_184 = tpu.memref_slice %arg2[%mul3A_178] : memref<524288xf32, #tpu.memory_space<hbm>> -> memref<22528xf32, #tpu.memory_space<hbm>>
      tpu.wait_dma2 semaphore(%arg11 : memref<!tpu.dma_semaphore, #tpu.memory_space<semaphore_mem>>) src(%dma_wait3A_184 : memref<22528xf32, #tpu.memory_space<hbm>>) dst(%dma_wait3A_183 : memref<22528xf32, #tpu.memory_space<vmem>>)
      %mul3A_185 = arith.constant 4 : i32
      %mul3A_186 = arith.muli %select_n3A, %mul3A_185 : i32
      %add3A_187 = arith.constant 2 : i32
      %add3A_188 = arith.addi %mul3A_186, %add3A_187 : i32
      %mul3A_189 = arith.constant 256 : i32
      %mul3A_190 = arith.muli %add3A_188, %mul3A_189 : i32
      %add3A_191 = arith.addi %mul3A_190, %add3A_96 : i32
      %mul3A_192 = arith.constant 256 : i32
      %mul3A_193 = arith.muli %add3A_191, %mul3A_192 : i32
      %dma_wait3A_194 = arith.constant 45056 : i32
      %dma_wait3A_195 = tpu.memref_slice %arg8[%dma_wait3A_194] : memref<90112xf32, #tpu.memory_space<vmem>> -> memref<22528xf32, #tpu.memory_space<vmem>>
      %dma_wait3A_196 = tpu.memref_slice %arg2[%mul3A_193] : memref<524288xf32, #tpu.memory_space<hbm>> -> memref<22528xf32, #tpu.memory_space<hbm>>
      %dma_wait3A_197 = arith.constant 45056 : i32
      %dma_wait3A_198 = tpu.memref_slice %arg8[%dma_wait3A_197] : memref<90112xf32, #tpu.memory_space<vmem>> -> memref<22528xf32, #tpu.memory_space<vmem>>
      %dma_wait3A_199 = tpu.memref_slice %arg2[%mul3A_193] : memref<524288xf32, #tpu.memory_space<hbm>> -> memref<22528xf32, #tpu.memory_space<hbm>>
      tpu.wait_dma2 semaphore(%arg11 : memref<!tpu.dma_semaphore, #tpu.memory_space<semaphore_mem>>) src(%dma_wait3A_199 : memref<22528xf32, #tpu.memory_space<hbm>>) dst(%dma_wait3A_198 : memref<22528xf32, #tpu.memory_space<vmem>>)
      %mul3A_200 = arith.constant 4 : i32
      %mul3A_201 = arith.muli %select_n3A, %mul3A_200 : i32
      %add3A_202 = arith.constant 3 : i32
      %add3A_203 = arith.addi %mul3A_201, %add3A_202 : i32
      %mul3A_204 = arith.constant 256 : i32
      %mul3A_205 = arith.muli %add3A_203, %mul3A_204 : i32
      %add3A_206 = arith.addi %mul3A_205, %add3A_96 : i32
      %mul3A_207 = arith.constant 256 : i32
      %mul3A_208 = arith.muli %add3A_206, %mul3A_207 : i32
      %dma_wait3A_209 = arith.constant 67584 : i32
      %dma_wait3A_210 = tpu.memref_slice %arg8[%dma_wait3A_209] : memref<90112xf32, #tpu.memory_space<vmem>> -> memref<22528xf32, #tpu.memory_space<vmem>>
      %dma_wait3A_211 = tpu.memref_slice %arg2[%mul3A_208] : memref<524288xf32, #tpu.memory_space<hbm>> -> memref<22528xf32, #tpu.memory_space<hbm>>
      %dma_wait3A_212 = arith.constant 67584 : i32
      %dma_wait3A_213 = tpu.memref_slice %arg8[%dma_wait3A_212] : memref<90112xf32, #tpu.memory_space<vmem>> -> memref<22528xf32, #tpu.memory_space<vmem>>
      %dma_wait3A_214 = tpu.memref_slice %arg2[%mul3A_208] : memref<524288xf32, #tpu.memory_space<hbm>> -> memref<22528xf32, #tpu.memory_space<hbm>>
      tpu.wait_dma2 semaphore(%arg11 : memref<!tpu.dma_semaphore, #tpu.memory_space<semaphore_mem>>) src(%dma_wait3A_214 : memref<22528xf32, #tpu.memory_space<hbm>>) dst(%dma_wait3A_213 : memref<22528xf32, #tpu.memory_space<vmem>>)
      %add3A_215 = arith.constant 0 : i32
      %add3A_216 = vector.broadcast %add3A_215 : i32 to vector<16xi32>
      %add3A_217 = arith.addi %add3A_75, %add3A_216 : vector<16xi32>
      %add3A_218 = arith.constant 0 : i32
      %add3A_219 = vector.broadcast %add3A_218 : i32 to vector<16xi32>
      %add3A_220 = arith.addi %add3A_83, %add3A_219 : vector<16xi32>
      %parallel_loop3A = arith.constant 0 : i32
      %parallel_loop3A_221 = arith.constant 224 : i32
      %parallel_loop3A_222 = arith.constant 1 : i32
      %parallel_loop3A_223:2 = scf.for %parallel_loop3A_635 = %parallel_loop3A to %parallel_loop3A_221 step %parallel_loop3A_222 iter_args(%parallel_loop3A_636 = %add3A_217, %parallel_loop3A_637 = %add3A_220) -> (vector<16xi32>, vector<16xi32>)  : i32 {
        %parallel_loop3A_638 = arith.constant 0 : i32
        %parallel_loop3A_639 = vector.broadcast %parallel_loop3A_638 : i32 to vector<16xi32>
        %parallel_loop3A_640 = arith.addi %parallel_loop3A_636, %parallel_loop3A_639 : vector<16xi32>
        %parallel_loop3A_641 = tpu.vector_load_idx %arg8[%parallel_loop3A_640] : memref<90112xf32, #tpu.memory_space<vmem>>[vector<16xi32>], vector<16xf32>,
        %parallel_loop3A_642 = arith.constant 0 : i32
        %parallel_loop3A_643 = vector.broadcast %parallel_loop3A_642 : i32 to vector<16xi32>
        %parallel_loop3A_644 = arith.addi %parallel_loop3A_637, %parallel_loop3A_643 : vector<16xi32>
        %parallel_loop3A_645 = tpu.vector_load_idx %arg8[%parallel_loop3A_644] : memref<90112xf32, #tpu.memory_space<vmem>>[vector<16xi32>], vector<16xf32>,
        %parallel_loop3A_646 = arith.subf %parallel_loop3A_641, %parallel_loop3A_645 : vector<16xf32>
        %parallel_loop3A_647 = arith.subf %parallel_loop3A_646, %get3A_67 : vector<16xf32>
        %parallel_loop3A_648 = arith.constant 0 : i32
        %parallel_loop3A_649 = arith.index_cast %parallel_loop3A_648 : i32 to index
        %parallel_loop3A_650 = arith.index_cast %parallel_loop3A_635 : i32 to index
        %parallel_loop3A_651 = arith.constant 0 : index
        %parallel_loop3A_652 = tpu.vector_load %arg9[%parallel_loop3A_649, %parallel_loop3A_650, %parallel_loop3A_651] {strides = array<i32>} : memref<4x224x16xf32, #tpu.memory_space<vmem>>, vector<16xf32>,
        tpu.vector_store %arg9[%parallel_loop3A_649, %parallel_loop3A_650, %parallel_loop3A_651], %parallel_loop3A_647 {strides = array<i32>} : memref<4x224x16xf32, #tpu.memory_space<vmem>>, vector<16xf32>,
        %parallel_loop3A_653 = arith.constant 256 : i32
        %parallel_loop3A_654 = vector.broadcast %parallel_loop3A_653 : i32 to vector<16xi32>
        %parallel_loop3A_655 = arith.addi %parallel_loop3A_636, %parallel_loop3A_654 : vector<16xi32>
        %parallel_loop3A_656 = tpu.vector_load_idx %arg8[%parallel_loop3A_655] : memref<90112xf32, #tpu.memory_space<vmem>>[vector<16xi32>], vector<16xf32>,
        %parallel_loop3A_657 = arith.constant 256 : i32
        %parallel_loop3A_658 = vector.broadcast %parallel_loop3A_657 : i32 to vector<16xi32>
        %parallel_loop3A_659 = arith.addi %parallel_loop3A_637, %parallel_loop3A_658 : vector<16xi32>
        %parallel_loop3A_660 = tpu.vector_load_idx %arg8[%parallel_loop3A_659] : memref<90112xf32, #tpu.memory_space<vmem>>[vector<16xi32>], vector<16xf32>,
        %parallel_loop3A_661 = arith.subf %parallel_loop3A_656, %parallel_loop3A_660 : vector<16xf32>
        %parallel_loop3A_662 = arith.subf %parallel_loop3A_661, %get3A_67 : vector<16xf32>
        %parallel_loop3A_663 = arith.constant 1 : i32
        %parallel_loop3A_664 = arith.index_cast %parallel_loop3A_663 : i32 to index
        %parallel_loop3A_665 = arith.index_cast %parallel_loop3A_635 : i32 to index
        %parallel_loop3A_666 = arith.constant 0 : index
        %parallel_loop3A_667 = tpu.vector_load %arg9[%parallel_loop3A_664, %parallel_loop3A_665, %parallel_loop3A_666] {strides = array<i32>} : memref<4x224x16xf32, #tpu.memory_space<vmem>>, vector<16xf32>,
        tpu.vector_store %arg9[%parallel_loop3A_664, %parallel_loop3A_665, %parallel_loop3A_666], %parallel_loop3A_662 {strides = array<i32>} : memref<4x224x16xf32, #tpu.memory_space<vmem>>, vector<16xf32>,
        %parallel_loop3A_668 = arith.constant 512 : i32
        %parallel_loop3A_669 = vector.broadcast %parallel_loop3A_668 : i32 to vector<16xi32>
        %parallel_loop3A_670 = arith.addi %parallel_loop3A_636, %parallel_loop3A_669 : vector<16xi32>
        %parallel_loop3A_671 = tpu.vector_load_idx %arg8[%parallel_loop3A_670] : memref<90112xf32, #tpu.memory_space<vmem>>[vector<16xi32>], vector<16xf32>,
        %parallel_loop3A_672 = arith.constant 512 : i32
        %parallel_loop3A_673 = vector.broadcast %parallel_loop3A_672 : i32 to vector<16xi32>
        %parallel_loop3A_674 = arith.addi %parallel_loop3A_637, %parallel_loop3A_673 : vector<16xi32>
        %parallel_loop3A_675 = tpu.vector_load_idx %arg8[%parallel_loop3A_674] : memref<90112xf32, #tpu.memory_space<vmem>>[vector<16xi32>], vector<16xf32>,
        %parallel_loop3A_676 = arith.subf %parallel_loop3A_671, %parallel_loop3A_675 : vector<16xf32>
        %parallel_loop3A_677 = arith.subf %parallel_loop3A_676, %get3A_67 : vector<16xf32>
        %parallel_loop3A_678 = arith.constant 2 : i32
        %parallel_loop3A_679 = arith.index_cast %parallel_loop3A_678 : i32 to index
        %parallel_loop3A_680 = arith.index_cast %parallel_loop3A_635 : i32 to index
        %parallel_loop3A_681 = arith.constant 0 : index
        %parallel_loop3A_682 = tpu.vector_load %arg9[%parallel_loop3A_679, %parallel_loop3A_680, %parallel_loop3A_681] {strides = array<i32>} : memref<4x224x16xf32, #tpu.memory_space<vmem>>, vector<16xf32>,
        tpu.vector_store %arg9[%parallel_loop3A_679, %parallel_loop3A_680, %parallel_loop3A_681], %parallel_loop3A_677 {strides = array<i32>} : memref<4x224x16xf32, #tpu.memory_space<vmem>>, vector<16xf32>,
        %parallel_loop3A_683 = arith.constant 768 : i32
        %parallel_loop3A_684 = vector.broadcast %parallel_loop3A_683 : i32 to vector<16xi32>
        %parallel_loop3A_685 = arith.addi %parallel_loop3A_636, %parallel_loop3A_684 : vector<16xi32>
        %parallel_loop3A_686 = tpu.vector_load_idx %arg8[%parallel_loop3A_685] : memref<90112xf32, #tpu.memory_space<vmem>>[vector<16xi32>], vector<16xf32>,
        %parallel_loop3A_687 = arith.constant 768 : i32
        %parallel_loop3A_688 = vector.broadcast %parallel_loop3A_687 : i32 to vector<16xi32>
        %parallel_loop3A_689 = arith.addi %parallel_loop3A_637, %parallel_loop3A_688 : vector<16xi32>
        %parallel_loop3A_690 = tpu.vector_load_idx %arg8[%parallel_loop3A_689] : memref<90112xf32, #tpu.memory_space<vmem>>[vector<16xi32>], vector<16xf32>,
        %parallel_loop3A_691 = arith.subf %parallel_loop3A_686, %parallel_loop3A_690 : vector<16xf32>
        %parallel_loop3A_692 = arith.subf %parallel_loop3A_691, %get3A_67 : vector<16xf32>
        %parallel_loop3A_693 = arith.constant 3 : i32
        %parallel_loop3A_694 = arith.index_cast %parallel_loop3A_693 : i32 to index
        %parallel_loop3A_695 = arith.index_cast %parallel_loop3A_635 : i32 to index
        %parallel_loop3A_696 = arith.constant 0 : index
        %parallel_loop3A_697 = tpu.vector_load %arg9[%parallel_loop3A_694, %parallel_loop3A_695, %parallel_loop3A_696] {strides = array<i32>} : memref<4x224x16xf32, #tpu.memory_space<vmem>>, vector<16xf32>,
        tpu.vector_store %arg9[%parallel_loop3A_694, %parallel_loop3A_695, %parallel_loop3A_696], %parallel_loop3A_692 {strides = array<i32>} : memref<4x224x16xf32, #tpu.memory_space<vmem>>, vector<16xf32>,
        %parallel_loop3A_698 = arith.constant 1 : i32
        %parallel_loop3A_699 = vector.broadcast %parallel_loop3A_698 : i32 to vector<16xi32>
        %parallel_loop3A_700 = arith.addi %parallel_loop3A_636, %parallel_loop3A_699 : vector<16xi32>
        %parallel_loop3A_701 = arith.constant 1 : i32
        %parallel_loop3A_702 = vector.broadcast %parallel_loop3A_701 : i32 to vector<16xi32>
        %parallel_loop3A_703 = arith.addi %parallel_loop3A_637, %parallel_loop3A_702 : vector<16xi32>
        scf.yield %parallel_loop3A_700, %parallel_loop3A_703 : vector<16xi32>, vector<16xi32>
      } {sc.loop_unroll_factor = 2 : i64, sc.parallel_access}
      %add3A_224 = arith.constant 0 : i32
      %add3A_225 = arith.addi %add3A_96, %add3A_224 : i32
      %mul3A_226 = arith.constant 16 : i32
      %mul3A_227 = arith.muli %select_n3A_43, %mul3A_226 : i32
      %dma_start3A_228 = arith.constant 0 : i32
      %dma_start3A_229 = tpu.memref_slice %arg5[%select_n3A, %add3A_225, %dma_start3A_228, %mul3A_227] : memref<2x224x224x128xf32, #tpu.memory_space<hbm>> -> memref<1x4x224x16xf32, #tpu.memory_space<hbm>>
      %dma_start3A_230 = tpu.memref_squeeze %dma_start3A_229 : memref<1x4x224x16xf32, #tpu.memory_space<hbm>> -> memref<4x224x16xf32, #tpu.memory_space<hbm>>
      %dma_start3A_231 = arith.constant 0 : i32
      %dma_start3A_232 = tpu.memref_slice %arg5[%select_n3A, %add3A_225, %dma_start3A_231, %mul3A_227] : memref<2x224x224x128xf32, #tpu.memory_space<hbm>> -> memref<1x4x224x16xf32, #tpu.memory_space<hbm>>
      %dma_start3A_233 = tpu.memref_squeeze %dma_start3A_232 : memref<1x4x224x16xf32, #tpu.memory_space<hbm>> -> memref<4x224x16xf32, #tpu.memory_space<hbm>>
      tpu.enqueue_dma source(%arg9 : memref<4x224x16xf32, #tpu.memory_space<vmem>>) target(%dma_start3A_233 : memref<4x224x16xf32, #tpu.memory_space<hbm>>) target_semaphore(%arg12 : memref<!tpu.dma_semaphore, #tpu.memory_space<semaphore_mem>>)
      %add3A_234 = arith.constant 1024 : i32
      %add3A_235 = vector.broadcast %add3A_234 : i32 to vector<16xi32>
      %add3A_236 = arith.addi %add3A_75, %add3A_235 : vector<16xi32>
      %add3A_237 = arith.constant 1024 : i32
      %add3A_238 = vector.broadcast %add3A_237 : i32 to vector<16xi32>
      %add3A_239 = arith.addi %add3A_83, %add3A_238 : vector<16xi32>
      %parallel_loop3A_240 = arith.constant 0 : i32
      %parallel_loop3A_241 = arith.constant 224 : i32
      %parallel_loop3A_242 = arith.constant 1 : i32
      %parallel_loop3A_243:2 = scf.for %parallel_loop3A_635 = %parallel_loop3A_240 to %parallel_loop3A_241 step %parallel_loop3A_242 iter_args(%parallel_loop3A_636 = %add3A_236, %parallel_loop3A_637 = %add3A_239) -> (vector<16xi32>, vector<16xi32>)  : i32 {
        %parallel_loop3A_638 = arith.constant 0 : i32
        %parallel_loop3A_639 = vector.broadcast %parallel_loop3A_638 : i32 to vector<16xi32>
        %parallel_loop3A_640 = arith.addi %parallel_loop3A_636, %parallel_loop3A_639 : vector<16xi32>
        %parallel_loop3A_641 = tpu.vector_load_idx %arg8[%parallel_loop3A_640] : memref<90112xf32, #tpu.memory_space<vmem>>[vector<16xi32>], vector<16xf32>,
        %parallel_loop3A_642 = arith.constant 0 : i32
        %parallel_loop3A_643 = vector.broadcast %parallel_loop3A_642 : i32 to vector<16xi32>
        %parallel_loop3A_644 = arith.addi %parallel_loop3A_637, %parallel_loop3A_643 : vector<16xi32>
        %parallel_loop3A_645 = tpu.vector_load_idx %arg8[%parallel_loop3A_644] : memref<90112xf32, #tpu.memory_space<vmem>>[vector<16xi32>], vector<16xf32>,
        %parallel_loop3A_646 = arith.subf %parallel_loop3A_641, %parallel_loop3A_645 : vector<16xf32>
        %parallel_loop3A_647 = arith.subf %parallel_loop3A_646, %get3A_67 : vector<16xf32>
        %parallel_loop3A_648 = arith.constant 0 : i32
        %parallel_loop3A_649 = arith.index_cast %parallel_loop3A_648 : i32 to index
        %parallel_loop3A_650 = arith.index_cast %parallel_loop3A_635 : i32 to index
        %parallel_loop3A_651 = arith.constant 0 : index
        %parallel_loop3A_652 = tpu.vector_load %arg10[%parallel_loop3A_649, %parallel_loop3A_650, %parallel_loop3A_651] {strides = array<i32>} : memref<4x224x16xf32, #tpu.memory_space<vmem>>, vector<16xf32>,
        tpu.vector_store %arg10[%parallel_loop3A_649, %parallel_loop3A_650, %parallel_loop3A_651], %parallel_loop3A_647 {strides = array<i32>} : memref<4x224x16xf32, #tpu.memory_space<vmem>>, vector<16xf32>,
        %parallel_loop3A_653 = arith.constant 256 : i32
        %parallel_loop3A_654 = vector.broadcast %parallel_loop3A_653 : i32 to vector<16xi32>
        %parallel_loop3A_655 = arith.addi %parallel_loop3A_636, %parallel_loop3A_654 : vector<16xi32>
        %parallel_loop3A_656 = tpu.vector_load_idx %arg8[%parallel_loop3A_655] : memref<90112xf32, #tpu.memory_space<vmem>>[vector<16xi32>], vector<16xf32>,
        %parallel_loop3A_657 = arith.constant 256 : i32
        %parallel_loop3A_658 = vector.broadcast %parallel_loop3A_657 : i32 to vector<16xi32>
        %parallel_loop3A_659 = arith.addi %parallel_loop3A_637, %parallel_loop3A_658 : vector<16xi32>
        %parallel_loop3A_660 = tpu.vector_load_idx %arg8[%parallel_loop3A_659] : memref<90112xf32, #tpu.memory_space<vmem>>[vector<16xi32>], vector<16xf32>,
        %parallel_loop3A_661 = arith.subf %parallel_loop3A_656, %parallel_loop3A_660 : vector<16xf32>
        %parallel_loop3A_662 = arith.subf %parallel_loop3A_661, %get3A_67 : vector<16xf32>
        %parallel_loop3A_663 = arith.constant 1 : i32
        %parallel_loop3A_664 = arith.index_cast %parallel_loop3A_663 : i32 to index
        %parallel_loop3A_665 = arith.index_cast %parallel_loop3A_635 : i32 to index
        %parallel_loop3A_666 = arith.constant 0 : index
        %parallel_loop3A_667 = tpu.vector_load %arg10[%parallel_loop3A_664, %parallel_loop3A_665, %parallel_loop3A_666] {strides = array<i32>} : memref<4x224x16xf32, #tpu.memory_space<vmem>>, vector<16xf32>,
        tpu.vector_store %arg10[%parallel_loop3A_664, %parallel_loop3A_665, %parallel_loop3A_666], %parallel_loop3A_662 {strides = array<i32>} : memref<4x224x16xf32, #tpu.memory_space<vmem>>, vector<16xf32>,
        %parallel_loop3A_668 = arith.constant 512 : i32
        %parallel_loop3A_669 = vector.broadcast %parallel_loop3A_668 : i32 to vector<16xi32>
        %parallel_loop3A_670 = arith.addi %parallel_loop3A_636, %parallel_loop3A_669 : vector<16xi32>
        %parallel_loop3A_671 = tpu.vector_load_idx %arg8[%parallel_loop3A_670] : memref<90112xf32, #tpu.memory_space<vmem>>[vector<16xi32>], vector<16xf32>,
        %parallel_loop3A_672 = arith.constant 512 : i32
        %parallel_loop3A_673 = vector.broadcast %parallel_loop3A_672 : i32 to vector<16xi32>
        %parallel_loop3A_674 = arith.addi %parallel_loop3A_637, %parallel_loop3A_673 : vector<16xi32>
        %parallel_loop3A_675 = tpu.vector_load_idx %arg8[%parallel_loop3A_674] : memref<90112xf32, #tpu.memory_space<vmem>>[vector<16xi32>], vector<16xf32>,
        %parallel_loop3A_676 = arith.subf %parallel_loop3A_671, %parallel_loop3A_675 : vector<16xf32>
        %parallel_loop3A_677 = arith.subf %parallel_loop3A_676, %get3A_67 : vector<16xf32>
        %parallel_loop3A_678 = arith.constant 2 : i32
        %parallel_loop3A_679 = arith.index_cast %parallel_loop3A_678 : i32 to index
        %parallel_loop3A_680 = arith.index_cast %parallel_loop3A_635 : i32 to index
        %parallel_loop3A_681 = arith.constant 0 : index
        %parallel_loop3A_682 = tpu.vector_load %arg10[%parallel_loop3A_679, %parallel_loop3A_680, %parallel_loop3A_681] {strides = array<i32>} : memref<4x224x16xf32, #tpu.memory_space<vmem>>, vector<16xf32>,
        tpu.vector_store %arg10[%parallel_loop3A_679, %parallel_loop3A_680, %parallel_loop3A_681], %parallel_loop3A_677 {strides = array<i32>} : memref<4x224x16xf32, #tpu.memory_space<vmem>>, vector<16xf32>,
        %parallel_loop3A_683 = arith.constant 768 : i32
        %parallel_loop3A_684 = vector.broadcast %parallel_loop3A_683 : i32 to vector<16xi32>
        %parallel_loop3A_685 = arith.addi %parallel_loop3A_636, %parallel_loop3A_684 : vector<16xi32>
        %parallel_loop3A_686 = tpu.vector_load_idx %arg8[%parallel_loop3A_685] : memref<90112xf32, #tpu.memory_space<vmem>>[vector<16xi32>], vector<16xf32>,
        %parallel_loop3A_687 = arith.constant 768 : i32
        %parallel_loop3A_688 = vector.broadcast %parallel_loop3A_687 : i32 to vector<16xi32>
        %parallel_loop3A_689 = arith.addi %parallel_loop3A_637, %parallel_loop3A_688 : vector<16xi32>
        %parallel_loop3A_690 = tpu.vector_load_idx %arg8[%parallel_loop3A_689] : memref<90112xf32, #tpu.memory_space<vmem>>[vector<16xi32>], vector<16xf32>,
        %parallel_loop3A_691 = arith.subf %parallel_loop3A_686, %parallel_loop3A_690 : vector<16xf32>
        %parallel_loop3A_692 = arith.subf %parallel_loop3A_691, %get3A_67 : vector<16xf32>
        %parallel_loop3A_693 = arith.constant 3 : i32
        %parallel_loop3A_694 = arith.index_cast %parallel_loop3A_693 : i32 to index
        %parallel_loop3A_695 = arith.index_cast %parallel_loop3A_635 : i32 to index
        %parallel_loop3A_696 = arith.constant 0 : index
        %parallel_loop3A_697 = tpu.vector_load %arg10[%parallel_loop3A_694, %parallel_loop3A_695, %parallel_loop3A_696] {strides = array<i32>} : memref<4x224x16xf32, #tpu.memory_space<vmem>>, vector<16xf32>,
        tpu.vector_store %arg10[%parallel_loop3A_694, %parallel_loop3A_695, %parallel_loop3A_696], %parallel_loop3A_692 {strides = array<i32>} : memref<4x224x16xf32, #tpu.memory_space<vmem>>, vector<16xf32>,
        %parallel_loop3A_698 = arith.constant 1 : i32
        %parallel_loop3A_699 = vector.broadcast %parallel_loop3A_698 : i32 to vector<16xi32>
        %parallel_loop3A_700 = arith.addi %parallel_loop3A_636, %parallel_loop3A_699 : vector<16xi32>
        %parallel_loop3A_701 = arith.constant 1 : i32
        %parallel_loop3A_702 = vector.broadcast %parallel_loop3A_701 : i32 to vector<16xi32>
        %parallel_loop3A_703 = arith.addi %parallel_loop3A_637, %parallel_loop3A_702 : vector<16xi32>
        scf.yield %parallel_loop3A_700, %parallel_loop3A_703 : vector<16xi32>, vector<16xi32>
      } {sc.loop_unroll_factor = 2 : i64, sc.parallel_access}
      %add3A_244 = arith.constant 4 : i32
      %add3A_245 = arith.addi %add3A_96, %add3A_244 : i32
      %mul3A_246 = arith.constant 16 : i32
      %mul3A_247 = arith.muli %select_n3A_43, %mul3A_246 : i32
      %dma_start3A_248 = arith.constant 0 : i32
      %dma_start3A_249 = tpu.memref_slice %arg5[%select_n3A, %add3A_245, %dma_start3A_248, %mul3A_247] : memref<2x224x224x128xf32, #tpu.memory_space<hbm>> -> memref<1x4x224x16xf32, #tpu.memory_space<hbm>>
      %dma_start3A_250 = tpu.memref_squeeze %dma_start3A_249 : memref<1x4x224x16xf32, #tpu.memory_space<hbm>> -> memref<4x224x16xf32, #tpu.memory_space<hbm>>
      %dma_start3A_251 = arith.constant 0 : i32
      %dma_start3A_252 = tpu.memref_slice %arg5[%select_n3A, %add3A_245, %dma_start3A_251, %mul3A_247] : memref<2x224x224x128xf32, #tpu.memory_space<hbm>> -> memref<1x4x224x16xf32, #tpu.memory_space<hbm>>
      %dma_start3A_253 = tpu.memref_squeeze %dma_start3A_252 : memref<1x4x224x16xf32, #tpu.memory_space<hbm>> -> memref<4x224x16xf32, #tpu.memory_space<hbm>>
      tpu.enqueue_dma source(%arg10 : memref<4x224x16xf32, #tpu.memory_space<vmem>>) target(%dma_start3A_253 : memref<4x224x16xf32, #tpu.memory_space<hbm>>) target_semaphore(%arg13 : memref<!tpu.dma_semaphore, #tpu.memory_space<semaphore_mem>>)
      %add3A_254 = arith.constant 0 : i32
      %add3A_255 = arith.addi %add3A_96, %add3A_254 : i32
      %mul3A_256 = arith.constant 16 : i32
      %mul3A_257 = arith.muli %select_n3A_43, %mul3A_256 : i32
      %dma_wait3A_258 = arith.constant 0 : i32
      %dma_wait3A_259 = tpu.memref_slice %arg5[%select_n3A, %add3A_255, %dma_wait3A_258, %mul3A_257] : memref<2x224x224x128xf32, #tpu.memory_space<hbm>> -> memref<1x4x224x16xf32, #tpu.memory_space<hbm>>
      %dma_wait3A_260 = tpu.memref_squeeze %dma_wait3A_259 : memref<1x4x224x16xf32, #tpu.memory_space<hbm>> -> memref<4x224x16xf32, #tpu.memory_space<hbm>>
      %dma_wait3A_261 = arith.constant 0 : i32
      %dma_wait3A_262 = tpu.memref_slice %arg5[%select_n3A, %add3A_255, %dma_wait3A_261, %mul3A_257] : memref<2x224x224x128xf32, #tpu.memory_space<hbm>> -> memref<1x4x224x16xf32, #tpu.memory_space<hbm>>
      %dma_wait3A_263 = tpu.memref_squeeze %dma_wait3A_262 : memref<1x4x224x16xf32, #tpu.memory_space<hbm>> -> memref<4x224x16xf32, #tpu.memory_space<hbm>>
      tpu.wait_dma2 semaphore(%arg12 : memref<!tpu.dma_semaphore, #tpu.memory_space<semaphore_mem>>) src(%arg9 : memref<4x224x16xf32, #tpu.memory_space<vmem>>) dst(%dma_wait3A_263 : memref<4x224x16xf32, #tpu.memory_space<hbm>>)
      %add3A_264 = arith.constant 2048 : i32
      %add3A_265 = vector.broadcast %add3A_264 : i32 to vector<16xi32>
      %add3A_266 = arith.addi %add3A_75, %add3A_265 : vector<16xi32>
      %add3A_267 = arith.constant 2048 : i32
      %add3A_268 = vector.broadcast %add3A_267 : i32 to vector<16xi32>
      %add3A_269 = arith.addi %add3A_83, %add3A_268 : vector<16xi32>
      %parallel_loop3A_270 = arith.constant 0 : i32
      %parallel_loop3A_271 = arith.constant 224 : i32
      %parallel_loop3A_272 = arith.constant 1 : i32
      %parallel_loop3A_273:2 = scf.for %parallel_loop3A_635 = %parallel_loop3A_270 to %parallel_loop3A_271 step %parallel_loop3A_272 iter_args(%parallel_loop3A_636 = %add3A_266, %parallel_loop3A_637 = %add3A_269) -> (vector<16xi32>, vector<16xi32>)  : i32 {
        %parallel_loop3A_638 = arith.constant 0 : i32
        %parallel_loop3A_639 = vector.broadcast %parallel_loop3A_638 : i32 to vector<16xi32>
        %parallel_loop3A_640 = arith.addi %parallel_loop3A_636, %parallel_loop3A_639 : vector<16xi32>
        %parallel_loop3A_641 = tpu.vector_load_idx %arg8[%parallel_loop3A_640] : memref<90112xf32, #tpu.memory_space<vmem>>[vector<16xi32>], vector<16xf32>,
        %parallel_loop3A_642 = arith.constant 0 : i32
        %parallel_loop3A_643 = vector.broadcast %parallel_loop3A_642 : i32 to vector<16xi32>
        %parallel_loop3A_644 = arith.addi %parallel_loop3A_637, %parallel_loop3A_643 : vector<16xi32>
        %parallel_loop3A_645 = tpu.vector_load_idx %arg8[%parallel_loop3A_644] : memref<90112xf32, #tpu.memory_space<vmem>>[vector<16xi32>], vector<16xf32>,
        %parallel_loop3A_646 = arith.subf %parallel_loop3A_641, %parallel_loop3A_645 : vector<16xf32>
        %parallel_loop3A_647 = arith.subf %parallel_loop3A_646, %get3A_67 : vector<16xf32>
        %parallel_loop3A_648 = arith.constant 0 : i32
        %parallel_loop3A_649 = arith.index_cast %parallel_loop3A_648 : i32 to index
        %parallel_loop3A_650 = arith.index_cast %parallel_loop3A_635 : i32 to index
        %parallel_loop3A_651 = arith.constant 0 : index
        %parallel_loop3A_652 = tpu.vector_load %arg9[%parallel_loop3A_649, %parallel_loop3A_650, %parallel_loop3A_651] {strides = array<i32>} : memref<4x224x16xf32, #tpu.memory_space<vmem>>, vector<16xf32>,
        tpu.vector_store %arg9[%parallel_loop3A_649, %parallel_loop3A_650, %parallel_loop3A_651], %parallel_loop3A_647 {strides = array<i32>} : memref<4x224x16xf32, #tpu.memory_space<vmem>>, vector<16xf32>,
        %parallel_loop3A_653 = arith.constant 256 : i32
        %parallel_loop3A_654 = vector.broadcast %parallel_loop3A_653 : i32 to vector<16xi32>
        %parallel_loop3A_655 = arith.addi %parallel_loop3A_636, %parallel_loop3A_654 : vector<16xi32>
        %parallel_loop3A_656 = tpu.vector_load_idx %arg8[%parallel_loop3A_655] : memref<90112xf32, #tpu.memory_space<vmem>>[vector<16xi32>], vector<16xf32>,
        %parallel_loop3A_657 = arith.constant 256 : i32
        %parallel_loop3A_658 = vector.broadcast %parallel_loop3A_657 : i32 to vector<16xi32>
        %parallel_loop3A_659 = arith.addi %parallel_loop3A_637, %parallel_loop3A_658 : vector<16xi32>
        %parallel_loop3A_660 = tpu.vector_load_idx %arg8[%parallel_loop3A_659] : memref<90112xf32, #tpu.memory_space<vmem>>[vector<16xi32>], vector<16xf32>,
        %parallel_loop3A_661 = arith.subf %parallel_loop3A_656, %parallel_loop3A_660 : vector<16xf32>
        %parallel_loop3A_662 = arith.subf %parallel_loop3A_661, %get3A_67 : vector<16xf32>
        %parallel_loop3A_663 = arith.constant 1 : i32
        %parallel_loop3A_664 = arith.index_cast %parallel_loop3A_663 : i32 to index
        %parallel_loop3A_665 = arith.index_cast %parallel_loop3A_635 : i32 to index
        %parallel_loop3A_666 = arith.constant 0 : index
        %parallel_loop3A_667 = tpu.vector_load %arg9[%parallel_loop3A_664, %parallel_loop3A_665, %parallel_loop3A_666] {strides = array<i32>} : memref<4x224x16xf32, #tpu.memory_space<vmem>>, vector<16xf32>,
        tpu.vector_store %arg9[%parallel_loop3A_664, %parallel_loop3A_665, %parallel_loop3A_666], %parallel_loop3A_662 {strides = array<i32>} : memref<4x224x16xf32, #tpu.memory_space<vmem>>, vector<16xf32>,
        %parallel_loop3A_668 = arith.constant 512 : i32
        %parallel_loop3A_669 = vector.broadcast %parallel_loop3A_668 : i32 to vector<16xi32>
        %parallel_loop3A_670 = arith.addi %parallel_loop3A_636, %parallel_loop3A_669 : vector<16xi32>
        %parallel_loop3A_671 = tpu.vector_load_idx %arg8[%parallel_loop3A_670] : memref<90112xf32, #tpu.memory_space<vmem>>[vector<16xi32>], vector<16xf32>,
        %parallel_loop3A_672 = arith.constant 512 : i32
        %parallel_loop3A_673 = vector.broadcast %parallel_loop3A_672 : i32 to vector<16xi32>
        %parallel_loop3A_674 = arith.addi %parallel_loop3A_637, %parallel_loop3A_673 : vector<16xi32>
        %parallel_loop3A_675 = tpu.vector_load_idx %arg8[%parallel_loop3A_674] : memref<90112xf32, #tpu.memory_space<vmem>>[vector<16xi32>], vector<16xf32>,
        %parallel_loop3A_676 = arith.subf %parallel_loop3A_671, %parallel_loop3A_675 : vector<16xf32>
        %parallel_loop3A_677 = arith.subf %parallel_loop3A_676, %get3A_67 : vector<16xf32>
        %parallel_loop3A_678 = arith.constant 2 : i32
        %parallel_loop3A_679 = arith.index_cast %parallel_loop3A_678 : i32 to index
        %parallel_loop3A_680 = arith.index_cast %parallel_loop3A_635 : i32 to index
        %parallel_loop3A_681 = arith.constant 0 : index
        %parallel_loop3A_682 = tpu.vector_load %arg9[%parallel_loop3A_679, %parallel_loop3A_680, %parallel_loop3A_681] {strides = array<i32>} : memref<4x224x16xf32, #tpu.memory_space<vmem>>, vector<16xf32>,
        tpu.vector_store %arg9[%parallel_loop3A_679, %parallel_loop3A_680, %parallel_loop3A_681], %parallel_loop3A_677 {strides = array<i32>} : memref<4x224x16xf32, #tpu.memory_space<vmem>>, vector<16xf32>,
        %parallel_loop3A_683 = arith.constant 768 : i32
        %parallel_loop3A_684 = vector.broadcast %parallel_loop3A_683 : i32 to vector<16xi32>
        %parallel_loop3A_685 = arith.addi %parallel_loop3A_636, %parallel_loop3A_684 : vector<16xi32>
        %parallel_loop3A_686 = tpu.vector_load_idx %arg8[%parallel_loop3A_685] : memref<90112xf32, #tpu.memory_space<vmem>>[vector<16xi32>], vector<16xf32>,
        %parallel_loop3A_687 = arith.constant 768 : i32
        %parallel_loop3A_688 = vector.broadcast %parallel_loop3A_687 : i32 to vector<16xi32>
        %parallel_loop3A_689 = arith.addi %parallel_loop3A_637, %parallel_loop3A_688 : vector<16xi32>
        %parallel_loop3A_690 = tpu.vector_load_idx %arg8[%parallel_loop3A_689] : memref<90112xf32, #tpu.memory_space<vmem>>[vector<16xi32>], vector<16xf32>,
        %parallel_loop3A_691 = arith.subf %parallel_loop3A_686, %parallel_loop3A_690 : vector<16xf32>
        %parallel_loop3A_692 = arith.subf %parallel_loop3A_691, %get3A_67 : vector<16xf32>
        %parallel_loop3A_693 = arith.constant 3 : i32
        %parallel_loop3A_694 = arith.index_cast %parallel_loop3A_693 : i32 to index
        %parallel_loop3A_695 = arith.index_cast %parallel_loop3A_635 : i32 to index
        %parallel_loop3A_696 = arith.constant 0 : index
        %parallel_loop3A_697 = tpu.vector_load %arg9[%parallel_loop3A_694, %parallel_loop3A_695, %parallel_loop3A_696] {strides = array<i32>} : memref<4x224x16xf32, #tpu.memory_space<vmem>>, vector<16xf32>,
        tpu.vector_store %arg9[%parallel_loop3A_694, %parallel_loop3A_695, %parallel_loop3A_696], %parallel_loop3A_692 {strides = array<i32>} : memref<4x224x16xf32, #tpu.memory_space<vmem>>, vector<16xf32>,
        %parallel_loop3A_698 = arith.constant 1 : i32
        %parallel_loop3A_699 = vector.broadcast %parallel_loop3A_698 : i32 to vector<16xi32>
        %parallel_loop3A_700 = arith.addi %parallel_loop3A_636, %parallel_loop3A_699 : vector<16xi32>
        %parallel_loop3A_701 = arith.constant 1 : i32
        %parallel_loop3A_702 = vector.broadcast %parallel_loop3A_701 : i32 to vector<16xi32>
        %parallel_loop3A_703 = arith.addi %parallel_loop3A_637, %parallel_loop3A_702 : vector<16xi32>
        scf.yield %parallel_loop3A_700, %parallel_loop3A_703 : vector<16xi32>, vector<16xi32>
      } {sc.loop_unroll_factor = 2 : i64, sc.parallel_access}
      %add3A_274 = arith.constant 8 : i32
      %add3A_275 = arith.addi %add3A_96, %add3A_274 : i32
      %mul3A_276 = arith.constant 16 : i32
      %mul3A_277 = arith.muli %select_n3A_43, %mul3A_276 : i32
      %dma_start3A_278 = arith.constant 0 : i32
      %dma_start3A_279 = tpu.memref_slice %arg5[%select_n3A, %add3A_275, %dma_start3A_278, %mul3A_277] : memref<2x224x224x128xf32, #tpu.memory_space<hbm>> -> memref<1x4x224x16xf32, #tpu.memory_space<hbm>>
      %dma_start3A_280 = tpu.memref_squeeze %dma_start3A_279 : memref<1x4x224x16xf32, #tpu.memory_space<hbm>> -> memref<4x224x16xf32, #tpu.memory_space<hbm>>
      %dma_start3A_281 = arith.constant 0 : i32
      %dma_start3A_282 = tpu.memref_slice %arg5[%select_n3A, %add3A_275, %dma_start3A_281, %mul3A_277] : memref<2x224x224x128xf32, #tpu.memory_space<hbm>> -> memref<1x4x224x16xf32, #tpu.memory_space<hbm>>
      %dma_start3A_283 = tpu.memref_squeeze %dma_start3A_282 : memref<1x4x224x16xf32, #tpu.memory_space<hbm>> -> memref<4x224x16xf32, #tpu.memory_space<hbm>>
      tpu.enqueue_dma source(%arg9 : memref<4x224x16xf32, #tpu.memory_space<vmem>>) target(%dma_start3A_283 : memref<4x224x16xf32, #tpu.memory_space<hbm>>) target_semaphore(%arg12 : memref<!tpu.dma_semaphore, #tpu.memory_space<semaphore_mem>>)
      %add3A_284 = arith.constant 4 : i32
      %add3A_285 = arith.addi %add3A_96, %add3A_284 : i32
      %mul3A_286 = arith.constant 16 : i32
      %mul3A_287 = arith.muli %select_n3A_43, %mul3A_286 : i32
      %dma_wait3A_288 = arith.constant 0 : i32
      %dma_wait3A_289 = tpu.memref_slice %arg5[%select_n3A, %add3A_285, %dma_wait3A_288, %mul3A_287] : memref<2x224x224x128xf32, #tpu.memory_space<hbm>> -> memref<1x4x224x16xf32, #tpu.memory_space<hbm>>
      %dma_wait3A_290 = tpu.memref_squeeze %dma_wait3A_289 : memref<1x4x224x16xf32, #tpu.memory_space<hbm>> -> memref<4x224x16xf32, #tpu.memory_space<hbm>>
      %dma_wait3A_291 = arith.constant 0 : i32
      %dma_wait3A_292 = tpu.memref_slice %arg5[%select_n3A, %add3A_285, %dma_wait3A_291, %mul3A_287] : memref<2x224x224x128xf32, #tpu.memory_space<hbm>> -> memref<1x4x224x16xf32, #tpu.memory_space<hbm>>
      %dma_wait3A_293 = tpu.memref_squeeze %dma_wait3A_292 : memref<1x4x224x16xf32, #tpu.memory_space<hbm>> -> memref<4x224x16xf32, #tpu.memory_space<hbm>>
      tpu.wait_dma2 semaphore(%arg13 : memref<!tpu.dma_semaphore, #tpu.memory_space<semaphore_mem>>) src(%arg10 : memref<4x224x16xf32, #tpu.memory_space<vmem>>) dst(%dma_wait3A_293 : memref<4x224x16xf32, #tpu.memory_space<hbm>>)
      %add3A_294 = arith.constant 3072 : i32
      %add3A_295 = vector.broadcast %add3A_294 : i32 to vector<16xi32>
      %add3A_296 = arith.addi %add3A_75, %add3A_295 : vector<16xi32>
      %add3A_297 = arith.constant 3072 : i32
      %add3A_298 = vector.broadcast %add3A_297 : i32 to vector<16xi32>
      %add3A_299 = arith.addi %add3A_83, %add3A_298 : vector<16xi32>
      %parallel_loop3A_300 = arith.constant 0 : i32
      %parallel_loop3A_301 = arith.constant 224 : i32
      %parallel_loop3A_302 = arith.constant 1 : i32
      %parallel_loop3A_303:2 = scf.for %parallel_loop3A_635 = %parallel_loop3A_300 to %parallel_loop3A_301 step %parallel_loop3A_302 iter_args(%parallel_loop3A_636 = %add3A_296, %parallel_loop3A_637 = %add3A_299) -> (vector<16xi32>, vector<16xi32>)  : i32 {
        %parallel_loop3A_638 = arith.constant 0 : i32
        %parallel_loop3A_639 = vector.broadcast %parallel_loop3A_638 : i32 to vector<16xi32>
        %parallel_loop3A_640 = arith.addi %parallel_loop3A_636, %parallel_loop3A_639 : vector<16xi32>
        %parallel_loop3A_641 = tpu.vector_load_idx %arg8[%parallel_loop3A_640] : memref<90112xf32, #tpu.memory_space<vmem>>[vector<16xi32>], vector<16xf32>,
        %parallel_loop3A_642 = arith.constant 0 : i32
        %parallel_loop3A_643 = vector.broadcast %parallel_loop3A_642 : i32 to vector<16xi32>
        %parallel_loop3A_644 = arith.addi %parallel_loop3A_637, %parallel_loop3A_643 : vector<16xi32>
        %parallel_loop3A_645 = tpu.vector_load_idx %arg8[%parallel_loop3A_644] : memref<90112xf32, #tpu.memory_space<vmem>>[vector<16xi32>], vector<16xf32>,
        %parallel_loop3A_646 = arith.subf %parallel_loop3A_641, %parallel_loop3A_645 : vector<16xf32>
        %parallel_loop3A_647 = arith.subf %parallel_loop3A_646, %get3A_67 : vector<16xf32>
        %parallel_loop3A_648 = arith.constant 0 : i32
        %parallel_loop3A_649 = arith.index_cast %parallel_loop3A_648 : i32 to index
        %parallel_loop3A_650 = arith.index_cast %parallel_loop3A_635 : i32 to index
        %parallel_loop3A_651 = arith.constant 0 : index
        %parallel_loop3A_652 = tpu.vector_load %arg10[%parallel_loop3A_649, %parallel_loop3A_650, %parallel_loop3A_651] {strides = array<i32>} : memref<4x224x16xf32, #tpu.memory_space<vmem>>, vector<16xf32>,
        tpu.vector_store %arg10[%parallel_loop3A_649, %parallel_loop3A_650, %parallel_loop3A_651], %parallel_loop3A_647 {strides = array<i32>} : memref<4x224x16xf32, #tpu.memory_space<vmem>>, vector<16xf32>,
        %parallel_loop3A_653 = arith.constant 256 : i32
        %parallel_loop3A_654 = vector.broadcast %parallel_loop3A_653 : i32 to vector<16xi32>
        %parallel_loop3A_655 = arith.addi %parallel_loop3A_636, %parallel_loop3A_654 : vector<16xi32>
        %parallel_loop3A_656 = tpu.vector_load_idx %arg8[%parallel_loop3A_655] : memref<90112xf32, #tpu.memory_space<vmem>>[vector<16xi32>], vector<16xf32>,
        %parallel_loop3A_657 = arith.constant 256 : i32
        %parallel_loop3A_658 = vector.broadcast %parallel_loop3A_657 : i32 to vector<16xi32>
        %parallel_loop3A_659 = arith.addi %parallel_loop3A_637, %parallel_loop3A_658 : vector<16xi32>
        %parallel_loop3A_660 = tpu.vector_load_idx %arg8[%parallel_loop3A_659] : memref<90112xf32, #tpu.memory_space<vmem>>[vector<16xi32>], vector<16xf32>,
        %parallel_loop3A_661 = arith.subf %parallel_loop3A_656, %parallel_loop3A_660 : vector<16xf32>
        %parallel_loop3A_662 = arith.subf %parallel_loop3A_661, %get3A_67 : vector<16xf32>
        %parallel_loop3A_663 = arith.constant 1 : i32
        %parallel_loop3A_664 = arith.index_cast %parallel_loop3A_663 : i32 to index
        %parallel_loop3A_665 = arith.index_cast %parallel_loop3A_635 : i32 to index
        %parallel_loop3A_666 = arith.constant 0 : index
        %parallel_loop3A_667 = tpu.vector_load %arg10[%parallel_loop3A_664, %parallel_loop3A_665, %parallel_loop3A_666] {strides = array<i32>} : memref<4x224x16xf32, #tpu.memory_space<vmem>>, vector<16xf32>,
        tpu.vector_store %arg10[%parallel_loop3A_664, %parallel_loop3A_665, %parallel_loop3A_666], %parallel_loop3A_662 {strides = array<i32>} : memref<4x224x16xf32, #tpu.memory_space<vmem>>, vector<16xf32>,
        %parallel_loop3A_668 = arith.constant 512 : i32
        %parallel_loop3A_669 = vector.broadcast %parallel_loop3A_668 : i32 to vector<16xi32>
        %parallel_loop3A_670 = arith.addi %parallel_loop3A_636, %parallel_loop3A_669 : vector<16xi32>
        %parallel_loop3A_671 = tpu.vector_load_idx %arg8[%parallel_loop3A_670] : memref<90112xf32, #tpu.memory_space<vmem>>[vector<16xi32>], vector<16xf32>,
        %parallel_loop3A_672 = arith.constant 512 : i32
        %parallel_loop3A_673 = vector.broadcast %parallel_loop3A_672 : i32 to vector<16xi32>
        %parallel_loop3A_674 = arith.addi %parallel_loop3A_637, %parallel_loop3A_673 : vector<16xi32>
        %parallel_loop3A_675 = tpu.vector_load_idx %arg8[%parallel_loop3A_674] : memref<90112xf32, #tpu.memory_space<vmem>>[vector<16xi32>], vector<16xf32>,
        %parallel_loop3A_676 = arith.subf %parallel_loop3A_671, %parallel_loop3A_675 : vector<16xf32>
        %parallel_loop3A_677 = arith.subf %parallel_loop3A_676, %get3A_67 : vector<16xf32>
        %parallel_loop3A_678 = arith.constant 2 : i32
        %parallel_loop3A_679 = arith.index_cast %parallel_loop3A_678 : i32 to index
        %parallel_loop3A_680 = arith.index_cast %parallel_loop3A_635 : i32 to index
        %parallel_loop3A_681 = arith.constant 0 : index
        %parallel_loop3A_682 = tpu.vector_load %arg10[%parallel_loop3A_679, %parallel_loop3A_680, %parallel_loop3A_681] {strides = array<i32>} : memref<4x224x16xf32, #tpu.memory_space<vmem>>, vector<16xf32>,
        tpu.vector_store %arg10[%parallel_loop3A_679, %parallel_loop3A_680, %parallel_loop3A_681], %parallel_loop3A_677 {strides = array<i32>} : memref<4x224x16xf32, #tpu.memory_space<vmem>>, vector<16xf32>,
        %parallel_loop3A_683 = arith.constant 768 : i32
        %parallel_loop3A_684 = vector.broadcast %parallel_loop3A_683 : i32 to vector<16xi32>
        %parallel_loop3A_685 = arith.addi %parallel_loop3A_636, %parallel_loop3A_684 : vector<16xi32>
        %parallel_loop3A_686 = tpu.vector_load_idx %arg8[%parallel_loop3A_685] : memref<90112xf32, #tpu.memory_space<vmem>>[vector<16xi32>], vector<16xf32>,
        %parallel_loop3A_687 = arith.constant 768 : i32
        %parallel_loop3A_688 = vector.broadcast %parallel_loop3A_687 : i32 to vector<16xi32>
        %parallel_loop3A_689 = arith.addi %parallel_loop3A_637, %parallel_loop3A_688 : vector<16xi32>
        %parallel_loop3A_690 = tpu.vector_load_idx %arg8[%parallel_loop3A_689] : memref<90112xf32, #tpu.memory_space<vmem>>[vector<16xi32>], vector<16xf32>,
        %parallel_loop3A_691 = arith.subf %parallel_loop3A_686, %parallel_loop3A_690 : vector<16xf32>
        %parallel_loop3A_692 = arith.subf %parallel_loop3A_691, %get3A_67 : vector<16xf32>
        %parallel_loop3A_693 = arith.constant 3 : i32
        %parallel_loop3A_694 = arith.index_cast %parallel_loop3A_693 : i32 to index
        %parallel_loop3A_695 = arith.index_cast %parallel_loop3A_635 : i32 to index
        %parallel_loop3A_696 = arith.constant 0 : index
        %parallel_loop3A_697 = tpu.vector_load %arg10[%parallel_loop3A_694, %parallel_loop3A_695, %parallel_loop3A_696] {strides = array<i32>} : memref<4x224x16xf32, #tpu.memory_space<vmem>>, vector<16xf32>,
        tpu.vector_store %arg10[%parallel_loop3A_694, %parallel_loop3A_695, %parallel_loop3A_696], %parallel_loop3A_692 {strides = array<i32>} : memref<4x224x16xf32, #tpu.memory_space<vmem>>, vector<16xf32>,
        %parallel_loop3A_698 = arith.constant 1 : i32
        %parallel_loop3A_699 = vector.broadcast %parallel_loop3A_698 : i32 to vector<16xi32>
        %parallel_loop3A_700 = arith.addi %parallel_loop3A_636, %parallel_loop3A_699 : vector<16xi32>
        %parallel_loop3A_701 = arith.constant 1 : i32
        %parallel_loop3A_702 = vector.broadcast %parallel_loop3A_701 : i32 to vector<16xi32>
        %parallel_loop3A_703 = arith.addi %parallel_loop3A_637, %parallel_loop3A_702 : vector<16xi32>
        scf.yield %parallel_loop3A_700, %parallel_loop3A_703 : vector<16xi32>, vector<16xi32>
      } {sc.loop_unroll_factor = 2 : i64, sc.parallel_access}
      %add3A_304 = arith.constant 12 : i32
      %add3A_305 = arith.addi %add3A_96, %add3A_304 : i32
      %mul3A_306 = arith.constant 16 : i32
      %mul3A_307 = arith.muli %select_n3A_43, %mul3A_306 : i32
      %dma_start3A_308 = arith.constant 0 : i32
      %dma_start3A_309 = tpu.memref_slice %arg5[%select_n3A, %add3A_305, %dma_start3A_308, %mul3A_307] : memref<2x224x224x128xf32, #tpu.memory_space<hbm>> -> memref<1x4x224x16xf32, #tpu.memory_space<hbm>>
      %dma_start3A_310 = tpu.memref_squeeze %dma_start3A_309 : memref<1x4x224x16xf32, #tpu.memory_space<hbm>> -> memref<4x224x16xf32, #tpu.memory_space<hbm>>
      %dma_start3A_311 = arith.constant 0 : i32
      %dma_start3A_312 = tpu.memref_slice %arg5[%select_n3A, %add3A_305, %dma_start3A_311, %mul3A_307] : memref<2x224x224x128xf32, #tpu.memory_space<hbm>> -> memref<1x4x224x16xf32, #tpu.memory_space<hbm>>
      %dma_start3A_313 = tpu.memref_squeeze %dma_start3A_312 : memref<1x4x224x16xf32, #tpu.memory_space<hbm>> -> memref<4x224x16xf32, #tpu.memory_space<hbm>>
      tpu.enqueue_dma source(%arg10 : memref<4x224x16xf32, #tpu.memory_space<vmem>>) target(%dma_start3A_313 : memref<4x224x16xf32, #tpu.memory_space<hbm>>) target_semaphore(%arg13 : memref<!tpu.dma_semaphore, #tpu.memory_space<semaphore_mem>>)
      %add3A_314 = arith.constant 8 : i32
      %add3A_315 = arith.addi %add3A_96, %add3A_314 : i32
      %mul3A_316 = arith.constant 16 : i32
      %mul3A_317 = arith.muli %select_n3A_43, %mul3A_316 : i32
      %dma_wait3A_318 = arith.constant 0 : i32
      %dma_wait3A_319 = tpu.memref_slice %arg5[%select_n3A, %add3A_315, %dma_wait3A_318, %mul3A_317] : memref<2x224x224x128xf32, #tpu.memory_space<hbm>> -> memref<1x4x224x16xf32, #tpu.memory_space<hbm>>
      %dma_wait3A_320 = tpu.memref_squeeze %dma_wait3A_319 : memref<1x4x224x16xf32, #tpu.memory_space<hbm>> -> memref<4x224x16xf32, #tpu.memory_space<hbm>>
      %dma_wait3A_321 = arith.constant 0 : i32
      %dma_wait3A_322 = tpu.memref_slice %arg5[%select_n3A, %add3A_315, %dma_wait3A_321, %mul3A_317] : memref<2x224x224x128xf32, #tpu.memory_space<hbm>> -> memref<1x4x224x16xf32, #tpu.memory_space<hbm>>
      %dma_wait3A_323 = tpu.memref_squeeze %dma_wait3A_322 : memref<1x4x224x16xf32, #tpu.memory_space<hbm>> -> memref<4x224x16xf32, #tpu.memory_space<hbm>>
      tpu.wait_dma2 semaphore(%arg12 : memref<!tpu.dma_semaphore, #tpu.memory_space<semaphore_mem>>) src(%arg9 : memref<4x224x16xf32, #tpu.memory_space<vmem>>) dst(%dma_wait3A_323 : memref<4x224x16xf32, #tpu.memory_space<hbm>>)
      %add3A_324 = arith.constant 4096 : i32
      %add3A_325 = vector.broadcast %add3A_324 : i32 to vector<16xi32>
      %add3A_326 = arith.addi %add3A_75, %add3A_325 : vector<16xi32>
      %add3A_327 = arith.constant 4096 : i32
      %add3A_328 = vector.broadcast %add3A_327 : i32 to vector<16xi32>
      %add3A_329 = arith.addi %add3A_83, %add3A_328 : vector<16xi32>
      %parallel_loop3A_330 = arith.constant 0 : i32
      %parallel_loop3A_331 = arith.constant 224 : i32
      %parallel_loop3A_332 = arith.constant 1 : i32
      %parallel_loop3A_333:2 = scf.for %parallel_loop3A_635 = %parallel_loop3A_330 to %parallel_loop3A_331 step %parallel_loop3A_332 iter_args(%parallel_loop3A_636 = %add3A_326, %parallel_loop3A_637 = %add3A_329) -> (vector<16xi32>, vector<16xi32>)  : i32 {
        %parallel_loop3A_638 = arith.constant 0 : i32
        %parallel_loop3A_639 = vector.broadcast %parallel_loop3A_638 : i32 to vector<16xi32>
        %parallel_loop3A_640 = arith.addi %parallel_loop3A_636, %parallel_loop3A_639 : vector<16xi32>
        %parallel_loop3A_641 = tpu.vector_load_idx %arg8[%parallel_loop3A_640] : memref<90112xf32, #tpu.memory_space<vmem>>[vector<16xi32>], vector<16xf32>,
        %parallel_loop3A_642 = arith.constant 0 : i32
        %parallel_loop3A_643 = vector.broadcast %parallel_loop3A_642 : i32 to vector<16xi32>
        %parallel_loop3A_644 = arith.addi %parallel_loop3A_637, %parallel_loop3A_643 : vector<16xi32>
        %parallel_loop3A_645 = tpu.vector_load_idx %arg8[%parallel_loop3A_644] : memref<90112xf32, #tpu.memory_space<vmem>>[vector<16xi32>], vector<16xf32>,
        %parallel_loop3A_646 = arith.subf %parallel_loop3A_641, %parallel_loop3A_645 : vector<16xf32>
        %parallel_loop3A_647 = arith.subf %parallel_loop3A_646, %get3A_67 : vector<16xf32>
        %parallel_loop3A_648 = arith.constant 0 : i32
        %parallel_loop3A_649 = arith.index_cast %parallel_loop3A_648 : i32 to index
        %parallel_loop3A_650 = arith.index_cast %parallel_loop3A_635 : i32 to index
        %parallel_loop3A_651 = arith.constant 0 : index
        %parallel_loop3A_652 = tpu.vector_load %arg9[%parallel_loop3A_649, %parallel_loop3A_650, %parallel_loop3A_651] {strides = array<i32>} : memref<4x224x16xf32, #tpu.memory_space<vmem>>, vector<16xf32>,
        tpu.vector_store %arg9[%parallel_loop3A_649, %parallel_loop3A_650, %parallel_loop3A_651], %parallel_loop3A_647 {strides = array<i32>} : memref<4x224x16xf32, #tpu.memory_space<vmem>>, vector<16xf32>,
        %parallel_loop3A_653 = arith.constant 256 : i32
        %parallel_loop3A_654 = vector.broadcast %parallel_loop3A_653 : i32 to vector<16xi32>
        %parallel_loop3A_655 = arith.addi %parallel_loop3A_636, %parallel_loop3A_654 : vector<16xi32>
        %parallel_loop3A_656 = tpu.vector_load_idx %arg8[%parallel_loop3A_655] : memref<90112xf32, #tpu.memory_space<vmem>>[vector<16xi32>], vector<16xf32>,
        %parallel_loop3A_657 = arith.constant 256 : i32
        %parallel_loop3A_658 = vector.broadcast %parallel_loop3A_657 : i32 to vector<16xi32>
        %parallel_loop3A_659 = arith.addi %parallel_loop3A_637, %parallel_loop3A_658 : vector<16xi32>
        %parallel_loop3A_660 = tpu.vector_load_idx %arg8[%parallel_loop3A_659] : memref<90112xf32, #tpu.memory_space<vmem>>[vector<16xi32>], vector<16xf32>,
        %parallel_loop3A_661 = arith.subf %parallel_loop3A_656, %parallel_loop3A_660 : vector<16xf32>
        %parallel_loop3A_662 = arith.subf %parallel_loop3A_661, %get3A_67 : vector<16xf32>
        %parallel_loop3A_663 = arith.constant 1 : i32
        %parallel_loop3A_664 = arith.index_cast %parallel_loop3A_663 : i32 to index
        %parallel_loop3A_665 = arith.index_cast %parallel_loop3A_635 : i32 to index
        %parallel_loop3A_666 = arith.constant 0 : index
        %parallel_loop3A_667 = tpu.vector_load %arg9[%parallel_loop3A_664, %parallel_loop3A_665, %parallel_loop3A_666] {strides = array<i32>} : memref<4x224x16xf32, #tpu.memory_space<vmem>>, vector<16xf32>,
        tpu.vector_store %arg9[%parallel_loop3A_664, %parallel_loop3A_665, %parallel_loop3A_666], %parallel_loop3A_662 {strides = array<i32>} : memref<4x224x16xf32, #tpu.memory_space<vmem>>, vector<16xf32>,
        %parallel_loop3A_668 = arith.constant 512 : i32
        %parallel_loop3A_669 = vector.broadcast %parallel_loop3A_668 : i32 to vector<16xi32>
        %parallel_loop3A_670 = arith.addi %parallel_loop3A_636, %parallel_loop3A_669 : vector<16xi32>
        %parallel_loop3A_671 = tpu.vector_load_idx %arg8[%parallel_loop3A_670] : memref<90112xf32, #tpu.memory_space<vmem>>[vector<16xi32>], vector<16xf32>,
        %parallel_loop3A_672 = arith.constant 512 : i32
        %parallel_loop3A_673 = vector.broadcast %parallel_loop3A_672 : i32 to vector<16xi32>
        %parallel_loop3A_674 = arith.addi %parallel_loop3A_637, %parallel_loop3A_673 : vector<16xi32>
        %parallel_loop3A_675 = tpu.vector_load_idx %arg8[%parallel_loop3A_674] : memref<90112xf32, #tpu.memory_space<vmem>>[vector<16xi32>], vector<16xf32>,
        %parallel_loop3A_676 = arith.subf %parallel_loop3A_671, %parallel_loop3A_675 : vector<16xf32>
        %parallel_loop3A_677 = arith.subf %parallel_loop3A_676, %get3A_67 : vector<16xf32>
        %parallel_loop3A_678 = arith.constant 2 : i32
        %parallel_loop3A_679 = arith.index_cast %parallel_loop3A_678 : i32 to index
        %parallel_loop3A_680 = arith.index_cast %parallel_loop3A_635 : i32 to index
        %parallel_loop3A_681 = arith.constant 0 : index
        %parallel_loop3A_682 = tpu.vector_load %arg9[%parallel_loop3A_679, %parallel_loop3A_680, %parallel_loop3A_681] {strides = array<i32>} : memref<4x224x16xf32, #tpu.memory_space<vmem>>, vector<16xf32>,
        tpu.vector_store %arg9[%parallel_loop3A_679, %parallel_loop3A_680, %parallel_loop3A_681], %parallel_loop3A_677 {strides = array<i32>} : memref<4x224x16xf32, #tpu.memory_space<vmem>>, vector<16xf32>,
        %parallel_loop3A_683 = arith.constant 768 : i32
        %parallel_loop3A_684 = vector.broadcast %parallel_loop3A_683 : i32 to vector<16xi32>
        %parallel_loop3A_685 = arith.addi %parallel_loop3A_636, %parallel_loop3A_684 : vector<16xi32>
        %parallel_loop3A_686 = tpu.vector_load_idx %arg8[%parallel_loop3A_685] : memref<90112xf32, #tpu.memory_space<vmem>>[vector<16xi32>], vector<16xf32>,
        %parallel_loop3A_687 = arith.constant 768 : i32
        %parallel_loop3A_688 = vector.broadcast %parallel_loop3A_687 : i32 to vector<16xi32>
        %parallel_loop3A_689 = arith.addi %parallel_loop3A_637, %parallel_loop3A_688 : vector<16xi32>
        %parallel_loop3A_690 = tpu.vector_load_idx %arg8[%parallel_loop3A_689] : memref<90112xf32, #tpu.memory_space<vmem>>[vector<16xi32>], vector<16xf32>,
        %parallel_loop3A_691 = arith.subf %parallel_loop3A_686, %parallel_loop3A_690 : vector<16xf32>
        %parallel_loop3A_692 = arith.subf %parallel_loop3A_691, %get3A_67 : vector<16xf32>
        %parallel_loop3A_693 = arith.constant 3 : i32
        %parallel_loop3A_694 = arith.index_cast %parallel_loop3A_693 : i32 to index
        %parallel_loop3A_695 = arith.index_cast %parallel_loop3A_635 : i32 to index
        %parallel_loop3A_696 = arith.constant 0 : index
        %parallel_loop3A_697 = tpu.vector_load %arg9[%parallel_loop3A_694, %parallel_loop3A_695, %parallel_loop3A_696] {strides = array<i32>} : memref<4x224x16xf32, #tpu.memory_space<vmem>>, vector<16xf32>,
        tpu.vector_store %arg9[%parallel_loop3A_694, %parallel_loop3A_695, %parallel_loop3A_696], %parallel_loop3A_692 {strides = array<i32>} : memref<4x224x16xf32, #tpu.memory_space<vmem>>, vector<16xf32>,
        %parallel_loop3A_698 = arith.constant 1 : i32
        %parallel_loop3A_699 = vector.broadcast %parallel_loop3A_698 : i32 to vector<16xi32>
        %parallel_loop3A_700 = arith.addi %parallel_loop3A_636, %parallel_loop3A_699 : vector<16xi32>
        %parallel_loop3A_701 = arith.constant 1 : i32
        %parallel_loop3A_702 = vector.broadcast %parallel_loop3A_701 : i32 to vector<16xi32>
        %parallel_loop3A_703 = arith.addi %parallel_loop3A_637, %parallel_loop3A_702 : vector<16xi32>
        scf.yield %parallel_loop3A_700, %parallel_loop3A_703 : vector<16xi32>, vector<16xi32>
      } {sc.loop_unroll_factor = 2 : i64, sc.parallel_access}
      %add3A_334 = arith.constant 16 : i32
      %add3A_335 = arith.addi %add3A_96, %add3A_334 : i32
      %mul3A_336 = arith.constant 16 : i32
      %mul3A_337 = arith.muli %select_n3A_43, %mul3A_336 : i32
      %dma_start3A_338 = arith.constant 0 : i32
      %dma_start3A_339 = tpu.memref_slice %arg5[%select_n3A, %add3A_335, %dma_start3A_338, %mul3A_337] : memref<2x224x224x128xf32, #tpu.memory_space<hbm>> -> memref<1x4x224x16xf32, #tpu.memory_space<hbm>>
      %dma_start3A_340 = tpu.memref_squeeze %dma_start3A_339 : memref<1x4x224x16xf32, #tpu.memory_space<hbm>> -> memref<4x224x16xf32, #tpu.memory_space<hbm>>
      %dma_start3A_341 = arith.constant 0 : i32
      %dma_start3A_342 = tpu.memref_slice %arg5[%select_n3A, %add3A_335, %dma_start3A_341, %mul3A_337] : memref<2x224x224x128xf32, #tpu.memory_space<hbm>> -> memref<1x4x224x16xf32, #tpu.memory_space<hbm>>
      %dma_start3A_343 = tpu.memref_squeeze %dma_start3A_342 : memref<1x4x224x16xf32, #tpu.memory_space<hbm>> -> memref<4x224x16xf32, #tpu.memory_space<hbm>>
      tpu.enqueue_dma source(%arg9 : memref<4x224x16xf32, #tpu.memory_space<vmem>>) target(%dma_start3A_343 : memref<4x224x16xf32, #tpu.memory_space<hbm>>) target_semaphore(%arg12 : memref<!tpu.dma_semaphore, #tpu.memory_space<semaphore_mem>>)
      %add3A_344 = arith.constant 12 : i32
      %add3A_345 = arith.addi %add3A_96, %add3A_344 : i32
      %mul3A_346 = arith.constant 16 : i32
      %mul3A_347 = arith.muli %select_n3A_43, %mul3A_346 : i32
      %dma_wait3A_348 = arith.constant 0 : i32
      %dma_wait3A_349 = tpu.memref_slice %arg5[%select_n3A, %add3A_345, %dma_wait3A_348, %mul3A_347] : memref<2x224x224x128xf32, #tpu.memory_space<hbm>> -> memref<1x4x224x16xf32, #tpu.memory_space<hbm>>
      %dma_wait3A_350 = tpu.memref_squeeze %dma_wait3A_349 : memref<1x4x224x16xf32, #tpu.memory_space<hbm>> -> memref<4x224x16xf32, #tpu.memory_space<hbm>>
      %dma_wait3A_351 = arith.constant 0 : i32
      %dma_wait3A_352 = tpu.memref_slice %arg5[%select_n3A, %add3A_345, %dma_wait3A_351, %mul3A_347] : memref<2x224x224x128xf32, #tpu.memory_space<hbm>> -> memref<1x4x224x16xf32, #tpu.memory_space<hbm>>
      %dma_wait3A_353 = tpu.memref_squeeze %dma_wait3A_352 : memref<1x4x224x16xf32, #tpu.memory_space<hbm>> -> memref<4x224x16xf32, #tpu.memory_space<hbm>>
      tpu.wait_dma2 semaphore(%arg13 : memref<!tpu.dma_semaphore, #tpu.memory_space<semaphore_mem>>) src(%arg10 : memref<4x224x16xf32, #tpu.memory_space<vmem>>) dst(%dma_wait3A_353 : memref<4x224x16xf32, #tpu.memory_space<hbm>>)
      %add3A_354 = arith.constant 5120 : i32
      %add3A_355 = vector.broadcast %add3A_354 : i32 to vector<16xi32>
      %add3A_356 = arith.addi %add3A_75, %add3A_355 : vector<16xi32>
      %add3A_357 = arith.constant 5120 : i32
      %add3A_358 = vector.broadcast %add3A_357 : i32 to vector<16xi32>
      %add3A_359 = arith.addi %add3A_83, %add3A_358 : vector<16xi32>
      %parallel_loop3A_360 = arith.constant 0 : i32
      %parallel_loop3A_361 = arith.constant 224 : i32
      %parallel_loop3A_362 = arith.constant 1 : i32
      %parallel_loop3A_363:2 = scf.for %parallel_loop3A_635 = %parallel_loop3A_360 to %parallel_loop3A_361 step %parallel_loop3A_362 iter_args(%parallel_loop3A_636 = %add3A_356, %parallel_loop3A_637 = %add3A_359) -> (vector<16xi32>, vector<16xi32>)  : i32 {
        %parallel_loop3A_638 = arith.constant 0 : i32
        %parallel_loop3A_639 = vector.broadcast %parallel_loop3A_638 : i32 to vector<16xi32>
        %parallel_loop3A_640 = arith.addi %parallel_loop3A_636, %parallel_loop3A_639 : vector<16xi32>
        %parallel_loop3A_641 = tpu.vector_load_idx %arg8[%parallel_loop3A_640] : memref<90112xf32, #tpu.memory_space<vmem>>[vector<16xi32>], vector<16xf32>,
        %parallel_loop3A_642 = arith.constant 0 : i32
        %parallel_loop3A_643 = vector.broadcast %parallel_loop3A_642 : i32 to vector<16xi32>
        %parallel_loop3A_644 = arith.addi %parallel_loop3A_637, %parallel_loop3A_643 : vector<16xi32>
        %parallel_loop3A_645 = tpu.vector_load_idx %arg8[%parallel_loop3A_644] : memref<90112xf32, #tpu.memory_space<vmem>>[vector<16xi32>], vector<16xf32>,
        %parallel_loop3A_646 = arith.subf %parallel_loop3A_641, %parallel_loop3A_645 : vector<16xf32>
        %parallel_loop3A_647 = arith.subf %parallel_loop3A_646, %get3A_67 : vector<16xf32>
        %parallel_loop3A_648 = arith.constant 0 : i32
        %parallel_loop3A_649 = arith.index_cast %parallel_loop3A_648 : i32 to index
        %parallel_loop3A_650 = arith.index_cast %parallel_loop3A_635 : i32 to index
        %parallel_loop3A_651 = arith.constant 0 : index
        %parallel_loop3A_652 = tpu.vector_load %arg10[%parallel_loop3A_649, %parallel_loop3A_650, %parallel_loop3A_651] {strides = array<i32>} : memref<4x224x16xf32, #tpu.memory_space<vmem>>, vector<16xf32>,
        tpu.vector_store %arg10[%parallel_loop3A_649, %parallel_loop3A_650, %parallel_loop3A_651], %parallel_loop3A_647 {strides = array<i32>} : memref<4x224x16xf32, #tpu.memory_space<vmem>>, vector<16xf32>,
        %parallel_loop3A_653 = arith.constant 256 : i32
        %parallel_loop3A_654 = vector.broadcast %parallel_loop3A_653 : i32 to vector<16xi32>
        %parallel_loop3A_655 = arith.addi %parallel_loop3A_636, %parallel_loop3A_654 : vector<16xi32>
        %parallel_loop3A_656 = tpu.vector_load_idx %arg8[%parallel_loop3A_655] : memref<90112xf32, #tpu.memory_space<vmem>>[vector<16xi32>], vector<16xf32>,
        %parallel_loop3A_657 = arith.constant 256 : i32
        %parallel_loop3A_658 = vector.broadcast %parallel_loop3A_657 : i32 to vector<16xi32>
        %parallel_loop3A_659 = arith.addi %parallel_loop3A_637, %parallel_loop3A_658 : vector<16xi32>
        %parallel_loop3A_660 = tpu.vector_load_idx %arg8[%parallel_loop3A_659] : memref<90112xf32, #tpu.memory_space<vmem>>[vector<16xi32>], vector<16xf32>,
        %parallel_loop3A_661 = arith.subf %parallel_loop3A_656, %parallel_loop3A_660 : vector<16xf32>
        %parallel_loop3A_662 = arith.subf %parallel_loop3A_661, %get3A_67 : vector<16xf32>
        %parallel_loop3A_663 = arith.constant 1 : i32
        %parallel_loop3A_664 = arith.index_cast %parallel_loop3A_663 : i32 to index
        %parallel_loop3A_665 = arith.index_cast %parallel_loop3A_635 : i32 to index
        %parallel_loop3A_666 = arith.constant 0 : index
        %parallel_loop3A_667 = tpu.vector_load %arg10[%parallel_loop3A_664, %parallel_loop3A_665, %parallel_loop3A_666] {strides = array<i32>} : memref<4x224x16xf32, #tpu.memory_space<vmem>>, vector<16xf32>,
        tpu.vector_store %arg10[%parallel_loop3A_664, %parallel_loop3A_665, %parallel_loop3A_666], %parallel_loop3A_662 {strides = array<i32>} : memref<4x224x16xf32, #tpu.memory_space<vmem>>, vector<16xf32>,
        %parallel_loop3A_668 = arith.constant 512 : i32
        %parallel_loop3A_669 = vector.broadcast %parallel_loop3A_668 : i32 to vector<16xi32>
        %parallel_loop3A_670 = arith.addi %parallel_loop3A_636, %parallel_loop3A_669 : vector<16xi32>
        %parallel_loop3A_671 = tpu.vector_load_idx %arg8[%parallel_loop3A_670] : memref<90112xf32, #tpu.memory_space<vmem>>[vector<16xi32>], vector<16xf32>,
        %parallel_loop3A_672 = arith.constant 512 : i32
        %parallel_loop3A_673 = vector.broadcast %parallel_loop3A_672 : i32 to vector<16xi32>
        %parallel_loop3A_674 = arith.addi %parallel_loop3A_637, %parallel_loop3A_673 : vector<16xi32>
        %parallel_loop3A_675 = tpu.vector_load_idx %arg8[%parallel_loop3A_674] : memref<90112xf32, #tpu.memory_space<vmem>>[vector<16xi32>], vector<16xf32>,
        %parallel_loop3A_676 = arith.subf %parallel_loop3A_671, %parallel_loop3A_675 : vector<16xf32>
        %parallel_loop3A_677 = arith.subf %parallel_loop3A_676, %get3A_67 : vector<16xf32>
        %parallel_loop3A_678 = arith.constant 2 : i32
        %parallel_loop3A_679 = arith.index_cast %parallel_loop3A_678 : i32 to index
        %parallel_loop3A_680 = arith.index_cast %parallel_loop3A_635 : i32 to index
        %parallel_loop3A_681 = arith.constant 0 : index
        %parallel_loop3A_682 = tpu.vector_load %arg10[%parallel_loop3A_679, %parallel_loop3A_680, %parallel_loop3A_681] {strides = array<i32>} : memref<4x224x16xf32, #tpu.memory_space<vmem>>, vector<16xf32>,
        tpu.vector_store %arg10[%parallel_loop3A_679, %parallel_loop3A_680, %parallel_loop3A_681], %parallel_loop3A_677 {strides = array<i32>} : memref<4x224x16xf32, #tpu.memory_space<vmem>>, vector<16xf32>,
        %parallel_loop3A_683 = arith.constant 768 : i32
        %parallel_loop3A_684 = vector.broadcast %parallel_loop3A_683 : i32 to vector<16xi32>
        %parallel_loop3A_685 = arith.addi %parallel_loop3A_636, %parallel_loop3A_684 : vector<16xi32>
        %parallel_loop3A_686 = tpu.vector_load_idx %arg8[%parallel_loop3A_685] : memref<90112xf32, #tpu.memory_space<vmem>>[vector<16xi32>], vector<16xf32>,
        %parallel_loop3A_687 = arith.constant 768 : i32
        %parallel_loop3A_688 = vector.broadcast %parallel_loop3A_687 : i32 to vector<16xi32>
        %parallel_loop3A_689 = arith.addi %parallel_loop3A_637, %parallel_loop3A_688 : vector<16xi32>
        %parallel_loop3A_690 = tpu.vector_load_idx %arg8[%parallel_loop3A_689] : memref<90112xf32, #tpu.memory_space<vmem>>[vector<16xi32>], vector<16xf32>,
        %parallel_loop3A_691 = arith.subf %parallel_loop3A_686, %parallel_loop3A_690 : vector<16xf32>
        %parallel_loop3A_692 = arith.subf %parallel_loop3A_691, %get3A_67 : vector<16xf32>
        %parallel_loop3A_693 = arith.constant 3 : i32
        %parallel_loop3A_694 = arith.index_cast %parallel_loop3A_693 : i32 to index
        %parallel_loop3A_695 = arith.index_cast %parallel_loop3A_635 : i32 to index
        %parallel_loop3A_696 = arith.constant 0 : index
        %parallel_loop3A_697 = tpu.vector_load %arg10[%parallel_loop3A_694, %parallel_loop3A_695, %parallel_loop3A_696] {strides = array<i32>} : memref<4x224x16xf32, #tpu.memory_space<vmem>>, vector<16xf32>,
        tpu.vector_store %arg10[%parallel_loop3A_694, %parallel_loop3A_695, %parallel_loop3A_696], %parallel_loop3A_692 {strides = array<i32>} : memref<4x224x16xf32, #tpu.memory_space<vmem>>, vector<16xf32>,
        %parallel_loop3A_698 = arith.constant 1 : i32
        %parallel_loop3A_699 = vector.broadcast %parallel_loop3A_698 : i32 to vector<16xi32>
        %parallel_loop3A_700 = arith.addi %parallel_loop3A_636, %parallel_loop3A_699 : vector<16xi32>
        %parallel_loop3A_701 = arith.constant 1 : i32
        %parallel_loop3A_702 = vector.broadcast %parallel_loop3A_701 : i32 to vector<16xi32>
        %parallel_loop3A_703 = arith.addi %parallel_loop3A_637, %parallel_loop3A_702 : vector<16xi32>
        scf.yield %parallel_loop3A_700, %parallel_loop3A_703 : vector<16xi32>, vector<16xi32>
      } {sc.loop_unroll_factor = 2 : i64, sc.parallel_access}
      %add3A_364 = arith.constant 20 : i32
      %add3A_365 = arith.addi %add3A_96, %add3A_364 : i32
      %mul3A_366 = arith.constant 16 : i32
      %mul3A_367 = arith.muli %select_n3A_43, %mul3A_366 : i32
      %dma_start3A_368 = arith.constant 0 : i32
      %dma_start3A_369 = tpu.memref_slice %arg5[%select_n3A, %add3A_365, %dma_start3A_368, %mul3A_367] : memref<2x224x224x128xf32, #tpu.memory_space<hbm>> -> memref<1x4x224x16xf32, #tpu.memory_space<hbm>>
      %dma_start3A_370 = tpu.memref_squeeze %dma_start3A_369 : memref<1x4x224x16xf32, #tpu.memory_space<hbm>> -> memref<4x224x16xf32, #tpu.memory_space<hbm>>
      %dma_start3A_371 = arith.constant 0 : i32
      %dma_start3A_372 = tpu.memref_slice %arg5[%select_n3A, %add3A_365, %dma_start3A_371, %mul3A_367] : memref<2x224x224x128xf32, #tpu.memory_space<hbm>> -> memref<1x4x224x16xf32, #tpu.memory_space<hbm>>
      %dma_start3A_373 = tpu.memref_squeeze %dma_start3A_372 : memref<1x4x224x16xf32, #tpu.memory_space<hbm>> -> memref<4x224x16xf32, #tpu.memory_space<hbm>>
      tpu.enqueue_dma source(%arg10 : memref<4x224x16xf32, #tpu.memory_space<vmem>>) target(%dma_start3A_373 : memref<4x224x16xf32, #tpu.memory_space<hbm>>) target_semaphore(%arg13 : memref<!tpu.dma_semaphore, #tpu.memory_space<semaphore_mem>>)
      %add3A_374 = arith.constant 16 : i32
      %add3A_375 = arith.addi %add3A_96, %add3A_374 : i32
      %mul3A_376 = arith.constant 16 : i32
      %mul3A_377 = arith.muli %select_n3A_43, %mul3A_376 : i32
      %dma_wait3A_378 = arith.constant 0 : i32
      %dma_wait3A_379 = tpu.memref_slice %arg5[%select_n3A, %add3A_375, %dma_wait3A_378, %mul3A_377] : memref<2x224x224x128xf32, #tpu.memory_space<hbm>> -> memref<1x4x224x16xf32, #tpu.memory_space<hbm>>
      %dma_wait3A_380 = tpu.memref_squeeze %dma_wait3A_379 : memref<1x4x224x16xf32, #tpu.memory_space<hbm>> -> memref<4x224x16xf32, #tpu.memory_space<hbm>>
      %dma_wait3A_381 = arith.constant 0 : i32
      %dma_wait3A_382 = tpu.memref_slice %arg5[%select_n3A, %add3A_375, %dma_wait3A_381, %mul3A_377] : memref<2x224x224x128xf32, #tpu.memory_space<hbm>> -> memref<1x4x224x16xf32, #tpu.memory_space<hbm>>
      %dma_wait3A_383 = tpu.memref_squeeze %dma_wait3A_382 : memref<1x4x224x16xf32, #tpu.memory_space<hbm>> -> memref<4x224x16xf32, #tpu.memory_space<hbm>>
      tpu.wait_dma2 semaphore(%arg12 : memref<!tpu.dma_semaphore, #tpu.memory_space<semaphore_mem>>) src(%arg9 : memref<4x224x16xf32, #tpu.memory_space<vmem>>) dst(%dma_wait3A_383 : memref<4x224x16xf32, #tpu.memory_space<hbm>>)
      %add3A_384 = arith.constant 6144 : i32
      %add3A_385 = vector.broadcast %add3A_384 : i32 to vector<16xi32>
      %add3A_386 = arith.addi %add3A_75, %add3A_385 : vector<16xi32>
      %add3A_387 = arith.constant 6144 : i32
      %add3A_388 = vector.broadcast %add3A_387 : i32 to vector<16xi32>
      %add3A_389 = arith.addi %add3A_83, %add3A_388 : vector<16xi32>
      %parallel_loop3A_390 = arith.constant 0 : i32
      %parallel_loop3A_391 = arith.constant 224 : i32
      %parallel_loop3A_392 = arith.constant 1 : i32
      %parallel_loop3A_393:2 = scf.for %parallel_loop3A_635 = %parallel_loop3A_390 to %parallel_loop3A_391 step %parallel_loop3A_392 iter_args(%parallel_loop3A_636 = %add3A_386, %parallel_loop3A_637 = %add3A_389) -> (vector<16xi32>, vector<16xi32>)  : i32 {
        %parallel_loop3A_638 = arith.constant 0 : i32
        %parallel_loop3A_639 = vector.broadcast %parallel_loop3A_638 : i32 to vector<16xi32>
        %parallel_loop3A_640 = arith.addi %parallel_loop3A_636, %parallel_loop3A_639 : vector<16xi32>
        %parallel_loop3A_641 = tpu.vector_load_idx %arg8[%parallel_loop3A_640] : memref<90112xf32, #tpu.memory_space<vmem>>[vector<16xi32>], vector<16xf32>,
        %parallel_loop3A_642 = arith.constant 0 : i32
        %parallel_loop3A_643 = vector.broadcast %parallel_loop3A_642 : i32 to vector<16xi32>
        %parallel_loop3A_644 = arith.addi %parallel_loop3A_637, %parallel_loop3A_643 : vector<16xi32>
        %parallel_loop3A_645 = tpu.vector_load_idx %arg8[%parallel_loop3A_644] : memref<90112xf32, #tpu.memory_space<vmem>>[vector<16xi32>], vector<16xf32>,
        %parallel_loop3A_646 = arith.subf %parallel_loop3A_641, %parallel_loop3A_645 : vector<16xf32>
        %parallel_loop3A_647 = arith.subf %parallel_loop3A_646, %get3A_67 : vector<16xf32>
        %parallel_loop3A_648 = arith.constant 0 : i32
        %parallel_loop3A_649 = arith.index_cast %parallel_loop3A_648 : i32 to index
        %parallel_loop3A_650 = arith.index_cast %parallel_loop3A_635 : i32 to index
        %parallel_loop3A_651 = arith.constant 0 : index
        %parallel_loop3A_652 = tpu.vector_load %arg9[%parallel_loop3A_649, %parallel_loop3A_650, %parallel_loop3A_651] {strides = array<i32>} : memref<4x224x16xf32, #tpu.memory_space<vmem>>, vector<16xf32>,
        tpu.vector_store %arg9[%parallel_loop3A_649, %parallel_loop3A_650, %parallel_loop3A_651], %parallel_loop3A_647 {strides = array<i32>} : memref<4x224x16xf32, #tpu.memory_space<vmem>>, vector<16xf32>,
        %parallel_loop3A_653 = arith.constant 256 : i32
        %parallel_loop3A_654 = vector.broadcast %parallel_loop3A_653 : i32 to vector<16xi32>
        %parallel_loop3A_655 = arith.addi %parallel_loop3A_636, %parallel_loop3A_654 : vector<16xi32>
        %parallel_loop3A_656 = tpu.vector_load_idx %arg8[%parallel_loop3A_655] : memref<90112xf32, #tpu.memory_space<vmem>>[vector<16xi32>], vector<16xf32>,
        %parallel_loop3A_657 = arith.constant 256 : i32
        %parallel_loop3A_658 = vector.broadcast %parallel_loop3A_657 : i32 to vector<16xi32>
        %parallel_loop3A_659 = arith.addi %parallel_loop3A_637, %parallel_loop3A_658 : vector<16xi32>
        %parallel_loop3A_660 = tpu.vector_load_idx %arg8[%parallel_loop3A_659] : memref<90112xf32, #tpu.memory_space<vmem>>[vector<16xi32>], vector<16xf32>,
        %parallel_loop3A_661 = arith.subf %parallel_loop3A_656, %parallel_loop3A_660 : vector<16xf32>
        %parallel_loop3A_662 = arith.subf %parallel_loop3A_661, %get3A_67 : vector<16xf32>
        %parallel_loop3A_663 = arith.constant 1 : i32
        %parallel_loop3A_664 = arith.index_cast %parallel_loop3A_663 : i32 to index
        %parallel_loop3A_665 = arith.index_cast %parallel_loop3A_635 : i32 to index
        %parallel_loop3A_666 = arith.constant 0 : index
        %parallel_loop3A_667 = tpu.vector_load %arg9[%parallel_loop3A_664, %parallel_loop3A_665, %parallel_loop3A_666] {strides = array<i32>} : memref<4x224x16xf32, #tpu.memory_space<vmem>>, vector<16xf32>,
        tpu.vector_store %arg9[%parallel_loop3A_664, %parallel_loop3A_665, %parallel_loop3A_666], %parallel_loop3A_662 {strides = array<i32>} : memref<4x224x16xf32, #tpu.memory_space<vmem>>, vector<16xf32>,
        %parallel_loop3A_668 = arith.constant 512 : i32
        %parallel_loop3A_669 = vector.broadcast %parallel_loop3A_668 : i32 to vector<16xi32>
        %parallel_loop3A_670 = arith.addi %parallel_loop3A_636, %parallel_loop3A_669 : vector<16xi32>
        %parallel_loop3A_671 = tpu.vector_load_idx %arg8[%parallel_loop3A_670] : memref<90112xf32, #tpu.memory_space<vmem>>[vector<16xi32>], vector<16xf32>,
        %parallel_loop3A_672 = arith.constant 512 : i32
        %parallel_loop3A_673 = vector.broadcast %parallel_loop3A_672 : i32 to vector<16xi32>
        %parallel_loop3A_674 = arith.addi %parallel_loop3A_637, %parallel_loop3A_673 : vector<16xi32>
        %parallel_loop3A_675 = tpu.vector_load_idx %arg8[%parallel_loop3A_674] : memref<90112xf32, #tpu.memory_space<vmem>>[vector<16xi32>], vector<16xf32>,
        %parallel_loop3A_676 = arith.subf %parallel_loop3A_671, %parallel_loop3A_675 : vector<16xf32>
        %parallel_loop3A_677 = arith.subf %parallel_loop3A_676, %get3A_67 : vector<16xf32>
        %parallel_loop3A_678 = arith.constant 2 : i32
        %parallel_loop3A_679 = arith.index_cast %parallel_loop3A_678 : i32 to index
        %parallel_loop3A_680 = arith.index_cast %parallel_loop3A_635 : i32 to index
        %parallel_loop3A_681 = arith.constant 0 : index
        %parallel_loop3A_682 = tpu.vector_load %arg9[%parallel_loop3A_679, %parallel_loop3A_680, %parallel_loop3A_681] {strides = array<i32>} : memref<4x224x16xf32, #tpu.memory_space<vmem>>, vector<16xf32>,
        tpu.vector_store %arg9[%parallel_loop3A_679, %parallel_loop3A_680, %parallel_loop3A_681], %parallel_loop3A_677 {strides = array<i32>} : memref<4x224x16xf32, #tpu.memory_space<vmem>>, vector<16xf32>,
        %parallel_loop3A_683 = arith.constant 768 : i32
        %parallel_loop3A_684 = vector.broadcast %parallel_loop3A_683 : i32 to vector<16xi32>
        %parallel_loop3A_685 = arith.addi %parallel_loop3A_636, %parallel_loop3A_684 : vector<16xi32>
        %parallel_loop3A_686 = tpu.vector_load_idx %arg8[%parallel_loop3A_685] : memref<90112xf32, #tpu.memory_space<vmem>>[vector<16xi32>], vector<16xf32>,
        %parallel_loop3A_687 = arith.constant 768 : i32
        %parallel_loop3A_688 = vector.broadcast %parallel_loop3A_687 : i32 to vector<16xi32>
        %parallel_loop3A_689 = arith.addi %parallel_loop3A_637, %parallel_loop3A_688 : vector<16xi32>
        %parallel_loop3A_690 = tpu.vector_load_idx %arg8[%parallel_loop3A_689] : memref<90112xf32, #tpu.memory_space<vmem>>[vector<16xi32>], vector<16xf32>,
        %parallel_loop3A_691 = arith.subf %parallel_loop3A_686, %parallel_loop3A_690 : vector<16xf32>
        %parallel_loop3A_692 = arith.subf %parallel_loop3A_691, %get3A_67 : vector<16xf32>
        %parallel_loop3A_693 = arith.constant 3 : i32
        %parallel_loop3A_694 = arith.index_cast %parallel_loop3A_693 : i32 to index
        %parallel_loop3A_695 = arith.index_cast %parallel_loop3A_635 : i32 to index
        %parallel_loop3A_696 = arith.constant 0 : index
        %parallel_loop3A_697 = tpu.vector_load %arg9[%parallel_loop3A_694, %parallel_loop3A_695, %parallel_loop3A_696] {strides = array<i32>} : memref<4x224x16xf32, #tpu.memory_space<vmem>>, vector<16xf32>,
        tpu.vector_store %arg9[%parallel_loop3A_694, %parallel_loop3A_695, %parallel_loop3A_696], %parallel_loop3A_692 {strides = array<i32>} : memref<4x224x16xf32, #tpu.memory_space<vmem>>, vector<16xf32>,
        %parallel_loop3A_698 = arith.constant 1 : i32
        %parallel_loop3A_699 = vector.broadcast %parallel_loop3A_698 : i32 to vector<16xi32>
        %parallel_loop3A_700 = arith.addi %parallel_loop3A_636, %parallel_loop3A_699 : vector<16xi32>
        %parallel_loop3A_701 = arith.constant 1 : i32
        %parallel_loop3A_702 = vector.broadcast %parallel_loop3A_701 : i32 to vector<16xi32>
        %parallel_loop3A_703 = arith.addi %parallel_loop3A_637, %parallel_loop3A_702 : vector<16xi32>
        scf.yield %parallel_loop3A_700, %parallel_loop3A_703 : vector<16xi32>, vector<16xi32>
      } {sc.loop_unroll_factor = 2 : i64, sc.parallel_access}
      %add3A_394 = arith.constant 24 : i32
      %add3A_395 = arith.addi %add3A_96, %add3A_394 : i32
      %mul3A_396 = arith.constant 16 : i32
      %mul3A_397 = arith.muli %select_n3A_43, %mul3A_396 : i32
      %dma_start3A_398 = arith.constant 0 : i32
      %dma_start3A_399 = tpu.memref_slice %arg5[%select_n3A, %add3A_395, %dma_start3A_398, %mul3A_397] : memref<2x224x224x128xf32, #tpu.memory_space<hbm>> -> memref<1x4x224x16xf32, #tpu.memory_space<hbm>>
      %dma_start3A_400 = tpu.memref_squeeze %dma_start3A_399 : memref<1x4x224x16xf32, #tpu.memory_space<hbm>> -> memref<4x224x16xf32, #tpu.memory_space<hbm>>
      %dma_start3A_401 = arith.constant 0 : i32
      %dma_start3A_402 = tpu.memref_slice %arg5[%select_n3A, %add3A_395, %dma_start3A_401, %mul3A_397] : memref<2x224x224x128xf32, #tpu.memory_space<hbm>> -> memref<1x4x224x16xf32, #tpu.memory_space<hbm>>
      %dma_start3A_403 = tpu.memref_squeeze %dma_start3A_402 : memref<1x4x224x16xf32, #tpu.memory_space<hbm>> -> memref<4x224x16xf32, #tpu.memory_space<hbm>>
      tpu.enqueue_dma source(%arg9 : memref<4x224x16xf32, #tpu.memory_space<vmem>>) target(%dma_start3A_403 : memref<4x224x16xf32, #tpu.memory_space<hbm>>) target_semaphore(%arg12 : memref<!tpu.dma_semaphore, #tpu.memory_space<semaphore_mem>>)
      %add3A_404 = arith.constant 20 : i32
      %add3A_405 = arith.addi %add3A_96, %add3A_404 : i32
      %mul3A_406 = arith.constant 16 : i32
      %mul3A_407 = arith.muli %select_n3A_43, %mul3A_406 : i32
      %dma_wait3A_408 = arith.constant 0 : i32
      %dma_wait3A_409 = tpu.memref_slice %arg5[%select_n3A, %add3A_405, %dma_wait3A_408, %mul3A_407] : memref<2x224x224x128xf32, #tpu.memory_space<hbm>> -> memref<1x4x224x16xf32, #tpu.memory_space<hbm>>
      %dma_wait3A_410 = tpu.memref_squeeze %dma_wait3A_409 : memref<1x4x224x16xf32, #tpu.memory_space<hbm>> -> memref<4x224x16xf32, #tpu.memory_space<hbm>>
      %dma_wait3A_411 = arith.constant 0 : i32
      %dma_wait3A_412 = tpu.memref_slice %arg5[%select_n3A, %add3A_405, %dma_wait3A_411, %mul3A_407] : memref<2x224x224x128xf32, #tpu.memory_space<hbm>> -> memref<1x4x224x16xf32, #tpu.memory_space<hbm>>
      %dma_wait3A_413 = tpu.memref_squeeze %dma_wait3A_412 : memref<1x4x224x16xf32, #tpu.memory_space<hbm>> -> memref<4x224x16xf32, #tpu.memory_space<hbm>>
      tpu.wait_dma2 semaphore(%arg13 : memref<!tpu.dma_semaphore, #tpu.memory_space<semaphore_mem>>) src(%arg10 : memref<4x224x16xf32, #tpu.memory_space<vmem>>) dst(%dma_wait3A_413 : memref<4x224x16xf32, #tpu.memory_space<hbm>>)
      %add3A_414 = arith.constant 7168 : i32
      %add3A_415 = vector.broadcast %add3A_414 : i32 to vector<16xi32>
      %add3A_416 = arith.addi %add3A_75, %add3A_415 : vector<16xi32>
      %add3A_417 = arith.constant 7168 : i32
      %add3A_418 = vector.broadcast %add3A_417 : i32 to vector<16xi32>
      %add3A_419 = arith.addi %add3A_83, %add3A_418 : vector<16xi32>
      %parallel_loop3A_420 = arith.constant 0 : i32
      %parallel_loop3A_421 = arith.constant 224 : i32
      %parallel_loop3A_422 = arith.constant 1 : i32
      %parallel_loop3A_423:2 = scf.for %parallel_loop3A_635 = %parallel_loop3A_420 to %parallel_loop3A_421 step %parallel_loop3A_422 iter_args(%parallel_loop3A_636 = %add3A_416, %parallel_loop3A_637 = %add3A_419) -> (vector<16xi32>, vector<16xi32>)  : i32 {
        %parallel_loop3A_638 = arith.constant 0 : i32
        %parallel_loop3A_639 = vector.broadcast %parallel_loop3A_638 : i32 to vector<16xi32>
        %parallel_loop3A_640 = arith.addi %parallel_loop3A_636, %parallel_loop3A_639 : vector<16xi32>
        %parallel_loop3A_641 = tpu.vector_load_idx %arg8[%parallel_loop3A_640] : memref<90112xf32, #tpu.memory_space<vmem>>[vector<16xi32>], vector<16xf32>,
        %parallel_loop3A_642 = arith.constant 0 : i32
        %parallel_loop3A_643 = vector.broadcast %parallel_loop3A_642 : i32 to vector<16xi32>
        %parallel_loop3A_644 = arith.addi %parallel_loop3A_637, %parallel_loop3A_643 : vector<16xi32>
        %parallel_loop3A_645 = tpu.vector_load_idx %arg8[%parallel_loop3A_644] : memref<90112xf32, #tpu.memory_space<vmem>>[vector<16xi32>], vector<16xf32>,
        %parallel_loop3A_646 = arith.subf %parallel_loop3A_641, %parallel_loop3A_645 : vector<16xf32>
        %parallel_loop3A_647 = arith.subf %parallel_loop3A_646, %get3A_67 : vector<16xf32>
        %parallel_loop3A_648 = arith.constant 0 : i32
        %parallel_loop3A_649 = arith.index_cast %parallel_loop3A_648 : i32 to index
        %parallel_loop3A_650 = arith.index_cast %parallel_loop3A_635 : i32 to index
        %parallel_loop3A_651 = arith.constant 0 : index
        %parallel_loop3A_652 = tpu.vector_load %arg10[%parallel_loop3A_649, %parallel_loop3A_650, %parallel_loop3A_651] {strides = array<i32>} : memref<4x224x16xf32, #tpu.memory_space<vmem>>, vector<16xf32>,
        tpu.vector_store %arg10[%parallel_loop3A_649, %parallel_loop3A_650, %parallel_loop3A_651], %parallel_loop3A_647 {strides = array<i32>} : memref<4x224x16xf32, #tpu.memory_space<vmem>>, vector<16xf32>,
        %parallel_loop3A_653 = arith.constant 256 : i32
        %parallel_loop3A_654 = vector.broadcast %parallel_loop3A_653 : i32 to vector<16xi32>
        %parallel_loop3A_655 = arith.addi %parallel_loop3A_636, %parallel_loop3A_654 : vector<16xi32>
        %parallel_loop3A_656 = tpu.vector_load_idx %arg8[%parallel_loop3A_655] : memref<90112xf32, #tpu.memory_space<vmem>>[vector<16xi32>], vector<16xf32>,
        %parallel_loop3A_657 = arith.constant 256 : i32
        %parallel_loop3A_658 = vector.broadcast %parallel_loop3A_657 : i32 to vector<16xi32>
        %parallel_loop3A_659 = arith.addi %parallel_loop3A_637, %parallel_loop3A_658 : vector<16xi32>
        %parallel_loop3A_660 = tpu.vector_load_idx %arg8[%parallel_loop3A_659] : memref<90112xf32, #tpu.memory_space<vmem>>[vector<16xi32>], vector<16xf32>,
        %parallel_loop3A_661 = arith.subf %parallel_loop3A_656, %parallel_loop3A_660 : vector<16xf32>
        %parallel_loop3A_662 = arith.subf %parallel_loop3A_661, %get3A_67 : vector<16xf32>
        %parallel_loop3A_663 = arith.constant 1 : i32
        %parallel_loop3A_664 = arith.index_cast %parallel_loop3A_663 : i32 to index
        %parallel_loop3A_665 = arith.index_cast %parallel_loop3A_635 : i32 to index
        %parallel_loop3A_666 = arith.constant 0 : index
        %parallel_loop3A_667 = tpu.vector_load %arg10[%parallel_loop3A_664, %parallel_loop3A_665, %parallel_loop3A_666] {strides = array<i32>} : memref<4x224x16xf32, #tpu.memory_space<vmem>>, vector<16xf32>,
        tpu.vector_store %arg10[%parallel_loop3A_664, %parallel_loop3A_665, %parallel_loop3A_666], %parallel_loop3A_662 {strides = array<i32>} : memref<4x224x16xf32, #tpu.memory_space<vmem>>, vector<16xf32>,
        %parallel_loop3A_668 = arith.constant 512 : i32
        %parallel_loop3A_669 = vector.broadcast %parallel_loop3A_668 : i32 to vector<16xi32>
        %parallel_loop3A_670 = arith.addi %parallel_loop3A_636, %parallel_loop3A_669 : vector<16xi32>
        %parallel_loop3A_671 = tpu.vector_load_idx %arg8[%parallel_loop3A_670] : memref<90112xf32, #tpu.memory_space<vmem>>[vector<16xi32>], vector<16xf32>,
        %parallel_loop3A_672 = arith.constant 512 : i32
        %parallel_loop3A_673 = vector.broadcast %parallel_loop3A_672 : i32 to vector<16xi32>
        %parallel_loop3A_674 = arith.addi %parallel_loop3A_637, %parallel_loop3A_673 : vector<16xi32>
        %parallel_loop3A_675 = tpu.vector_load_idx %arg8[%parallel_loop3A_674] : memref<90112xf32, #tpu.memory_space<vmem>>[vector<16xi32>], vector<16xf32>,
        %parallel_loop3A_676 = arith.subf %parallel_loop3A_671, %parallel_loop3A_675 : vector<16xf32>
        %parallel_loop3A_677 = arith.subf %parallel_loop3A_676, %get3A_67 : vector<16xf32>
        %parallel_loop3A_678 = arith.constant 2 : i32
        %parallel_loop3A_679 = arith.index_cast %parallel_loop3A_678 : i32 to index
        %parallel_loop3A_680 = arith.index_cast %parallel_loop3A_635 : i32 to index
        %parallel_loop3A_681 = arith.constant 0 : index
        %parallel_loop3A_682 = tpu.vector_load %arg10[%parallel_loop3A_679, %parallel_loop3A_680, %parallel_loop3A_681] {strides = array<i32>} : memref<4x224x16xf32, #tpu.memory_space<vmem>>, vector<16xf32>,
        tpu.vector_store %arg10[%parallel_loop3A_679, %parallel_loop3A_680, %parallel_loop3A_681], %parallel_loop3A_677 {strides = array<i32>} : memref<4x224x16xf32, #tpu.memory_space<vmem>>, vector<16xf32>,
        %parallel_loop3A_683 = arith.constant 768 : i32
        %parallel_loop3A_684 = vector.broadcast %parallel_loop3A_683 : i32 to vector<16xi32>
        %parallel_loop3A_685 = arith.addi %parallel_loop3A_636, %parallel_loop3A_684 : vector<16xi32>
        %parallel_loop3A_686 = tpu.vector_load_idx %arg8[%parallel_loop3A_685] : memref<90112xf32, #tpu.memory_space<vmem>>[vector<16xi32>], vector<16xf32>,
        %parallel_loop3A_687 = arith.constant 768 : i32
        %parallel_loop3A_688 = vector.broadcast %parallel_loop3A_687 : i32 to vector<16xi32>
        %parallel_loop3A_689 = arith.addi %parallel_loop3A_637, %parallel_loop3A_688 : vector<16xi32>
        %parallel_loop3A_690 = tpu.vector_load_idx %arg8[%parallel_loop3A_689] : memref<90112xf32, #tpu.memory_space<vmem>>[vector<16xi32>], vector<16xf32>,
        %parallel_loop3A_691 = arith.subf %parallel_loop3A_686, %parallel_loop3A_690 : vector<16xf32>
        %parallel_loop3A_692 = arith.subf %parallel_loop3A_691, %get3A_67 : vector<16xf32>
        %parallel_loop3A_693 = arith.constant 3 : i32
        %parallel_loop3A_694 = arith.index_cast %parallel_loop3A_693 : i32 to index
        %parallel_loop3A_695 = arith.index_cast %parallel_loop3A_635 : i32 to index
        %parallel_loop3A_696 = arith.constant 0 : index
        %parallel_loop3A_697 = tpu.vector_load %arg10[%parallel_loop3A_694, %parallel_loop3A_695, %parallel_loop3A_696] {strides = array<i32>} : memref<4x224x16xf32, #tpu.memory_space<vmem>>, vector<16xf32>,
        tpu.vector_store %arg10[%parallel_loop3A_694, %parallel_loop3A_695, %parallel_loop3A_696], %parallel_loop3A_692 {strides = array<i32>} : memref<4x224x16xf32, #tpu.memory_space<vmem>>, vector<16xf32>,
        %parallel_loop3A_698 = arith.constant 1 : i32
        %parallel_loop3A_699 = vector.broadcast %parallel_loop3A_698 : i32 to vector<16xi32>
        %parallel_loop3A_700 = arith.addi %parallel_loop3A_636, %parallel_loop3A_699 : vector<16xi32>
        %parallel_loop3A_701 = arith.constant 1 : i32
        %parallel_loop3A_702 = vector.broadcast %parallel_loop3A_701 : i32 to vector<16xi32>
        %parallel_loop3A_703 = arith.addi %parallel_loop3A_637, %parallel_loop3A_702 : vector<16xi32>
        scf.yield %parallel_loop3A_700, %parallel_loop3A_703 : vector<16xi32>, vector<16xi32>
      } {sc.loop_unroll_factor = 2 : i64, sc.parallel_access}
      %add3A_424 = arith.constant 28 : i32
      %add3A_425 = arith.addi %add3A_96, %add3A_424 : i32
      %mul3A_426 = arith.constant 16 : i32
      %mul3A_427 = arith.muli %select_n3A_43, %mul3A_426 : i32
      %dma_start3A_428 = arith.constant 0 : i32
      %dma_start3A_429 = tpu.memref_slice %arg5[%select_n3A, %add3A_425, %dma_start3A_428, %mul3A_427] : memref<2x224x224x128xf32, #tpu.memory_space<hbm>> -> memref<1x4x224x16xf32, #tpu.memory_space<hbm>>
      %dma_start3A_430 = tpu.memref_squeeze %dma_start3A_429 : memref<1x4x224x16xf32, #tpu.memory_space<hbm>> -> memref<4x224x16xf32, #tpu.memory_space<hbm>>
      %dma_start3A_431 = arith.constant 0 : i32
      %dma_start3A_432 = tpu.memref_slice %arg5[%select_n3A, %add3A_425, %dma_start3A_431, %mul3A_427] : memref<2x224x224x128xf32, #tpu.memory_space<hbm>> -> memref<1x4x224x16xf32, #tpu.memory_space<hbm>>
      %dma_start3A_433 = tpu.memref_squeeze %dma_start3A_432 : memref<1x4x224x16xf32, #tpu.memory_space<hbm>> -> memref<4x224x16xf32, #tpu.memory_space<hbm>>
      tpu.enqueue_dma source(%arg10 : memref<4x224x16xf32, #tpu.memory_space<vmem>>) target(%dma_start3A_433 : memref<4x224x16xf32, #tpu.memory_space<hbm>>) target_semaphore(%arg13 : memref<!tpu.dma_semaphore, #tpu.memory_space<semaphore_mem>>)
      %add3A_434 = arith.constant 24 : i32
      %add3A_435 = arith.addi %add3A_96, %add3A_434 : i32
      %mul3A_436 = arith.constant 16 : i32
      %mul3A_437 = arith.muli %select_n3A_43, %mul3A_436 : i32
      %dma_wait3A_438 = arith.constant 0 : i32
      %dma_wait3A_439 = tpu.memref_slice %arg5[%select_n3A, %add3A_435, %dma_wait3A_438, %mul3A_437] : memref<2x224x224x128xf32, #tpu.memory_space<hbm>> -> memref<1x4x224x16xf32, #tpu.memory_space<hbm>>
      %dma_wait3A_440 = tpu.memref_squeeze %dma_wait3A_439 : memref<1x4x224x16xf32, #tpu.memory_space<hbm>> -> memref<4x224x16xf32, #tpu.memory_space<hbm>>
      %dma_wait3A_441 = arith.constant 0 : i32
      %dma_wait3A_442 = tpu.memref_slice %arg5[%select_n3A, %add3A_435, %dma_wait3A_441, %mul3A_437] : memref<2x224x224x128xf32, #tpu.memory_space<hbm>> -> memref<1x4x224x16xf32, #tpu.memory_space<hbm>>
      %dma_wait3A_443 = tpu.memref_squeeze %dma_wait3A_442 : memref<1x4x224x16xf32, #tpu.memory_space<hbm>> -> memref<4x224x16xf32, #tpu.memory_space<hbm>>
      tpu.wait_dma2 semaphore(%arg12 : memref<!tpu.dma_semaphore, #tpu.memory_space<semaphore_mem>>) src(%arg9 : memref<4x224x16xf32, #tpu.memory_space<vmem>>) dst(%dma_wait3A_443 : memref<4x224x16xf32, #tpu.memory_space<hbm>>)
      %add3A_444 = arith.constant 8192 : i32
      %add3A_445 = vector.broadcast %add3A_444 : i32 to vector<16xi32>
      %add3A_446 = arith.addi %add3A_75, %add3A_445 : vector<16xi32>
      %add3A_447 = arith.constant 8192 : i32
      %add3A_448 = vector.broadcast %add3A_447 : i32 to vector<16xi32>
      %add3A_449 = arith.addi %add3A_83, %add3A_448 : vector<16xi32>
      %parallel_loop3A_450 = arith.constant 0 : i32
      %parallel_loop3A_451 = arith.constant 224 : i32
      %parallel_loop3A_452 = arith.constant 1 : i32
      %parallel_loop3A_453:2 = scf.for %parallel_loop3A_635 = %parallel_loop3A_450 to %parallel_loop3A_451 step %parallel_loop3A_452 iter_args(%parallel_loop3A_636 = %add3A_446, %parallel_loop3A_637 = %add3A_449) -> (vector<16xi32>, vector<16xi32>)  : i32 {
        %parallel_loop3A_638 = arith.constant 0 : i32
        %parallel_loop3A_639 = vector.broadcast %parallel_loop3A_638 : i32 to vector<16xi32>
        %parallel_loop3A_640 = arith.addi %parallel_loop3A_636, %parallel_loop3A_639 : vector<16xi32>
        %parallel_loop3A_641 = tpu.vector_load_idx %arg8[%parallel_loop3A_640] : memref<90112xf32, #tpu.memory_space<vmem>>[vector<16xi32>], vector<16xf32>,
        %parallel_loop3A_642 = arith.constant 0 : i32
        %parallel_loop3A_643 = vector.broadcast %parallel_loop3A_642 : i32 to vector<16xi32>
        %parallel_loop3A_644 = arith.addi %parallel_loop3A_637, %parallel_loop3A_643 : vector<16xi32>
        %parallel_loop3A_645 = tpu.vector_load_idx %arg8[%parallel_loop3A_644] : memref<90112xf32, #tpu.memory_space<vmem>>[vector<16xi32>], vector<16xf32>,
        %parallel_loop3A_646 = arith.subf %parallel_loop3A_641, %parallel_loop3A_645 : vector<16xf32>
        %parallel_loop3A_647 = arith.subf %parallel_loop3A_646, %get3A_67 : vector<16xf32>
        %parallel_loop3A_648 = arith.constant 0 : i32
        %parallel_loop3A_649 = arith.index_cast %parallel_loop3A_648 : i32 to index
        %parallel_loop3A_650 = arith.index_cast %parallel_loop3A_635 : i32 to index
        %parallel_loop3A_651 = arith.constant 0 : index
        %parallel_loop3A_652 = tpu.vector_load %arg9[%parallel_loop3A_649, %parallel_loop3A_650, %parallel_loop3A_651] {strides = array<i32>} : memref<4x224x16xf32, #tpu.memory_space<vmem>>, vector<16xf32>,
        tpu.vector_store %arg9[%parallel_loop3A_649, %parallel_loop3A_650, %parallel_loop3A_651], %parallel_loop3A_647 {strides = array<i32>} : memref<4x224x16xf32, #tpu.memory_space<vmem>>, vector<16xf32>,
        %parallel_loop3A_653 = arith.constant 256 : i32
        %parallel_loop3A_654 = vector.broadcast %parallel_loop3A_653 : i32 to vector<16xi32>
        %parallel_loop3A_655 = arith.addi %parallel_loop3A_636, %parallel_loop3A_654 : vector<16xi32>
        %parallel_loop3A_656 = tpu.vector_load_idx %arg8[%parallel_loop3A_655] : memref<90112xf32, #tpu.memory_space<vmem>>[vector<16xi32>], vector<16xf32>,
        %parallel_loop3A_657 = arith.constant 256 : i32
        %parallel_loop3A_658 = vector.broadcast %parallel_loop3A_657 : i32 to vector<16xi32>
        %parallel_loop3A_659 = arith.addi %parallel_loop3A_637, %parallel_loop3A_658 : vector<16xi32>
        %parallel_loop3A_660 = tpu.vector_load_idx %arg8[%parallel_loop3A_659] : memref<90112xf32, #tpu.memory_space<vmem>>[vector<16xi32>], vector<16xf32>,
        %parallel_loop3A_661 = arith.subf %parallel_loop3A_656, %parallel_loop3A_660 : vector<16xf32>
        %parallel_loop3A_662 = arith.subf %parallel_loop3A_661, %get3A_67 : vector<16xf32>
        %parallel_loop3A_663 = arith.constant 1 : i32
        %parallel_loop3A_664 = arith.index_cast %parallel_loop3A_663 : i32 to index
        %parallel_loop3A_665 = arith.index_cast %parallel_loop3A_635 : i32 to index
        %parallel_loop3A_666 = arith.constant 0 : index
        %parallel_loop3A_667 = tpu.vector_load %arg9[%parallel_loop3A_664, %parallel_loop3A_665, %parallel_loop3A_666] {strides = array<i32>} : memref<4x224x16xf32, #tpu.memory_space<vmem>>, vector<16xf32>,
        tpu.vector_store %arg9[%parallel_loop3A_664, %parallel_loop3A_665, %parallel_loop3A_666], %parallel_loop3A_662 {strides = array<i32>} : memref<4x224x16xf32, #tpu.memory_space<vmem>>, vector<16xf32>,
        %parallel_loop3A_668 = arith.constant 512 : i32
        %parallel_loop3A_669 = vector.broadcast %parallel_loop3A_668 : i32 to vector<16xi32>
        %parallel_loop3A_670 = arith.addi %parallel_loop3A_636, %parallel_loop3A_669 : vector<16xi32>
        %parallel_loop3A_671 = tpu.vector_load_idx %arg8[%parallel_loop3A_670] : memref<90112xf32, #tpu.memory_space<vmem>>[vector<16xi32>], vector<16xf32>,
        %parallel_loop3A_672 = arith.constant 512 : i32
        %parallel_loop3A_673 = vector.broadcast %parallel_loop3A_672 : i32 to vector<16xi32>
        %parallel_loop3A_674 = arith.addi %parallel_loop3A_637, %parallel_loop3A_673 : vector<16xi32>
        %parallel_loop3A_675 = tpu.vector_load_idx %arg8[%parallel_loop3A_674] : memref<90112xf32, #tpu.memory_space<vmem>>[vector<16xi32>], vector<16xf32>,
        %parallel_loop3A_676 = arith.subf %parallel_loop3A_671, %parallel_loop3A_675 : vector<16xf32>
        %parallel_loop3A_677 = arith.subf %parallel_loop3A_676, %get3A_67 : vector<16xf32>
        %parallel_loop3A_678 = arith.constant 2 : i32
        %parallel_loop3A_679 = arith.index_cast %parallel_loop3A_678 : i32 to index
        %parallel_loop3A_680 = arith.index_cast %parallel_loop3A_635 : i32 to index
        %parallel_loop3A_681 = arith.constant 0 : index
        %parallel_loop3A_682 = tpu.vector_load %arg9[%parallel_loop3A_679, %parallel_loop3A_680, %parallel_loop3A_681] {strides = array<i32>} : memref<4x224x16xf32, #tpu.memory_space<vmem>>, vector<16xf32>,
        tpu.vector_store %arg9[%parallel_loop3A_679, %parallel_loop3A_680, %parallel_loop3A_681], %parallel_loop3A_677 {strides = array<i32>} : memref<4x224x16xf32, #tpu.memory_space<vmem>>, vector<16xf32>,
        %parallel_loop3A_683 = arith.constant 768 : i32
        %parallel_loop3A_684 = vector.broadcast %parallel_loop3A_683 : i32 to vector<16xi32>
        %parallel_loop3A_685 = arith.addi %parallel_loop3A_636, %parallel_loop3A_684 : vector<16xi32>
        %parallel_loop3A_686 = tpu.vector_load_idx %arg8[%parallel_loop3A_685] : memref<90112xf32, #tpu.memory_space<vmem>>[vector<16xi32>], vector<16xf32>,
        %parallel_loop3A_687 = arith.constant 768 : i32
        %parallel_loop3A_688 = vector.broadcast %parallel_loop3A_687 : i32 to vector<16xi32>
        %parallel_loop3A_689 = arith.addi %parallel_loop3A_637, %parallel_loop3A_688 : vector<16xi32>
        %parallel_loop3A_690 = tpu.vector_load_idx %arg8[%parallel_loop3A_689] : memref<90112xf32, #tpu.memory_space<vmem>>[vector<16xi32>], vector<16xf32>,
        %parallel_loop3A_691 = arith.subf %parallel_loop3A_686, %parallel_loop3A_690 : vector<16xf32>
        %parallel_loop3A_692 = arith.subf %parallel_loop3A_691, %get3A_67 : vector<16xf32>
        %parallel_loop3A_693 = arith.constant 3 : i32
        %parallel_loop3A_694 = arith.index_cast %parallel_loop3A_693 : i32 to index
        %parallel_loop3A_695 = arith.index_cast %parallel_loop3A_635 : i32 to index
        %parallel_loop3A_696 = arith.constant 0 : index
        %parallel_loop3A_697 = tpu.vector_load %arg9[%parallel_loop3A_694, %parallel_loop3A_695, %parallel_loop3A_696] {strides = array<i32>} : memref<4x224x16xf32, #tpu.memory_space<vmem>>, vector<16xf32>,
        tpu.vector_store %arg9[%parallel_loop3A_694, %parallel_loop3A_695, %parallel_loop3A_696], %parallel_loop3A_692 {strides = array<i32>} : memref<4x224x16xf32, #tpu.memory_space<vmem>>, vector<16xf32>,
        %parallel_loop3A_698 = arith.constant 1 : i32
        %parallel_loop3A_699 = vector.broadcast %parallel_loop3A_698 : i32 to vector<16xi32>
        %parallel_loop3A_700 = arith.addi %parallel_loop3A_636, %parallel_loop3A_699 : vector<16xi32>
        %parallel_loop3A_701 = arith.constant 1 : i32
        %parallel_loop3A_702 = vector.broadcast %parallel_loop3A_701 : i32 to vector<16xi32>
        %parallel_loop3A_703 = arith.addi %parallel_loop3A_637, %parallel_loop3A_702 : vector<16xi32>
        scf.yield %parallel_loop3A_700, %parallel_loop3A_703 : vector<16xi32>, vector<16xi32>
      } {sc.loop_unroll_factor = 2 : i64, sc.parallel_access}
      %add3A_454 = arith.constant 32 : i32
      %add3A_455 = arith.addi %add3A_96, %add3A_454 : i32
      %mul3A_456 = arith.constant 16 : i32
      %mul3A_457 = arith.muli %select_n3A_43, %mul3A_456 : i32
      %dma_start3A_458 = arith.constant 0 : i32
      %dma_start3A_459 = tpu.memref_slice %arg5[%select_n3A, %add3A_455, %dma_start3A_458, %mul3A_457] : memref<2x224x224x128xf32, #tpu.memory_space<hbm>> -> memref<1x4x224x16xf32, #tpu.memory_space<hbm>>
      %dma_start3A_460 = tpu.memref_squeeze %dma_start3A_459 : memref<1x4x224x16xf32, #tpu.memory_space<hbm>> -> memref<4x224x16xf32, #tpu.memory_space<hbm>>
      %dma_start3A_461 = arith.constant 0 : i32
      %dma_start3A_462 = tpu.memref_slice %arg5[%select_n3A, %add3A_455, %dma_start3A_461, %mul3A_457] : memref<2x224x224x128xf32, #tpu.memory_space<hbm>> -> memref<1x4x224x16xf32, #tpu.memory_space<hbm>>
      %dma_start3A_463 = tpu.memref_squeeze %dma_start3A_462 : memref<1x4x224x16xf32, #tpu.memory_space<hbm>> -> memref<4x224x16xf32, #tpu.memory_space<hbm>>
      tpu.enqueue_dma source(%arg9 : memref<4x224x16xf32, #tpu.memory_space<vmem>>) target(%dma_start3A_463 : memref<4x224x16xf32, #tpu.memory_space<hbm>>) target_semaphore(%arg12 : memref<!tpu.dma_semaphore, #tpu.memory_space<semaphore_mem>>)
      %add3A_464 = arith.constant 28 : i32
      %add3A_465 = arith.addi %add3A_96, %add3A_464 : i32
      %mul3A_466 = arith.constant 16 : i32
      %mul3A_467 = arith.muli %select_n3A_43, %mul3A_466 : i32
      %dma_wait3A_468 = arith.constant 0 : i32
      %dma_wait3A_469 = tpu.memref_slice %arg5[%select_n3A, %add3A_465, %dma_wait3A_468, %mul3A_467] : memref<2x224x224x128xf32, #tpu.memory_space<hbm>> -> memref<1x4x224x16xf32, #tpu.memory_space<hbm>>
      %dma_wait3A_470 = tpu.memref_squeeze %dma_wait3A_469 : memref<1x4x224x16xf32, #tpu.memory_space<hbm>> -> memref<4x224x16xf32, #tpu.memory_space<hbm>>
      %dma_wait3A_471 = arith.constant 0 : i32
      %dma_wait3A_472 = tpu.memref_slice %arg5[%select_n3A, %add3A_465, %dma_wait3A_471, %mul3A_467] : memref<2x224x224x128xf32, #tpu.memory_space<hbm>> -> memref<1x4x224x16xf32, #tpu.memory_space<hbm>>
      %dma_wait3A_473 = tpu.memref_squeeze %dma_wait3A_472 : memref<1x4x224x16xf32, #tpu.memory_space<hbm>> -> memref<4x224x16xf32, #tpu.memory_space<hbm>>
      tpu.wait_dma2 semaphore(%arg13 : memref<!tpu.dma_semaphore, #tpu.memory_space<semaphore_mem>>) src(%arg10 : memref<4x224x16xf32, #tpu.memory_space<vmem>>) dst(%dma_wait3A_473 : memref<4x224x16xf32, #tpu.memory_space<hbm>>)
      %add3A_474 = arith.constant 9216 : i32
      %add3A_475 = vector.broadcast %add3A_474 : i32 to vector<16xi32>
      %add3A_476 = arith.addi %add3A_75, %add3A_475 : vector<16xi32>
      %add3A_477 = arith.constant 9216 : i32
      %add3A_478 = vector.broadcast %add3A_477 : i32 to vector<16xi32>
      %add3A_479 = arith.addi %add3A_83, %add3A_478 : vector<16xi32>
      %parallel_loop3A_480 = arith.constant 0 : i32
      %parallel_loop3A_481 = arith.constant 224 : i32
      %parallel_loop3A_482 = arith.constant 1 : i32
      %parallel_loop3A_483:2 = scf.for %parallel_loop3A_635 = %parallel_loop3A_480 to %parallel_loop3A_481 step %parallel_loop3A_482 iter_args(%parallel_loop3A_636 = %add3A_476, %parallel_loop3A_637 = %add3A_479) -> (vector<16xi32>, vector<16xi32>)  : i32 {
        %parallel_loop3A_638 = arith.constant 0 : i32
        %parallel_loop3A_639 = vector.broadcast %parallel_loop3A_638 : i32 to vector<16xi32>
        %parallel_loop3A_640 = arith.addi %parallel_loop3A_636, %parallel_loop3A_639 : vector<16xi32>
        %parallel_loop3A_641 = tpu.vector_load_idx %arg8[%parallel_loop3A_640] : memref<90112xf32, #tpu.memory_space<vmem>>[vector<16xi32>], vector<16xf32>,
        %parallel_loop3A_642 = arith.constant 0 : i32
        %parallel_loop3A_643 = vector.broadcast %parallel_loop3A_642 : i32 to vector<16xi32>
        %parallel_loop3A_644 = arith.addi %parallel_loop3A_637, %parallel_loop3A_643 : vector<16xi32>
        %parallel_loop3A_645 = tpu.vector_load_idx %arg8[%parallel_loop3A_644] : memref<90112xf32, #tpu.memory_space<vmem>>[vector<16xi32>], vector<16xf32>,
        %parallel_loop3A_646 = arith.subf %parallel_loop3A_641, %parallel_loop3A_645 : vector<16xf32>
        %parallel_loop3A_647 = arith.subf %parallel_loop3A_646, %get3A_67 : vector<16xf32>
        %parallel_loop3A_648 = arith.constant 0 : i32
        %parallel_loop3A_649 = arith.index_cast %parallel_loop3A_648 : i32 to index
        %parallel_loop3A_650 = arith.index_cast %parallel_loop3A_635 : i32 to index
        %parallel_loop3A_651 = arith.constant 0 : index
        %parallel_loop3A_652 = tpu.vector_load %arg10[%parallel_loop3A_649, %parallel_loop3A_650, %parallel_loop3A_651] {strides = array<i32>} : memref<4x224x16xf32, #tpu.memory_space<vmem>>, vector<16xf32>,
        tpu.vector_store %arg10[%parallel_loop3A_649, %parallel_loop3A_650, %parallel_loop3A_651], %parallel_loop3A_647 {strides = array<i32>} : memref<4x224x16xf32, #tpu.memory_space<vmem>>, vector<16xf32>,
        %parallel_loop3A_653 = arith.constant 256 : i32
        %parallel_loop3A_654 = vector.broadcast %parallel_loop3A_653 : i32 to vector<16xi32>
        %parallel_loop3A_655 = arith.addi %parallel_loop3A_636, %parallel_loop3A_654 : vector<16xi32>
        %parallel_loop3A_656 = tpu.vector_load_idx %arg8[%parallel_loop3A_655] : memref<90112xf32, #tpu.memory_space<vmem>>[vector<16xi32>], vector<16xf32>,
        %parallel_loop3A_657 = arith.constant 256 : i32
        %parallel_loop3A_658 = vector.broadcast %parallel_loop3A_657 : i32 to vector<16xi32>
        %parallel_loop3A_659 = arith.addi %parallel_loop3A_637, %parallel_loop3A_658 : vector<16xi32>
        %parallel_loop3A_660 = tpu.vector_load_idx %arg8[%parallel_loop3A_659] : memref<90112xf32, #tpu.memory_space<vmem>>[vector<16xi32>], vector<16xf32>,
        %parallel_loop3A_661 = arith.subf %parallel_loop3A_656, %parallel_loop3A_660 : vector<16xf32>
        %parallel_loop3A_662 = arith.subf %parallel_loop3A_661, %get3A_67 : vector<16xf32>
        %parallel_loop3A_663 = arith.constant 1 : i32
        %parallel_loop3A_664 = arith.index_cast %parallel_loop3A_663 : i32 to index
        %parallel_loop3A_665 = arith.index_cast %parallel_loop3A_635 : i32 to index
        %parallel_loop3A_666 = arith.constant 0 : index
        %parallel_loop3A_667 = tpu.vector_load %arg10[%parallel_loop3A_664, %parallel_loop3A_665, %parallel_loop3A_666] {strides = array<i32>} : memref<4x224x16xf32, #tpu.memory_space<vmem>>, vector<16xf32>,
        tpu.vector_store %arg10[%parallel_loop3A_664, %parallel_loop3A_665, %parallel_loop3A_666], %parallel_loop3A_662 {strides = array<i32>} : memref<4x224x16xf32, #tpu.memory_space<vmem>>, vector<16xf32>,
        %parallel_loop3A_668 = arith.constant 512 : i32
        %parallel_loop3A_669 = vector.broadcast %parallel_loop3A_668 : i32 to vector<16xi32>
        %parallel_loop3A_670 = arith.addi %parallel_loop3A_636, %parallel_loop3A_669 : vector<16xi32>
        %parallel_loop3A_671 = tpu.vector_load_idx %arg8[%parallel_loop3A_670] : memref<90112xf32, #tpu.memory_space<vmem>>[vector<16xi32>], vector<16xf32>,
        %parallel_loop3A_672 = arith.constant 512 : i32
        %parallel_loop3A_673 = vector.broadcast %parallel_loop3A_672 : i32 to vector<16xi32>
        %parallel_loop3A_674 = arith.addi %parallel_loop3A_637, %parallel_loop3A_673 : vector<16xi32>
        %parallel_loop3A_675 = tpu.vector_load_idx %arg8[%parallel_loop3A_674] : memref<90112xf32, #tpu.memory_space<vmem>>[vector<16xi32>], vector<16xf32>,
        %parallel_loop3A_676 = arith.subf %parallel_loop3A_671, %parallel_loop3A_675 : vector<16xf32>
        %parallel_loop3A_677 = arith.subf %parallel_loop3A_676, %get3A_67 : vector<16xf32>
        %parallel_loop3A_678 = arith.constant 2 : i32
        %parallel_loop3A_679 = arith.index_cast %parallel_loop3A_678 : i32 to index
        %parallel_loop3A_680 = arith.index_cast %parallel_loop3A_635 : i32 to index
        %parallel_loop3A_681 = arith.constant 0 : index
        %parallel_loop3A_682 = tpu.vector_load %arg10[%parallel_loop3A_679, %parallel_loop3A_680, %parallel_loop3A_681] {strides = array<i32>} : memref<4x224x16xf32, #tpu.memory_space<vmem>>, vector<16xf32>,
        tpu.vector_store %arg10[%parallel_loop3A_679, %parallel_loop3A_680, %parallel_loop3A_681], %parallel_loop3A_677 {strides = array<i32>} : memref<4x224x16xf32, #tpu.memory_space<vmem>>, vector<16xf32>,
        %parallel_loop3A_683 = arith.constant 768 : i32
        %parallel_loop3A_684 = vector.broadcast %parallel_loop3A_683 : i32 to vector<16xi32>
        %parallel_loop3A_685 = arith.addi %parallel_loop3A_636, %parallel_loop3A_684 : vector<16xi32>
        %parallel_loop3A_686 = tpu.vector_load_idx %arg8[%parallel_loop3A_685] : memref<90112xf32, #tpu.memory_space<vmem>>[vector<16xi32>], vector<16xf32>,
        %parallel_loop3A_687 = arith.constant 768 : i32
        %parallel_loop3A_688 = vector.broadcast %parallel_loop3A_687 : i32 to vector<16xi32>
        %parallel_loop3A_689 = arith.addi %parallel_loop3A_637, %parallel_loop3A_688 : vector<16xi32>
        %parallel_loop3A_690 = tpu.vector_load_idx %arg8[%parallel_loop3A_689] : memref<90112xf32, #tpu.memory_space<vmem>>[vector<16xi32>], vector<16xf32>,
        %parallel_loop3A_691 = arith.subf %parallel_loop3A_686, %parallel_loop3A_690 : vector<16xf32>
        %parallel_loop3A_692 = arith.subf %parallel_loop3A_691, %get3A_67 : vector<16xf32>
        %parallel_loop3A_693 = arith.constant 3 : i32
        %parallel_loop3A_694 = arith.index_cast %parallel_loop3A_693 : i32 to index
        %parallel_loop3A_695 = arith.index_cast %parallel_loop3A_635 : i32 to index
        %parallel_loop3A_696 = arith.constant 0 : index
        %parallel_loop3A_697 = tpu.vector_load %arg10[%parallel_loop3A_694, %parallel_loop3A_695, %parallel_loop3A_696] {strides = array<i32>} : memref<4x224x16xf32, #tpu.memory_space<vmem>>, vector<16xf32>,
        tpu.vector_store %arg10[%parallel_loop3A_694, %parallel_loop3A_695, %parallel_loop3A_696], %parallel_loop3A_692 {strides = array<i32>} : memref<4x224x16xf32, #tpu.memory_space<vmem>>, vector<16xf32>,
        %parallel_loop3A_698 = arith.constant 1 : i32
        %parallel_loop3A_699 = vector.broadcast %parallel_loop3A_698 : i32 to vector<16xi32>
        %parallel_loop3A_700 = arith.addi %parallel_loop3A_636, %parallel_loop3A_699 : vector<16xi32>
        %parallel_loop3A_701 = arith.constant 1 : i32
        %parallel_loop3A_702 = vector.broadcast %parallel_loop3A_701 : i32 to vector<16xi32>
        %parallel_loop3A_703 = arith.addi %parallel_loop3A_637, %parallel_loop3A_702 : vector<16xi32>
        scf.yield %parallel_loop3A_700, %parallel_loop3A_703 : vector<16xi32>, vector<16xi32>
      } {sc.loop_unroll_factor = 2 : i64, sc.parallel_access}
      %add3A_484 = arith.constant 36 : i32
      %add3A_485 = arith.addi %add3A_96, %add3A_484 : i32
      %mul3A_486 = arith.constant 16 : i32
      %mul3A_487 = arith.muli %select_n3A_43, %mul3A_486 : i32
      %dma_start3A_488 = arith.constant 0 : i32
      %dma_start3A_489 = tpu.memref_slice %arg5[%select_n3A, %add3A_485, %dma_start3A_488, %mul3A_487] : memref<2x224x224x128xf32, #tpu.memory_space<hbm>> -> memref<1x4x224x16xf32, #tpu.memory_space<hbm>>
      %dma_start3A_490 = tpu.memref_squeeze %dma_start3A_489 : memref<1x4x224x16xf32, #tpu.memory_space<hbm>> -> memref<4x224x16xf32, #tpu.memory_space<hbm>>
      %dma_start3A_491 = arith.constant 0 : i32
      %dma_start3A_492 = tpu.memref_slice %arg5[%select_n3A, %add3A_485, %dma_start3A_491, %mul3A_487] : memref<2x224x224x128xf32, #tpu.memory_space<hbm>> -> memref<1x4x224x16xf32, #tpu.memory_space<hbm>>
      %dma_start3A_493 = tpu.memref_squeeze %dma_start3A_492 : memref<1x4x224x16xf32, #tpu.memory_space<hbm>> -> memref<4x224x16xf32, #tpu.memory_space<hbm>>
      tpu.enqueue_dma source(%arg10 : memref<4x224x16xf32, #tpu.memory_space<vmem>>) target(%dma_start3A_493 : memref<4x224x16xf32, #tpu.memory_space<hbm>>) target_semaphore(%arg13 : memref<!tpu.dma_semaphore, #tpu.memory_space<semaphore_mem>>)
      %add3A_494 = arith.constant 32 : i32
      %add3A_495 = arith.addi %add3A_96, %add3A_494 : i32
      %mul3A_496 = arith.constant 16 : i32
      %mul3A_497 = arith.muli %select_n3A_43, %mul3A_496 : i32
      %dma_wait3A_498 = arith.constant 0 : i32
      %dma_wait3A_499 = tpu.memref_slice %arg5[%select_n3A, %add3A_495, %dma_wait3A_498, %mul3A_497] : memref<2x224x224x128xf32, #tpu.memory_space<hbm>> -> memref<1x4x224x16xf32, #tpu.memory_space<hbm>>
      %dma_wait3A_500 = tpu.memref_squeeze %dma_wait3A_499 : memref<1x4x224x16xf32, #tpu.memory_space<hbm>> -> memref<4x224x16xf32, #tpu.memory_space<hbm>>
      %dma_wait3A_501 = arith.constant 0 : i32
      %dma_wait3A_502 = tpu.memref_slice %arg5[%select_n3A, %add3A_495, %dma_wait3A_501, %mul3A_497] : memref<2x224x224x128xf32, #tpu.memory_space<hbm>> -> memref<1x4x224x16xf32, #tpu.memory_space<hbm>>
      %dma_wait3A_503 = tpu.memref_squeeze %dma_wait3A_502 : memref<1x4x224x16xf32, #tpu.memory_space<hbm>> -> memref<4x224x16xf32, #tpu.memory_space<hbm>>
      tpu.wait_dma2 semaphore(%arg12 : memref<!tpu.dma_semaphore, #tpu.memory_space<semaphore_mem>>) src(%arg9 : memref<4x224x16xf32, #tpu.memory_space<vmem>>) dst(%dma_wait3A_503 : memref<4x224x16xf32, #tpu.memory_space<hbm>>)
      %add3A_504 = arith.constant 10240 : i32
      %add3A_505 = vector.broadcast %add3A_504 : i32 to vector<16xi32>
      %add3A_506 = arith.addi %add3A_75, %add3A_505 : vector<16xi32>
      %add3A_507 = arith.constant 10240 : i32
      %add3A_508 = vector.broadcast %add3A_507 : i32 to vector<16xi32>
      %add3A_509 = arith.addi %add3A_83, %add3A_508 : vector<16xi32>
      %parallel_loop3A_510 = arith.constant 0 : i32
      %parallel_loop3A_511 = arith.constant 224 : i32
      %parallel_loop3A_512 = arith.constant 1 : i32
      %parallel_loop3A_513:2 = scf.for %parallel_loop3A_635 = %parallel_loop3A_510 to %parallel_loop3A_511 step %parallel_loop3A_512 iter_args(%parallel_loop3A_636 = %add3A_506, %parallel_loop3A_637 = %add3A_509) -> (vector<16xi32>, vector<16xi32>)  : i32 {
        %parallel_loop3A_638 = arith.constant 0 : i32
        %parallel_loop3A_639 = vector.broadcast %parallel_loop3A_638 : i32 to vector<16xi32>
        %parallel_loop3A_640 = arith.addi %parallel_loop3A_636, %parallel_loop3A_639 : vector<16xi32>
        %parallel_loop3A_641 = tpu.vector_load_idx %arg8[%parallel_loop3A_640] : memref<90112xf32, #tpu.memory_space<vmem>>[vector<16xi32>], vector<16xf32>,
        %parallel_loop3A_642 = arith.constant 0 : i32
        %parallel_loop3A_643 = vector.broadcast %parallel_loop3A_642 : i32 to vector<16xi32>
        %parallel_loop3A_644 = arith.addi %parallel_loop3A_637, %parallel_loop3A_643 : vector<16xi32>
        %parallel_loop3A_645 = tpu.vector_load_idx %arg8[%parallel_loop3A_644] : memref<90112xf32, #tpu.memory_space<vmem>>[vector<16xi32>], vector<16xf32>,
        %parallel_loop3A_646 = arith.subf %parallel_loop3A_641, %parallel_loop3A_645 : vector<16xf32>
        %parallel_loop3A_647 = arith.subf %parallel_loop3A_646, %get3A_67 : vector<16xf32>
        %parallel_loop3A_648 = arith.constant 0 : i32
        %parallel_loop3A_649 = arith.index_cast %parallel_loop3A_648 : i32 to index
        %parallel_loop3A_650 = arith.index_cast %parallel_loop3A_635 : i32 to index
        %parallel_loop3A_651 = arith.constant 0 : index
        %parallel_loop3A_652 = tpu.vector_load %arg9[%parallel_loop3A_649, %parallel_loop3A_650, %parallel_loop3A_651] {strides = array<i32>} : memref<4x224x16xf32, #tpu.memory_space<vmem>>, vector<16xf32>,
        tpu.vector_store %arg9[%parallel_loop3A_649, %parallel_loop3A_650, %parallel_loop3A_651], %parallel_loop3A_647 {strides = array<i32>} : memref<4x224x16xf32, #tpu.memory_space<vmem>>, vector<16xf32>,
        %parallel_loop3A_653 = arith.constant 256 : i32
        %parallel_loop3A_654 = vector.broadcast %parallel_loop3A_653 : i32 to vector<16xi32>
        %parallel_loop3A_655 = arith.addi %parallel_loop3A_636, %parallel_loop3A_654 : vector<16xi32>
        %parallel_loop3A_656 = tpu.vector_load_idx %arg8[%parallel_loop3A_655] : memref<90112xf32, #tpu.memory_space<vmem>>[vector<16xi32>], vector<16xf32>,
        %parallel_loop3A_657 = arith.constant 256 : i32
        %parallel_loop3A_658 = vector.broadcast %parallel_loop3A_657 : i32 to vector<16xi32>
        %parallel_loop3A_659 = arith.addi %parallel_loop3A_637, %parallel_loop3A_658 : vector<16xi32>
        %parallel_loop3A_660 = tpu.vector_load_idx %arg8[%parallel_loop3A_659] : memref<90112xf32, #tpu.memory_space<vmem>>[vector<16xi32>], vector<16xf32>,
        %parallel_loop3A_661 = arith.subf %parallel_loop3A_656, %parallel_loop3A_660 : vector<16xf32>
        %parallel_loop3A_662 = arith.subf %parallel_loop3A_661, %get3A_67 : vector<16xf32>
        %parallel_loop3A_663 = arith.constant 1 : i32
        %parallel_loop3A_664 = arith.index_cast %parallel_loop3A_663 : i32 to index
        %parallel_loop3A_665 = arith.index_cast %parallel_loop3A_635 : i32 to index
        %parallel_loop3A_666 = arith.constant 0 : index
        %parallel_loop3A_667 = tpu.vector_load %arg9[%parallel_loop3A_664, %parallel_loop3A_665, %parallel_loop3A_666] {strides = array<i32>} : memref<4x224x16xf32, #tpu.memory_space<vmem>>, vector<16xf32>,
        tpu.vector_store %arg9[%parallel_loop3A_664, %parallel_loop3A_665, %parallel_loop3A_666], %parallel_loop3A_662 {strides = array<i32>} : memref<4x224x16xf32, #tpu.memory_space<vmem>>, vector<16xf32>,
        %parallel_loop3A_668 = arith.constant 512 : i32
        %parallel_loop3A_669 = vector.broadcast %parallel_loop3A_668 : i32 to vector<16xi32>
        %parallel_loop3A_670 = arith.addi %parallel_loop3A_636, %parallel_loop3A_669 : vector<16xi32>
        %parallel_loop3A_671 = tpu.vector_load_idx %arg8[%parallel_loop3A_670] : memref<90112xf32, #tpu.memory_space<vmem>>[vector<16xi32>], vector<16xf32>,
        %parallel_loop3A_672 = arith.constant 512 : i32
        %parallel_loop3A_673 = vector.broadcast %parallel_loop3A_672 : i32 to vector<16xi32>
        %parallel_loop3A_674 = arith.addi %parallel_loop3A_637, %parallel_loop3A_673 : vector<16xi32>
        %parallel_loop3A_675 = tpu.vector_load_idx %arg8[%parallel_loop3A_674] : memref<90112xf32, #tpu.memory_space<vmem>>[vector<16xi32>], vector<16xf32>,
        %parallel_loop3A_676 = arith.subf %parallel_loop3A_671, %parallel_loop3A_675 : vector<16xf32>
        %parallel_loop3A_677 = arith.subf %parallel_loop3A_676, %get3A_67 : vector<16xf32>
        %parallel_loop3A_678 = arith.constant 2 : i32
        %parallel_loop3A_679 = arith.index_cast %parallel_loop3A_678 : i32 to index
        %parallel_loop3A_680 = arith.index_cast %parallel_loop3A_635 : i32 to index
        %parallel_loop3A_681 = arith.constant 0 : index
        %parallel_loop3A_682 = tpu.vector_load %arg9[%parallel_loop3A_679, %parallel_loop3A_680, %parallel_loop3A_681] {strides = array<i32>} : memref<4x224x16xf32, #tpu.memory_space<vmem>>, vector<16xf32>,
        tpu.vector_store %arg9[%parallel_loop3A_679, %parallel_loop3A_680, %parallel_loop3A_681], %parallel_loop3A_677 {strides = array<i32>} : memref<4x224x16xf32, #tpu.memory_space<vmem>>, vector<16xf32>,
        %parallel_loop3A_683 = arith.constant 768 : i32
        %parallel_loop3A_684 = vector.broadcast %parallel_loop3A_683 : i32 to vector<16xi32>
        %parallel_loop3A_685 = arith.addi %parallel_loop3A_636, %parallel_loop3A_684 : vector<16xi32>
        %parallel_loop3A_686 = tpu.vector_load_idx %arg8[%parallel_loop3A_685] : memref<90112xf32, #tpu.memory_space<vmem>>[vector<16xi32>], vector<16xf32>,
        %parallel_loop3A_687 = arith.constant 768 : i32
        %parallel_loop3A_688 = vector.broadcast %parallel_loop3A_687 : i32 to vector<16xi32>
        %parallel_loop3A_689 = arith.addi %parallel_loop3A_637, %parallel_loop3A_688 : vector<16xi32>
        %parallel_loop3A_690 = tpu.vector_load_idx %arg8[%parallel_loop3A_689] : memref<90112xf32, #tpu.memory_space<vmem>>[vector<16xi32>], vector<16xf32>,
        %parallel_loop3A_691 = arith.subf %parallel_loop3A_686, %parallel_loop3A_690 : vector<16xf32>
        %parallel_loop3A_692 = arith.subf %parallel_loop3A_691, %get3A_67 : vector<16xf32>
        %parallel_loop3A_693 = arith.constant 3 : i32
        %parallel_loop3A_694 = arith.index_cast %parallel_loop3A_693 : i32 to index
        %parallel_loop3A_695 = arith.index_cast %parallel_loop3A_635 : i32 to index
        %parallel_loop3A_696 = arith.constant 0 : index
        %parallel_loop3A_697 = tpu.vector_load %arg9[%parallel_loop3A_694, %parallel_loop3A_695, %parallel_loop3A_696] {strides = array<i32>} : memref<4x224x16xf32, #tpu.memory_space<vmem>>, vector<16xf32>,
        tpu.vector_store %arg9[%parallel_loop3A_694, %parallel_loop3A_695, %parallel_loop3A_696], %parallel_loop3A_692 {strides = array<i32>} : memref<4x224x16xf32, #tpu.memory_space<vmem>>, vector<16xf32>,
        %parallel_loop3A_698 = arith.constant 1 : i32
        %parallel_loop3A_699 = vector.broadcast %parallel_loop3A_698 : i32 to vector<16xi32>
        %parallel_loop3A_700 = arith.addi %parallel_loop3A_636, %parallel_loop3A_699 : vector<16xi32>
        %parallel_loop3A_701 = arith.constant 1 : i32
        %parallel_loop3A_702 = vector.broadcast %parallel_loop3A_701 : i32 to vector<16xi32>
        %parallel_loop3A_703 = arith.addi %parallel_loop3A_637, %parallel_loop3A_702 : vector<16xi32>
        scf.yield %parallel_loop3A_700, %parallel_loop3A_703 : vector<16xi32>, vector<16xi32>
      } {sc.loop_unroll_factor = 2 : i64, sc.parallel_access}
      %add3A_514 = arith.constant 40 : i32
      %add3A_515 = arith.addi %add3A_96, %add3A_514 : i32
      %mul3A_516 = arith.constant 16 : i32
      %mul3A_517 = arith.muli %select_n3A_43, %mul3A_516 : i32
      %dma_start3A_518 = arith.constant 0 : i32
      %dma_start3A_519 = tpu.memref_slice %arg5[%select_n3A, %add3A_515, %dma_start3A_518, %mul3A_517] : memref<2x224x224x128xf32, #tpu.memory_space<hbm>> -> memref<1x4x224x16xf32, #tpu.memory_space<hbm>>
      %dma_start3A_520 = tpu.memref_squeeze %dma_start3A_519 : memref<1x4x224x16xf32, #tpu.memory_space<hbm>> -> memref<4x224x16xf32, #tpu.memory_space<hbm>>
      %dma_start3A_521 = arith.constant 0 : i32
      %dma_start3A_522 = tpu.memref_slice %arg5[%select_n3A, %add3A_515, %dma_start3A_521, %mul3A_517] : memref<2x224x224x128xf32, #tpu.memory_space<hbm>> -> memref<1x4x224x16xf32, #tpu.memory_space<hbm>>
      %dma_start3A_523 = tpu.memref_squeeze %dma_start3A_522 : memref<1x4x224x16xf32, #tpu.memory_space<hbm>> -> memref<4x224x16xf32, #tpu.memory_space<hbm>>
      tpu.enqueue_dma source(%arg9 : memref<4x224x16xf32, #tpu.memory_space<vmem>>) target(%dma_start3A_523 : memref<4x224x16xf32, #tpu.memory_space<hbm>>) target_semaphore(%arg12 : memref<!tpu.dma_semaphore, #tpu.memory_space<semaphore_mem>>)
      %add3A_524 = arith.constant 36 : i32
      %add3A_525 = arith.addi %add3A_96, %add3A_524 : i32
      %mul3A_526 = arith.constant 16 : i32
      %mul3A_527 = arith.muli %select_n3A_43, %mul3A_526 : i32
      %dma_wait3A_528 = arith.constant 0 : i32
      %dma_wait3A_529 = tpu.memref_slice %arg5[%select_n3A, %add3A_525, %dma_wait3A_528, %mul3A_527] : memref<2x224x224x128xf32, #tpu.memory_space<hbm>> -> memref<1x4x224x16xf32, #tpu.memory_space<hbm>>
      %dma_wait3A_530 = tpu.memref_squeeze %dma_wait3A_529 : memref<1x4x224x16xf32, #tpu.memory_space<hbm>> -> memref<4x224x16xf32, #tpu.memory_space<hbm>>
      %dma_wait3A_531 = arith.constant 0 : i32
      %dma_wait3A_532 = tpu.memref_slice %arg5[%select_n3A, %add3A_525, %dma_wait3A_531, %mul3A_527] : memref<2x224x224x128xf32, #tpu.memory_space<hbm>> -> memref<1x4x224x16xf32, #tpu.memory_space<hbm>>
      %dma_wait3A_533 = tpu.memref_squeeze %dma_wait3A_532 : memref<1x4x224x16xf32, #tpu.memory_space<hbm>> -> memref<4x224x16xf32, #tpu.memory_space<hbm>>
      tpu.wait_dma2 semaphore(%arg13 : memref<!tpu.dma_semaphore, #tpu.memory_space<semaphore_mem>>) src(%arg10 : memref<4x224x16xf32, #tpu.memory_space<vmem>>) dst(%dma_wait3A_533 : memref<4x224x16xf32, #tpu.memory_space<hbm>>)
      %add3A_534 = arith.constant 11264 : i32
      %add3A_535 = vector.broadcast %add3A_534 : i32 to vector<16xi32>
      %add3A_536 = arith.addi %add3A_75, %add3A_535 : vector<16xi32>
      %add3A_537 = arith.constant 11264 : i32
      %add3A_538 = vector.broadcast %add3A_537 : i32 to vector<16xi32>
      %add3A_539 = arith.addi %add3A_83, %add3A_538 : vector<16xi32>
      %parallel_loop3A_540 = arith.constant 0 : i32
      %parallel_loop3A_541 = arith.constant 224 : i32
      %parallel_loop3A_542 = arith.constant 1 : i32
      %parallel_loop3A_543:2 = scf.for %parallel_loop3A_635 = %parallel_loop3A_540 to %parallel_loop3A_541 step %parallel_loop3A_542 iter_args(%parallel_loop3A_636 = %add3A_536, %parallel_loop3A_637 = %add3A_539) -> (vector<16xi32>, vector<16xi32>)  : i32 {
        %parallel_loop3A_638 = arith.constant 0 : i32
        %parallel_loop3A_639 = vector.broadcast %parallel_loop3A_638 : i32 to vector<16xi32>
        %parallel_loop3A_640 = arith.addi %parallel_loop3A_636, %parallel_loop3A_639 : vector<16xi32>
        %parallel_loop3A_641 = tpu.vector_load_idx %arg8[%parallel_loop3A_640] : memref<90112xf32, #tpu.memory_space<vmem>>[vector<16xi32>], vector<16xf32>,
        %parallel_loop3A_642 = arith.constant 0 : i32
        %parallel_loop3A_643 = vector.broadcast %parallel_loop3A_642 : i32 to vector<16xi32>
        %parallel_loop3A_644 = arith.addi %parallel_loop3A_637, %parallel_loop3A_643 : vector<16xi32>
        %parallel_loop3A_645 = tpu.vector_load_idx %arg8[%parallel_loop3A_644] : memref<90112xf32, #tpu.memory_space<vmem>>[vector<16xi32>], vector<16xf32>,
        %parallel_loop3A_646 = arith.subf %parallel_loop3A_641, %parallel_loop3A_645 : vector<16xf32>
        %parallel_loop3A_647 = arith.subf %parallel_loop3A_646, %get3A_67 : vector<16xf32>
        %parallel_loop3A_648 = arith.constant 0 : i32
        %parallel_loop3A_649 = arith.index_cast %parallel_loop3A_648 : i32 to index
        %parallel_loop3A_650 = arith.index_cast %parallel_loop3A_635 : i32 to index
        %parallel_loop3A_651 = arith.constant 0 : index
        %parallel_loop3A_652 = tpu.vector_load %arg10[%parallel_loop3A_649, %parallel_loop3A_650, %parallel_loop3A_651] {strides = array<i32>} : memref<4x224x16xf32, #tpu.memory_space<vmem>>, vector<16xf32>,
        tpu.vector_store %arg10[%parallel_loop3A_649, %parallel_loop3A_650, %parallel_loop3A_651], %parallel_loop3A_647 {strides = array<i32>} : memref<4x224x16xf32, #tpu.memory_space<vmem>>, vector<16xf32>,
        %parallel_loop3A_653 = arith.constant 256 : i32
        %parallel_loop3A_654 = vector.broadcast %parallel_loop3A_653 : i32 to vector<16xi32>
        %parallel_loop3A_655 = arith.addi %parallel_loop3A_636, %parallel_loop3A_654 : vector<16xi32>
        %parallel_loop3A_656 = tpu.vector_load_idx %arg8[%parallel_loop3A_655] : memref<90112xf32, #tpu.memory_space<vmem>>[vector<16xi32>], vector<16xf32>,
        %parallel_loop3A_657 = arith.constant 256 : i32
        %parallel_loop3A_658 = vector.broadcast %parallel_loop3A_657 : i32 to vector<16xi32>
        %parallel_loop3A_659 = arith.addi %parallel_loop3A_637, %parallel_loop3A_658 : vector<16xi32>
        %parallel_loop3A_660 = tpu.vector_load_idx %arg8[%parallel_loop3A_659] : memref<90112xf32, #tpu.memory_space<vmem>>[vector<16xi32>], vector<16xf32>,
        %parallel_loop3A_661 = arith.subf %parallel_loop3A_656, %parallel_loop3A_660 : vector<16xf32>
        %parallel_loop3A_662 = arith.subf %parallel_loop3A_661, %get3A_67 : vector<16xf32>
        %parallel_loop3A_663 = arith.constant 1 : i32
        %parallel_loop3A_664 = arith.index_cast %parallel_loop3A_663 : i32 to index
        %parallel_loop3A_665 = arith.index_cast %parallel_loop3A_635 : i32 to index
        %parallel_loop3A_666 = arith.constant 0 : index
        %parallel_loop3A_667 = tpu.vector_load %arg10[%parallel_loop3A_664, %parallel_loop3A_665, %parallel_loop3A_666] {strides = array<i32>} : memref<4x224x16xf32, #tpu.memory_space<vmem>>, vector<16xf32>,
        tpu.vector_store %arg10[%parallel_loop3A_664, %parallel_loop3A_665, %parallel_loop3A_666], %parallel_loop3A_662 {strides = array<i32>} : memref<4x224x16xf32, #tpu.memory_space<vmem>>, vector<16xf32>,
        %parallel_loop3A_668 = arith.constant 512 : i32
        %parallel_loop3A_669 = vector.broadcast %parallel_loop3A_668 : i32 to vector<16xi32>
        %parallel_loop3A_670 = arith.addi %parallel_loop3A_636, %parallel_loop3A_669 : vector<16xi32>
        %parallel_loop3A_671 = tpu.vector_load_idx %arg8[%parallel_loop3A_670] : memref<90112xf32, #tpu.memory_space<vmem>>[vector<16xi32>], vector<16xf32>,
        %parallel_loop3A_672 = arith.constant 512 : i32
        %parallel_loop3A_673 = vector.broadcast %parallel_loop3A_672 : i32 to vector<16xi32>
        %parallel_loop3A_674 = arith.addi %parallel_loop3A_637, %parallel_loop3A_673 : vector<16xi32>
        %parallel_loop3A_675 = tpu.vector_load_idx %arg8[%parallel_loop3A_674] : memref<90112xf32, #tpu.memory_space<vmem>>[vector<16xi32>], vector<16xf32>,
        %parallel_loop3A_676 = arith.subf %parallel_loop3A_671, %parallel_loop3A_675 : vector<16xf32>
        %parallel_loop3A_677 = arith.subf %parallel_loop3A_676, %get3A_67 : vector<16xf32>
        %parallel_loop3A_678 = arith.constant 2 : i32
        %parallel_loop3A_679 = arith.index_cast %parallel_loop3A_678 : i32 to index
        %parallel_loop3A_680 = arith.index_cast %parallel_loop3A_635 : i32 to index
        %parallel_loop3A_681 = arith.constant 0 : index
        %parallel_loop3A_682 = tpu.vector_load %arg10[%parallel_loop3A_679, %parallel_loop3A_680, %parallel_loop3A_681] {strides = array<i32>} : memref<4x224x16xf32, #tpu.memory_space<vmem>>, vector<16xf32>,
        tpu.vector_store %arg10[%parallel_loop3A_679, %parallel_loop3A_680, %parallel_loop3A_681], %parallel_loop3A_677 {strides = array<i32>} : memref<4x224x16xf32, #tpu.memory_space<vmem>>, vector<16xf32>,
        %parallel_loop3A_683 = arith.constant 768 : i32
        %parallel_loop3A_684 = vector.broadcast %parallel_loop3A_683 : i32 to vector<16xi32>
        %parallel_loop3A_685 = arith.addi %parallel_loop3A_636, %parallel_loop3A_684 : vector<16xi32>
        %parallel_loop3A_686 = tpu.vector_load_idx %arg8[%parallel_loop3A_685] : memref<90112xf32, #tpu.memory_space<vmem>>[vector<16xi32>], vector<16xf32>,
        %parallel_loop3A_687 = arith.constant 768 : i32
        %parallel_loop3A_688 = vector.broadcast %parallel_loop3A_687 : i32 to vector<16xi32>
        %parallel_loop3A_689 = arith.addi %parallel_loop3A_637, %parallel_loop3A_688 : vector<16xi32>
        %parallel_loop3A_690 = tpu.vector_load_idx %arg8[%parallel_loop3A_689] : memref<90112xf32, #tpu.memory_space<vmem>>[vector<16xi32>], vector<16xf32>,
        %parallel_loop3A_691 = arith.subf %parallel_loop3A_686, %parallel_loop3A_690 : vector<16xf32>
        %parallel_loop3A_692 = arith.subf %parallel_loop3A_691, %get3A_67 : vector<16xf32>
        %parallel_loop3A_693 = arith.constant 3 : i32
        %parallel_loop3A_694 = arith.index_cast %parallel_loop3A_693 : i32 to index
        %parallel_loop3A_695 = arith.index_cast %parallel_loop3A_635 : i32 to index
        %parallel_loop3A_696 = arith.constant 0 : index
        %parallel_loop3A_697 = tpu.vector_load %arg10[%parallel_loop3A_694, %parallel_loop3A_695, %parallel_loop3A_696] {strides = array<i32>} : memref<4x224x16xf32, #tpu.memory_space<vmem>>, vector<16xf32>,
        tpu.vector_store %arg10[%parallel_loop3A_694, %parallel_loop3A_695, %parallel_loop3A_696], %parallel_loop3A_692 {strides = array<i32>} : memref<4x224x16xf32, #tpu.memory_space<vmem>>, vector<16xf32>,
        %parallel_loop3A_698 = arith.constant 1 : i32
        %parallel_loop3A_699 = vector.broadcast %parallel_loop3A_698 : i32 to vector<16xi32>
        %parallel_loop3A_700 = arith.addi %parallel_loop3A_636, %parallel_loop3A_699 : vector<16xi32>
        %parallel_loop3A_701 = arith.constant 1 : i32
        %parallel_loop3A_702 = vector.broadcast %parallel_loop3A_701 : i32 to vector<16xi32>
        %parallel_loop3A_703 = arith.addi %parallel_loop3A_637, %parallel_loop3A_702 : vector<16xi32>
        scf.yield %parallel_loop3A_700, %parallel_loop3A_703 : vector<16xi32>, vector<16xi32>
      } {sc.loop_unroll_factor = 2 : i64, sc.parallel_access}
      %add3A_544 = arith.constant 44 : i32
      %add3A_545 = arith.addi %add3A_96, %add3A_544 : i32
      %mul3A_546 = arith.constant 16 : i32
      %mul3A_547 = arith.muli %select_n3A_43, %mul3A_546 : i32
      %dma_start3A_548 = arith.constant 0 : i32
      %dma_start3A_549 = tpu.memref_slice %arg5[%select_n3A, %add3A_545, %dma_start3A_548, %mul3A_547] : memref<2x224x224x128xf32, #tpu.memory_space<hbm>> -> memref<1x4x224x16xf32, #tpu.memory_space<hbm>>
      %dma_start3A_550 = tpu.memref_squeeze %dma_start3A_549 : memref<1x4x224x16xf32, #tpu.memory_space<hbm>> -> memref<4x224x16xf32, #tpu.memory_space<hbm>>
      %dma_start3A_551 = arith.constant 0 : i32
      %dma_start3A_552 = tpu.memref_slice %arg5[%select_n3A, %add3A_545, %dma_start3A_551, %mul3A_547] : memref<2x224x224x128xf32, #tpu.memory_space<hbm>> -> memref<1x4x224x16xf32, #tpu.memory_space<hbm>>
      %dma_start3A_553 = tpu.memref_squeeze %dma_start3A_552 : memref<1x4x224x16xf32, #tpu.memory_space<hbm>> -> memref<4x224x16xf32, #tpu.memory_space<hbm>>
      tpu.enqueue_dma source(%arg10 : memref<4x224x16xf32, #tpu.memory_space<vmem>>) target(%dma_start3A_553 : memref<4x224x16xf32, #tpu.memory_space<hbm>>) target_semaphore(%arg13 : memref<!tpu.dma_semaphore, #tpu.memory_space<semaphore_mem>>)
      %add3A_554 = arith.constant 40 : i32
      %add3A_555 = arith.addi %add3A_96, %add3A_554 : i32
      %mul3A_556 = arith.constant 16 : i32
      %mul3A_557 = arith.muli %select_n3A_43, %mul3A_556 : i32
      %dma_wait3A_558 = arith.constant 0 : i32
      %dma_wait3A_559 = tpu.memref_slice %arg5[%select_n3A, %add3A_555, %dma_wait3A_558, %mul3A_557] : memref<2x224x224x128xf32, #tpu.memory_space<hbm>> -> memref<1x4x224x16xf32, #tpu.memory_space<hbm>>
      %dma_wait3A_560 = tpu.memref_squeeze %dma_wait3A_559 : memref<1x4x224x16xf32, #tpu.memory_space<hbm>> -> memref<4x224x16xf32, #tpu.memory_space<hbm>>
      %dma_wait3A_561 = arith.constant 0 : i32
      %dma_wait3A_562 = tpu.memref_slice %arg5[%select_n3A, %add3A_555, %dma_wait3A_561, %mul3A_557] : memref<2x224x224x128xf32, #tpu.memory_space<hbm>> -> memref<1x4x224x16xf32, #tpu.memory_space<hbm>>
      %dma_wait3A_563 = tpu.memref_squeeze %dma_wait3A_562 : memref<1x4x224x16xf32, #tpu.memory_space<hbm>> -> memref<4x224x16xf32, #tpu.memory_space<hbm>>
      tpu.wait_dma2 semaphore(%arg12 : memref<!tpu.dma_semaphore, #tpu.memory_space<semaphore_mem>>) src(%arg9 : memref<4x224x16xf32, #tpu.memory_space<vmem>>) dst(%dma_wait3A_563 : memref<4x224x16xf32, #tpu.memory_space<hbm>>)
      %add3A_564 = arith.constant 12288 : i32
      %add3A_565 = vector.broadcast %add3A_564 : i32 to vector<16xi32>
      %add3A_566 = arith.addi %add3A_75, %add3A_565 : vector<16xi32>
      %add3A_567 = arith.constant 12288 : i32
      %add3A_568 = vector.broadcast %add3A_567 : i32 to vector<16xi32>
      %add3A_569 = arith.addi %add3A_83, %add3A_568 : vector<16xi32>
      %parallel_loop3A_570 = arith.constant 0 : i32
      %parallel_loop3A_571 = arith.constant 224 : i32
      %parallel_loop3A_572 = arith.constant 1 : i32
      %parallel_loop3A_573:2 = scf.for %parallel_loop3A_635 = %parallel_loop3A_570 to %parallel_loop3A_571 step %parallel_loop3A_572 iter_args(%parallel_loop3A_636 = %add3A_566, %parallel_loop3A_637 = %add3A_569) -> (vector<16xi32>, vector<16xi32>)  : i32 {
        %parallel_loop3A_638 = arith.constant 0 : i32
        %parallel_loop3A_639 = vector.broadcast %parallel_loop3A_638 : i32 to vector<16xi32>
        %parallel_loop3A_640 = arith.addi %parallel_loop3A_636, %parallel_loop3A_639 : vector<16xi32>
        %parallel_loop3A_641 = tpu.vector_load_idx %arg8[%parallel_loop3A_640] : memref<90112xf32, #tpu.memory_space<vmem>>[vector<16xi32>], vector<16xf32>,
        %parallel_loop3A_642 = arith.constant 0 : i32
        %parallel_loop3A_643 = vector.broadcast %parallel_loop3A_642 : i32 to vector<16xi32>
        %parallel_loop3A_644 = arith.addi %parallel_loop3A_637, %parallel_loop3A_643 : vector<16xi32>
        %parallel_loop3A_645 = tpu.vector_load_idx %arg8[%parallel_loop3A_644] : memref<90112xf32, #tpu.memory_space<vmem>>[vector<16xi32>], vector<16xf32>,
        %parallel_loop3A_646 = arith.subf %parallel_loop3A_641, %parallel_loop3A_645 : vector<16xf32>
        %parallel_loop3A_647 = arith.subf %parallel_loop3A_646, %get3A_67 : vector<16xf32>
        %parallel_loop3A_648 = arith.constant 0 : i32
        %parallel_loop3A_649 = arith.index_cast %parallel_loop3A_648 : i32 to index
        %parallel_loop3A_650 = arith.index_cast %parallel_loop3A_635 : i32 to index
        %parallel_loop3A_651 = arith.constant 0 : index
        %parallel_loop3A_652 = tpu.vector_load %arg9[%parallel_loop3A_649, %parallel_loop3A_650, %parallel_loop3A_651] {strides = array<i32>} : memref<4x224x16xf32, #tpu.memory_space<vmem>>, vector<16xf32>,
        tpu.vector_store %arg9[%parallel_loop3A_649, %parallel_loop3A_650, %parallel_loop3A_651], %parallel_loop3A_647 {strides = array<i32>} : memref<4x224x16xf32, #tpu.memory_space<vmem>>, vector<16xf32>,
        %parallel_loop3A_653 = arith.constant 256 : i32
        %parallel_loop3A_654 = vector.broadcast %parallel_loop3A_653 : i32 to vector<16xi32>
        %parallel_loop3A_655 = arith.addi %parallel_loop3A_636, %parallel_loop3A_654 : vector<16xi32>
        %parallel_loop3A_656 = tpu.vector_load_idx %arg8[%parallel_loop3A_655] : memref<90112xf32, #tpu.memory_space<vmem>>[vector<16xi32>], vector<16xf32>,
        %parallel_loop3A_657 = arith.constant 256 : i32
        %parallel_loop3A_658 = vector.broadcast %parallel_loop3A_657 : i32 to vector<16xi32>
        %parallel_loop3A_659 = arith.addi %parallel_loop3A_637, %parallel_loop3A_658 : vector<16xi32>
        %parallel_loop3A_660 = tpu.vector_load_idx %arg8[%parallel_loop3A_659] : memref<90112xf32, #tpu.memory_space<vmem>>[vector<16xi32>], vector<16xf32>,
        %parallel_loop3A_661 = arith.subf %parallel_loop3A_656, %parallel_loop3A_660 : vector<16xf32>
        %parallel_loop3A_662 = arith.subf %parallel_loop3A_661, %get3A_67 : vector<16xf32>
        %parallel_loop3A_663 = arith.constant 1 : i32
        %parallel_loop3A_664 = arith.index_cast %parallel_loop3A_663 : i32 to index
        %parallel_loop3A_665 = arith.index_cast %parallel_loop3A_635 : i32 to index
        %parallel_loop3A_666 = arith.constant 0 : index
        %parallel_loop3A_667 = tpu.vector_load %arg9[%parallel_loop3A_664, %parallel_loop3A_665, %parallel_loop3A_666] {strides = array<i32>} : memref<4x224x16xf32, #tpu.memory_space<vmem>>, vector<16xf32>,
        tpu.vector_store %arg9[%parallel_loop3A_664, %parallel_loop3A_665, %parallel_loop3A_666], %parallel_loop3A_662 {strides = array<i32>} : memref<4x224x16xf32, #tpu.memory_space<vmem>>, vector<16xf32>,
        %parallel_loop3A_668 = arith.constant 512 : i32
        %parallel_loop3A_669 = vector.broadcast %parallel_loop3A_668 : i32 to vector<16xi32>
        %parallel_loop3A_670 = arith.addi %parallel_loop3A_636, %parallel_loop3A_669 : vector<16xi32>
        %parallel_loop3A_671 = tpu.vector_load_idx %arg8[%parallel_loop3A_670] : memref<90112xf32, #tpu.memory_space<vmem>>[vector<16xi32>], vector<16xf32>,
        %parallel_loop3A_672 = arith.constant 512 : i32
        %parallel_loop3A_673 = vector.broadcast %parallel_loop3A_672 : i32 to vector<16xi32>
        %parallel_loop3A_674 = arith.addi %parallel_loop3A_637, %parallel_loop3A_673 : vector<16xi32>
        %parallel_loop3A_675 = tpu.vector_load_idx %arg8[%parallel_loop3A_674] : memref<90112xf32, #tpu.memory_space<vmem>>[vector<16xi32>], vector<16xf32>,
        %parallel_loop3A_676 = arith.subf %parallel_loop3A_671, %parallel_loop3A_675 : vector<16xf32>
        %parallel_loop3A_677 = arith.subf %parallel_loop3A_676, %get3A_67 : vector<16xf32>
        %parallel_loop3A_678 = arith.constant 2 : i32
        %parallel_loop3A_679 = arith.index_cast %parallel_loop3A_678 : i32 to index
        %parallel_loop3A_680 = arith.index_cast %parallel_loop3A_635 : i32 to index
        %parallel_loop3A_681 = arith.constant 0 : index
        %parallel_loop3A_682 = tpu.vector_load %arg9[%parallel_loop3A_679, %parallel_loop3A_680, %parallel_loop3A_681] {strides = array<i32>} : memref<4x224x16xf32, #tpu.memory_space<vmem>>, vector<16xf32>,
        tpu.vector_store %arg9[%parallel_loop3A_679, %parallel_loop3A_680, %parallel_loop3A_681], %parallel_loop3A_677 {strides = array<i32>} : memref<4x224x16xf32, #tpu.memory_space<vmem>>, vector<16xf32>,
        %parallel_loop3A_683 = arith.constant 768 : i32
        %parallel_loop3A_684 = vector.broadcast %parallel_loop3A_683 : i32 to vector<16xi32>
        %parallel_loop3A_685 = arith.addi %parallel_loop3A_636, %parallel_loop3A_684 : vector<16xi32>
        %parallel_loop3A_686 = tpu.vector_load_idx %arg8[%parallel_loop3A_685] : memref<90112xf32, #tpu.memory_space<vmem>>[vector<16xi32>], vector<16xf32>,
        %parallel_loop3A_687 = arith.constant 768 : i32
        %parallel_loop3A_688 = vector.broadcast %parallel_loop3A_687 : i32 to vector<16xi32>
        %parallel_loop3A_689 = arith.addi %parallel_loop3A_637, %parallel_loop3A_688 : vector<16xi32>
        %parallel_loop3A_690 = tpu.vector_load_idx %arg8[%parallel_loop3A_689] : memref<90112xf32, #tpu.memory_space<vmem>>[vector<16xi32>], vector<16xf32>,
        %parallel_loop3A_691 = arith.subf %parallel_loop3A_686, %parallel_loop3A_690 : vector<16xf32>
        %parallel_loop3A_692 = arith.subf %parallel_loop3A_691, %get3A_67 : vector<16xf32>
        %parallel_loop3A_693 = arith.constant 3 : i32
        %parallel_loop3A_694 = arith.index_cast %parallel_loop3A_693 : i32 to index
        %parallel_loop3A_695 = arith.index_cast %parallel_loop3A_635 : i32 to index
        %parallel_loop3A_696 = arith.constant 0 : index
        %parallel_loop3A_697 = tpu.vector_load %arg9[%parallel_loop3A_694, %parallel_loop3A_695, %parallel_loop3A_696] {strides = array<i32>} : memref<4x224x16xf32, #tpu.memory_space<vmem>>, vector<16xf32>,
        tpu.vector_store %arg9[%parallel_loop3A_694, %parallel_loop3A_695, %parallel_loop3A_696], %parallel_loop3A_692 {strides = array<i32>} : memref<4x224x16xf32, #tpu.memory_space<vmem>>, vector<16xf32>,
        %parallel_loop3A_698 = arith.constant 1 : i32
        %parallel_loop3A_699 = vector.broadcast %parallel_loop3A_698 : i32 to vector<16xi32>
        %parallel_loop3A_700 = arith.addi %parallel_loop3A_636, %parallel_loop3A_699 : vector<16xi32>
        %parallel_loop3A_701 = arith.constant 1 : i32
        %parallel_loop3A_702 = vector.broadcast %parallel_loop3A_701 : i32 to vector<16xi32>
        %parallel_loop3A_703 = arith.addi %parallel_loop3A_637, %parallel_loop3A_702 : vector<16xi32>
        scf.yield %parallel_loop3A_700, %parallel_loop3A_703 : vector<16xi32>, vector<16xi32>
      } {sc.loop_unroll_factor = 2 : i64, sc.parallel_access}
      %add3A_574 = arith.constant 48 : i32
      %add3A_575 = arith.addi %add3A_96, %add3A_574 : i32
      %mul3A_576 = arith.constant 16 : i32
      %mul3A_577 = arith.muli %select_n3A_43, %mul3A_576 : i32
      %dma_start3A_578 = arith.constant 0 : i32
      %dma_start3A_579 = tpu.memref_slice %arg5[%select_n3A, %add3A_575, %dma_start3A_578, %mul3A_577] : memref<2x224x224x128xf32, #tpu.memory_space<hbm>> -> memref<1x4x224x16xf32, #tpu.memory_space<hbm>>
      %dma_start3A_580 = tpu.memref_squeeze %dma_start3A_579 : memref<1x4x224x16xf32, #tpu.memory_space<hbm>> -> memref<4x224x16xf32, #tpu.memory_space<hbm>>
      %dma_start3A_581 = arith.constant 0 : i32
      %dma_start3A_582 = tpu.memref_slice %arg5[%select_n3A, %add3A_575, %dma_start3A_581, %mul3A_577] : memref<2x224x224x128xf32, #tpu.memory_space<hbm>> -> memref<1x4x224x16xf32, #tpu.memory_space<hbm>>
      %dma_start3A_583 = tpu.memref_squeeze %dma_start3A_582 : memref<1x4x224x16xf32, #tpu.memory_space<hbm>> -> memref<4x224x16xf32, #tpu.memory_space<hbm>>
      tpu.enqueue_dma source(%arg9 : memref<4x224x16xf32, #tpu.memory_space<vmem>>) target(%dma_start3A_583 : memref<4x224x16xf32, #tpu.memory_space<hbm>>) target_semaphore(%arg12 : memref<!tpu.dma_semaphore, #tpu.memory_space<semaphore_mem>>)
      %add3A_584 = arith.constant 44 : i32
      %add3A_585 = arith.addi %add3A_96, %add3A_584 : i32
      %mul3A_586 = arith.constant 16 : i32
      %mul3A_587 = arith.muli %select_n3A_43, %mul3A_586 : i32
      %dma_wait3A_588 = arith.constant 0 : i32
      %dma_wait3A_589 = tpu.memref_slice %arg5[%select_n3A, %add3A_585, %dma_wait3A_588, %mul3A_587] : memref<2x224x224x128xf32, #tpu.memory_space<hbm>> -> memref<1x4x224x16xf32, #tpu.memory_space<hbm>>
      %dma_wait3A_590 = tpu.memref_squeeze %dma_wait3A_589 : memref<1x4x224x16xf32, #tpu.memory_space<hbm>> -> memref<4x224x16xf32, #tpu.memory_space<hbm>>
      %dma_wait3A_591 = arith.constant 0 : i32
      %dma_wait3A_592 = tpu.memref_slice %arg5[%select_n3A, %add3A_585, %dma_wait3A_591, %mul3A_587] : memref<2x224x224x128xf32, #tpu.memory_space<hbm>> -> memref<1x4x224x16xf32, #tpu.memory_space<hbm>>
      %dma_wait3A_593 = tpu.memref_squeeze %dma_wait3A_592 : memref<1x4x224x16xf32, #tpu.memory_space<hbm>> -> memref<4x224x16xf32, #tpu.memory_space<hbm>>
      tpu.wait_dma2 semaphore(%arg13 : memref<!tpu.dma_semaphore, #tpu.memory_space<semaphore_mem>>) src(%arg10 : memref<4x224x16xf32, #tpu.memory_space<vmem>>) dst(%dma_wait3A_593 : memref<4x224x16xf32, #tpu.memory_space<hbm>>)
      %add3A_594 = arith.constant 13312 : i32
      %add3A_595 = vector.broadcast %add3A_594 : i32 to vector<16xi32>
      %add3A_596 = arith.addi %add3A_75, %add3A_595 : vector<16xi32>
      %add3A_597 = arith.constant 13312 : i32
      %add3A_598 = vector.broadcast %add3A_597 : i32 to vector<16xi32>
      %add3A_599 = arith.addi %add3A_83, %add3A_598 : vector<16xi32>
      %parallel_loop3A_600 = arith.constant 0 : i32
      %parallel_loop3A_601 = arith.constant 224 : i32
      %parallel_loop3A_602 = arith.constant 1 : i32
      %parallel_loop3A_603:2 = scf.for %parallel_loop3A_635 = %parallel_loop3A_600 to %parallel_loop3A_601 step %parallel_loop3A_602 iter_args(%parallel_loop3A_636 = %add3A_596, %parallel_loop3A_637 = %add3A_599) -> (vector<16xi32>, vector<16xi32>)  : i32 {
        %parallel_loop3A_638 = arith.constant 0 : i32
        %parallel_loop3A_639 = vector.broadcast %parallel_loop3A_638 : i32 to vector<16xi32>
        %parallel_loop3A_640 = arith.addi %parallel_loop3A_636, %parallel_loop3A_639 : vector<16xi32>
        %parallel_loop3A_641 = tpu.vector_load_idx %arg8[%parallel_loop3A_640] : memref<90112xf32, #tpu.memory_space<vmem>>[vector<16xi32>], vector<16xf32>,
        %parallel_loop3A_642 = arith.constant 0 : i32
        %parallel_loop3A_643 = vector.broadcast %parallel_loop3A_642 : i32 to vector<16xi32>
        %parallel_loop3A_644 = arith.addi %parallel_loop3A_637, %parallel_loop3A_643 : vector<16xi32>
        %parallel_loop3A_645 = tpu.vector_load_idx %arg8[%parallel_loop3A_644] : memref<90112xf32, #tpu.memory_space<vmem>>[vector<16xi32>], vector<16xf32>,
        %parallel_loop3A_646 = arith.subf %parallel_loop3A_641, %parallel_loop3A_645 : vector<16xf32>
        %parallel_loop3A_647 = arith.subf %parallel_loop3A_646, %get3A_67 : vector<16xf32>
        %parallel_loop3A_648 = arith.constant 0 : i32
        %parallel_loop3A_649 = arith.index_cast %parallel_loop3A_648 : i32 to index
        %parallel_loop3A_650 = arith.index_cast %parallel_loop3A_635 : i32 to index
        %parallel_loop3A_651 = arith.constant 0 : index
        %parallel_loop3A_652 = tpu.vector_load %arg10[%parallel_loop3A_649, %parallel_loop3A_650, %parallel_loop3A_651] {strides = array<i32>} : memref<4x224x16xf32, #tpu.memory_space<vmem>>, vector<16xf32>,
        tpu.vector_store %arg10[%parallel_loop3A_649, %parallel_loop3A_650, %parallel_loop3A_651], %parallel_loop3A_647 {strides = array<i32>} : memref<4x224x16xf32, #tpu.memory_space<vmem>>, vector<16xf32>,
        %parallel_loop3A_653 = arith.constant 256 : i32
        %parallel_loop3A_654 = vector.broadcast %parallel_loop3A_653 : i32 to vector<16xi32>
        %parallel_loop3A_655 = arith.addi %parallel_loop3A_636, %parallel_loop3A_654 : vector<16xi32>
        %parallel_loop3A_656 = tpu.vector_load_idx %arg8[%parallel_loop3A_655] : memref<90112xf32, #tpu.memory_space<vmem>>[vector<16xi32>], vector<16xf32>,
        %parallel_loop3A_657 = arith.constant 256 : i32
        %parallel_loop3A_658 = vector.broadcast %parallel_loop3A_657 : i32 to vector<16xi32>
        %parallel_loop3A_659 = arith.addi %parallel_loop3A_637, %parallel_loop3A_658 : vector<16xi32>
        %parallel_loop3A_660 = tpu.vector_load_idx %arg8[%parallel_loop3A_659] : memref<90112xf32, #tpu.memory_space<vmem>>[vector<16xi32>], vector<16xf32>,
        %parallel_loop3A_661 = arith.subf %parallel_loop3A_656, %parallel_loop3A_660 : vector<16xf32>
        %parallel_loop3A_662 = arith.subf %parallel_loop3A_661, %get3A_67 : vector<16xf32>
        %parallel_loop3A_663 = arith.constant 1 : i32
        %parallel_loop3A_664 = arith.index_cast %parallel_loop3A_663 : i32 to index
        %parallel_loop3A_665 = arith.index_cast %parallel_loop3A_635 : i32 to index
        %parallel_loop3A_666 = arith.constant 0 : index
        %parallel_loop3A_667 = tpu.vector_load %arg10[%parallel_loop3A_664, %parallel_loop3A_665, %parallel_loop3A_666] {strides = array<i32>} : memref<4x224x16xf32, #tpu.memory_space<vmem>>, vector<16xf32>,
        tpu.vector_store %arg10[%parallel_loop3A_664, %parallel_loop3A_665, %parallel_loop3A_666], %parallel_loop3A_662 {strides = array<i32>} : memref<4x224x16xf32, #tpu.memory_space<vmem>>, vector<16xf32>,
        %parallel_loop3A_668 = arith.constant 512 : i32
        %parallel_loop3A_669 = vector.broadcast %parallel_loop3A_668 : i32 to vector<16xi32>
        %parallel_loop3A_670 = arith.addi %parallel_loop3A_636, %parallel_loop3A_669 : vector<16xi32>
        %parallel_loop3A_671 = tpu.vector_load_idx %arg8[%parallel_loop3A_670] : memref<90112xf32, #tpu.memory_space<vmem>>[vector<16xi32>], vector<16xf32>,
        %parallel_loop3A_672 = arith.constant 512 : i32
        %parallel_loop3A_673 = vector.broadcast %parallel_loop3A_672 : i32 to vector<16xi32>
        %parallel_loop3A_674 = arith.addi %parallel_loop3A_637, %parallel_loop3A_673 : vector<16xi32>
        %parallel_loop3A_675 = tpu.vector_load_idx %arg8[%parallel_loop3A_674] : memref<90112xf32, #tpu.memory_space<vmem>>[vector<16xi32>], vector<16xf32>,
        %parallel_loop3A_676 = arith.subf %parallel_loop3A_671, %parallel_loop3A_675 : vector<16xf32>
        %parallel_loop3A_677 = arith.subf %parallel_loop3A_676, %get3A_67 : vector<16xf32>
        %parallel_loop3A_678 = arith.constant 2 : i32
        %parallel_loop3A_679 = arith.index_cast %parallel_loop3A_678 : i32 to index
        %parallel_loop3A_680 = arith.index_cast %parallel_loop3A_635 : i32 to index
        %parallel_loop3A_681 = arith.constant 0 : index
        %parallel_loop3A_682 = tpu.vector_load %arg10[%parallel_loop3A_679, %parallel_loop3A_680, %parallel_loop3A_681] {strides = array<i32>} : memref<4x224x16xf32, #tpu.memory_space<vmem>>, vector<16xf32>,
        tpu.vector_store %arg10[%parallel_loop3A_679, %parallel_loop3A_680, %parallel_loop3A_681], %parallel_loop3A_677 {strides = array<i32>} : memref<4x224x16xf32, #tpu.memory_space<vmem>>, vector<16xf32>,
        %parallel_loop3A_683 = arith.constant 768 : i32
        %parallel_loop3A_684 = vector.broadcast %parallel_loop3A_683 : i32 to vector<16xi32>
        %parallel_loop3A_685 = arith.addi %parallel_loop3A_636, %parallel_loop3A_684 : vector<16xi32>
        %parallel_loop3A_686 = tpu.vector_load_idx %arg8[%parallel_loop3A_685] : memref<90112xf32, #tpu.memory_space<vmem>>[vector<16xi32>], vector<16xf32>,
        %parallel_loop3A_687 = arith.constant 768 : i32
        %parallel_loop3A_688 = vector.broadcast %parallel_loop3A_687 : i32 to vector<16xi32>
        %parallel_loop3A_689 = arith.addi %parallel_loop3A_637, %parallel_loop3A_688 : vector<16xi32>
        %parallel_loop3A_690 = tpu.vector_load_idx %arg8[%parallel_loop3A_689] : memref<90112xf32, #tpu.memory_space<vmem>>[vector<16xi32>], vector<16xf32>,
        %parallel_loop3A_691 = arith.subf %parallel_loop3A_686, %parallel_loop3A_690 : vector<16xf32>
        %parallel_loop3A_692 = arith.subf %parallel_loop3A_691, %get3A_67 : vector<16xf32>
        %parallel_loop3A_693 = arith.constant 3 : i32
        %parallel_loop3A_694 = arith.index_cast %parallel_loop3A_693 : i32 to index
        %parallel_loop3A_695 = arith.index_cast %parallel_loop3A_635 : i32 to index
        %parallel_loop3A_696 = arith.constant 0 : index
        %parallel_loop3A_697 = tpu.vector_load %arg10[%parallel_loop3A_694, %parallel_loop3A_695, %parallel_loop3A_696] {strides = array<i32>} : memref<4x224x16xf32, #tpu.memory_space<vmem>>, vector<16xf32>,
        tpu.vector_store %arg10[%parallel_loop3A_694, %parallel_loop3A_695, %parallel_loop3A_696], %parallel_loop3A_692 {strides = array<i32>} : memref<4x224x16xf32, #tpu.memory_space<vmem>>, vector<16xf32>,
        %parallel_loop3A_698 = arith.constant 1 : i32
        %parallel_loop3A_699 = vector.broadcast %parallel_loop3A_698 : i32 to vector<16xi32>
        %parallel_loop3A_700 = arith.addi %parallel_loop3A_636, %parallel_loop3A_699 : vector<16xi32>
        %parallel_loop3A_701 = arith.constant 1 : i32
        %parallel_loop3A_702 = vector.broadcast %parallel_loop3A_701 : i32 to vector<16xi32>
        %parallel_loop3A_703 = arith.addi %parallel_loop3A_637, %parallel_loop3A_702 : vector<16xi32>
        scf.yield %parallel_loop3A_700, %parallel_loop3A_703 : vector<16xi32>, vector<16xi32>
      } {sc.loop_unroll_factor = 2 : i64, sc.parallel_access}
      %add3A_604 = arith.constant 52 : i32
      %add3A_605 = arith.addi %add3A_96, %add3A_604 : i32
      %mul3A_606 = arith.constant 16 : i32
      %mul3A_607 = arith.muli %select_n3A_43, %mul3A_606 : i32
      %dma_start3A_608 = arith.constant 0 : i32
      %dma_start3A_609 = tpu.memref_slice %arg5[%select_n3A, %add3A_605, %dma_start3A_608, %mul3A_607] : memref<2x224x224x128xf32, #tpu.memory_space<hbm>> -> memref<1x4x224x16xf32, #tpu.memory_space<hbm>>
      %dma_start3A_610 = tpu.memref_squeeze %dma_start3A_609 : memref<1x4x224x16xf32, #tpu.memory_space<hbm>> -> memref<4x224x16xf32, #tpu.memory_space<hbm>>
      %dma_start3A_611 = arith.constant 0 : i32
      %dma_start3A_612 = tpu.memref_slice %arg5[%select_n3A, %add3A_605, %dma_start3A_611, %mul3A_607] : memref<2x224x224x128xf32, #tpu.memory_space<hbm>> -> memref<1x4x224x16xf32, #tpu.memory_space<hbm>>
      %dma_start3A_613 = tpu.memref_squeeze %dma_start3A_612 : memref<1x4x224x16xf32, #tpu.memory_space<hbm>> -> memref<4x224x16xf32, #tpu.memory_space<hbm>>
      tpu.enqueue_dma source(%arg10 : memref<4x224x16xf32, #tpu.memory_space<vmem>>) target(%dma_start3A_613 : memref<4x224x16xf32, #tpu.memory_space<hbm>>) target_semaphore(%arg13 : memref<!tpu.dma_semaphore, #tpu.memory_space<semaphore_mem>>)
      %add3A_614 = arith.constant 48 : i32
      %add3A_615 = arith.addi %add3A_96, %add3A_614 : i32
      %mul3A_616 = arith.constant 16 : i32
      %mul3A_617 = arith.muli %select_n3A_43, %mul3A_616 : i32
      %dma_wait3A_618 = arith.constant 0 : i32
      %dma_wait3A_619 = tpu.memref_slice %arg5[%select_n3A, %add3A_615, %dma_wait3A_618, %mul3A_617] : memref<2x224x224x128xf32, #tpu.memory_space<hbm>> -> memref<1x4x224x16xf32, #tpu.memory_space<hbm>>
      %dma_wait3A_620 = tpu.memref_squeeze %dma_wait3A_619 : memref<1x4x224x16xf32, #tpu.memory_space<hbm>> -> memref<4x224x16xf32, #tpu.memory_space<hbm>>
      %dma_wait3A_621 = arith.constant 0 : i32
      %dma_wait3A_622 = tpu.memref_slice %arg5[%select_n3A, %add3A_615, %dma_wait3A_621, %mul3A_617] : memref<2x224x224x128xf32, #tpu.memory_space<hbm>> -> memref<1x4x224x16xf32, #tpu.memory_space<hbm>>
      %dma_wait3A_623 = tpu.memref_squeeze %dma_wait3A_622 : memref<1x4x224x16xf32, #tpu.memory_space<hbm>> -> memref<4x224x16xf32, #tpu.memory_space<hbm>>
      tpu.wait_dma2 semaphore(%arg12 : memref<!tpu.dma_semaphore, #tpu.memory_space<semaphore_mem>>) src(%arg9 : memref<4x224x16xf32, #tpu.memory_space<vmem>>) dst(%dma_wait3A_623 : memref<4x224x16xf32, #tpu.memory_space<hbm>>)
      %add3A_624 = arith.constant 52 : i32
      %add3A_625 = arith.addi %add3A_96, %add3A_624 : i32
      %mul3A_626 = arith.constant 16 : i32
      %mul3A_627 = arith.muli %select_n3A_43, %mul3A_626 : i32
      %dma_wait3A_628 = arith.constant 0 : i32
      %dma_wait3A_629 = tpu.memref_slice %arg5[%select_n3A, %add3A_625, %dma_wait3A_628, %mul3A_627] : memref<2x224x224x128xf32, #tpu.memory_space<hbm>> -> memref<1x4x224x16xf32, #tpu.memory_space<hbm>>
      %dma_wait3A_630 = tpu.memref_squeeze %dma_wait3A_629 : memref<1x4x224x16xf32, #tpu.memory_space<hbm>> -> memref<4x224x16xf32, #tpu.memory_space<hbm>>
      %dma_wait3A_631 = arith.constant 0 : i32
      %dma_wait3A_632 = tpu.memref_slice %arg5[%select_n3A, %add3A_625, %dma_wait3A_631, %mul3A_627] : memref<2x224x224x128xf32, #tpu.memory_space<hbm>> -> memref<1x4x224x16xf32, #tpu.memory_space<hbm>>
      %dma_wait3A_633 = tpu.memref_squeeze %dma_wait3A_632 : memref<1x4x224x16xf32, #tpu.memory_space<hbm>> -> memref<4x224x16xf32, #tpu.memory_space<hbm>>
      tpu.wait_dma2 semaphore(%arg13 : memref<!tpu.dma_semaphore, #tpu.memory_space<semaphore_mem>>) src(%arg10 : memref<4x224x16xf32, #tpu.memory_space<vmem>>) dst(%dma_wait3A_633 : memref<4x224x16xf32, #tpu.memory_space<hbm>>)
      %scan3A_634 = arith.constant 0 : i32
      scf.yield %scan3A_634 : i32
    }
    %scan3A_89 = arith.constant 2 : i32
    return
  }
}

module attributes {stable_mosaic.version = 14 : i64} {
  func.func @_boxmean_body(%arg0: i32, %arg1: memref<1x1x224x224xf32, #tpu.memory_space<vmem>>, %arg2: memref<1024x256xf32, #tpu.memory_space<vmem>>) attributes {dimension_semantics = [#tpu.dimension_semantics<arbitrary>], iteration_bounds = array<i64: 2>, scalar_prefetch = 0 : i64, scratch_operands = 0 : i64, tpu.core_type = #tpu.core_type<tc>, window_params = [{transform_indices = @transform_0, window_bounds = array<i64: 1, 1, 224, 224>}, {transform_indices = @transform_1, window_bounds = array<i64: 1024, 256>}]} {
    %get3A = arith.constant 0 : index
    %get3A_0 = arith.constant 0 : index
    %get3A_1 = arith.constant 0 : index
    %get3A_2 = arith.constant 0 : index
    %get3A_3 = vector.load %arg1[%get3A, %get3A_0, %get3A_1, %get3A_2] : memref<1x1x224x224xf32, #tpu.memory_space<vmem>>, vector<1x1x224x224xf32>
    %get3A_4 = vector.shape_cast %get3A_3 : vector<1x1x224x224xf32> to vector<224x224xf32>
    %slice3A = vector.extract_strided_slice %get3A_4 {offsets = [0, 0], sizes = [1, 224], strides = [1, 1]} : vector<224x224xf32> to vector<1x224xf32>
    %slice3A_5 = vector.extract_strided_slice %get3A_4 {offsets = [223, 0], sizes = [1, 224], strides = [1, 1]} : vector<224x224xf32> to vector<1x224xf32>
    %concatenate3A = tpu.concatenate %slice3A, %slice3A, %slice3A, %slice3A, %get3A_4, %slice3A_5, %slice3A_5, %slice3A_5, %slice3A_5 in 0 : vector<1x224xf32>, vector<1x224xf32>, vector<1x224xf32>, vector<1x224xf32>, vector<224x224xf32>, vector<1x224xf32>, vector<1x224xf32>, vector<1x224xf32>, vector<1x224xf32> -> vector<232x224xf32>
    %slice3A_6 = vector.extract_strided_slice %concatenate3A {offsets = [0, 0], sizes = [232, 1], strides = [1, 1]} : vector<232x224xf32> to vector<232x1xf32>
    %slice3A_7 = vector.extract_strided_slice %concatenate3A {offsets = [0, 223], sizes = [232, 1], strides = [1, 1]} : vector<232x224xf32> to vector<232x1xf32>
    %concatenate3A_8 = tpu.concatenate %slice3A_6, %slice3A_6, %slice3A_6, %slice3A_6, %concatenate3A, %slice3A_7, %slice3A_7, %slice3A_7, %slice3A_7 in 1 : vector<232x1xf32>, vector<232x1xf32>, vector<232x1xf32>, vector<232x1xf32>, vector<232x224xf32>, vector<232x1xf32>, vector<232x1xf32>, vector<232x1xf32>, vector<232x1xf32> -> vector<232x232xf32>
    %slice3A_9 = vector.extract_strided_slice %concatenate3A_8 {offsets = [3, 0], sizes = [224, 232], strides = [1, 1]} : vector<232x232xf32> to vector<224x232xf32>
    %slice3A_10 = vector.extract_strided_slice %concatenate3A_8 {offsets = [4, 0], sizes = [224, 232], strides = [1, 1]} : vector<232x232xf32> to vector<224x232xf32>
    %add3A = arith.addf %slice3A_9, %slice3A_10 : vector<224x232xf32>
    %slice3A_11 = vector.extract_strided_slice %concatenate3A_8 {offsets = [5, 0], sizes = [224, 232], strides = [1, 1]} : vector<232x232xf32> to vector<224x232xf32>
    %add3A_12 = arith.addf %add3A, %slice3A_11 : vector<224x232xf32>
    %slice3A_13 = vector.extract_strided_slice %add3A_12 {offsets = [0, 3], sizes = [224, 224], strides = [1, 1]} : vector<224x232xf32> to vector<224x224xf32>
    %slice3A_14 = vector.extract_strided_slice %add3A_12 {offsets = [0, 4], sizes = [224, 224], strides = [1, 1]} : vector<224x232xf32> to vector<224x224xf32>
    %add3A_15 = arith.addf %slice3A_13, %slice3A_14 : vector<224x224xf32>
    %slice3A_16 = vector.extract_strided_slice %add3A_12 {offsets = [0, 5], sizes = [224, 224], strides = [1, 1]} : vector<224x232xf32> to vector<224x224xf32>
    %add3A_17 = arith.addf %add3A_15, %slice3A_16 : vector<224x224xf32>
    %mul3A = arith.constant 0.111111112 : f32
    %mul3A_18 = vector.broadcast %mul3A : f32 to vector<224x224xf32>
    %mul3A_19 = arith.mulf %add3A_17, %mul3A_18 : vector<224x224xf32>
    %slice3A_20 = vector.extract_strided_slice %mul3A_19 {offsets = [0, 0], sizes = [1, 224], strides = [1, 1]} : vector<224x224xf32> to vector<1x224xf32>
    %broadcast_in_dim3A = vector.shape_cast %slice3A_20 : vector<1x224xf32> to vector<1x224xf32>
    %broadcast_in_dim3A_21 = vector.broadcast %broadcast_in_dim3A : vector<1x224xf32> to vector<16x224xf32>
    %slice3A_22 = vector.extract_strided_slice %mul3A_19 {offsets = [223, 0], sizes = [1, 224], strides = [1, 1]} : vector<224x224xf32> to vector<1x224xf32>
    %broadcast_in_dim3A_23 = vector.shape_cast %slice3A_22 : vector<1x224xf32> to vector<1x224xf32>
    %broadcast_in_dim3A_24 = vector.broadcast %broadcast_in_dim3A_23 : vector<1x224xf32> to vector<16x224xf32>
    %concatenate3A_25 = tpu.concatenate %broadcast_in_dim3A_21, %mul3A_19, %broadcast_in_dim3A_24 in 0 : vector<16x224xf32>, vector<224x224xf32>, vector<16x224xf32> -> vector<256x224xf32>
    %swap3A = arith.constant 0 : index
    %swap3A_26 = arith.constant 16 : index
    %swap3A_27 = vector.load %arg2[%swap3A, %swap3A_26] : memref<1024x256xf32, #tpu.memory_space<vmem>>, vector<256x224xf32>
    tpu.vector_store %arg2[%swap3A, %swap3A_26], %concatenate3A_25 {strides = array<i32>} : memref<1024x256xf32, #tpu.memory_space<vmem>>, vector<256x224xf32>,
    %get3A_28 = arith.constant 0 : index
    %get3A_29 = arith.constant 16 : index
    %get3A_30 = vector.load %arg2[%get3A_28, %get3A_29] : memref<1024x256xf32, #tpu.memory_space<vmem>>, vector<256x1xf32>
    %broadcast_in_dim3A_31 = vector.shape_cast %get3A_30 : vector<256x1xf32> to vector<256x1xf32>
    %broadcast_in_dim3A_32 = vector.broadcast %broadcast_in_dim3A_31 : vector<256x1xf32> to vector<256x16xf32>
    %swap3A_33 = arith.constant 0 : index
    %swap3A_34 = arith.constant 0 : index
    %swap3A_35 = vector.load %arg2[%swap3A_33, %swap3A_34] : memref<1024x256xf32, #tpu.memory_space<vmem>>, vector<256x16xf32>
    tpu.vector_store %arg2[%swap3A_33, %swap3A_34], %broadcast_in_dim3A_32 {strides = array<i32>} : memref<1024x256xf32, #tpu.memory_space<vmem>>, vector<256x16xf32>,
    %get3A_36 = arith.constant 0 : index
    %get3A_37 = arith.constant 239 : index
    %get3A_38 = vector.load %arg2[%get3A_36, %get3A_37] : memref<1024x256xf32, #tpu.memory_space<vmem>>, vector<256x1xf32>
    %broadcast_in_dim3A_39 = vector.shape_cast %get3A_38 : vector<256x1xf32> to vector<256x1xf32>
    %broadcast_in_dim3A_40 = vector.broadcast %broadcast_in_dim3A_39 : vector<256x1xf32> to vector<256x16xf32>
    %swap3A_41 = arith.constant 0 : index
    %swap3A_42 = arith.constant 240 : index
    %swap3A_43 = vector.load %arg2[%swap3A_41, %swap3A_42] : memref<1024x256xf32, #tpu.memory_space<vmem>>, vector<256x16xf32>
    tpu.vector_store %arg2[%swap3A_41, %swap3A_42], %broadcast_in_dim3A_40 {strides = array<i32>} : memref<1024x256xf32, #tpu.memory_space<vmem>>, vector<256x16xf32>,
    %slice3A_44 = vector.extract_strided_slice %concatenate3A_8 {offsets = [2, 0], sizes = [224, 232], strides = [1, 1]} : vector<232x232xf32> to vector<224x232xf32>
    %slice3A_45 = vector.extract_strided_slice %concatenate3A_8 {offsets = [3, 0], sizes = [224, 232], strides = [1, 1]} : vector<232x232xf32> to vector<224x232xf32>
    %add3A_46 = arith.addf %slice3A_44, %slice3A_45 : vector<224x232xf32>
    %slice3A_47 = vector.extract_strided_slice %concatenate3A_8 {offsets = [4, 0], sizes = [224, 232], strides = [1, 1]} : vector<232x232xf32> to vector<224x232xf32>
    %add3A_48 = arith.addf %add3A_46, %slice3A_47 : vector<224x232xf32>
    %slice3A_49 = vector.extract_strided_slice %concatenate3A_8 {offsets = [5, 0], sizes = [224, 232], strides = [1, 1]} : vector<232x232xf32> to vector<224x232xf32>
    %add3A_50 = arith.addf %add3A_48, %slice3A_49 : vector<224x232xf32>
    %slice3A_51 = vector.extract_strided_slice %concatenate3A_8 {offsets = [6, 0], sizes = [224, 232], strides = [1, 1]} : vector<232x232xf32> to vector<224x232xf32>
    %add3A_52 = arith.addf %add3A_50, %slice3A_51 : vector<224x232xf32>
    %slice3A_53 = vector.extract_strided_slice %add3A_52 {offsets = [0, 2], sizes = [224, 224], strides = [1, 1]} : vector<224x232xf32> to vector<224x224xf32>
    %slice3A_54 = vector.extract_strided_slice %add3A_52 {offsets = [0, 3], sizes = [224, 224], strides = [1, 1]} : vector<224x232xf32> to vector<224x224xf32>
    %add3A_55 = arith.addf %slice3A_53, %slice3A_54 : vector<224x224xf32>
    %slice3A_56 = vector.extract_strided_slice %add3A_52 {offsets = [0, 4], sizes = [224, 224], strides = [1, 1]} : vector<224x232xf32> to vector<224x224xf32>
    %add3A_57 = arith.addf %add3A_55, %slice3A_56 : vector<224x224xf32>
    %slice3A_58 = vector.extract_strided_slice %add3A_52 {offsets = [0, 5], sizes = [224, 224], strides = [1, 1]} : vector<224x232xf32> to vector<224x224xf32>
    %add3A_59 = arith.addf %add3A_57, %slice3A_58 : vector<224x224xf32>
    %slice3A_60 = vector.extract_strided_slice %add3A_52 {offsets = [0, 6], sizes = [224, 224], strides = [1, 1]} : vector<224x232xf32> to vector<224x224xf32>
    %add3A_61 = arith.addf %add3A_59, %slice3A_60 : vector<224x224xf32>
    %mul3A_62 = arith.constant 4.000000e-02 : f32
    %mul3A_63 = vector.broadcast %mul3A_62 : f32 to vector<224x224xf32>
    %mul3A_64 = arith.mulf %add3A_61, %mul3A_63 : vector<224x224xf32>
    %slice3A_65 = vector.extract_strided_slice %mul3A_64 {offsets = [0, 0], sizes = [1, 224], strides = [1, 1]} : vector<224x224xf32> to vector<1x224xf32>
    %broadcast_in_dim3A_66 = vector.shape_cast %slice3A_65 : vector<1x224xf32> to vector<1x224xf32>
    %broadcast_in_dim3A_67 = vector.broadcast %broadcast_in_dim3A_66 : vector<1x224xf32> to vector<16x224xf32>
    %slice3A_68 = vector.extract_strided_slice %mul3A_64 {offsets = [223, 0], sizes = [1, 224], strides = [1, 1]} : vector<224x224xf32> to vector<1x224xf32>
    %broadcast_in_dim3A_69 = vector.shape_cast %slice3A_68 : vector<1x224xf32> to vector<1x224xf32>
    %broadcast_in_dim3A_70 = vector.broadcast %broadcast_in_dim3A_69 : vector<1x224xf32> to vector<16x224xf32>
    %concatenate3A_71 = tpu.concatenate %broadcast_in_dim3A_67, %mul3A_64, %broadcast_in_dim3A_70 in 0 : vector<16x224xf32>, vector<224x224xf32>, vector<16x224xf32> -> vector<256x224xf32>
    %swap3A_72 = arith.constant 256 : index
    %swap3A_73 = arith.constant 16 : index
    %swap3A_74 = vector.load %arg2[%swap3A_72, %swap3A_73] : memref<1024x256xf32, #tpu.memory_space<vmem>>, vector<256x224xf32>
    tpu.vector_store %arg2[%swap3A_72, %swap3A_73], %concatenate3A_71 {strides = array<i32>} : memref<1024x256xf32, #tpu.memory_space<vmem>>, vector<256x224xf32>,
    %get3A_75 = arith.constant 256 : index
    %get3A_76 = arith.constant 16 : index
    %get3A_77 = vector.load %arg2[%get3A_75, %get3A_76] : memref<1024x256xf32, #tpu.memory_space<vmem>>, vector<256x1xf32>
    %broadcast_in_dim3A_78 = vector.shape_cast %get3A_77 : vector<256x1xf32> to vector<256x1xf32>
    %broadcast_in_dim3A_79 = vector.broadcast %broadcast_in_dim3A_78 : vector<256x1xf32> to vector<256x16xf32>
    %swap3A_80 = arith.constant 256 : index
    %swap3A_81 = arith.constant 0 : index
    %swap3A_82 = vector.load %arg2[%swap3A_80, %swap3A_81] : memref<1024x256xf32, #tpu.memory_space<vmem>>, vector<256x16xf32>
    tpu.vector_store %arg2[%swap3A_80, %swap3A_81], %broadcast_in_dim3A_79 {strides = array<i32>} : memref<1024x256xf32, #tpu.memory_space<vmem>>, vector<256x16xf32>,
    %get3A_83 = arith.constant 256 : index
    %get3A_84 = arith.constant 239 : index
    %get3A_85 = vector.load %arg2[%get3A_83, %get3A_84] : memref<1024x256xf32, #tpu.memory_space<vmem>>, vector<256x1xf32>
    %broadcast_in_dim3A_86 = vector.shape_cast %get3A_85 : vector<256x1xf32> to vector<256x1xf32>
    %broadcast_in_dim3A_87 = vector.broadcast %broadcast_in_dim3A_86 : vector<256x1xf32> to vector<256x16xf32>
    %swap3A_88 = arith.constant 256 : index
    %swap3A_89 = arith.constant 240 : index
    %swap3A_90 = vector.load %arg2[%swap3A_88, %swap3A_89] : memref<1024x256xf32, #tpu.memory_space<vmem>>, vector<256x16xf32>
    tpu.vector_store %arg2[%swap3A_88, %swap3A_89], %broadcast_in_dim3A_87 {strides = array<i32>} : memref<1024x256xf32, #tpu.memory_space<vmem>>, vector<256x16xf32>,
    %slice3A_91 = vector.extract_strided_slice %concatenate3A_8 {offsets = [1, 0], sizes = [224, 232], strides = [1, 1]} : vector<232x232xf32> to vector<224x232xf32>
    %slice3A_92 = vector.extract_strided_slice %concatenate3A_8 {offsets = [2, 0], sizes = [224, 232], strides = [1, 1]} : vector<232x232xf32> to vector<224x232xf32>
    %add3A_93 = arith.addf %slice3A_91, %slice3A_92 : vector<224x232xf32>
    %slice3A_94 = vector.extract_strided_slice %concatenate3A_8 {offsets = [3, 0], sizes = [224, 232], strides = [1, 1]} : vector<232x232xf32> to vector<224x232xf32>
    %add3A_95 = arith.addf %add3A_93, %slice3A_94 : vector<224x232xf32>
    %slice3A_96 = vector.extract_strided_slice %concatenate3A_8 {offsets = [4, 0], sizes = [224, 232], strides = [1, 1]} : vector<232x232xf32> to vector<224x232xf32>
    %add3A_97 = arith.addf %add3A_95, %slice3A_96 : vector<224x232xf32>
    %slice3A_98 = vector.extract_strided_slice %concatenate3A_8 {offsets = [5, 0], sizes = [224, 232], strides = [1, 1]} : vector<232x232xf32> to vector<224x232xf32>
    %add3A_99 = arith.addf %add3A_97, %slice3A_98 : vector<224x232xf32>
    %slice3A_100 = vector.extract_strided_slice %concatenate3A_8 {offsets = [6, 0], sizes = [224, 232], strides = [1, 1]} : vector<232x232xf32> to vector<224x232xf32>
    %add3A_101 = arith.addf %add3A_99, %slice3A_100 : vector<224x232xf32>
    %slice3A_102 = vector.extract_strided_slice %concatenate3A_8 {offsets = [7, 0], sizes = [224, 232], strides = [1, 1]} : vector<232x232xf32> to vector<224x232xf32>
    %add3A_103 = arith.addf %add3A_101, %slice3A_102 : vector<224x232xf32>
    %slice3A_104 = vector.extract_strided_slice %add3A_103 {offsets = [0, 1], sizes = [224, 224], strides = [1, 1]} : vector<224x232xf32> to vector<224x224xf32>
    %slice3A_105 = vector.extract_strided_slice %add3A_103 {offsets = [0, 2], sizes = [224, 224], strides = [1, 1]} : vector<224x232xf32> to vector<224x224xf32>
    %add3A_106 = arith.addf %slice3A_104, %slice3A_105 : vector<224x224xf32>
    %slice3A_107 = vector.extract_strided_slice %add3A_103 {offsets = [0, 3], sizes = [224, 224], strides = [1, 1]} : vector<224x232xf32> to vector<224x224xf32>
    %add3A_108 = arith.addf %add3A_106, %slice3A_107 : vector<224x224xf32>
    %slice3A_109 = vector.extract_strided_slice %add3A_103 {offsets = [0, 4], sizes = [224, 224], strides = [1, 1]} : vector<224x232xf32> to vector<224x224xf32>
    %add3A_110 = arith.addf %add3A_108, %slice3A_109 : vector<224x224xf32>
    %slice3A_111 = vector.extract_strided_slice %add3A_103 {offsets = [0, 5], sizes = [224, 224], strides = [1, 1]} : vector<224x232xf32> to vector<224x224xf32>
    %add3A_112 = arith.addf %add3A_110, %slice3A_111 : vector<224x224xf32>
    %slice3A_113 = vector.extract_strided_slice %add3A_103 {offsets = [0, 6], sizes = [224, 224], strides = [1, 1]} : vector<224x232xf32> to vector<224x224xf32>
    %add3A_114 = arith.addf %add3A_112, %slice3A_113 : vector<224x224xf32>
    %slice3A_115 = vector.extract_strided_slice %add3A_103 {offsets = [0, 7], sizes = [224, 224], strides = [1, 1]} : vector<224x232xf32> to vector<224x224xf32>
    %add3A_116 = arith.addf %add3A_114, %slice3A_115 : vector<224x224xf32>
    %mul3A_117 = arith.constant 0.0204081628 : f32
    %mul3A_118 = vector.broadcast %mul3A_117 : f32 to vector<224x224xf32>
    %mul3A_119 = arith.mulf %add3A_116, %mul3A_118 : vector<224x224xf32>
    %slice3A_120 = vector.extract_strided_slice %mul3A_119 {offsets = [0, 0], sizes = [1, 224], strides = [1, 1]} : vector<224x224xf32> to vector<1x224xf32>
    %broadcast_in_dim3A_121 = vector.shape_cast %slice3A_120 : vector<1x224xf32> to vector<1x224xf32>
    %broadcast_in_dim3A_122 = vector.broadcast %broadcast_in_dim3A_121 : vector<1x224xf32> to vector<16x224xf32>
    %slice3A_123 = vector.extract_strided_slice %mul3A_119 {offsets = [223, 0], sizes = [1, 224], strides = [1, 1]} : vector<224x224xf32> to vector<1x224xf32>
    %broadcast_in_dim3A_124 = vector.shape_cast %slice3A_123 : vector<1x224xf32> to vector<1x224xf32>
    %broadcast_in_dim3A_125 = vector.broadcast %broadcast_in_dim3A_124 : vector<1x224xf32> to vector<16x224xf32>
    %concatenate3A_126 = tpu.concatenate %broadcast_in_dim3A_122, %mul3A_119, %broadcast_in_dim3A_125 in 0 : vector<16x224xf32>, vector<224x224xf32>, vector<16x224xf32> -> vector<256x224xf32>
    %swap3A_127 = arith.constant 512 : index
    %swap3A_128 = arith.constant 16 : index
    %swap3A_129 = vector.load %arg2[%swap3A_127, %swap3A_128] : memref<1024x256xf32, #tpu.memory_space<vmem>>, vector<256x224xf32>
    tpu.vector_store %arg2[%swap3A_127, %swap3A_128], %concatenate3A_126 {strides = array<i32>} : memref<1024x256xf32, #tpu.memory_space<vmem>>, vector<256x224xf32>,
    %get3A_130 = arith.constant 512 : index
    %get3A_131 = arith.constant 16 : index
    %get3A_132 = vector.load %arg2[%get3A_130, %get3A_131] : memref<1024x256xf32, #tpu.memory_space<vmem>>, vector<256x1xf32>
    %broadcast_in_dim3A_133 = vector.shape_cast %get3A_132 : vector<256x1xf32> to vector<256x1xf32>
    %broadcast_in_dim3A_134 = vector.broadcast %broadcast_in_dim3A_133 : vector<256x1xf32> to vector<256x16xf32>
    %swap3A_135 = arith.constant 512 : index
    %swap3A_136 = arith.constant 0 : index
    %swap3A_137 = vector.load %arg2[%swap3A_135, %swap3A_136] : memref<1024x256xf32, #tpu.memory_space<vmem>>, vector<256x16xf32>
    tpu.vector_store %arg2[%swap3A_135, %swap3A_136], %broadcast_in_dim3A_134 {strides = array<i32>} : memref<1024x256xf32, #tpu.memory_space<vmem>>, vector<256x16xf32>,
    %get3A_138 = arith.constant 512 : index
    %get3A_139 = arith.constant 239 : index
    %get3A_140 = vector.load %arg2[%get3A_138, %get3A_139] : memref<1024x256xf32, #tpu.memory_space<vmem>>, vector<256x1xf32>
    %broadcast_in_dim3A_141 = vector.shape_cast %get3A_140 : vector<256x1xf32> to vector<256x1xf32>
    %broadcast_in_dim3A_142 = vector.broadcast %broadcast_in_dim3A_141 : vector<256x1xf32> to vector<256x16xf32>
    %swap3A_143 = arith.constant 512 : index
    %swap3A_144 = arith.constant 240 : index
    %swap3A_145 = vector.load %arg2[%swap3A_143, %swap3A_144] : memref<1024x256xf32, #tpu.memory_space<vmem>>, vector<256x16xf32>
    tpu.vector_store %arg2[%swap3A_143, %swap3A_144], %broadcast_in_dim3A_142 {strides = array<i32>} : memref<1024x256xf32, #tpu.memory_space<vmem>>, vector<256x16xf32>,
    %slice3A_146 = vector.extract_strided_slice %concatenate3A_8 {offsets = [0, 0], sizes = [224, 232], strides = [1, 1]} : vector<232x232xf32> to vector<224x232xf32>
    %slice3A_147 = vector.extract_strided_slice %concatenate3A_8 {offsets = [1, 0], sizes = [224, 232], strides = [1, 1]} : vector<232x232xf32> to vector<224x232xf32>
    %add3A_148 = arith.addf %slice3A_146, %slice3A_147 : vector<224x232xf32>
    %slice3A_149 = vector.extract_strided_slice %concatenate3A_8 {offsets = [2, 0], sizes = [224, 232], strides = [1, 1]} : vector<232x232xf32> to vector<224x232xf32>
    %add3A_150 = arith.addf %add3A_148, %slice3A_149 : vector<224x232xf32>
    %slice3A_151 = vector.extract_strided_slice %concatenate3A_8 {offsets = [3, 0], sizes = [224, 232], strides = [1, 1]} : vector<232x232xf32> to vector<224x232xf32>
    %add3A_152 = arith.addf %add3A_150, %slice3A_151 : vector<224x232xf32>
    %slice3A_153 = vector.extract_strided_slice %concatenate3A_8 {offsets = [4, 0], sizes = [224, 232], strides = [1, 1]} : vector<232x232xf32> to vector<224x232xf32>
    %add3A_154 = arith.addf %add3A_152, %slice3A_153 : vector<224x232xf32>
    %slice3A_155 = vector.extract_strided_slice %concatenate3A_8 {offsets = [5, 0], sizes = [224, 232], strides = [1, 1]} : vector<232x232xf32> to vector<224x232xf32>
    %add3A_156 = arith.addf %add3A_154, %slice3A_155 : vector<224x232xf32>
    %slice3A_157 = vector.extract_strided_slice %concatenate3A_8 {offsets = [6, 0], sizes = [224, 232], strides = [1, 1]} : vector<232x232xf32> to vector<224x232xf32>
    %add3A_158 = arith.addf %add3A_156, %slice3A_157 : vector<224x232xf32>
    %slice3A_159 = vector.extract_strided_slice %concatenate3A_8 {offsets = [7, 0], sizes = [224, 232], strides = [1, 1]} : vector<232x232xf32> to vector<224x232xf32>
    %add3A_160 = arith.addf %add3A_158, %slice3A_159 : vector<224x232xf32>
    %slice3A_161 = vector.extract_strided_slice %concatenate3A_8 {offsets = [8, 0], sizes = [224, 232], strides = [1, 1]} : vector<232x232xf32> to vector<224x232xf32>
    %add3A_162 = arith.addf %add3A_160, %slice3A_161 : vector<224x232xf32>
    %slice3A_163 = vector.extract_strided_slice %add3A_162 {offsets = [0, 0], sizes = [224, 224], strides = [1, 1]} : vector<224x232xf32> to vector<224x224xf32>
    %slice3A_164 = vector.extract_strided_slice %add3A_162 {offsets = [0, 1], sizes = [224, 224], strides = [1, 1]} : vector<224x232xf32> to vector<224x224xf32>
    %add3A_165 = arith.addf %slice3A_163, %slice3A_164 : vector<224x224xf32>
    %slice3A_166 = vector.extract_strided_slice %add3A_162 {offsets = [0, 2], sizes = [224, 224], strides = [1, 1]} : vector<224x232xf32> to vector<224x224xf32>
    %add3A_167 = arith.addf %add3A_165, %slice3A_166 : vector<224x224xf32>
    %slice3A_168 = vector.extract_strided_slice %add3A_162 {offsets = [0, 3], sizes = [224, 224], strides = [1, 1]} : vector<224x232xf32> to vector<224x224xf32>
    %add3A_169 = arith.addf %add3A_167, %slice3A_168 : vector<224x224xf32>
    %slice3A_170 = vector.extract_strided_slice %add3A_162 {offsets = [0, 4], sizes = [224, 224], strides = [1, 1]} : vector<224x232xf32> to vector<224x224xf32>
    %add3A_171 = arith.addf %add3A_169, %slice3A_170 : vector<224x224xf32>
    %slice3A_172 = vector.extract_strided_slice %add3A_162 {offsets = [0, 5], sizes = [224, 224], strides = [1, 1]} : vector<224x232xf32> to vector<224x224xf32>
    %add3A_173 = arith.addf %add3A_171, %slice3A_172 : vector<224x224xf32>
    %slice3A_174 = vector.extract_strided_slice %add3A_162 {offsets = [0, 6], sizes = [224, 224], strides = [1, 1]} : vector<224x232xf32> to vector<224x224xf32>
    %add3A_175 = arith.addf %add3A_173, %slice3A_174 : vector<224x224xf32>
    %slice3A_176 = vector.extract_strided_slice %add3A_162 {offsets = [0, 7], sizes = [224, 224], strides = [1, 1]} : vector<224x232xf32> to vector<224x224xf32>
    %add3A_177 = arith.addf %add3A_175, %slice3A_176 : vector<224x224xf32>
    %slice3A_178 = vector.extract_strided_slice %add3A_162 {offsets = [0, 8], sizes = [224, 224], strides = [1, 1]} : vector<224x232xf32> to vector<224x224xf32>
    %add3A_179 = arith.addf %add3A_177, %slice3A_178 : vector<224x224xf32>
    %mul3A_180 = arith.constant 0.0123456791 : f32
    %mul3A_181 = vector.broadcast %mul3A_180 : f32 to vector<224x224xf32>
    %mul3A_182 = arith.mulf %add3A_179, %mul3A_181 : vector<224x224xf32>
    %slice3A_183 = vector.extract_strided_slice %mul3A_182 {offsets = [0, 0], sizes = [1, 224], strides = [1, 1]} : vector<224x224xf32> to vector<1x224xf32>
    %broadcast_in_dim3A_184 = vector.shape_cast %slice3A_183 : vector<1x224xf32> to vector<1x224xf32>
    %broadcast_in_dim3A_185 = vector.broadcast %broadcast_in_dim3A_184 : vector<1x224xf32> to vector<16x224xf32>
    %slice3A_186 = vector.extract_strided_slice %mul3A_182 {offsets = [223, 0], sizes = [1, 224], strides = [1, 1]} : vector<224x224xf32> to vector<1x224xf32>
    %broadcast_in_dim3A_187 = vector.shape_cast %slice3A_186 : vector<1x224xf32> to vector<1x224xf32>
    %broadcast_in_dim3A_188 = vector.broadcast %broadcast_in_dim3A_187 : vector<1x224xf32> to vector<16x224xf32>
    %concatenate3A_189 = tpu.concatenate %broadcast_in_dim3A_185, %mul3A_182, %broadcast_in_dim3A_188 in 0 : vector<16x224xf32>, vector<224x224xf32>, vector<16x224xf32> -> vector<256x224xf32>
    %swap3A_190 = arith.constant 768 : index
    %swap3A_191 = arith.constant 16 : index
    %swap3A_192 = vector.load %arg2[%swap3A_190, %swap3A_191] : memref<1024x256xf32, #tpu.memory_space<vmem>>, vector<256x224xf32>
    tpu.vector_store %arg2[%swap3A_190, %swap3A_191], %concatenate3A_189 {strides = array<i32>} : memref<1024x256xf32, #tpu.memory_space<vmem>>, vector<256x224xf32>,
    %get3A_193 = arith.constant 768 : index
    %get3A_194 = arith.constant 16 : index
    %get3A_195 = vector.load %arg2[%get3A_193, %get3A_194] : memref<1024x256xf32, #tpu.memory_space<vmem>>, vector<256x1xf32>
    %broadcast_in_dim3A_196 = vector.shape_cast %get3A_195 : vector<256x1xf32> to vector<256x1xf32>
    %broadcast_in_dim3A_197 = vector.broadcast %broadcast_in_dim3A_196 : vector<256x1xf32> to vector<256x16xf32>
    %swap3A_198 = arith.constant 768 : index
    %swap3A_199 = arith.constant 0 : index
    %swap3A_200 = vector.load %arg2[%swap3A_198, %swap3A_199] : memref<1024x256xf32, #tpu.memory_space<vmem>>, vector<256x16xf32>
    tpu.vector_store %arg2[%swap3A_198, %swap3A_199], %broadcast_in_dim3A_197 {strides = array<i32>} : memref<1024x256xf32, #tpu.memory_space<vmem>>, vector<256x16xf32>,
    %get3A_201 = arith.constant 768 : index
    %get3A_202 = arith.constant 239 : index
    %get3A_203 = vector.load %arg2[%get3A_201, %get3A_202] : memref<1024x256xf32, #tpu.memory_space<vmem>>, vector<256x1xf32>
    %broadcast_in_dim3A_204 = vector.shape_cast %get3A_203 : vector<256x1xf32> to vector<256x1xf32>
    %broadcast_in_dim3A_205 = vector.broadcast %broadcast_in_dim3A_204 : vector<256x1xf32> to vector<256x16xf32>
    %swap3A_206 = arith.constant 768 : index
    %swap3A_207 = arith.constant 240 : index
    %swap3A_208 = vector.load %arg2[%swap3A_206, %swap3A_207] : memref<1024x256xf32, #tpu.memory_space<vmem>>, vector<256x16xf32>
    tpu.vector_store %arg2[%swap3A_206, %swap3A_207], %broadcast_in_dim3A_205 {strides = array<i32>} : memref<1024x256xf32, #tpu.memory_space<vmem>>, vector<256x16xf32>,
    return
  }
  func.func @transform_0(%arg0: i32) -> (i32, i32, i32, i32) {
    %c0_i32 = arith.constant 0 : i32
    %c0_i32_0 = arith.constant 0 : i32
    %c0_i32_1 = arith.constant 0 : i32
    %c0_i32_2 = arith.constant 0 : i32
    return %arg0, %c0_i32, %c0_i32_0, %c0_i32_1 : i32, i32, i32, i32
  }
  func.func @transform_1(%arg0: i32) -> (i32, i32) {
    %c0_i32 = arith.constant 0 : i32
    %c0_i32_0 = arith.constant 0 : i32
    return %arg0, %c0_i32 : i32, i32
  }
}

</mosaic_0001>

<sc_bundles>
// kernel: kernel.4.cloned.1.call-start
scs
__scs_entry_jumppad:
0x0: {  	(pc) =	sbr.rel $0x88, $3  }
0x1: {  	(tag) =	ssettag $0x0;
	lr =	simm.s32 $0x1  }
0x2: {  	[smem:$0x3F9A] =	sst lr;
	_ =	strace $0xD0000000  }
0x3: {  	_ = 	snop  }
0x4: {  	_ = 	snop  }
0x5: {  	_ = 	snop  }
0x6: {  	_ = 	snop  }
0x7: {  	_ = 	snop  }
__scs_overlays_trampoline_lowered:
0x8: {  	[smem:$0x3FA9] =	sst s0  }
0x9: {  	[smem:$0x3FAA] =	sst s1  }
0xa: {  	[smem:$0x3FAB] =	sst s2  }
0xb: {  	[smem:$0x3FAC] =	sst s3  }
0xc: {  	[smem:$0x3FAD] =	sst s4  }
0xd: {  	[smem:$0x3FAE] =	sst s5  }
0xe: {  	[smem:$0x3FAF] =	sst s6  }
0xf: {  	[smem:$0x3FB0] =	sst s7  }
0x10: {  	[smem:$0x3FB1] =	sst s8  }
0x11: {  	[smem:$0x3FB2] =	sst s9;
	s0 =	simm.s32 @!p0 $0x0  }
0x12: {  	s1 =	sld [smem:$0x3F98];
	s0 =	simm.s32 @p0 $0x1  }
0x13: {  	[smem:$0x3FB3] =	sst s0;
	s0 =	simm.s32 @!p1 $0x0  }
0x14: {  	s2 =	sld [smem:$0x3F97];
	s0 =	simm.s32 @p1 $0x1  }
0x15: {  	[smem:$0x3FB4] =	sst s0;
	s0 =	simm.s32 @!p2 $0x0  }
0x16: {  	s3 =	sld [smem:$0x3FDB];
	s0 =	simm.s32 @p2 $0x1  }
0x17: {  	s4 =	simm.s32 $0x1BF5;
	[smem:$0x3FB6] =	sst s0  }
0x18: {  	s0 =	sld [smem:$0x3F99];
	_ =	swait.ge [sflag:s4], $0x0  }
0x19: {  	s7 =	sld [smem:$0x3F9A]  }
0x1a: {  	s8 =	sadd.s32 $0xFFFFE003, lr  }
0x1b: {  	s9 =	sadd.s32 $0xFFFFFEF7, lr;
	s5 =	simm.s32 $0xFFFFFFFF;
	p2 =	slt.u32 s8, $0xFFFFF086  }
0x1c: {  	p1 =	slt.u32 s9, $0xF7A;
	s5 =	simm.s32 @!p2 $0x0  }
0x1d: {  	s5 =	simm.s32 @p1 $0x1;
	p0 =	seq.s32 s7, s2  }
0x1e: {  	s7 =	smul.u32 @!p0 $0xF7A, s2;
	p2 =	seq.s32 @!p0 s5, $0x0  }
0x1f: {  	s9 =	smul.u32 $0xF7A, s1;
	s8 =	simm.s32 @!p0 $0x1BF5;
	p2 =	por !p2, p0  }
0x20: {  	[sflag:s8] =	ssyncset.s32 @!p0 $0xFFFFF086;
	s6 =	sadd.s32 @!p0 s3, s7;
	s7 =	simm.s32 @!p0 $0x108  }
0x21: {  	s3 =	sadd.s32 s3, s9;
	s6 =	sadd.s32 @!p0 $0x88, s6;
	s7 =	simm.s32 @p2 $0x1082  }
0x22: {  	[simem:s7], [sflag:s8] =	dma.local @!p0 [hbm:s6], $0xF7A  }
0x23: {  	s9 =	sor.u32 $0xD0000000, s2;
	s6 =	simm.s32 $0x108;
	_ =	swait.ge @!p0 [sflag:s8], $0x0  }
0x24: {  	s3 =	sadd.s32 $0x88, s3;
	s6 =	simm.s32 @!p1 $0x1082;
	[sflag:s4] =	ssyncset.s32 $0xFFFFF086  }
0x25: {  	[simem:s6], [sflag:s4] =	dma.local [hbm:s3], $0xF7A  }
0x26: {  	[smem:$0x3F9A] =	sst s1;
	(tag) =	ssettag s2;
	_ =	strace s9  }
0x27: {  	s1 =	sld [smem:$0x3FAA]  }
0x28: {  	s2 =	sld [smem:$0x3FAB]  }
0x29: {  	s4 =	sld [smem:$0x3FAD]  }
0x2a: {  	p0 =	seq.s32 s5, $0x0;
	s5 =	sld [smem:$0x3FAE]  }
0x2b: {  	s6 =	sld [smem:$0x3FAF]  }
0x2c: {  	s7 =	sld [smem:$0x3FB0]  }
0x2d: {  	s3 =	simm.s32 $0x108;
	s8 =	sld [smem:$0x3FB1]  }
0x2e: {  	s3 =	simm.s32 @!p0 $0x1082;
	s9 =	sld [smem:$0x3FB2]  }
0x2f: {  	lr =	sadd.s32 s0, s3;
	s0 =	sld [smem:$0x3FA9]  }
0x30: {  	s3 =	sld [smem:$0x3FAC]  }
0x31: {  	[smem:$0x3FB5] =	sst s10  }
0x32: {  	s10 =	sld [smem:$0x3FB3];
	_ =	sdelay $0x3  }
0x33: {  	p0 =	seq.s32 s10, $0x1;
	s10 =	sld [smem:$0x3FB5];
	_ =	sdelay $0x3  }
0x34: {  	[smem:$0x3FB5] =	sst s10  }
0x35: {  	s10 =	sld [smem:$0x3FB4];
	_ =	sdelay $0x3  }
0x36: {  	p1 =	seq.s32 s10, $0x1;
	s10 =	sld [smem:$0x3FB5];
	_ =	sdelay $0x3  }
0x37: {  	[smem:$0x3FB5] =	sst s10  }
0x38: {  	s10 =	sld [smem:$0x3FB6]  }
0x39: {  	_ = 	snop;
	(pc) =	sbr.ind lr, $3  }
0x3a: {  	_ = 	snop  }
0x3b: {  	_ = 	snop  }
0x3c: {  	p2 =	seq.s32 s10, $0x1;
	s10 =	sld [smem:$0x3FB5]  }
0x3d: {  	_ =	shalt  }
0x3e: {  	_ =	shalt  }
0x3f: {  	_ =	shalt  }
0x40: {  	_ =	shalt  }
0x41: {  	_ =	shalt  }
0x42: {  	_ =	shalt  }
0x43: {  	_ =	shalt  }
0x44: {  	_ =	shalt  }
0x45: {  	_ =	shalt  }
0x46: {  	_ =	shalt  }
0x47: {  	_ =	shalt  }
0x48: {  	_ =	shalt  }
0x49: {  	_ =	shalt  }
0x4a: {  	_ =	shalt  }
0x4b: {  	_ =	shalt  }
0x4c: {  	_ =	shalt  }
0x4d: {  	_ =	shalt  }
0x4e: {  	_ =	shalt  }
0x4f: {  	_ =	shalt  }
0x50: {  	_ =	shalt  }
0x51: {  	_ =	shalt  }
0x52: {  	_ =	shalt  }
0x53: {  	_ =	shalt  }
0x54: {  	_ =	shalt  }
0x55: {  	_ =	shalt  }
0x56: {  	_ =	shalt  }
0x57: {  	_ =	shalt  }
0x58: {  	_ =	shalt  }
0x59: {  	_ =	shalt  }
0x5a: {  	_ =	shalt  }
0x5b: {  	_ =	shalt  }
0x5c: {  	_ =	shalt  }
0x5d: {  	_ =	shalt  }
0x5e: {  	_ =	shalt  }
0x5f: {  	_ =	shalt  }
0x60: {  	_ =	shalt  }
0x61: {  	_ =	shalt  }
0x62: {  	_ =	shalt  }
0x63: {  	_ =	shalt  }
0x64: {  	_ =	shalt  }
0x65: {  	_ =	shalt  }
0x66: {  	_ =	shalt  }
0x67: {  	_ =	shalt  }
0x68: {  	_ =	shalt  }
0x69: {  	_ =	shalt  }
0x6a: {  	_ =	shalt  }
0x6b: {  	_ =	shalt  }
0x6c: {  	_ =	shalt  }
0x6d: {  	_ =	shalt  }
0x6e: {  	_ =	shalt  }
0x6f: {  	_ =	shalt  }
0x70: {  	_ =	shalt  }
0x71: {  	_ =	shalt  }
0x72: {  	_ =	shalt  }
0x73: {  	_ =	shalt  }
0x74: {  	_ =	shalt  }
0x75: {  	_ =	shalt  }
0x76: {  	_ =	shalt  }
0x77: {  	_ =	shalt  }
0x78: {  	_ =	shalt  }
0x79: {  	_ =	shalt  }
0x7a: {  	_ =	shalt  }
0x7b: {  	_ =	shalt  }
0x7c: {  	_ =	shalt  }
0x7d: {  	_ =	shalt  }
0x7e: {  	_ =	shalt  }
0x7f: {  	_ =	shalt  }
0x80: {  	_ =	shalt  }
0x81: {  	_ =	shalt  }
0x82: {  	_ =	shalt  }
0x83: {  	_ =	shalt  }
0x84: {  	_ =	shalt  }
0x85: {  	_ =	shalt  }
0x86: {  	_ =	shalt  }
0x87: {  	_ =	shalt  }
.Lfunc_end0:
.L_simem_size_0:
called_computation_lowered:
.L_overlay_start_0:
0x88: {  	s2 =	sld [smem:$0x3FD9]  }
0x89: {  	s3 =	sld [smem:$0x3FFE];
	_ =	sdelay $0x1  }
0x8a: {  	s1 =	srdreg.scid  }
0x8b: {  	s0 =	sand.u32 $0x1, s1  }
0x8c: {  	s17 =	sshll.u32 s0, $0xA;
	s2 =	sadd.s32 s3, s2  }
0x8d: {  	s2 =	sadd.s32 s2, s17  }
0x8e: {  	[smem:$0x3FC1] =	sst s2  }
0x8f: {  	_ = 	snop  }
0x90: {  	s2 =	sld [smem:$0x3FC4]  }
0x91: {  	s18 =	sld [smem:$0x3FD0];
	(tm) =	ssettm $0x1  }
0x92: {  	s4 =	sld [smem:$0x3FFB];
	_ =	sdelay $0x3  }
0x93: {  	_ =	strace s4  }
0x94: {  	s4 =	sld [smem:$0x3FFC];
	_ =	sdelay $0x3  }
0x95: {  	_ =	strace s4  }
0x96: {  	s4 =	sld [smem:$0x3FFD];
	_ =	sdelay $0x3  }
0x97: {  	_ =	strace s4  }
0x98: {  	_ =	strace $0x8FFFFFFF  }
0x99: {  	s19 =	sld [smem:$0x3FDB];
	_ =	sdelay $0x1  }
0x9a: {  	s5 =	simm.s32 $_scs_section_size  }
0x9b: {  	s6 =	simm.s32 $_size__tile_overlayer_lowered;
	s7 =	simm.s32 $_tile_overlayer_lowered  }
0x9c: {  	s22 =	simm.s32 $0x1BFF;
	s21 =	sshll.u32 s7, $0x1;
	s4 =	sadd.s32 s5, s19  }
0x9d: {  	s8 =	simm.s32 $0x0;
	s20 =	sshll.u32 s6, $0x1;
	s6 =	sadd.s32 s21, s4  }
0x9e: {  	[timem:s8], [sflag:s22] =	dma.local [hbm:s6], s20  }
0x9f: {  	_ =	swait.ge [sflag:s22], s20  }
0xa0: {  	s5 =	ssub.s32 $0x0, s20;
	[sflag:s22] =	ssyncset.done $0x0  }
0xa1: {  	[sflag:s22] =	ssyncadd.s32 s5;
	_ =	sdelay $0x1  }
0xa2: {  	s23 =	simm.s32 $0x1B8B  }
0xa3: {  	_ =	swait.ge [sflag:s23], $0x1  }
0xa4: {  	[sflag:s23] =	ssyncset.done $0x0  }
0xa5: {  	s25 =	simm.s32 $0x1B8E;
	s24 =	sld [smem:$0x3FFE];
	[sflag:s23] =	ssyncadd.s32 $0xFFFFFFFF  }
0xa6: {  	s26 =	simm.s32 $execute0_lowered;
	[smem:$0x3FD2] =	sst s25  }
0xa7: {  	s6 =	sshll.u32 s26, $0x1;
	_ =	strace $0x80000046;
	[dreg:$0x1] =	wrdreg $0xFFFFFFFF  }
0xa8: {  	s28 =	simm.s32 $_size_execute0_lowered;
	s4 =	sadd.s32 s4, s6;
	[dreg:$0x0] =	wrdreg $0x0  }
0xa9: {  	s6 =	sshll.u32 s28, $0x1;
	[dreg:$0x2] =	wrdreg s4  }
0xaa: {  	[dreg:$0x3] =	wrdreg s6  }
0xab: {  	[dreg:$0x4] =	wrdreg $0xC0  }
0xac: {  	_ =	task [dreg:s8], $0x5FFFF  }
0xad: {  	[dreg:$0x1] =	wrdreg $0xFFFFFFFF  }
0xae: {  	[dreg:$0x0] =	wrdreg $0x60  }
0xaf: {  	[dreg:$0x2] =	wrdreg s24  }
0xb0: {  	[dreg:$0x3] =	wrdreg s2  }
0xb1: {  	[dreg:$0x4] =	wrdreg s18  }
0xb2: {  	[dreg:$0x5] =	wrdreg $0x9  }
0xb3: {  	_ =	task.clear_ibuf [dreg:s8], $0x6FFFF;
	_ =	strace $0x90000046  }
0xb4: {  	s29 =	simm.s32 $0x9;
	_ =	strace $0x80000048  }
0xb5: {  	_ =	swait.ge [sflag:s29], $0x1  }
0xb6: {  	[sflag:s29] =	ssyncadd.s32 $0xFFFFFFFF  }
0xb7: {  	_ =	strace $0x90000048  }
0xb8: {  	_ =	sfence  }
0xb9: {  	s30 =	sld [smem:$0x0];
	_ =	sdelay $0x2  }
0xba: {  	s31 =	sshll.u32 s1, $0xD;
	s1 =	sshrl.u32 s1, $0x2  }
0xbb: {  	s3 =	sand.u32 $0x4000, s31;
	s1 =	sadd.s32 s1, s30  }
0xbc: {  	s0 =	sor.u32 s3, s0;
	s1 =	sshll.u32 s1, $0x11  }
0xbd: {  	s0 =	sor.u32 s1, s0  }
0xbe: {  	s0 =	sadd.s32 $0x8F2B, s0  }
0xbf: {  	[sflag:s0] =	ssyncadd.remote.s32 $0x1  }
0xc0: {  	_ =	sfence.sel $0xFFFF  }
0xc1: {  	[dreg:$0x0] =	wrdreg $0xFFFFFFFF;
	(pc) =	sbr.abs _section_cstart, $3  }
0xc2: {  	[dreg:$0x1] =	wrdreg $0xFFFFFFFF  }
0xc3: {  	_ =	task.clear_ibuf [dreg:s8], $0x2FFFF;
	_ =	strace $0x9FFFFFFF  }
0xc4: {  	(tm) =	ssettm $0x7FFFFFFF  }
0xc5: {  	_ =	shalt  }
tec
execute0_lowered:
.L_overlay_start_1:
0x0: {  	(tag) =	ssettag $0x1  }
0x1: {  	s0 =	srdreg.scid;
	s8 =	rddreg [dreg:$0x0]  }
0x2: {  	s2 =	stileid.u32;
	s20 =	rddreg [dreg:$0x1]  }
0x3: {  	s4 =	simm.s32 $0x1;
	s31 =	simm.s32 $0x60;
	s29 =	simm.s32 $0x19860  }
0x4: {  	s0 =	sand.u32 $0x1, s0;
	s1 =	sshll.u32 s2, $0x1;
	s6 =	sshrl.u32 s2, $0x3  }
0x5: {  	s1 =	sor.u32 s0, s1;
	s2 =	sshll.u32 s6, $0x4;
	p1 =	seq.s32 s0, $0x1  }
0x6: {  	s0 =	ssub.s32 $0x2, s0;
	s24 =	sshll.u32 s6, $0xA;
	s25 =	smul.u32 $0x620000, s6  }
0x7: {  	s6 =	sshll.u32 s6, $0x12;
	s7 =	ssub.s32 s1, s2;
	p0 =	sne.s32 s1, s2  }
0x8: {  	s1 =	simm.s32 $0x1;
	s21 =	sshrl.u32 s0, $0x1;
	s19 =	sand.u32 $0x80, s7  }
0x9: {  	s18 =	sshra.s32 s7, $0x1F;
	s1 =	simm.s32 @!p0 $0x0;
	s2 =	sshrl.u32 s19, $0x7  }
0xa: {  	s26 =	sor.u32 $0x100, s24;
	s1 =	sor.u32 s1, s18;
	s3 =	sadd.s32 s2, s7  }
0xb: {  	s2 =	rddreg [dreg:$0x2];
	s5 =	sshra.s32 s3, $0x1;
	s3 =	simm.s32 $0x0  }
0xc: {  	s30 =	sor.u32 $0x200, s24;
	p6 =	sne.s32 s1, $0x1;
	[smem:$0x7FF] =	sst s3  }
0xd: {  	p0 =	por !p6, !p1;
	_ =	strace $0x80000047;
	[dreg:$0x7] =	wrdreg s6  }
0xe: {  	s0 =	ssub.s32 s0, s21;
	p0 =	por !p0, !p0;
	[dreg:$0x8] =	wrdreg s26  }
0xf: {  	s0 =	smax.u32 s0, $0x1;
	s4 =	simm.s32 @!p0 $0x0;
	[dreg:$0x9] =	wrdreg s30  }
0x10: {  	[dreg:$0xb] =	wrdreg s0;
	s6 =	simm.s32 $0x10;
	s9 =	ssub.s32 s5, s4  }
0x11: {  	s0 =	simm.s32 $0x3;
	s4 =	sadd.s32 $0x800, s8;
	s22 =	sshll.u32 s9, $0x1  }
0x12: {  	s5 =	smul.u32 $0x50, s9;
	s9 =	sshll.u32 s9, $0x4;
	s7 =	ssub.s32 s7, s22  }
0x13: {  	s23 =	sshrl.u32 s9, $0x3;
	s13 =	sadd.s32 s25, s9;
	s25 =	simm.s32 $0x16060  }
0x14: {  	s9 =	simm.s32 $0x0;
	s10 =	sshrl.u32 s5, $0x3;
	s5 =	simm.s32 $0x1  }
0x15: {  	s1 =	sadd.s32 s20, s23;
	s7 =	smul.u32 $0x70, s7;
	s14 =	sadd.s32 $0x1C000, s13  }
0x16: {  	s15 =	sadd.s32 $0x38000, s13;
	s16 =	sadd.s32 $0x54000, s13;
	s17 =	sadd.s32 $0x70000, s13  }
0x17: {  	s18 =	sadd.s32 $0x8C000, s13;
	s19 =	sadd.s32 $0xA8000, s13;
	s20 =	sadd.s32 $0xC4000, s13  }
0x18: {  	s21 =	sadd.s32 $0xE0000, s13;
	s22 =	sadd.s32 $0xFC000, s13;
	s23 =	sadd.s32 $0x118000, s13  }
0x19: {  	s26 =	sadd.s32 $0x150000, s13;
	s28 =	sadd.s32 $0x16C000, s13;
	[dreg:$0x5] =	wrdreg s1  }
0x1a: {  	s8 =	sadd.s32 s10, s8;
	s1 =	sor.u32 $0x300, s24;
	[dreg:$0x6] =	wrdreg s7  }
0x1b: {  	s24 =	sadd.s32 $0x134000, s13;
	s8 =	sadd.s32 $0x600, s8;
	[dreg:$0xa] =	wrdreg s1  }
0x1c: {  	s7 =	simm.s32 $0x80;
	s1 =	simm.s32 $0x2;
	[dreg:$0x4] =	wrdreg s8  }
.LBB2_1:
0x1d: {  	[dreg:$0xc] =	wrdreg s9  }
0x1e: {  	s8 =	rddreg [dreg:$0x4];
	s12 =	simm.s32 $0x4  }
0x1f: {  	[tilespmem:s3], [sflag:$0x4] =	stream.linear.gather [hbm4b:s8+s3], $0x50, $0x38;
	[tilespmem:$0x1D060] =	vst v63  }
0x20: {  	_ =	swait.ge [sflag:s12], $0x50  }
0x21: {  	[sflag:s12] =	ssyncset.done $0x0  }
0x22: {  	s10 =	simm.s32 $0x50;
	s30 =	rddreg [dreg:$0x5];
	[sflag:s12] =	ssyncadd.s32 $0xFFFFFFB0  }
0x23: {  	[tilespmem:s10], [sflag:$0x4] =	stream.linear.gather [hbm4b:s30+s3], $0x10, $0x38;
	[tilespmem:$0x1D060] =	vst v63  }
0x24: {  	_ =	swait.ge [sflag:s12], $0x10  }
0x25: {  	[sflag:s12] =	ssyncset.done $0x0  }
0x26: {  	[sflag:s12] =	ssyncadd.s32 $0xFFFFFFF0  }
0x27: {  	v0 =	vld [tilespmem:$0x40];
	_ =	sdelay $0x1  }
0x28: {  	v1 =	vld [tilespmem:$0x0]  }
0x29: {  	v2 =	vld [tilespmem:$0x10]  }
0x2a: {  	v3 =	vld [tilespmem:$0x20]  }
0x2b: {  	v4 =	vld [tilespmem:$0x30];
	v0 =	vmul.u32 $0x58, v0;
	_ =	sdelay $0x1  }
0x2c: {  	v1 =	vadd.s32 v1, v0  }
0x2d: {  	v0 =	vadd.s32 v2, v0;
	v1 =	vshll.u32 v1, $0x8  }
0x2e: {  	v2 =	vshll.u32 v0, $0x8;
	v0 =	vadd.s32 v3, v1  }
0x2f: {  	v1 =	vadd.s32 v4, v2;
	v2 =	vadd.s32 $0x400, v0;
	v6 =	vadd.s32 $0xC00, v0  }
0x30: {  	v7 =	vadd.s32 $0xC00, v1;
	v8 =	vadd.s32 $0x1000, v0;
	v9 =	vadd.s32 $0x1000, v1  }
0x31: {  	v10 =	vadd.s32 $0x1400, v0;
	v11 =	vadd.s32 $0x1400, v1;
	v12 =	vadd.s32 $0x1800, v0  }
0x32: {  	v13 =	vadd.s32 $0x1800, v1;
	v14 =	vadd.s32 $0x1C00, v0;
	v15 =	vadd.s32 $0x1C00, v1  }
0x33: {  	v16 =	vadd.s32 $0x2000, v0;
	v17 =	vadd.s32 $0x2000, v1;
	v18 =	vadd.s32 $0x2400, v0  }
0x34: {  	v19 =	vadd.s32 $0x2400, v1;
	v20 =	vadd.s32 $0x2800, v0;
	[tilespmem:$0x1FFC0] =	vst v2;
	v2 =	vadd.s32 $0x400, v1  }
0x35: {  	v25 =	vld [tilespmem:$0x50];
	v21 =	vadd.s32 $0x2800, v1;
	v22 =	vadd.s32 $0x2C00, v0;
	[tilespmem:$0x1FFD0] =	vst v2;
	v2 =	vadd.s32 $0x800, v0  }
0x36: {  	v23 =	vadd.s32 $0x2C00, v1;
	v24 =	vadd.s32 $0x3000, v0;
	[tilespmem:$0x1FFE0] =	vst v2;
	v2 =	vadd.s32 $0x800, v1  }
0x37: {  	p1 =	por $0x1, $0x1;
	s8 =	simm.s32 $0x0;
	v26 =	vadd.s32 $0x3000, v1;
	v27 =	vadd.s32 $0x3400, v0;
	v28 =	vadd.s32 $0x3400, v1;
	[tilespmem:$0x1FFF0] =	vst v2  }
.LBB2_2:
0x38: {  	s9 =	rddreg [dreg:$0x6]  }
0x39: {  	s30 =	sadd.s32 s9, s8  }
0x3a: {  	s10 =	rddreg [dreg:$0x7];
	s8 =	sshll.u32 s30, $0x8  }
0x3b: {  	s8 =	sadd.s32 s10, s8  }
0x3c: {  	s8 =	sshrl.u32 s8, $0x3  }
0x3d: {  	s11 =	rddreg [dreg:$0x8];
	s8 =	sadd.s32 s4, s8  }
0x3e: {  	[tilespmem:s31], [sflag:$0x1] =	stream.linear.gather [hbm4b:s8+s3], $0x5800, $0x38;
	[tilespmem:$0x1D060] =	vst v63  }
0x3f: {  	s8 =	sadd.s32 s30, s11  }
0x40: {  	s8 =	sshll.u32 s8, $0x5  }
0x41: {  	s8 =	sand.u32 $0x1FFFFF00, s8  }
0x42: {  	s12 =	simm.s32 $0x5860;
	s9 =	rddreg [dreg:$0x9];
	s8 =	sadd.s32 s4, s8  }
0x43: {  	[tilespmem:s12], [sflag:$0x1] =	stream.linear.gather [hbm4b:s8+s3], $0x5800, $0x38;
	[tilespmem:$0x1D060] =	vst v63  }
0x44: {  	s8 =	sadd.s32 s30, s9  }
0x45: {  	s8 =	sshll.u32 s8, $0x5  }
0x46: {  	s8 =	sand.u32 $0x1FFFFF00, s8  }
0x47: {  	s10 =	simm.s32 $0xB060;
	s11 =	rddreg [dreg:$0xa];
	s8 =	sadd.s32 s4, s8  }
0x48: {  	[tilespmem:s10], [sflag:$0x1] =	stream.linear.gather [hbm4b:s8+s3], $0x5800, $0x38;
	[tilespmem:$0x1D060] =	vst v63  }
0x49: {  	s8 =	sadd.s32 s30, s11  }
0x4a: {  	s8 =	sshll.u32 s8, $0x5  }
0x4b: {  	s8 =	sand.u32 $0x1FFFFF00, s8  }
0x4c: {  	s12 =	simm.s32 $0x10860;
	s8 =	sadd.s32 s4, s8  }
0x4d: {  	[tilespmem:s12], [sflag:$0x1] =	stream.linear.gather [hbm4b:s8+s3], $0x5800, $0x38;
	[tilespmem:$0x1D060] =	vst v63  }
0x4e: {  	_ =	swait.ge [sflag:s5], $0x5800  }
0x4f: {  	[sflag:s5] =	ssyncset.done $0x0  }
0x50: {  	[sflag:s5] =	ssyncadd.s32 $0xFFFFA800  }
0x51: {  	_ =	swait.ge [sflag:s5], $0x5800  }
0x52: {  	[sflag:s5] =	ssyncset.done $0x0  }
0x53: {  	[sflag:s5] =	ssyncadd.s32 $0xFFFFA800  }
0x54: {  	_ =	swait.ge [sflag:s5], $0x5800  }
0x55: {  	v29 =	vadd.s32 $0x1, v0;
	[sflag:s5] =	ssyncset.done $0x0  }
0x56: {  	v30 =	vadd.s32 $0x1, v1;
	[sflag:s5] =	ssyncadd.s32 $0xFFFFA800  }
0x57: {  	_ =	swait.ge [sflag:s5], $0x5800  }
0x58: {  	[sflag:s5] =	ssyncset.done $0x0  }
0x59: {  	[sflag:s5] =	ssyncadd.s32 $0xFFFFA800  }
0x5a: {  	v29 =	vld.idx.msk [tilespmem:v29+s31+$0x0], $0xffff  }
0x5b: {  	v30 =	vld.idx.msk [tilespmem:v30+s31+$0x0], $0xffff;
	_ =	sdelay $0x4  }
0x5c: {  	v29 =	vsub.f32 v29, v30;
	v30 =	vadd.s32 $0x101, v0  }
0x5d: {  	v31 =	vadd.s32 $0x101, v1  }
0x5e: {  	v32 =	vadd.s32 $0x2, v0;
	v29 =	vsub.f32 v29, v25  }
0x5f: {  	v35 =	vadd.s32 $0x2, v1;
	v34 =	vadd.s32 $0x1, v32;
	s8 =	simm.s32 $0x17C60;
	v33 =	vld.idx.msk [tilespmem:v0+s31+$0x0], $0xffff  }
0x60: {  	v36 =	vld.idx.msk [tilespmem:v1+s31+$0x0], $0xffff;
	[tilespmem:s8+$0xFFFFE410] =	vst v29;
	v29 =	vadd.s32 $0x1, v35  }
0x61: {  	v30 =	vld.idx.msk [tilespmem:v30+s31+$0x0], $0xffff  }
0x62: {  	v31 =	vld.idx.msk [tilespmem:v31+s31+$0x0], $0xffff;
	_ =	sdelay $0x1  }
0x63: {  	v34 =	vld.idx.msk [tilespmem:v34+s31+$0x0], $0xffff  }
0x64: {  	v37 =	vadd.s32 $0x100, v0;
	v33 =	vsub.f32 v33, v36;
	v29 =	vld.idx.msk [tilespmem:v29+s31+$0x0], $0xffff  }
0x65: {  	v40 =	vadd.s32 $0x100, v1;
	v62 =	vld.idx.msk [tilespmem:v32+s31+$0x0], $0xffff  }
0x66: {  	v38 =	vld.idx.msk [tilespmem:v35+s31+$0x0], $0xffff;
	v33 =	vsub.f32 v33, v25;
	v30 =	vsub.f32 v30, v31;
	v31 =	vadd.s32 $0x201, v0  }
0x67: {  	v39 =	vadd.s32 $0x201, v1  }
0x68: {  	[tilespmem:s8+$0xFFFFE400] =	vst v33;
	v30 =	vsub.f32 v30, v25  }
0x69: {  	v63 =	vadd.s32 $0x101, v32;
	v37 =	vld.idx.msk [tilespmem:v37+s31+$0x0], $0xffff;
	v29 =	vsub.f32 v34, v29  }
0x6a: {  	v45 =	vadd.s32 $0x100, v32;
	v41 =	vadd.s32 $0x101, v35;
	v40 =	vld.idx.msk [tilespmem:v40+s31+$0x0], $0xffff;
	[tilespmem:s8+$0xFFFFF210] =	vst v30  }
0x6b: {  	v36 =	vsub.f32 v62, v38;
	v30 =	vadd.s32 $0x2, v35;
	v31 =	vld.idx.msk [tilespmem:v31+s31+$0x0], $0xffff;
	v46 =	vsub.f32 v29, v25  }
0x6c: {  	s9 =	simm.s32 $0x17C80;
	v39 =	vld.idx.msk [tilespmem:v39+s31+$0x0], $0xffff;
	v47 =	vadd.s32 $0x1, v30;
	v29 =	vadd.s32 $0x2, v32  }
0x6d: {  	v36 =	vsub.f32 v36, v25;
	v42 =	vadd.s32 $0x1, v29;
	[tilespmem:s9+$0xFFFFE410] =	vst v46  }
0x6e: {  	v33 =	vld.idx.msk [tilespmem:v63+s31+$0x0], $0xffff  }
0x6f: {  	[tilespmem:s9+$0xFFFFE400] =	vst v36;
	v48 =	vld.idx.msk [tilespmem:v41+s31+$0x0], $0xffff  }
0x70: {  	v49 =	vadd.s32 $0x100, v35;
	v43 =	vld.idx.msk [tilespmem:v45+s31+$0x0], $0xffff;
	v37 =	vsub.f32 v37, v40  }
0x71: {  	v44 =	vadd.s32 $0x200, v0;
	v31 =	vsub.f32 v31, v39;
	v38 =	vld.idx.msk [tilespmem:v47+s31+$0x0], $0xffff  }
0x72: {  	v50 =	vadd.s32 $0x301, v0;
	v37 =	vsub.f32 v37, v25;
	v51 =	vld.idx.msk [tilespmem:v42+s31+$0x0], $0xffff  }
0x73: {  	v52 =	vadd.s32 $0x301, v1;
	v45 =	vld.idx.msk [tilespmem:v30+s31+$0x0], $0xffff;
	v31 =	vsub.f32 v31, v25  }
0x74: {  	v54 =	vadd.s32 $0x201, v32;
	[tilespmem:s8+$0xFFFFF200] =	vst v37;
	v53 =	vld.idx.msk [tilespmem:v29+s31+$0x0], $0xffff;
	v33 =	vsub.f32 v33, v48  }
0x75: {  	v41 =	vld.idx.msk [tilespmem:v49+s31+$0x0], $0xffff;
	[tilespmem:s8+$0x10] =	vst v31;
	v31 =	vadd.s32 $0x201, v35  }
0x76: {  	v46 =	vadd.s32 $0x200, v1;
	v42 =	vld.idx.msk [tilespmem:v44+s31+$0x0], $0xffff;
	v33 =	vsub.f32 v33, v25  }
0x77: {  	v56 =	vadd.s32 $0x101, v29;
	v47 =	vld.idx.msk [tilespmem:v50+s31+$0x0], $0xffff;
	v55 =	vsub.f32 v51, v38  }
0x78: {  	v57 =	vadd.s32 $0x101, v30;
	v37 =	vld.idx.msk [tilespmem:v52+s31+$0x0], $0xffff;
	[tilespmem:s9+$0xFFFFF210] =	vst v33  }
0x79: {  	v58 =	vadd.s32 $0x100, v29;
	v59 =	vsub.f32 v53, v45;
	v36 =	vld.idx.msk [tilespmem:v54+s31+$0x0], $0xffff;
	v34 =	vsub.f32 v55, v25  }
0x7a: {  	s10 =	simm.s32 $0x17CA0;
	v38 =	vadd.s32 $0x2, v30;
	v51 =	vadd.s32 $0x100, v30;
	v40 =	vld.idx.msk [tilespmem:v31+s31+$0x0], $0xffff  }
0x7b: {  	v45 =	vld.idx.msk [tilespmem:v46+s31+$0x0], $0xffff;
	v60 =	vsub.f32 v59, v25;
	v49 =	vadd.s32 $0x1, v38;
	v31 =	vadd.s32 $0x2, v29;
	[tilespmem:s10+$0xFFFFE410] =	vst v34  }
0x7c: {  	v48 =	vadd.s32 $0x1, v31;
	v50 =	vld.idx.msk [tilespmem:v56+s31+$0x0], $0xffff  }
0x7d: {  	[tilespmem:s10+$0xFFFFE400] =	vst v60;
	v46 =	vld.idx.msk [tilespmem:v57+s31+$0x0], $0xffff  }
0x7e: {  	v39 =	vadd.s32 $0x200, v30;
	v44 =	vadd.s32 $0x301, v32;
	v57 =	vld.idx.msk [tilespmem:v58+s31+$0x0], $0xffff  }
0x7f: {  	v62 =	vsub.f32 v43, v41;
	v52 =	vadd.s32 $0x200, v32;
	v51 =	vld.idx.msk [tilespmem:v51+s31+$0x0], $0xffff;
	v61 =	vsub.f32 v36, v40  }
0x80: {  	v32 =	vadd.s32 $0x300, v32;
	v33 =	vadd.s32 $0x300, v29;
	v43 =	vadd.s32 $0x200, v38;
	v41 =	vld.idx.msk [tilespmem:v49+s31+$0x0], $0xffff  }
0x81: {  	v54 =	vadd.s32 $0x200, v35;
	v55 =	vld.idx.msk [tilespmem:v48+s31+$0x0], $0xffff;
	v48 =	vadd.s32 $0x301, v35;
	v63 =	vsub.f32 v61, v25  }
0x82: {  	v60 =	vadd.s32 $0x300, v0;
	v37 =	vsub.f32 v47, v37;
	v56 =	vsub.f32 v62, v25;
	v49 =	vld.idx.msk [tilespmem:v38+s31+$0x0], $0xffff  }
0x83: {  	v47 =	vadd.s32 $0x100, v38;
	v58 =	vadd.s32 $0x201, v29;
	v53 =	vld.idx.msk [tilespmem:v31+s31+$0x0], $0xffff;
	v50 =	vsub.f32 v50, v46;
	[tilespmem:s9+$0x10] =	vst v63  }
0x84: {  	v34 =	vadd.s32 $0x300, v1;
	v45 =	vsub.f32 v42, v45;
	[tilespmem:s9+$0xFFFFF200] =	vst v56;
	v61 =	vadd.s32 $0x201, v30;
	v46 =	vld.idx.msk [tilespmem:v44+s31+$0x0], $0xffff  }
0x85: {  	v42 =	vadd.s32 $0x200, v31;
	v62 =	vsub.f32 v37, v25;
	v56 =	vsub.f32 v50, v25;
	v50 =	vld.idx.msk [tilespmem:v52+s31+$0x0], $0xffff  }
0x86: {  	v37 =	vadd.s32 $0x300, v31;
	v45 =	vsub.f32 v45, v25;
	v36 =	vadd.s32 $0x300, v35;
	v48 =	vld.idx.msk [tilespmem:v48+s31+$0x0], $0xffff  }
0x87: {  	v40 =	vadd.s32 $0x200, v29;
	v52 =	vld.idx.msk [tilespmem:v54+s31+$0x0], $0xffff;
	v59 =	vsub.f32 v55, v41;
	v55 =	vadd.s32 $0x101, v31;
	[tilespmem:s10+$0xFFFFF210] =	vst v56  }
0x88: {  	v35 =	vadd.s32 $0x300, v30;
	v49 =	vsub.f32 v53, v49;
	v56 =	vadd.s32 $0x101, v38;
	v53 =	vld.idx.msk [tilespmem:v58+s31+$0x0], $0xffff  }
0x89: {  	[tilespmem:s8+$0x0] =	vst v45;
	v57 =	vsub.f32 v57, v51;
	v44 =	vadd.s32 $0x100, v31;
	v59 =	vsub.f32 v59, v25;
	v54 =	vld.idx.msk [tilespmem:v61+s31+$0x0], $0xffff  }
0x8a: {  	p0 =	por p1, p1;
	s11 =	simm.s32 $0x17CC0;
	s12 =	simm.s32 $0x6;
	[tilespmem:s8+$0xE10] =	vst v62;
	v51 =	vadd.s32 $0x2, v31;
	v45 =	vmovc v38;
	v41 =	vadd.s32 $0x300, v38;
	v58 =	vsub.f32 v49, v25;
	v49 =	vld.idx.msk [tilespmem:v60+s31+$0x0], $0xffff  }
.LBB2_3:
0x8b: {  	v60 =	vadd.s32 $0x1, v51;
	[tilespmem:s11+$0xFFFFE410] =	vst v59;
	v38 =	vadd.s32 $0x2, v38;
	v46 =	vsub.f32 v46, v48;
	v48 =	vld.idx.msk [tilespmem:v34+s31+$0x0], $0xffff;
	v34 =	vmovc v36  }
0x8c: {  	v59 =	vadd.s32 $0x100, v51;
	v36 =	vmovc v35;
	v35 =	vmovc v41;
	v61 =	vadd.s32 $0x100, v38;
	v62 =	vadd.s32 $0x1, v38;
	[tilespmem:s11+$0xFFFFE400] =	vst v58;
	v55 =	vld.idx.msk [tilespmem:v55+s31+$0x0], $0xffff  }
0x8d: {  	v57 =	vsub.f32 v57, v25;
	v58 =	vadd.s32 $0x200, v51;
	v56 =	vld.idx.msk [tilespmem:v56+s31+$0x0], $0xffff;
	v46 =	vsub.f32 v46, v25  }
0x8e: {  	v2 =	vadd.s32 $0x300, v51;
	v63 =	vadd.s32 $0x200, v38;
	v50 =	vsub.f32 v50, v52;
	v3 =	vld.idx.msk [tilespmem:v44+s31+$0x0], $0xffff;
	v44 =	vmovc v59  }
0x8f: {  	s12 =	sadd.s32 $0x2, s12;
	v41 =	vadd.s32 $0x300, v38;
	v52 =	vsub.f32 v53, v54;
	v53 =	vadd.s32 $0x301, v29;
	v29 =	vmovc v31;
	v59 =	vld.idx.msk [tilespmem:v51+s31+$0x0], $0xffff;
	[tilespmem:s9+$0xE10] =	vst v46  }
0x90: {  	p1 =	slt.u32 s12, $0xDE;
	v46 =	vsub.f32 v50, v25;
	v54 =	vld.idx.msk [tilespmem:v60+s31+$0x0], $0xffff;
	[tilespmem:s10+$0xFFFFF200] =	vst v57;
	v57 =	vadd.s32 $0x301, v30;
	v30 =	vmovc v45;
	v45 =	vmov v38  }
0x91: {  	v31 =	vmov v51;
	v50 =	vsub.f32 v52, v25;
	v48 =	vsub.f32 v49, v48;
	v60 =	vld.idx.msk [tilespmem:v62+s31+$0x0], $0xffff  }
0x92: {  	v49 =	vld.idx.msk [tilespmem:v38+s31+$0x0], $0xffff;
	[tilespmem:s9+$0x0] =	vst v46  }
0x93: {  	v4 =	vadd.s32 $0x201, v29;
	v52 =	vsub.f32 v55, v56;
	v62 =	vld.idx.msk [tilespmem:v47+s31+$0x0], $0xffff;
	[tilespmem:s10+$0x10] =	vst v50;
	v50 =	vsub.f32 v48, v25  }
0x94: {  	v5 =	vadd.s32 $0x201, v30;
	v47 =	vmov v61;
	v46 =	vld.idx.msk [tilespmem:v53+s31+$0x0], $0xffff  }
0x95: {  	v52 =	vsub.f32 v52, v25;
	v48 =	vld.idx.msk [tilespmem:v57+s31+$0x0], $0xffff;
	[tilespmem:s8+$0xE00] =	vst v50;
	s8 =	smov.u32 s9;
	s9 =	smov.u32 s10;
	s10 =	smov.u32 s11  }
.Ltmp0:
0x96: {  	v50 =	vld.idx.msk [tilespmem:v40+s31+$0x0], $0xffff;
	v40 =	vmov v42;
	v42 =	vmov v58;
	(pc) =	sbr.rel @p1 .LBB2_3-.Ltmp0, $4  }
0x97: {  	v55 =	vadd.s32 $0x101, v51;
	v54 =	vsub.f32 v54, v60;
	[tilespmem:s11+$0xFFFFF210] =	vst v52;
	v52 =	vld.idx.msk [tilespmem:v39+s31+$0x0], $0xffff;
	v39 =	vmovc v43;
	v43 =	vmov v63  }
0x98: {  	v56 =	vadd.s32 $0x101, v38;
	v49 =	vsub.f32 v59, v49;
	v53 =	vld.idx.msk [tilespmem:v4+s31+$0x0], $0xffff  }
0x99: {  	v59 =	vsub.f32 v54, v25;
	v57 =	vsub.f32 v3, v62;
	v54 =	vld.idx.msk [tilespmem:v5+s31+$0x0], $0xffff  }
0x9a: {  	v51 =	vadd.s32 $0x2, v51;
	s11 =	sadd.s32 $0x20, s11;
	v58 =	vsub.f32 v49, v25;
	v49 =	vld.idx.msk [tilespmem:v32+s31+$0x0], $0xffff;
	v32 =	vmovc v33;
	v33 =	vmovc v37;
	v37 =	vmov v2  }
0x9b: {  	_ =	sdelay $0x2  }
0x9c: {  	[tilespmem:s11+$0xFFFFE410] =	vst v59  }
0x9d: {  	v2 =	vld.idx.msk [tilespmem:v55+s31+$0x0], $0xffff  }
0x9e: {  	v3 =	vld.idx.msk [tilespmem:v56+s31+$0x0], $0xffff;
	_ =	sdelay $0x1  }
0x9f: {  	[tilespmem:s11+$0xFFFFE400] =	vst v58  }
0xa0: {  	v4 =	vld.idx.msk [tilespmem:v44+s31+$0x0], $0xffff  }
0xa1: {  	v5 =	vld.idx.msk [tilespmem:v47+s31+$0x0], $0xffff  }
0xa2: {  	v2 =	vsub.f32 v2, v3;
	v3 =	vadd.s32 $0x201, v31  }
0xa3: {  	v38 =	vadd.s32 $0x201, v45  }
0xa4: {  	v2 =	vsub.f32 v2, v25;
	_ =	sdelay $0x1  }
0xa5: {  	[tilespmem:s11+$0xFFFFF210] =	vst v2;
	v2 =	vsub.f32 v4, v5  }
0xa6: {  	v3 =	vld.idx.msk [tilespmem:v3+s31+$0x0], $0xffff  }
0xa7: {  	v4 =	vld.idx.msk [tilespmem:v38+s31+$0x0], $0xffff;
	v2 =	vsub.f32 v2, v25;
	_ =	sdelay $0x1  }
0xa8: {  	v51 =	vsub.f32 v57, v25;
	v29 =	vadd.s32 $0x301, v29;
	v34 =	vld.idx.msk [tilespmem:v34+s31+$0x0], $0xffff;
	v5 =	vsub.f32 v53, v54;
	[tilespmem:s11+$0xFFFFF200] =	vst v2  }
0xa9: {  	v30 =	vadd.s32 $0x301, v30;
	v56 =	vld.idx.msk [tilespmem:v42+s31+$0x0], $0xffff  }
0xaa: {  	[tilespmem:s10+$0xFFFFF200] =	vst v51;
	v5 =	vsub.f32 v5, v25;
	v2 =	vsub.f32 v50, v52;
	v57 =	vld.idx.msk [tilespmem:v43+s31+$0x0], $0xffff  }
0xab: {  	v55 =	vld.idx.msk [tilespmem:v40+s31+$0x0], $0xffff;
	v3 =	vsub.f32 v3, v4  }
0xac: {  	v39 =	vld.idx.msk [tilespmem:v39+s31+$0x0], $0xffff;
	[tilespmem:s10+$0x10] =	vst v5;
	v2 =	vsub.f32 v2, v25;
	v4 =	vadd.s32 $0x301, v31  }
0xad: {  	v5 =	vld.idx.msk [tilespmem:v29+s31+$0x0], $0xffff;
	v29 =	vadd.s32 $0x301, v45;
	v3 =	vsub.f32 v3, v25  }
0xae: {  	[tilespmem:s9+$0x0] =	vst v2;
	v2 =	vld.idx.msk [tilespmem:v30+s31+$0x0], $0xffff  }
0xaf: {  	v31 =	vld.idx.msk [tilespmem:v32+s31+$0x0], $0xffff;
	[tilespmem:s11+$0x10] =	vst v3;
	v3 =	vsub.f32 v56, v57  }
0xb0: {  	v58 =	vld.idx.msk [tilespmem:v36+s31+$0x0], $0xffff  }
0xb1: {  	v4 =	vld.idx.msk [tilespmem:v4+s31+$0x0], $0xffff;
	v3 =	vsub.f32 v3, v25  }
0xb2: {  	v30 =	vsub.f32 v55, v39;
	v29 =	vld.idx.msk [tilespmem:v29+s31+$0x0], $0xffff  }
0xb3: {  	[tilespmem:s11+$0x0] =	vst v3;
	v3 =	vsub.f32 v46, v48  }
0xb4: {  	v34 =	vsub.f32 v49, v34;
	v30 =	vsub.f32 v30, v25  }
0xb5: {  	v2 =	vsub.f32 v5, v2;
	v3 =	vsub.f32 v3, v25  }
0xb6: {  	[tilespmem:s10+$0x0] =	vst v30;
	v5 =	vsub.f32 v34, v25;
	v31 =	vsub.f32 v31, v58  }
0xb7: {  	v30 =	vld.idx.msk [tilespmem:v33+s31+$0x0], $0xffff;
	v2 =	vsub.f32 v2, v25;
	[tilespmem:s9+$0xE10] =	vst v3;
	v3 =	vsub.f32 v4, v29  }
0xb8: {  	v59 =	vld.idx.msk [tilespmem:v35+s31+$0x0], $0xffff;
	[tilespmem:s8+$0xE00] =	vst v5;
	v4 =	vsub.f32 v31, v25  }
0xb9: {  	v60 =	vld.idx.msk [tilespmem:v37+s31+$0x0], $0xffff;
	[tilespmem:s10+$0xE10] =	vst v2;
	v2 =	vsub.f32 v3, v25  }
0xba: {  	v61 =	vld.idx.msk [tilespmem:v41+s31+$0x0], $0xffff;
	[tilespmem:s9+$0xE00] =	vst v4  }
0xbb: {  	v46 =	vld [tilespmem:$0x1FFC0];
	[tilespmem:s11+$0xE10] =	vst v2  }
0xbc: {  	v62 =	vld [tilespmem:$0x1FFD0];
	_ =	sdelay $0x1  }
0xbd: {  	v5 =	vsub.f32 v30, v59  }
0xbe: {  	s30 =	smul.u32 $0x7000, s30;
	v3 =	vsub.f32 v60, v61  }
0xbf: {  	v4 =	vsub.f32 v5, v25;
	v5 =	vadd.s32 $0x1, v46  }
0xc0: {  	s12 =	sadd.s32 s30, s13;
	v2 =	vsub.f32 v3, v25;
	v3 =	vadd.s32 $0x1, v62  }
0xc1: {  	s8 =	sshrl.u32 s12, $0x3;
	[tilespmem:s10+$0xE00] =	vst v4  }
0xc2: {  	s8 =	sadd.s32 s2, s8;
	[tilespmem:s11+$0xE00] =	vst v2  }
0xc3: {  	[hbm4b:s8+s6] =	stream.strided.scatter [tilespmem:s25], [sflag:$0x2], $0x3800, s7, s6, $0x38;
	[tilespmem:$0x1D060] =	vst v63  }
0xc4: {  	v2 =	vld.idx.msk [tilespmem:v5+s31+$0x0], $0xffff  }
0xc5: {  	v3 =	vld.idx.msk [tilespmem:v3+s31+$0x0], $0xffff;
	_ =	sdelay $0x3  }
0xc6: {  	v33 =	vadd.s32 $0x2, v62  }
0xc7: {  	v2 =	vsub.f32 v2, v3;
	v3 =	vadd.s32 $0x101, v46  }
0xc8: {  	v4 =	vadd.s32 $0x101, v62;
	v29 =	vld.idx.msk [tilespmem:v46+s31+$0x0], $0xffff  }
0xc9: {  	v5 =	vadd.s32 $0x2, v46;
	v31 =	vld.idx.msk [tilespmem:v62+s31+$0x0], $0xffff;
	v2 =	vsub.f32 v2, v25  }
0xca: {  	s8 =	simm.s32 $0x1B460;
	v30 =	vadd.s32 $0x1, v5  }
0xcb: {  	v40 =	vld.idx.msk [tilespmem:v33+s31+$0x0], $0xffff;
	[tilespmem:s8+$0xFFFFE410] =	vst v2;
	v2 =	vadd.s32 $0x1, v33  }
0xcc: {  	v3 =	vld.idx.msk [tilespmem:v3+s31+$0x0], $0xffff  }
0xcd: {  	v4 =	vld.idx.msk [tilespmem:v4+s31+$0x0], $0xffff  }
0xce: {  	v29 =	vsub.f32 v29, v31;
	v31 =	vld.idx.msk [tilespmem:v5+s31+$0x0], $0xffff  }
0xcf: {  	v30 =	vld.idx.msk [tilespmem:v30+s31+$0x0], $0xffff  }
0xd0: {  	v63 =	vadd.s32 $0x100, v46;
	v2 =	vld.idx.msk [tilespmem:v2+s31+$0x0], $0xffff  }
0xd1: {  	v42 =	vadd.s32 $0x100, v62  }
0xd2: {  	v29 =	vsub.f32 v29, v25;
	v3 =	vsub.f32 v3, v4;
	v4 =	vadd.s32 $0x201, v46  }
0xd3: {  	v41 =	vadd.s32 $0x201, v62  }
0xd4: {  	[tilespmem:s8+$0xFFFFE400] =	vst v29;
	v31 =	vsub.f32 v31, v40;
	v3 =	vsub.f32 v3, v25  }
0xd5: {  	v43 =	vadd.s32 $0x101, v5;
	v32 =	vld.idx.msk [tilespmem:v63+s31+$0x0], $0xffff;
	v2 =	vsub.f32 v30, v2  }
0xd6: {  	v36 =	vld.idx.msk [tilespmem:v42+s31+$0x0], $0xffff;
	v31 =	vsub.f32 v31, v25;
	[tilespmem:s8+$0xFFFFF210] =	vst v3;
	v3 =	vadd.s32 $0x101, v33  }
0xd7: {  	s9 =	simm.s32 $0x1B480;
	v29 =	vadd.s32 $0x2, v5;
	v4 =	vld.idx.msk [tilespmem:v4+s31+$0x0], $0xffff;
	v2 =	vsub.f32 v2, v25  }
0xd8: {  	v47 =	vadd.s32 $0x1, v29;
	[tilespmem:s9+$0xFFFFE400] =	vst v31;
	v45 =	vld.idx.msk [tilespmem:v41+s31+$0x0], $0xffff  }
0xd9: {  	v31 =	vadd.s32 $0x100, v33;
	[tilespmem:s9+$0xFFFFE410] =	vst v2  }
0xda: {  	v30 =	vadd.s32 $0x2, v33;
	v37 =	vld.idx.msk [tilespmem:v43+s31+$0x0], $0xffff  }
0xdb: {  	v2 =	vadd.s32 $0x1, v30;
	v3 =	vld.idx.msk [tilespmem:v3+s31+$0x0], $0xffff  }
0xdc: {  	v44 =	vadd.s32 $0x100, v5;
	v52 =	vld.idx.msk [tilespmem:v29+s31+$0x0], $0xffff;
	v32 =	vsub.f32 v32, v36  }
0xdd: {  	v51 =	vadd.s32 $0x200, v46;
	v35 =	vld.idx.msk [tilespmem:v47+s31+$0x0], $0xffff;
	v4 =	vsub.f32 v4, v45  }
0xde: {  	v55 =	vadd.s32 $0x200, v62;
	v32 =	vsub.f32 v32, v25;
	v42 =	vld.idx.msk [tilespmem:v31+s31+$0x0], $0xffff  }
0xdf: {  	v31 =	vadd.s32 $0x2, v29;
	v53 =	vld.idx.msk [tilespmem:v30+s31+$0x0], $0xffff;
	v4 =	vsub.f32 v4, v25  }
0xe0: {  	v54 =	vadd.s32 $0x201, v5;
	[tilespmem:s8+$0xFFFFF200] =	vst v32;
	v2 =	vld.idx.msk [tilespmem:v2+s31+$0x0], $0xffff;
	v3 =	vsub.f32 v37, v3  }
0xe1: {  	v39 =	vld.idx.msk [tilespmem:v44+s31+$0x0], $0xffff;
	[tilespmem:s8+$0x10] =	vst v4;
	v4 =	vadd.s32 $0x201, v33  }
0xe2: {  	v49 =	vadd.s32 $0x301, v46;
	v47 =	vld.idx.msk [tilespmem:v51+s31+$0x0], $0xffff;
	v3 =	vsub.f32 v3, v25  }
0xe3: {  	v50 =	vadd.s32 $0x301, v62;
	v37 =	vld.idx.msk [tilespmem:v55+s31+$0x0], $0xffff  }
0xe4: {  	v60 =	vadd.s32 $0x1, v31;
	v58 =	vsub.f32 v52, v53;
	v53 =	vld.idx.msk [tilespmem:v31+s31+$0x0], $0xffff;
	[tilespmem:s9+$0xFFFFF210] =	vst v3  }
0xe5: {  	v56 =	vadd.s32 $0x101, v29;
	v2 =	vsub.f32 v35, v2;
	v59 =	vld.idx.msk [tilespmem:v54+s31+$0x0], $0xffff  }
0xe6: {  	v3 =	vadd.s32 $0x101, v30;
	v4 =	vld.idx.msk [tilespmem:v4+s31+$0x0], $0xffff  }
0xe7: {  	v57 =	vadd.s32 $0x100, v29;
	v32 =	vadd.s32 $0x300, v5;
	v44 =	vld.idx.msk [tilespmem:v49+s31+$0x0], $0xffff;
	v2 =	vsub.f32 v2, v25  }
0xe8: {  	s10 =	simm.s32 $0x1B4A0;
	v51 =	vadd.s32 $0x200, v5;
	v38 =	vadd.s32 $0x2, v30;
	v45 =	vld.idx.msk [tilespmem:v50+s31+$0x0], $0xffff;
	v34 =	vsub.f32 v58, v25  }
0xe9: {  	v49 =	vadd.s32 $0x300, v46;
	v46 =	vadd.s32 $0x301, v5;
	v5 =	vld.idx.msk [tilespmem:v60+s31+$0x0], $0xffff;
	[tilespmem:s10+$0xFFFFE410] =	vst v2;
	v2 =	vadd.s32 $0x1, v38  }
0xea: {  	[tilespmem:s10+$0xFFFFE400] =	vst v34;
	v34 =	vadd.s32 $0x300, v62;
	v62 =	vadd.s32 $0x100, v30;
	v61 =	vld.idx.msk [tilespmem:v56+s31+$0x0], $0xffff  }
0xeb: {  	v3 =	vld.idx.msk [tilespmem:v3+s31+$0x0], $0xffff;
	v4 =	vsub.f32 v59, v4  }
0xec: {  	v63 =	vadd.s32 $0x301, v33;
	v40 =	vadd.s32 $0x200, v29;
	v50 =	vld.idx.msk [tilespmem:v57+s31+$0x0], $0xffff  }
0xed: {  	v36 =	vadd.s32 $0x300, v33;
	v54 =	vld.idx.msk [tilespmem:v38+s31+$0x0], $0xffff;
	v59 =	vsub.f32 v39, v42;
	v4 =	vsub.f32 v4, v25  }
0xee: {  	v41 =	vadd.s32 $0x300, v38;
	v43 =	vadd.s32 $0x200, v38;
	v52 =	vadd.s32 $0x200, v33;
	v2 =	vld.idx.msk [tilespmem:v2+s31+$0x0], $0xffff  }
0xef: {  	v33 =	vadd.s32 $0x300, v29;
	v37 =	vsub.f32 v47, v37;
	v60 =	vld.idx.msk [tilespmem:v62+s31+$0x0], $0xffff;
	v42 =	vsub.f32 v59, v25;
	[tilespmem:s9+$0x10] =	vst v4  }
0xf0: {  	v55 =	vadd.s32 $0x101, v31;
	v3 =	vsub.f32 v61, v3;
	v61 =	vadd.s32 $0x201, v29;
	v46 =	vld.idx.msk [tilespmem:v46+s31+$0x0], $0xffff  }
0xf1: {  	v35 =	vadd.s32 $0x300, v30;
	v62 =	vadd.s32 $0x201, v30;
	[tilespmem:s9+$0xFFFFF200] =	vst v42;
	v48 =	vld.idx.msk [tilespmem:v63+s31+$0x0], $0xffff;
	v63 =	vsub.f32 v37, v25  }
0xf2: {  	v47 =	vadd.s32 $0x100, v38;
	v4 =	vsub.f32 v44, v45;
	v51 =	vld.idx.msk [tilespmem:v51+s31+$0x0], $0xffff;
	v3 =	vsub.f32 v3, v25  }
0xf3: {  	v56 =	vadd.s32 $0x101, v38;
	v39 =	vadd.s32 $0x200, v30;
	v52 =	vld.idx.msk [tilespmem:v52+s31+$0x0], $0xffff;
	[tilespmem:s8+$0x0] =	vst v63;
	v2 =	vsub.f32 v5, v2  }
0xf4: {  	v44 =	vadd.s32 $0x100, v31;
	v4 =	vsub.f32 v4, v25;
	[tilespmem:s10+$0xFFFFF210] =	vst v3;
	v3 =	vsub.f32 v53, v54;
	v49 =	vld.idx.msk [tilespmem:v49+s31+$0x0], $0xffff  }
0xf5: {  	v42 =	vadd.s32 $0x200, v31;
	v57 =	vsub.f32 v50, v60;
	v53 =	vld.idx.msk [tilespmem:v61+s31+$0x0], $0xffff;
	v59 =	vsub.f32 v2, v25  }
0xf6: {  	s12 =	simm.s32 $0x6;
	s11 =	simm.s32 $0x1B4C0;
	v50 =	vadd.s32 $0x2, v31;
	v45 =	vmovc v38;
	v37 =	vadd.s32 $0x300, v31;
	[tilespmem:s8+$0xE10] =	vst v4;
	v54 =	vld.idx.msk [tilespmem:v62+s31+$0x0], $0xffff;
	v58 =	vsub.f32 v3, v25  }
.LBB2_5:
0xf7: {  	v2 =	vadd.s32 $0x1, v50;
	[tilespmem:s11+$0xFFFFE410] =	vst v59;
	v38 =	vadd.s32 $0x2, v38;
	v3 =	vsub.f32 v46, v48;
	v4 =	vld.idx.msk [tilespmem:v34+s31+$0x0], $0xffff;
	v34 =	vmovc v36  }
0xf8: {  	v5 =	vadd.s32 $0x100, v50;
	v36 =	vmovc v35;
	v35 =	vmovc v41;
	v48 =	vadd.s32 $0x100, v38;
	v46 =	vadd.s32 $0x1, v38;
	[tilespmem:s11+$0xFFFFE400] =	vst v58;
	v55 =	vld.idx.msk [tilespmem:v55+s31+$0x0], $0xffff  }
0xf9: {  	v57 =	vsub.f32 v57, v25;
	v58 =	vadd.s32 $0x200, v50;
	v56 =	vld.idx.msk [tilespmem:v56+s31+$0x0], $0xffff;
	v3 =	vsub.f32 v3, v25  }
0xfa: {  	v60 =	vadd.s32 $0x300, v50;
	v59 =	vadd.s32 $0x200, v38;
	v51 =	vsub.f32 v51, v52;
	v61 =	vld.idx.msk [tilespmem:v44+s31+$0x0], $0xffff;
	v44 =	vmovc v5  }
0xfb: {  	s12 =	sadd.s32 $0x2, s12;
	v41 =	vadd.s32 $0x300, v38;
	v52 =	vsub.f32 v53, v54;
	v53 =	vadd.s32 $0x301, v29;
	v29 =	vmovc v31;
	v5 =	vld.idx.msk [tilespmem:v50+s31+$0x0], $0xffff;
	[tilespmem:s9+$0xE10] =	vst v3  }
0xfc: {  	p1 =	slt.u32 s12, $0xDE;
	v51 =	vsub.f32 v51, v25;
	v3 =	vadd.s32 $0x301, v30;
	v30 =	vmovc v45;
	v45 =	vmov v38;
	v2 =	vld.idx.msk [tilespmem:v2+s31+$0x0], $0xffff;
	[tilespmem:s10+$0xFFFFF200] =	vst v57  }
0xfd: {  	v31 =	vmov v50;
	v4 =	vsub.f32 v49, v4;
	v54 =	vld.idx.msk [tilespmem:v46+s31+$0x0], $0xffff;
	v46 =	vsub.f32 v52, v25  }
0xfe: {  	v49 =	vld.idx.msk [tilespmem:v38+s31+$0x0], $0xffff;
	[tilespmem:s9+$0x0] =	vst v51  }
0xff: {  	v62 =	vadd.s32 $0x201, v29;
	v51 =	vsub.f32 v55, v56;
	v4 =	vsub.f32 v4, v25;
	v57 =	vld.idx.msk [tilespmem:v47+s31+$0x0], $0xffff;
	[tilespmem:s10+$0x10] =	vst v46  }
0x100: {  	v63 =	vadd.s32 $0x201, v30;
	v47 =	vmov v48;
	v46 =	vld.idx.msk [tilespmem:v53+s31+$0x0], $0xffff  }
0x101: {  	v52 =	vsub.f32 v51, v25;
	v48 =	vld.idx.msk [tilespmem:v3+s31+$0x0], $0xffff;
	[tilespmem:s8+$0xE00] =	vst v4;
	s8 =	smov.u32 s9;
	s9 =	smov.u32 s10;
	s10 =	smov.u32 s11  }
.Ltmp1:
0x102: {  	v51 =	vld.idx.msk [tilespmem:v40+s31+$0x0], $0xffff;
	v40 =	vmov v42;
	v42 =	vmov v58;
	(pc) =	sbr.rel @p1 .LBB2_5-.Ltmp1, $4  }
0x103: {  	v55 =	vadd.s32 $0x101, v50;
	v2 =	vsub.f32 v2, v54;
	[tilespmem:s11+$0xFFFFF210] =	vst v52;
	v52 =	vld.idx.msk [tilespmem:v39+s31+$0x0], $0xffff;
	v39 =	vmovc v43;
	v43 =	vmov v59  }
0x104: {  	v56 =	vadd.s32 $0x101, v38;
	v3 =	vsub.f32 v5, v49;
	v53 =	vld.idx.msk [tilespmem:v62+s31+$0x0], $0xffff  }
0x105: {  	v59 =	vsub.f32 v2, v25;
	v57 =	vsub.f32 v61, v57;
	v54 =	vld.idx.msk [tilespmem:v63+s31+$0x0], $0xffff  }
0x106: {  	v50 =	vadd.s32 $0x2, v50;
	s11 =	sadd.s32 $0x20, s11;
	v58 =	vsub.f32 v3, v25;
	v49 =	vld.idx.msk [tilespmem:v32+s31+$0x0], $0xffff;
	v32 =	vmovc v33;
	v33 =	vmovc v37;
	v37 =	vmov v60  }
0x107: {  	_ =	sdelay $0x2  }
0x108: {  	[tilespmem:s11+$0xFFFFE410] =	vst v59  }
0x109: {  	v2 =	vld.idx.msk [tilespmem:v55+s31+$0x0], $0xffff  }
0x10a: {  	v3 =	vld.idx.msk [tilespmem:v56+s31+$0x0], $0xffff;
	_ =	sdelay $0x1  }
0x10b: {  	[tilespmem:s11+$0xFFFFE400] =	vst v58  }
0x10c: {  	v4 =	vld.idx.msk [tilespmem:v44+s31+$0x0], $0xffff  }
0x10d: {  	v5 =	vld.idx.msk [tilespmem:v47+s31+$0x0], $0xffff  }
0x10e: {  	v2 =	vsub.f32 v2, v3;
	v3 =	vadd.s32 $0x201, v31  }
0x10f: {  	v38 =	vadd.s32 $0x201, v45  }
0x110: {  	v2 =	vsub.f32 v2, v25;
	_ =	sdelay $0x1  }
0x111: {  	v50 =	vsub.f32 v57, v25;
	[tilespmem:s11+$0xFFFFF210] =	vst v2;
	v2 =	vsub.f32 v4, v5  }
0x112: {  	v3 =	vld.idx.msk [tilespmem:v3+s31+$0x0], $0xffff  }
0x113: {  	[tilespmem:s10+$0xFFFFF200] =	vst v50;
	v4 =	vld.idx.msk [tilespmem:v38+s31+$0x0], $0xffff;
	v2 =	vsub.f32 v2, v25  }
0x114: {  	v29 =	vadd.s32 $0x301, v29;
	v55 =	vld.idx.msk [tilespmem:v40+s31+$0x0], $0xffff;
	v5 =	vsub.f32 v53, v54  }
0x115: {  	v30 =	vadd.s32 $0x301, v30;
	v39 =	vld.idx.msk [tilespmem:v39+s31+$0x0], $0xffff;
	[tilespmem:s11+$0xFFFFF200] =	vst v2  }
0x116: {  	v5 =	vsub.f32 v5, v25;
	v2 =	vsub.f32 v51, v52;
	v56 =	vld.idx.msk [tilespmem:v42+s31+$0x0], $0xffff  }
0x117: {  	v57 =	vld.idx.msk [tilespmem:v43+s31+$0x0], $0xffff  }
0x118: {  	v34 =	vld.idx.msk [tilespmem:v34+s31+$0x0], $0xffff;
	[tilespmem:s10+$0x10] =	vst v5;
	v2 =	vsub.f32 v2, v25;
	v3 =	vsub.f32 v3, v4;
	v4 =	vadd.s32 $0x301, v31  }
0x119: {  	v5 =	vld.idx.msk [tilespmem:v29+s31+$0x0], $0xffff;
	v29 =	vadd.s32 $0x301, v45  }
0x11a: {  	[tilespmem:s9+$0x0] =	vst v2;
	v2 =	vld.idx.msk [tilespmem:v30+s31+$0x0], $0xffff;
	v30 =	vsub.f32 v55, v39;
	v3 =	vsub.f32 v3, v25  }
0x11b: {  	v31 =	vld.idx.msk [tilespmem:v32+s31+$0x0], $0xffff  }
0x11c: {  	v58 =	vld.idx.msk [tilespmem:v36+s31+$0x0], $0xffff;
	v30 =	vsub.f32 v30, v25;
	[tilespmem:s11+$0x10] =	vst v3;
	v3 =	vsub.f32 v56, v57  }
0x11d: {  	v4 =	vld.idx.msk [tilespmem:v4+s31+$0x0], $0xffff  }
0x11e: {  	v29 =	vld.idx.msk [tilespmem:v29+s31+$0x0], $0xffff;
	[tilespmem:s10+$0x0] =	vst v30;
	v3 =	vsub.f32 v3, v25  }
0x11f: {  	v30 =	vld.idx.msk [tilespmem:v33+s31+$0x0], $0xffff  }
0x120: {  	v59 =	vld.idx.msk [tilespmem:v35+s31+$0x0], $0xffff;
	[tilespmem:s11+$0x0] =	vst v3  }
0x121: {  	v3 =	vsub.f32 v46, v48;
	v60 =	vld.idx.msk [tilespmem:v37+s31+$0x0], $0xffff  }
0x122: {  	v34 =	vsub.f32 v49, v34;
	v61 =	vld.idx.msk [tilespmem:v41+s31+$0x0], $0xffff  }
0x123: {  	v2 =	vsub.f32 v5, v2;
	v3 =	vsub.f32 v3, v25  }
0x124: {  	v5 =	vsub.f32 v34, v25;
	v31 =	vsub.f32 v31, v58  }
0x125: {  	v2 =	vsub.f32 v2, v25;
	[tilespmem:s9+$0xE10] =	vst v3;
	v3 =	vsub.f32 v4, v29  }
0x126: {  	[tilespmem:s8+$0xE00] =	vst v5;
	v4 =	vsub.f32 v31, v25;
	v5 =	vsub.f32 v30, v59  }
0x127: {  	[tilespmem:s10+$0xE10] =	vst v2;
	v2 =	vsub.f32 v3, v25;
	v3 =	vsub.f32 v60, v61  }
0x128: {  	[tilespmem:s9+$0xE00] =	vst v4;
	v4 =	vsub.f32 v5, v25  }
0x129: {  	[tilespmem:s11+$0xE10] =	vst v2;
	v2 =	vsub.f32 v3, v25  }
0x12a: {  	[tilespmem:s10+$0xE00] =	vst v4  }
0x12b: {  	[tilespmem:s11+$0xE00] =	vst v2  }
0x12c: {  	v46 =	vld [tilespmem:$0x1FFE0]  }
0x12d: {  	v62 =	vld [tilespmem:$0x1FFF0];
	_ =	sdelay $0x1  }
0x12e: {  	s12 =	sadd.s32 s30, s14  }
0x12f: {  	s8 =	sshrl.u32 s12, $0x3  }
0x130: {  	s8 =	sadd.s32 s2, s8;
	v2 =	vadd.s32 $0x1, v46  }
0x131: {  	[hbm4b:s8+s6] =	stream.strided.scatter [tilespmem:s29], [sflag:$0x3], $0x3800, s7, s6, $0x38;
	v3 =	vadd.s32 $0x1, v62;
	[tilespmem:$0x1D060] =	vst v63  }
0x132: {  	_ =	swait.ge [sflag:s1], $0x3800  }
0x133: {  	[sflag:s1] =	ssyncset.done $0x0  }
0x134: {  	[sflag:s1] =	ssyncadd.s32 $0xFFFFC800  }
0x135: {  	v2 =	vld.idx.msk [tilespmem:v2+s31+$0x0], $0xffff  }
0x136: {  	v3 =	vld.idx.msk [tilespmem:v3+s31+$0x0], $0xffff;
	_ =	sdelay $0x3  }
0x137: {  	v33 =	vadd.s32 $0x2, v62  }
0x138: {  	v2 =	vsub.f32 v2, v3;
	v3 =	vadd.s32 $0x101, v46  }
0x139: {  	v4 =	vadd.s32 $0x101, v62;
	v5 =	vadd.s32 $0x2, v46  }
0x13a: {  	v30 =	vadd.s32 $0x1, v5;
	v29 =	vld.idx.msk [tilespmem:v46+s31+$0x0], $0xffff;
	v2 =	vsub.f32 v2, v25  }
0x13b: {  	s8 =	simm.s32 $0x17C60;
	v31 =	vld.idx.msk [tilespmem:v62+s31+$0x0], $0xffff  }
0x13c: {  	v40 =	vld.idx.msk [tilespmem:v33+s31+$0x0], $0xffff;
	[tilespmem:s8+$0xFFFFE410] =	vst v2;
	v2 =	vadd.s32 $0x1, v33  }
0x13d: {  	v3 =	vld.idx.msk [tilespmem:v3+s31+$0x0], $0xffff  }
0x13e: {  	v4 =	vld.idx.msk [tilespmem:v4+s31+$0x0], $0xffff  }
0x13f: {  	v30 =	vld.idx.msk [tilespmem:v30+s31+$0x0], $0xffff  }
0x140: {  	v29 =	vsub.f32 v29, v31;
	v31 =	vld.idx.msk [tilespmem:v5+s31+$0x0], $0xffff  }
0x141: {  	v63 =	vadd.s32 $0x100, v46;
	v2 =	vld.idx.msk [tilespmem:v2+s31+$0x0], $0xffff  }
0x142: {  	v42 =	vadd.s32 $0x100, v62  }
0x143: {  	v29 =	vsub.f32 v29, v25;
	v3 =	vsub.f32 v3, v4;
	v4 =	vadd.s32 $0x201, v46  }
0x144: {  	v41 =	vadd.s32 $0x201, v62  }
0x145: {  	[tilespmem:s8+$0xFFFFE400] =	vst v29;
	v31 =	vsub.f32 v31, v40;
	v3 =	vsub.f32 v3, v25  }
0x146: {  	v43 =	vadd.s32 $0x101, v5;
	v32 =	vld.idx.msk [tilespmem:v63+s31+$0x0], $0xffff;
	v2 =	vsub.f32 v30, v2  }
0x147: {  	v36 =	vld.idx.msk [tilespmem:v42+s31+$0x0], $0xffff;
	v31 =	vsub.f32 v31, v25;
	[tilespmem:s8+$0xFFFFF210] =	vst v3;
	v3 =	vadd.s32 $0x101, v33  }
0x148: {  	s9 =	simm.s32 $0x17C80;
	v29 =	vadd.s32 $0x2, v5;
	v4 =	vld.idx.msk [tilespmem:v4+s31+$0x0], $0xffff;
	v2 =	vsub.f32 v2, v25  }
0x149: {  	v47 =	vadd.s32 $0x1, v29;
	[tilespmem:s9+$0xFFFFE400] =	vst v31;
	v45 =	vld.idx.msk [tilespmem:v41+s31+$0x0], $0xffff  }
0x14a: {  	v31 =	vadd.s32 $0x100, v33;
	[tilespmem:s9+$0xFFFFE410] =	vst v2  }
0x14b: {  	v30 =	vadd.s32 $0x2, v33;
	v37 =	vld.idx.msk [tilespmem:v43+s31+$0x0], $0xffff  }
0x14c: {  	v2 =	vadd.s32 $0x1, v30;
	v3 =	vld.idx.msk [tilespmem:v3+s31+$0x0], $0xffff  }
0x14d: {  	v44 =	vadd.s32 $0x100, v5;
	v52 =	vld.idx.msk [tilespmem:v29+s31+$0x0], $0xffff;
	v32 =	vsub.f32 v32, v36  }
0x14e: {  	v51 =	vadd.s32 $0x200, v46;
	v35 =	vld.idx.msk [tilespmem:v47+s31+$0x0], $0xffff;
	v4 =	vsub.f32 v4, v45  }
0x14f: {  	v55 =	vadd.s32 $0x200, v62;
	v32 =	vsub.f32 v32, v25;
	v42 =	vld.idx.msk [tilespmem:v31+s31+$0x0], $0xffff  }
0x150: {  	v31 =	vadd.s32 $0x2, v29;
	v53 =	vld.idx.msk [tilespmem:v30+s31+$0x0], $0xffff;
	v4 =	vsub.f32 v4, v25  }
0x151: {  	v54 =	vadd.s32 $0x201, v5;
	[tilespmem:s8+$0xFFFFF200] =	vst v32;
	v2 =	vld.idx.msk [tilespmem:v2+s31+$0x0], $0xffff;
	v3 =	vsub.f32 v37, v3  }
0x152: {  	v39 =	vld.idx.msk [tilespmem:v44+s31+$0x0], $0xffff;
	[tilespmem:s8+$0x10] =	vst v4;
	v4 =	vadd.s32 $0x201, v33  }
0x153: {  	v49 =	vadd.s32 $0x301, v46;
	v47 =	vld.idx.msk [tilespmem:v51+s31+$0x0], $0xffff;
	v3 =	vsub.f32 v3, v25  }
0x154: {  	v50 =	vadd.s32 $0x301, v62;
	v37 =	vld.idx.msk [tilespmem:v55+s31+$0x0], $0xffff  }
0x155: {  	v60 =	vadd.s32 $0x1, v31;
	v58 =	vsub.f32 v52, v53;
	v53 =	vld.idx.msk [tilespmem:v31+s31+$0x0], $0xffff;
	[tilespmem:s9+$0xFFFFF210] =	vst v3  }
0x156: {  	v56 =	vadd.s32 $0x101, v29;
	v2 =	vsub.f32 v35, v2;
	v59 =	vld.idx.msk [tilespmem:v54+s31+$0x0], $0xffff  }
0x157: {  	v3 =	vadd.s32 $0x101, v30;
	v4 =	vld.idx.msk [tilespmem:v4+s31+$0x0], $0xffff  }
0x158: {  	v57 =	vadd.s32 $0x100, v29;
	v32 =	vadd.s32 $0x300, v5;
	v44 =	vld.idx.msk [tilespmem:v49+s31+$0x0], $0xffff;
	v2 =	vsub.f32 v2, v25  }
0x159: {  	s10 =	simm.s32 $0x17CA0;
	v51 =	vadd.s32 $0x200, v5;
	v38 =	vadd.s32 $0x2, v30;
	v45 =	vld.idx.msk [tilespmem:v50+s31+$0x0], $0xffff;
	v34 =	vsub.f32 v58, v25  }
0x15a: {  	v49 =	vadd.s32 $0x300, v46;
	v46 =	vadd.s32 $0x301, v5;
	v5 =	vld.idx.msk [tilespmem:v60+s31+$0x0], $0xffff;
	[tilespmem:s10+$0xFFFFE410] =	vst v2;
	v2 =	vadd.s32 $0x1, v38  }
0x15b: {  	[tilespmem:s10+$0xFFFFE400] =	vst v34;
	v34 =	vadd.s32 $0x300, v62;
	v62 =	vadd.s32 $0x100, v30;
	v61 =	vld.idx.msk [tilespmem:v56+s31+$0x0], $0xffff  }
0x15c: {  	v3 =	vld.idx.msk [tilespmem:v3+s31+$0x0], $0xffff;
	v4 =	vsub.f32 v59, v4  }
0x15d: {  	v63 =	vadd.s32 $0x301, v33;
	v40 =	vadd.s32 $0x200, v29;
	v50 =	vld.idx.msk [tilespmem:v57+s31+$0x0], $0xffff  }
0x15e: {  	v36 =	vadd.s32 $0x300, v33;
	v54 =	vld.idx.msk [tilespmem:v38+s31+$0x0], $0xffff;
	v59 =	vsub.f32 v39, v42;
	v4 =	vsub.f32 v4, v25  }
0x15f: {  	v41 =	vadd.s32 $0x300, v38;
	v43 =	vadd.s32 $0x200, v38;
	v52 =	vadd.s32 $0x200, v33;
	v2 =	vld.idx.msk [tilespmem:v2+s31+$0x0], $0xffff  }
0x160: {  	v33 =	vadd.s32 $0x300, v29;
	v37 =	vsub.f32 v47, v37;
	v60 =	vld.idx.msk [tilespmem:v62+s31+$0x0], $0xffff;
	v42 =	vsub.f32 v59, v25;
	[tilespmem:s9+$0x10] =	vst v4  }
0x161: {  	v55 =	vadd.s32 $0x101, v31;
	v3 =	vsub.f32 v61, v3;
	v61 =	vadd.s32 $0x201, v29;
	v46 =	vld.idx.msk [tilespmem:v46+s31+$0x0], $0xffff  }
0x162: {  	v35 =	vadd.s32 $0x300, v30;
	v62 =	vadd.s32 $0x201, v30;
	[tilespmem:s9+$0xFFFFF200] =	vst v42;
	v48 =	vld.idx.msk [tilespmem:v63+s31+$0x0], $0xffff;
	v63 =	vsub.f32 v37, v25  }
0x163: {  	v47 =	vadd.s32 $0x100, v38;
	v4 =	vsub.f32 v44, v45;
	v51 =	vld.idx.msk [tilespmem:v51+s31+$0x0], $0xffff;
	v3 =	vsub.f32 v3, v25  }
0x164: {  	v56 =	vadd.s32 $0x101, v38;
	v39 =	vadd.s32 $0x200, v30;
	v52 =	vld.idx.msk [tilespmem:v52+s31+$0x0], $0xffff;
	[tilespmem:s8+$0x0] =	vst v63;
	v2 =	vsub.f32 v5, v2  }
0x165: {  	v44 =	vadd.s32 $0x100, v31;
	v4 =	vsub.f32 v4, v25;
	[tilespmem:s10+$0xFFFFF210] =	vst v3;
	v3 =	vsub.f32 v53, v54;
	v49 =	vld.idx.msk [tilespmem:v49+s31+$0x0], $0xffff  }
0x166: {  	v42 =	vadd.s32 $0x200, v31;
	v57 =	vsub.f32 v50, v60;
	v53 =	vld.idx.msk [tilespmem:v61+s31+$0x0], $0xffff;
	v59 =	vsub.f32 v2, v25  }
0x167: {  	s12 =	simm.s32 $0x6;
	s11 =	simm.s32 $0x17CC0;
	v50 =	vadd.s32 $0x2, v31;
	v45 =	vmovc v38;
	v37 =	vadd.s32 $0x300, v31;
	[tilespmem:s8+$0xE10] =	vst v4;
	v54 =	vld.idx.msk [tilespmem:v62+s31+$0x0], $0xffff;
	v58 =	vsub.f32 v3, v25  }
.LBB2_7:
0x168: {  	v2 =	vadd.s32 $0x1, v50;
	[tilespmem:s11+$0xFFFFE410] =	vst v59;
	v38 =	vadd.s32 $0x2, v38;
	v3 =	vsub.f32 v46, v48;
	v4 =	vld.idx.msk [tilespmem:v34+s31+$0x0], $0xffff;
	v34 =	vmovc v36  }
0x169: {  	v5 =	vadd.s32 $0x100, v50;
	v36 =	vmovc v35;
	v35 =	vmovc v41;
	v48 =	vadd.s32 $0x100, v38;
	v46 =	vadd.s32 $0x1, v38;
	[tilespmem:s11+$0xFFFFE400] =	vst v58;
	v55 =	vld.idx.msk [tilespmem:v55+s31+$0x0], $0xffff  }
0x16a: {  	v57 =	vsub.f32 v57, v25;
	v58 =	vadd.s32 $0x200, v50;
	v56 =	vld.idx.msk [tilespmem:v56+s31+$0x0], $0xffff;
	v3 =	vsub.f32 v3, v25  }
0x16b: {  	v60 =	vadd.s32 $0x300, v50;
	v59 =	vadd.s32 $0x200, v38;
	v51 =	vsub.f32 v51, v52;
	v61 =	vld.idx.msk [tilespmem:v44+s31+$0x0], $0xffff;
	v44 =	vmovc v5  }
0x16c: {  	s12 =	sadd.s32 $0x2, s12;
	v41 =	vadd.s32 $0x300, v38;
	v52 =	vsub.f32 v53, v54;
	v53 =	vadd.s32 $0x301, v29;
	v29 =	vmovc v31;
	v5 =	vld.idx.msk [tilespmem:v50+s31+$0x0], $0xffff;
	[tilespmem:s9+$0xE10] =	vst v3  }
0x16d: {  	p1 =	slt.u32 s12, $0xDE;
	v51 =	vsub.f32 v51, v25;
	v3 =	vadd.s32 $0x301, v30;
	v30 =	vmovc v45;
	v45 =	vmov v38;
	v2 =	vld.idx.msk [tilespmem:v2+s31+$0x0], $0xffff;
	[tilespmem:s10+$0xFFFFF200] =	vst v57  }
0x16e: {  	v31 =	vmov v50;
	v4 =	vsub.f32 v49, v4;
	v54 =	vld.idx.msk [tilespmem:v46+s31+$0x0], $0xffff;
	v46 =	vsub.f32 v52, v25  }
0x16f: {  	v49 =	vld.idx.msk [tilespmem:v38+s31+$0x0], $0xffff;
	[tilespmem:s9+$0x0] =	vst v51  }
0x170: {  	v62 =	vadd.s32 $0x201, v29;
	v51 =	vsub.f32 v55, v56;
	v4 =	vsub.f32 v4, v25;
	v57 =	vld.idx.msk [tilespmem:v47+s31+$0x0], $0xffff;
	[tilespmem:s10+$0x10] =	vst v46  }
0x171: {  	v63 =	vadd.s32 $0x201, v30;
	v47 =	vmov v48;
	v46 =	vld.idx.msk [tilespmem:v53+s31+$0x0], $0xffff  }
0x172: {  	v52 =	vsub.f32 v51, v25;
	v48 =	vld.idx.msk [tilespmem:v3+s31+$0x0], $0xffff;
	[tilespmem:s8+$0xE00] =	vst v4;
	s8 =	smov.u32 s9;
	s9 =	smov.u32 s10;
	s10 =	smov.u32 s11  }
.Ltmp2:
0x173: {  	v51 =	vld.idx.msk [tilespmem:v40+s31+$0x0], $0xffff;
	v40 =	vmov v42;
	v42 =	vmov v58;
	(pc) =	sbr.rel @p1 .LBB2_7-.Ltmp2, $4  }
0x174: {  	v55 =	vadd.s32 $0x101, v50;
	v2 =	vsub.f32 v2, v54;
	[tilespmem:s11+$0xFFFFF210] =	vst v52;
	v52 =	vld.idx.msk [tilespmem:v39+s31+$0x0], $0xffff;
	v39 =	vmovc v43;
	v43 =	vmov v59  }
0x175: {  	v56 =	vadd.s32 $0x101, v38;
	v3 =	vsub.f32 v5, v49;
	v53 =	vld.idx.msk [tilespmem:v62+s31+$0x0], $0xffff  }
0x176: {  	v59 =	vsub.f32 v2, v25;
	v57 =	vsub.f32 v61, v57;
	v54 =	vld.idx.msk [tilespmem:v63+s31+$0x0], $0xffff  }
0x177: {  	v50 =	vadd.s32 $0x2, v50;
	s11 =	sadd.s32 $0x20, s11;
	v58 =	vsub.f32 v3, v25;
	v49 =	vld.idx.msk [tilespmem:v32+s31+$0x0], $0xffff;
	v32 =	vmovc v33;
	v33 =	vmovc v37;
	v37 =	vmov v60  }
0x178: {  	_ =	sdelay $0x2  }
0x179: {  	[tilespmem:s11+$0xFFFFE410] =	vst v59  }
0x17a: {  	v2 =	vld.idx.msk [tilespmem:v55+s31+$0x0], $0xffff  }
0x17b: {  	v3 =	vld.idx.msk [tilespmem:v56+s31+$0x0], $0xffff;
	_ =	sdelay $0x1  }
0x17c: {  	[tilespmem:s11+$0xFFFFE400] =	vst v58  }
0x17d: {  	v4 =	vld.idx.msk [tilespmem:v44+s31+$0x0], $0xffff  }
0x17e: {  	v5 =	vld.idx.msk [tilespmem:v47+s31+$0x0], $0xffff  }
0x17f: {  	v2 =	vsub.f32 v2, v3;
	v3 =	vadd.s32 $0x201, v31  }
0x180: {  	v38 =	vadd.s32 $0x201, v45  }
0x181: {  	v2 =	vsub.f32 v2, v25;
	_ =	sdelay $0x1  }
0x182: {  	v57 =	vsub.f32 v57, v25;
	[tilespmem:s11+$0xFFFFF210] =	vst v2;
	v2 =	vsub.f32 v4, v5  }
0x183: {  	v3 =	vld.idx.msk [tilespmem:v3+s31+$0x0], $0xffff  }
0x184: {  	[tilespmem:s10+$0xFFFFF200] =	vst v57;
	v4 =	vld.idx.msk [tilespmem:v38+s31+$0x0], $0xffff;
	v2 =	vsub.f32 v2, v25  }
0x185: {  	v29 =	vadd.s32 $0x301, v29;
	v58 =	vld.idx.msk [tilespmem:v40+s31+$0x0], $0xffff;
	v5 =	vsub.f32 v53, v54  }
0x186: {  	v30 =	vadd.s32 $0x301, v30;
	v39 =	vld.idx.msk [tilespmem:v39+s31+$0x0], $0xffff;
	[tilespmem:s11+$0xFFFFF200] =	vst v2  }
0x187: {  	v5 =	vsub.f32 v5, v25;
	v2 =	vsub.f32 v51, v52;
	v59 =	vld.idx.msk [tilespmem:v42+s31+$0x0], $0xffff  }
0x188: {  	v60 =	vld.idx.msk [tilespmem:v43+s31+$0x0], $0xffff  }
0x189: {  	v34 =	vld.idx.msk [tilespmem:v34+s31+$0x0], $0xffff;
	[tilespmem:s10+$0x10] =	vst v5;
	v2 =	vsub.f32 v2, v25;
	v3 =	vsub.f32 v3, v4;
	v4 =	vadd.s32 $0x301, v31  }
0x18a: {  	v5 =	vld.idx.msk [tilespmem:v29+s31+$0x0], $0xffff;
	v29 =	vadd.s32 $0x301, v45  }
0x18b: {  	[tilespmem:s9+$0x0] =	vst v2;
	v2 =	vld.idx.msk [tilespmem:v30+s31+$0x0], $0xffff;
	v30 =	vsub.f32 v58, v39;
	v3 =	vsub.f32 v3, v25  }
0x18c: {  	v31 =	vld.idx.msk [tilespmem:v32+s31+$0x0], $0xffff  }
0x18d: {  	v61 =	vld.idx.msk [tilespmem:v36+s31+$0x0], $0xffff;
	v30 =	vsub.f32 v30, v25;
	[tilespmem:s11+$0x10] =	vst v3;
	v3 =	vsub.f32 v59, v60  }
0x18e: {  	v4 =	vld.idx.msk [tilespmem:v4+s31+$0x0], $0xffff  }
0x18f: {  	v29 =	vld.idx.msk [tilespmem:v29+s31+$0x0], $0xffff;
	[tilespmem:s10+$0x0] =	vst v30;
	v3 =	vsub.f32 v3, v25  }
0x190: {  	v30 =	vld.idx.msk [tilespmem:v33+s31+$0x0], $0xffff  }
0x191: {  	v62 =	vld.idx.msk [tilespmem:v35+s31+$0x0], $0xffff;
	[tilespmem:s11+$0x0] =	vst v3  }
0x192: {  	v3 =	vsub.f32 v46, v48;
	v63 =	vld.idx.msk [tilespmem:v37+s31+$0x0], $0xffff  }
0x193: {  	v34 =	vsub.f32 v49, v34;
	v40 =	vld.idx.msk [tilespmem:v41+s31+$0x0], $0xffff  }
0x194: {  	v2 =	vsub.f32 v5, v2;
	v3 =	vsub.f32 v3, v25  }
0x195: {  	v5 =	vsub.f32 v34, v25;
	v31 =	vsub.f32 v31, v61  }
0x196: {  	v2 =	vsub.f32 v2, v25;
	[tilespmem:s9+$0xE10] =	vst v3;
	v3 =	vsub.f32 v4, v29  }
0x197: {  	[tilespmem:s8+$0xE00] =	vst v5;
	v4 =	vsub.f32 v31, v25;
	v5 =	vsub.f32 v30, v62  }
0x198: {  	[tilespmem:s10+$0xE10] =	vst v2;
	v2 =	vsub.f32 v3, v25;
	v3 =	vsub.f32 v63, v40  }
0x199: {  	[tilespmem:s9+$0xE00] =	vst v4;
	v4 =	vsub.f32 v5, v25  }
0x19a: {  	s12 =	sadd.s32 s30, s15;
	[tilespmem:s11+$0xE10] =	vst v2;
	v2 =	vsub.f32 v3, v25  }
0x19b: {  	s8 =	sshrl.u32 s12, $0x3;
	[tilespmem:s10+$0xE00] =	vst v4  }
0x19c: {  	s8 =	sadd.s32 s2, s8;
	[tilespmem:s11+$0xE00] =	vst v2;
	v2 =	vadd.s32 $0x1, v6  }
0x19d: {  	v3 =	vadd.s32 $0x1, v7;
	[hbm4b:s8+s6] =	stream.strided.scatter [tilespmem:s25], [sflag:$0x2], $0x3800, s7, s6, $0x38;
	[tilespmem:$0x1D060] =	vst v63  }
0x19e: {  	_ =	swait.ge [sflag:s0], $0x3800  }
0x19f: {  	[sflag:s0] =	ssyncset.done $0x0  }
0x1a0: {  	[sflag:s0] =	ssyncadd.s32 $0xFFFFC800  }
0x1a1: {  	v2 =	vld.idx.msk [tilespmem:v2+s31+$0x0], $0xffff  }
0x1a2: {  	v3 =	vld.idx.msk [tilespmem:v3+s31+$0x0], $0xffff;
	_ =	sdelay $0x2  }
0x1a3: {  	v5 =	vadd.s32 $0x2, v6  }
0x1a4: {  	v30 =	vadd.s32 $0x1, v5  }
0x1a5: {  	v2 =	vsub.f32 v2, v3;
	v3 =	vadd.s32 $0x101, v6  }
0x1a6: {  	v4 =	vadd.s32 $0x101, v7  }
0x1a7: {  	v33 =	vadd.s32 $0x2, v7;
	v29 =	vld.idx.msk [tilespmem:v6+s31+$0x0], $0xffff;
	v2 =	vsub.f32 v2, v25  }
0x1a8: {  	s8 =	simm.s32 $0x1B460;
	v31 =	vld.idx.msk [tilespmem:v7+s31+$0x0], $0xffff  }
0x1a9: {  	v30 =	vld.idx.msk [tilespmem:v30+s31+$0x0], $0xffff;
	[tilespmem:s8+$0xFFFFE410] =	vst v2;
	v2 =	vadd.s32 $0x1, v33  }
0x1aa: {  	v3 =	vld.idx.msk [tilespmem:v3+s31+$0x0], $0xffff  }
0x1ab: {  	v4 =	vld.idx.msk [tilespmem:v4+s31+$0x0], $0xffff  }
0x1ac: {  	v42 =	vld.idx.msk [tilespmem:v33+s31+$0x0], $0xffff  }
0x1ad: {  	v29 =	vsub.f32 v29, v31;
	v31 =	vld.idx.msk [tilespmem:v5+s31+$0x0], $0xffff  }
0x1ae: {  	v41 =	vadd.s32 $0x100, v6;
	v2 =	vld.idx.msk [tilespmem:v2+s31+$0x0], $0xffff  }
0x1af: {  	v44 =	vadd.s32 $0x100, v7  }
0x1b0: {  	v29 =	vsub.f32 v29, v25;
	v3 =	vsub.f32 v3, v4;
	v4 =	vadd.s32 $0x201, v6  }
0x1b1: {  	v43 =	vadd.s32 $0x201, v7  }
0x1b2: {  	[tilespmem:s8+$0xFFFFE400] =	vst v29;
	v31 =	vsub.f32 v31, v42;
	v3 =	vsub.f32 v3, v25  }
0x1b3: {  	v45 =	vadd.s32 $0x101, v5;
	v32 =	vld.idx.msk [tilespmem:v41+s31+$0x0], $0xffff;
	v2 =	vsub.f32 v30, v2  }
0x1b4: {  	v36 =	vld.idx.msk [tilespmem:v44+s31+$0x0], $0xffff;
	v31 =	vsub.f32 v31, v25;
	[tilespmem:s8+$0xFFFFF210] =	vst v3;
	v3 =	vadd.s32 $0x101, v33  }
0x1b5: {  	s9 =	simm.s32 $0x1B480;
	v29 =	vadd.s32 $0x2, v5;
	v4 =	vld.idx.msk [tilespmem:v4+s31+$0x0], $0xffff;
	v2 =	vsub.f32 v2, v25  }
0x1b6: {  	[tilespmem:s9+$0xFFFFE400] =	vst v31;
	v31 =	vadd.s32 $0x100, v33;
	v47 =	vld.idx.msk [tilespmem:v43+s31+$0x0], $0xffff  }
0x1b7: {  	v46 =	vadd.s32 $0x100, v5;
	[tilespmem:s9+$0xFFFFE410] =	vst v2  }
0x1b8: {  	v48 =	vadd.s32 $0x1, v29;
	v30 =	vadd.s32 $0x2, v33;
	v37 =	vld.idx.msk [tilespmem:v45+s31+$0x0], $0xffff  }
0x1b9: {  	v2 =	vadd.s32 $0x1, v30;
	v3 =	vld.idx.msk [tilespmem:v3+s31+$0x0], $0xffff  }
0x1ba: {  	v52 =	vld.idx.msk [tilespmem:v29+s31+$0x0], $0xffff;
	v32 =	vsub.f32 v32, v36  }
0x1bb: {  	v51 =	vadd.s32 $0x200, v6;
	v42 =	vld.idx.msk [tilespmem:v31+s31+$0x0], $0xffff;
	v31 =	vadd.s32 $0x2, v29;
	v4 =	vsub.f32 v4, v47  }
0x1bc: {  	v39 =	vld.idx.msk [tilespmem:v46+s31+$0x0], $0xffff;
	v32 =	vsub.f32 v32, v25;
	v60 =	vadd.s32 $0x1, v31  }
0x1bd: {  	v55 =	vadd.s32 $0x200, v7;
	v35 =	vld.idx.msk [tilespmem:v48+s31+$0x0], $0xffff;
	v4 =	vsub.f32 v4, v25  }
0x1be: {  	v54 =	vadd.s32 $0x201, v5;
	[tilespmem:s8+$0xFFFFF200] =	vst v32;
	v2 =	vld.idx.msk [tilespmem:v2+s31+$0x0], $0xffff;
	v3 =	vsub.f32 v37, v3  }
0x1bf: {  	v53 =	vld.idx.msk [tilespmem:v30+s31+$0x0], $0xffff;
	[tilespmem:s8+$0x10] =	vst v4;
	v4 =	vadd.s32 $0x201, v33  }
0x1c0: {  	v49 =	vadd.s32 $0x301, v6;
	v47 =	vld.idx.msk [tilespmem:v51+s31+$0x0], $0xffff;
	v3 =	vsub.f32 v3, v25  }
0x1c1: {  	v46 =	vadd.s32 $0x301, v5;
	v32 =	vadd.s32 $0x300, v5;
	v51 =	vadd.s32 $0x200, v5;
	v5 =	vld.idx.msk [tilespmem:v60+s31+$0x0], $0xffff  }
0x1c2: {  	v50 =	vadd.s32 $0x301, v7;
	v37 =	vld.idx.msk [tilespmem:v55+s31+$0x0], $0xffff;
	[tilespmem:s9+$0xFFFFF210] =	vst v3  }
0x1c3: {  	v56 =	vadd.s32 $0x101, v29;
	v2 =	vsub.f32 v35, v2;
	v59 =	vld.idx.msk [tilespmem:v54+s31+$0x0], $0xffff  }
0x1c4: {  	v3 =	vadd.s32 $0x101, v30;
	v4 =	vld.idx.msk [tilespmem:v4+s31+$0x0], $0xffff  }
0x1c5: {  	v57 =	vadd.s32 $0x100, v29;
	v58 =	vsub.f32 v52, v53;
	v53 =	vld.idx.msk [tilespmem:v31+s31+$0x0], $0xffff;
	v2 =	vsub.f32 v2, v25  }
0x1c6: {  	s10 =	simm.s32 $0x1B4A0;
	v38 =	vadd.s32 $0x2, v30;
	v62 =	vadd.s32 $0x100, v30;
	v44 =	vld.idx.msk [tilespmem:v49+s31+$0x0], $0xffff  }
0x1c7: {  	v45 =	vld.idx.msk [tilespmem:v50+s31+$0x0], $0xffff;
	v34 =	vsub.f32 v58, v25;
	[tilespmem:s10+$0xFFFFE410] =	vst v2;
	v2 =	vadd.s32 $0x1, v38  }
0x1c8: {  	v61 =	vld.idx.msk [tilespmem:v56+s31+$0x0], $0xffff  }
0x1c9: {  	v63 =	vadd.s32 $0x301, v33;
	[tilespmem:s10+$0xFFFFE400] =	vst v34;
	v3 =	vld.idx.msk [tilespmem:v3+s31+$0x0], $0xffff;
	v4 =	vsub.f32 v59, v4  }
0x1ca: {  	v40 =	vadd.s32 $0x200, v29;
	v36 =	vadd.s32 $0x300, v33;
	v43 =	vadd.s32 $0x200, v38;
	v50 =	vld.idx.msk [tilespmem:v57+s31+$0x0], $0xffff  }
0x1cb: {  	v41 =	vadd.s32 $0x300, v38;
	v60 =	vld.idx.msk [tilespmem:v62+s31+$0x0], $0xffff;
	v59 =	vsub.f32 v39, v42;
	v4 =	vsub.f32 v4, v25  }
0x1cc: {  	v52 =	vadd.s32 $0x200, v33;
	v33 =	vadd.s32 $0x300, v29;
	v55 =	vadd.s32 $0x101, v31;
	v2 =	vld.idx.msk [tilespmem:v2+s31+$0x0], $0xffff  }
0x1cd: {  	v49 =	vadd.s32 $0x300, v6;
	v54 =	vld.idx.msk [tilespmem:v38+s31+$0x0], $0xffff;
	v37 =	vsub.f32 v47, v37;
	v42 =	vsub.f32 v59, v25;
	[tilespmem:s9+$0x10] =	vst v4  }
0x1ce: {  	v34 =	vadd.s32 $0x300, v7;
	v3 =	vsub.f32 v61, v3;
	v61 =	vadd.s32 $0x201, v29;
	v46 =	vld.idx.msk [tilespmem:v46+s31+$0x0], $0xffff  }
0x1cf: {  	v35 =	vadd.s32 $0x300, v30;
	v62 =	vadd.s32 $0x201, v30;
	[tilespmem:s9+$0xFFFFF200] =	vst v42;
	v48 =	vld.idx.msk [tilespmem:v63+s31+$0x0], $0xffff;
	v63 =	vsub.f32 v37, v25  }
0x1d0: {  	v47 =	vadd.s32 $0x100, v38;
	v4 =	vsub.f32 v44, v45;
	v51 =	vld.idx.msk [tilespmem:v51+s31+$0x0], $0xffff;
	v3 =	vsub.f32 v3, v25  }
0x1d1: {  	v56 =	vadd.s32 $0x101, v38;
	v57 =	vsub.f32 v50, v60;
	v52 =	vld.idx.msk [tilespmem:v52+s31+$0x0], $0xffff;
	[tilespmem:s8+$0x0] =	vst v63;
	v2 =	vsub.f32 v5, v2  }
0x1d2: {  	v39 =	vadd.s32 $0x200, v30;
	v4 =	vsub.f32 v4, v25;
	[tilespmem:s10+$0xFFFFF210] =	vst v3;
	v3 =	vsub.f32 v53, v54;
	v49 =	vld.idx.msk [tilespmem:v49+s31+$0x0], $0xffff  }
0x1d3: {  	v50 =	vadd.s32 $0x2, v31;
	v44 =	vadd.s32 $0x100, v31;
	v53 =	vld.idx.msk [tilespmem:v61+s31+$0x0], $0xffff;
	v59 =	vsub.f32 v2, v25  }
0x1d4: {  	s12 =	simm.s32 $0x6;
	s11 =	simm.s32 $0x1B4C0;
	v42 =	vadd.s32 $0x200, v31;
	v45 =	vmovc v38;
	v37 =	vadd.s32 $0x300, v31;
	[tilespmem:s8+$0xE10] =	vst v4;
	v54 =	vld.idx.msk [tilespmem:v62+s31+$0x0], $0xffff;
	v58 =	vsub.f32 v3, v25  }
.LBB2_9:
0x1d5: {  	v2 =	vadd.s32 $0x1, v50;
	[tilespmem:s11+$0xFFFFE410] =	vst v59;
	v38 =	vadd.s32 $0x2, v38;
	v3 =	vsub.f32 v46, v48;
	v4 =	vld.idx.msk [tilespmem:v34+s31+$0x0], $0xffff;
	v34 =	vmovc v36  }
0x1d6: {  	v5 =	vadd.s32 $0x100, v50;
	v36 =	vmovc v35;
	v35 =	vmovc v41;
	v48 =	vadd.s32 $0x100, v38;
	v46 =	vadd.s32 $0x1, v38;
	[tilespmem:s11+$0xFFFFE400] =	vst v58;
	v55 =	vld.idx.msk [tilespmem:v55+s31+$0x0], $0xffff  }
0x1d7: {  	v57 =	vsub.f32 v57, v25;
	v58 =	vadd.s32 $0x200, v50;
	v56 =	vld.idx.msk [tilespmem:v56+s31+$0x0], $0xffff;
	v3 =	vsub.f32 v3, v25  }
0x1d8: {  	v60 =	vadd.s32 $0x300, v50;
	v59 =	vadd.s32 $0x200, v38;
	v51 =	vsub.f32 v51, v52;
	v61 =	vld.idx.msk [tilespmem:v44+s31+$0x0], $0xffff;
	v44 =	vmovc v5  }
0x1d9: {  	s12 =	sadd.s32 $0x2, s12;
	v41 =	vadd.s32 $0x300, v38;
	v52 =	vsub.f32 v53, v54;
	v53 =	vadd.s32 $0x301, v29;
	v29 =	vmovc v31;
	v5 =	vld.idx.msk [tilespmem:v50+s31+$0x0], $0xffff;
	[tilespmem:s9+$0xE10] =	vst v3  }
0x1da: {  	p1 =	slt.u32 s12, $0xDE;
	v51 =	vsub.f32 v51, v25;
	v3 =	vadd.s32 $0x301, v30;
	v30 =	vmovc v45;
	v45 =	vmov v38;
	v2 =	vld.idx.msk [tilespmem:v2+s31+$0x0], $0xffff;
	[tilespmem:s10+$0xFFFFF200] =	vst v57  }
0x1db: {  	v31 =	vmov v50;
	v4 =	vsub.f32 v49, v4;
	v54 =	vld.idx.msk [tilespmem:v46+s31+$0x0], $0xffff;
	v46 =	vsub.f32 v52, v25  }
0x1dc: {  	v49 =	vld.idx.msk [tilespmem:v38+s31+$0x0], $0xffff;
	[tilespmem:s9+$0x0] =	vst v51  }
0x1dd: {  	v62 =	vadd.s32 $0x201, v29;
	v51 =	vsub.f32 v55, v56;
	v4 =	vsub.f32 v4, v25;
	v57 =	vld.idx.msk [tilespmem:v47+s31+$0x0], $0xffff;
	[tilespmem:s10+$0x10] =	vst v46  }
0x1de: {  	v63 =	vadd.s32 $0x201, v30;
	v47 =	vmov v48;
	v46 =	vld.idx.msk [tilespmem:v53+s31+$0x0], $0xffff  }
0x1df: {  	v52 =	vsub.f32 v51, v25;
	v48 =	vld.idx.msk [tilespmem:v3+s31+$0x0], $0xffff;
	[tilespmem:s8+$0xE00] =	vst v4;
	s8 =	smov.u32 s9;
	s9 =	smov.u32 s10;
	s10 =	smov.u32 s11  }
.Ltmp3:
0x1e0: {  	v51 =	vld.idx.msk [tilespmem:v40+s31+$0x0], $0xffff;
	v40 =	vmov v42;
	v42 =	vmov v58;
	(pc) =	sbr.rel @p1 .LBB2_9-.Ltmp3, $4  }
0x1e1: {  	v55 =	vadd.s32 $0x101, v50;
	v2 =	vsub.f32 v2, v54;
	[tilespmem:s11+$0xFFFFF210] =	vst v52;
	v52 =	vld.idx.msk [tilespmem:v39+s31+$0x0], $0xffff;
	v39 =	vmovc v43;
	v43 =	vmov v59  }
0x1e2: {  	v56 =	vadd.s32 $0x101, v38;
	v3 =	vsub.f32 v5, v49;
	v53 =	vld.idx.msk [tilespmem:v62+s31+$0x0], $0xffff  }
0x1e3: {  	v59 =	vsub.f32 v2, v25;
	v57 =	vsub.f32 v61, v57;
	v54 =	vld.idx.msk [tilespmem:v63+s31+$0x0], $0xffff  }
0x1e4: {  	v50 =	vadd.s32 $0x2, v50;
	s11 =	sadd.s32 $0x20, s11;
	v58 =	vsub.f32 v3, v25;
	v49 =	vld.idx.msk [tilespmem:v32+s31+$0x0], $0xffff;
	v32 =	vmovc v33;
	v33 =	vmovc v37;
	v37 =	vmov v60  }
0x1e5: {  	_ =	sdelay $0x2  }
0x1e6: {  	[tilespmem:s11+$0xFFFFE410] =	vst v59  }
0x1e7: {  	v2 =	vld.idx.msk [tilespmem:v55+s31+$0x0], $0xffff  }
0x1e8: {  	v3 =	vld.idx.msk [tilespmem:v56+s31+$0x0], $0xffff;
	_ =	sdelay $0x1  }
0x1e9: {  	[tilespmem:s11+$0xFFFFE400] =	vst v58  }
0x1ea: {  	v4 =	vld.idx.msk [tilespmem:v44+s31+$0x0], $0xffff  }
0x1eb: {  	v5 =	vld.idx.msk [tilespmem:v47+s31+$0x0], $0xffff  }
0x1ec: {  	v2 =	vsub.f32 v2, v3;
	v3 =	vadd.s32 $0x201, v31  }
0x1ed: {  	v38 =	vadd.s32 $0x201, v45  }
0x1ee: {  	v2 =	vsub.f32 v2, v25;
	_ =	sdelay $0x1  }
0x1ef: {  	v57 =	vsub.f32 v57, v25;
	[tilespmem:s11+$0xFFFFF210] =	vst v2;
	v2 =	vsub.f32 v4, v5  }
0x1f0: {  	v3 =	vld.idx.msk [tilespmem:v3+s31+$0x0], $0xffff  }
0x1f1: {  	[tilespmem:s10+$0xFFFFF200] =	vst v57;
	v4 =	vld.idx.msk [tilespmem:v38+s31+$0x0], $0xffff;
	v2 =	vsub.f32 v2, v25  }
0x1f2: {  	v29 =	vadd.s32 $0x301, v29;
	v58 =	vld.idx.msk [tilespmem:v40+s31+$0x0], $0xffff;
	v5 =	vsub.f32 v53, v54  }
0x1f3: {  	v30 =	vadd.s32 $0x301, v30;
	v39 =	vld.idx.msk [tilespmem:v39+s31+$0x0], $0xffff;
	[tilespmem:s11+$0xFFFFF200] =	vst v2  }
0x1f4: {  	v5 =	vsub.f32 v5, v25;
	v2 =	vsub.f32 v51, v52;
	v59 =	vld.idx.msk [tilespmem:v42+s31+$0x0], $0xffff  }
0x1f5: {  	v60 =	vld.idx.msk [tilespmem:v43+s31+$0x0], $0xffff  }
0x1f6: {  	v34 =	vld.idx.msk [tilespmem:v34+s31+$0x0], $0xffff;
	[tilespmem:s10+$0x10] =	vst v5;
	v2 =	vsub.f32 v2, v25;
	v3 =	vsub.f32 v3, v4;
	v4 =	vadd.s32 $0x301, v31  }
0x1f7: {  	v5 =	vld.idx.msk [tilespmem:v29+s31+$0x0], $0xffff;
	v29 =	vadd.s32 $0x301, v45  }
0x1f8: {  	[tilespmem:s9+$0x0] =	vst v2;
	v2 =	vld.idx.msk [tilespmem:v30+s31+$0x0], $0xffff;
	v30 =	vsub.f32 v58, v39;
	v3 =	vsub.f32 v3, v25  }
0x1f9: {  	v31 =	vld.idx.msk [tilespmem:v32+s31+$0x0], $0xffff  }
0x1fa: {  	v61 =	vld.idx.msk [tilespmem:v36+s31+$0x0], $0xffff;
	v30 =	vsub.f32 v30, v25;
	[tilespmem:s11+$0x10] =	vst v3;
	v3 =	vsub.f32 v59, v60  }
0x1fb: {  	v4 =	vld.idx.msk [tilespmem:v4+s31+$0x0], $0xffff  }
0x1fc: {  	v29 =	vld.idx.msk [tilespmem:v29+s31+$0x0], $0xffff;
	[tilespmem:s10+$0x0] =	vst v30;
	v3 =	vsub.f32 v3, v25  }
0x1fd: {  	v30 =	vld.idx.msk [tilespmem:v33+s31+$0x0], $0xffff  }
0x1fe: {  	v62 =	vld.idx.msk [tilespmem:v35+s31+$0x0], $0xffff;
	[tilespmem:s11+$0x0] =	vst v3  }
0x1ff: {  	v3 =	vsub.f32 v46, v48;
	v63 =	vld.idx.msk [tilespmem:v37+s31+$0x0], $0xffff  }
0x200: {  	v34 =	vsub.f32 v49, v34;
	v40 =	vld.idx.msk [tilespmem:v41+s31+$0x0], $0xffff  }
0x201: {  	v2 =	vsub.f32 v5, v2;
	v3 =	vsub.f32 v3, v25  }
0x202: {  	v5 =	vsub.f32 v34, v25;
	v31 =	vsub.f32 v31, v61  }
0x203: {  	v2 =	vsub.f32 v2, v25;
	[tilespmem:s9+$0xE10] =	vst v3;
	v3 =	vsub.f32 v4, v29  }
0x204: {  	[tilespmem:s8+$0xE00] =	vst v5;
	v4 =	vsub.f32 v31, v25;
	v5 =	vsub.f32 v30, v62  }
0x205: {  	[tilespmem:s10+$0xE10] =	vst v2;
	v2 =	vsub.f32 v3, v25;
	v3 =	vsub.f32 v63, v40  }
0x206: {  	[tilespmem:s9+$0xE00] =	vst v4;
	v4 =	vsub.f32 v5, v25  }
0x207: {  	s12 =	sadd.s32 s30, s16;
	[tilespmem:s11+$0xE10] =	vst v2;
	v2 =	vsub.f32 v3, v25  }
0x208: {  	s8 =	sshrl.u32 s12, $0x3;
	[tilespmem:s10+$0xE00] =	vst v4  }
0x209: {  	s8 =	sadd.s32 s2, s8;
	[tilespmem:s11+$0xE00] =	vst v2;
	v2 =	vadd.s32 $0x1, v8  }
0x20a: {  	v3 =	vadd.s32 $0x1, v9;
	[hbm4b:s8+s6] =	stream.strided.scatter [tilespmem:s29], [sflag:$0x3], $0x3800, s7, s6, $0x38;
	[tilespmem:$0x1D060] =	vst v63  }
0x20b: {  	_ =	swait.ge [sflag:s1], $0x3800  }
0x20c: {  	[sflag:s1] =	ssyncset.done $0x0  }
0x20d: {  	[sflag:s1] =	ssyncadd.s32 $0xFFFFC800  }
0x20e: {  	v2 =	vld.idx.msk [tilespmem:v2+s31+$0x0], $0xffff  }
0x20f: {  	v3 =	vld.idx.msk [tilespmem:v3+s31+$0x0], $0xffff;
	_ =	sdelay $0x2  }
0x210: {  	v5 =	vadd.s32 $0x2, v8  }
0x211: {  	v30 =	vadd.s32 $0x1, v5  }
0x212: {  	v2 =	vsub.f32 v2, v3;
	v3 =	vadd.s32 $0x101, v8  }
0x213: {  	v4 =	vadd.s32 $0x101, v9  }
0x214: {  	v33 =	vadd.s32 $0x2, v9;
	v29 =	vld.idx.msk [tilespmem:v8+s31+$0x0], $0xffff;
	v2 =	vsub.f32 v2, v25  }
0x215: {  	s8 =	simm.s32 $0x17C60;
	v31 =	vld.idx.msk [tilespmem:v9+s31+$0x0], $0xffff  }
0x216: {  	v30 =	vld.idx.msk [tilespmem:v30+s31+$0x0], $0xffff;
	[tilespmem:s8+$0xFFFFE410] =	vst v2;
	v2 =	vadd.s32 $0x1, v33  }
0x217: {  	v3 =	vld.idx.msk [tilespmem:v3+s31+$0x0], $0xffff  }
0x218: {  	v4 =	vld.idx.msk [tilespmem:v4+s31+$0x0], $0xffff  }
0x219: {  	v42 =	vld.idx.msk [tilespmem:v33+s31+$0x0], $0xffff  }
0x21a: {  	v29 =	vsub.f32 v29, v31;
	v31 =	vld.idx.msk [tilespmem:v5+s31+$0x0], $0xffff  }
0x21b: {  	v41 =	vadd.s32 $0x100, v8;
	v2 =	vld.idx.msk [tilespmem:v2+s31+$0x0], $0xffff  }
0x21c: {  	v44 =	vadd.s32 $0x100, v9  }
0x21d: {  	v29 =	vsub.f32 v29, v25;
	v3 =	vsub.f32 v3, v4;
	v4 =	vadd.s32 $0x201, v8  }
0x21e: {  	v43 =	vadd.s32 $0x201, v9  }
0x21f: {  	[tilespmem:s8+$0xFFFFE400] =	vst v29;
	v31 =	vsub.f32 v31, v42;
	v3 =	vsub.f32 v3, v25  }
0x220: {  	v45 =	vadd.s32 $0x101, v5;
	v32 =	vld.idx.msk [tilespmem:v41+s31+$0x0], $0xffff;
	v2 =	vsub.f32 v30, v2  }
0x221: {  	v36 =	vld.idx.msk [tilespmem:v44+s31+$0x0], $0xffff;
	v31 =	vsub.f32 v31, v25;
	[tilespmem:s8+$0xFFFFF210] =	vst v3;
	v3 =	vadd.s32 $0x101, v33  }
0x222: {  	s9 =	simm.s32 $0x17C80;
	v29 =	vadd.s32 $0x2, v5;
	v4 =	vld.idx.msk [tilespmem:v4+s31+$0x0], $0xffff;
	v2 =	vsub.f32 v2, v25  }
0x223: {  	[tilespmem:s9+$0xFFFFE400] =	vst v31;
	v31 =	vadd.s32 $0x100, v33;
	v47 =	vld.idx.msk [tilespmem:v43+s31+$0x0], $0xffff  }
0x224: {  	v46 =	vadd.s32 $0x100, v5;
	[tilespmem:s9+$0xFFFFE410] =	vst v2  }
0x225: {  	v48 =	vadd.s32 $0x1, v29;
	v30 =	vadd.s32 $0x2, v33;
	v37 =	vld.idx.msk [tilespmem:v45+s31+$0x0], $0xffff  }
0x226: {  	v2 =	vadd.s32 $0x1, v30;
	v3 =	vld.idx.msk [tilespmem:v3+s31+$0x0], $0xffff  }
0x227: {  	v52 =	vld.idx.msk [tilespmem:v29+s31+$0x0], $0xffff;
	v32 =	vsub.f32 v32, v36  }
0x228: {  	v51 =	vadd.s32 $0x200, v8;
	v42 =	vld.idx.msk [tilespmem:v31+s31+$0x0], $0xffff;
	v31 =	vadd.s32 $0x2, v29;
	v4 =	vsub.f32 v4, v47  }
0x229: {  	v39 =	vld.idx.msk [tilespmem:v46+s31+$0x0], $0xffff;
	v32 =	vsub.f32 v32, v25;
	v60 =	vadd.s32 $0x1, v31  }
0x22a: {  	v55 =	vadd.s32 $0x200, v9;
	v35 =	vld.idx.msk [tilespmem:v48+s31+$0x0], $0xffff;
	v4 =	vsub.f32 v4, v25  }
0x22b: {  	v54 =	vadd.s32 $0x201, v5;
	[tilespmem:s8+$0xFFFFF200] =	vst v32;
	v2 =	vld.idx.msk [tilespmem:v2+s31+$0x0], $0xffff;
	v3 =	vsub.f32 v37, v3  }
0x22c: {  	v53 =	vld.idx.msk [tilespmem:v30+s31+$0x0], $0xffff;
	[tilespmem:s8+$0x10] =	vst v4;
	v4 =	vadd.s32 $0x201, v33  }
0x22d: {  	v49 =	vadd.s32 $0x301, v8;
	v47 =	vld.idx.msk [tilespmem:v51+s31+$0x0], $0xffff;
	v3 =	vsub.f32 v3, v25  }
0x22e: {  	v46 =	vadd.s32 $0x301, v5;
	v32 =	vadd.s32 $0x300, v5;
	v51 =	vadd.s32 $0x200, v5;
	v5 =	vld.idx.msk [tilespmem:v60+s31+$0x0], $0xffff  }
0x22f: {  	v50 =	vadd.s32 $0x301, v9;
	v37 =	vld.idx.msk [tilespmem:v55+s31+$0x0], $0xffff;
	[tilespmem:s9+$0xFFFFF210] =	vst v3  }
0x230: {  	v56 =	vadd.s32 $0x101, v29;
	v2 =	vsub.f32 v35, v2;
	v59 =	vld.idx.msk [tilespmem:v54+s31+$0x0], $0xffff  }
0x231: {  	v3 =	vadd.s32 $0x101, v30;
	v4 =	vld.idx.msk [tilespmem:v4+s31+$0x0], $0xffff  }
0x232: {  	v57 =	vadd.s32 $0x100, v29;
	v58 =	vsub.f32 v52, v53;
	v53 =	vld.idx.msk [tilespmem:v31+s31+$0x0], $0xffff;
	v2 =	vsub.f32 v2, v25  }
0x233: {  	s10 =	simm.s32 $0x17CA0;
	v38 =	vadd.s32 $0x2, v30;
	v62 =	vadd.s32 $0x100, v30;
	v44 =	vld.idx.msk [tilespmem:v49+s31+$0x0], $0xffff  }
0x234: {  	v45 =	vld.idx.msk [tilespmem:v50+s31+$0x0], $0xffff;
	v34 =	vsub.f32 v58, v25;
	[tilespmem:s10+$0xFFFFE410] =	vst v2;
	v2 =	vadd.s32 $0x1, v38  }
0x235: {  	v61 =	vld.idx.msk [tilespmem:v56+s31+$0x0], $0xffff  }
0x236: {  	v63 =	vadd.s32 $0x301, v33;
	[tilespmem:s10+$0xFFFFE400] =	vst v34;
	v3 =	vld.idx.msk [tilespmem:v3+s31+$0x0], $0xffff;
	v4 =	vsub.f32 v59, v4  }
0x237: {  	v40 =	vadd.s32 $0x200, v29;
	v36 =	vadd.s32 $0x300, v33;
	v43 =	vadd.s32 $0x200, v38;
	v50 =	vld.idx.msk [tilespmem:v57+s31+$0x0], $0xffff  }
0x238: {  	v41 =	vadd.s32 $0x300, v38;
	v60 =	vld.idx.msk [tilespmem:v62+s31+$0x0], $0xffff;
	v59 =	vsub.f32 v39, v42;
	v4 =	vsub.f32 v4, v25  }
0x239: {  	v52 =	vadd.s32 $0x200, v33;
	v33 =	vadd.s32 $0x300, v29;
	v55 =	vadd.s32 $0x101, v31;
	v2 =	vld.idx.msk [tilespmem:v2+s31+$0x0], $0xffff  }
0x23a: {  	v49 =	vadd.s32 $0x300, v8;
	v54 =	vld.idx.msk [tilespmem:v38+s31+$0x0], $0xffff;
	v37 =	vsub.f32 v47, v37;
	v42 =	vsub.f32 v59, v25;
	[tilespmem:s9+$0x10] =	vst v4  }
0x23b: {  	v34 =	vadd.s32 $0x300, v9;
	v3 =	vsub.f32 v61, v3;
	v61 =	vadd.s32 $0x201, v29;
	v46 =	vld.idx.msk [tilespmem:v46+s31+$0x0], $0xffff  }
0x23c: {  	v35 =	vadd.s32 $0x300, v30;
	v62 =	vadd.s32 $0x201, v30;
	[tilespmem:s9+$0xFFFFF200] =	vst v42;
	v48 =	vld.idx.msk [tilespmem:v63+s31+$0x0], $0xffff;
	v63 =	vsub.f32 v37, v25  }
0x23d: {  	v47 =	vadd.s32 $0x100, v38;
	v4 =	vsub.f32 v44, v45;
	v51 =	vld.idx.msk [tilespmem:v51+s31+$0x0], $0xffff;
	v3 =	vsub.f32 v3, v25  }
0x23e: {  	v56 =	vadd.s32 $0x101, v38;
	v57 =	vsub.f32 v50, v60;
	v52 =	vld.idx.msk [tilespmem:v52+s31+$0x0], $0xffff;
	[tilespmem:s8+$0x0] =	vst v63;
	v2 =	vsub.f32 v5, v2  }
0x23f: {  	v39 =	vadd.s32 $0x200, v30;
	v4 =	vsub.f32 v4, v25;
	[tilespmem:s10+$0xFFFFF210] =	vst v3;
	v3 =	vsub.f32 v53, v54;
	v49 =	vld.idx.msk [tilespmem:v49+s31+$0x0], $0xffff  }
0x240: {  	v50 =	vadd.s32 $0x2, v31;
	v44 =	vadd.s32 $0x100, v31;
	v53 =	vld.idx.msk [tilespmem:v61+s31+$0x0], $0xffff;
	v59 =	vsub.f32 v2, v25  }
0x241: {  	s12 =	simm.s32 $0x6;
	s11 =	simm.s32 $0x17CC0;
	v42 =	vadd.s32 $0x200, v31;
	v45 =	vmovc v38;
	v37 =	vadd.s32 $0x300, v31;
	[tilespmem:s8+$0xE10] =	vst v4;
	v54 =	vld.idx.msk [tilespmem:v62+s31+$0x0], $0xffff;
	v58 =	vsub.f32 v3, v25  }
.LBB2_11:
0x242: {  	v2 =	vadd.s32 $0x1, v50;
	[tilespmem:s11+$0xFFFFE410] =	vst v59;
	v38 =	vadd.s32 $0x2, v38;
	v3 =	vsub.f32 v46, v48;
	v4 =	vld.idx.msk [tilespmem:v34+s31+$0x0], $0xffff;
	v34 =	vmovc v36  }
0x243: {  	v5 =	vadd.s32 $0x100, v50;
	v36 =	vmovc v35;
	v35 =	vmovc v41;
	v48 =	vadd.s32 $0x100, v38;
	v46 =	vadd.s32 $0x1, v38;
	[tilespmem:s11+$0xFFFFE400] =	vst v58;
	v55 =	vld.idx.msk [tilespmem:v55+s31+$0x0], $0xffff  }
0x244: {  	v57 =	vsub.f32 v57, v25;
	v58 =	vadd.s32 $0x200, v50;
	v56 =	vld.idx.msk [tilespmem:v56+s31+$0x0], $0xffff;
	v3 =	vsub.f32 v3, v25  }
0x245: {  	v60 =	vadd.s32 $0x300, v50;
	v59 =	vadd.s32 $0x200, v38;
	v51 =	vsub.f32 v51, v52;
	v61 =	vld.idx.msk [tilespmem:v44+s31+$0x0], $0xffff;
	v44 =	vmovc v5  }
0x246: {  	s12 =	sadd.s32 $0x2, s12;
	v41 =	vadd.s32 $0x300, v38;
	v52 =	vsub.f32 v53, v54;
	v53 =	vadd.s32 $0x301, v29;
	v29 =	vmovc v31;
	v5 =	vld.idx.msk [tilespmem:v50+s31+$0x0], $0xffff;
	[tilespmem:s9+$0xE10] =	vst v3  }
0x247: {  	p1 =	slt.u32 s12, $0xDE;
	v51 =	vsub.f32 v51, v25;
	v3 =	vadd.s32 $0x301, v30;
	v30 =	vmovc v45;
	v45 =	vmov v38;
	v2 =	vld.idx.msk [tilespmem:v2+s31+$0x0], $0xffff;
	[tilespmem:s10+$0xFFFFF200] =	vst v57  }
0x248: {  	v31 =	vmov v50;
	v4 =	vsub.f32 v49, v4;
	v54 =	vld.idx.msk [tilespmem:v46+s31+$0x0], $0xffff;
	v46 =	vsub.f32 v52, v25  }
0x249: {  	v49 =	vld.idx.msk [tilespmem:v38+s31+$0x0], $0xffff;
	[tilespmem:s9+$0x0] =	vst v51  }
0x24a: {  	v62 =	vadd.s32 $0x201, v29;
	v51 =	vsub.f32 v55, v56;
	v4 =	vsub.f32 v4, v25;
	v57 =	vld.idx.msk [tilespmem:v47+s31+$0x0], $0xffff;
	[tilespmem:s10+$0x10] =	vst v46  }
0x24b: {  	v63 =	vadd.s32 $0x201, v30;
	v47 =	vmov v48;
	v46 =	vld.idx.msk [tilespmem:v53+s31+$0x0], $0xffff  }
0x24c: {  	v52 =	vsub.f32 v51, v25;
	v48 =	vld.idx.msk [tilespmem:v3+s31+$0x0], $0xffff;
	[tilespmem:s8+$0xE00] =	vst v4;
	s8 =	smov.u32 s9;
	s9 =	smov.u32 s10;
	s10 =	smov.u32 s11  }
.Ltmp4:
0x24d: {  	v51 =	vld.idx.msk [tilespmem:v40+s31+$0x0], $0xffff;
	v40 =	vmov v42;
	v42 =	vmov v58;
	(pc) =	sbr.rel @p1 .LBB2_11-.Ltmp4, $4  }
0x24e: {  	v55 =	vadd.s32 $0x101, v50;
	v2 =	vsub.f32 v2, v54;
	[tilespmem:s11+$0xFFFFF210] =	vst v52;
	v52 =	vld.idx.msk [tilespmem:v39+s31+$0x0], $0xffff;
	v39 =	vmovc v43;
	v43 =	vmov v59  }
0x24f: {  	v56 =	vadd.s32 $0x101, v38;
	v3 =	vsub.f32 v5, v49;
	v53 =	vld.idx.msk [tilespmem:v62+s31+$0x0], $0xffff  }
0x250: {  	v59 =	vsub.f32 v2, v25;
	v57 =	vsub.f32 v61, v57;
	v54 =	vld.idx.msk [tilespmem:v63+s31+$0x0], $0xffff  }
0x251: {  	v50 =	vadd.s32 $0x2, v50;
	s11 =	sadd.s32 $0x20, s11;
	v58 =	vsub.f32 v3, v25;
	v49 =	vld.idx.msk [tilespmem:v32+s31+$0x0], $0xffff;
	v32 =	vmovc v33;
	v33 =	vmovc v37;
	v37 =	vmov v60  }
0x252: {  	_ =	sdelay $0x2  }
0x253: {  	[tilespmem:s11+$0xFFFFE410] =	vst v59  }
0x254: {  	v2 =	vld.idx.msk [tilespmem:v55+s31+$0x0], $0xffff  }
0x255: {  	v3 =	vld.idx.msk [tilespmem:v56+s31+$0x0], $0xffff;
	_ =	sdelay $0x1  }
0x256: {  	[tilespmem:s11+$0xFFFFE400] =	vst v58  }
0x257: {  	v4 =	vld.idx.msk [tilespmem:v44+s31+$0x0], $0xffff  }
0x258: {  	v5 =	vld.idx.msk [tilespmem:v47+s31+$0x0], $0xffff  }
0x259: {  	v2 =	vsub.f32 v2, v3;
	v3 =	vadd.s32 $0x201, v31  }
0x25a: {  	v38 =	vadd.s32 $0x201, v45  }
0x25b: {  	v2 =	vsub.f32 v2, v25;
	_ =	sdelay $0x1  }
0x25c: {  	v57 =	vsub.f32 v57, v25;
	[tilespmem:s11+$0xFFFFF210] =	vst v2;
	v2 =	vsub.f32 v4, v5  }
0x25d: {  	v3 =	vld.idx.msk [tilespmem:v3+s31+$0x0], $0xffff  }
0x25e: {  	[tilespmem:s10+$0xFFFFF200] =	vst v57;
	v4 =	vld.idx.msk [tilespmem:v38+s31+$0x0], $0xffff;
	v2 =	vsub.f32 v2, v25  }
0x25f: {  	v29 =	vadd.s32 $0x301, v29;
	v58 =	vld.idx.msk [tilespmem:v40+s31+$0x0], $0xffff;
	v5 =	vsub.f32 v53, v54  }
0x260: {  	v30 =	vadd.s32 $0x301, v30;
	v39 =	vld.idx.msk [tilespmem:v39+s31+$0x0], $0xffff;
	[tilespmem:s11+$0xFFFFF200] =	vst v2  }
0x261: {  	v5 =	vsub.f32 v5, v25;
	v2 =	vsub.f32 v51, v52;
	v59 =	vld.idx.msk [tilespmem:v42+s31+$0x0], $0xffff  }
0x262: {  	v60 =	vld.idx.msk [tilespmem:v43+s31+$0x0], $0xffff  }
0x263: {  	v34 =	vld.idx.msk [tilespmem:v34+s31+$0x0], $0xffff;
	[tilespmem:s10+$0x10] =	vst v5;
	v2 =	vsub.f32 v2, v25;
	v3 =	vsub.f32 v3, v4;
	v4 =	vadd.s32 $0x301, v31  }
0x264: {  	v5 =	vld.idx.msk [tilespmem:v29+s31+$0x0], $0xffff;
	v29 =	vadd.s32 $0x301, v45  }
0x265: {  	[tilespmem:s9+$0x0] =	vst v2;
	v2 =	vld.idx.msk [tilespmem:v30+s31+$0x0], $0xffff;
	v30 =	vsub.f32 v58, v39;
	v3 =	vsub.f32 v3, v25  }
0x266: {  	v31 =	vld.idx.msk [tilespmem:v32+s31+$0x0], $0xffff  }
0x267: {  	v61 =	vld.idx.msk [tilespmem:v36+s31+$0x0], $0xffff;
	v30 =	vsub.f32 v30, v25;
	[tilespmem:s11+$0x10] =	vst v3;
	v3 =	vsub.f32 v59, v60  }
0x268: {  	v4 =	vld.idx.msk [tilespmem:v4+s31+$0x0], $0xffff  }
0x269: {  	v29 =	vld.idx.msk [tilespmem:v29+s31+$0x0], $0xffff;
	[tilespmem:s10+$0x0] =	vst v30;
	v3 =	vsub.f32 v3, v25  }
0x26a: {  	v30 =	vld.idx.msk [tilespmem:v33+s31+$0x0], $0xffff  }
0x26b: {  	v62 =	vld.idx.msk [tilespmem:v35+s31+$0x0], $0xffff;
	[tilespmem:s11+$0x0] =	vst v3  }
0x26c: {  	v3 =	vsub.f32 v46, v48;
	v63 =	vld.idx.msk [tilespmem:v37+s31+$0x0], $0xffff  }
0x26d: {  	v34 =	vsub.f32 v49, v34;
	v40 =	vld.idx.msk [tilespmem:v41+s31+$0x0], $0xffff  }
0x26e: {  	v2 =	vsub.f32 v5, v2;
	v3 =	vsub.f32 v3, v25  }
0x26f: {  	v5 =	vsub.f32 v34, v25;
	v31 =	vsub.f32 v31, v61  }
0x270: {  	v2 =	vsub.f32 v2, v25;
	[tilespmem:s9+$0xE10] =	vst v3;
	v3 =	vsub.f32 v4, v29  }
0x271: {  	[tilespmem:s8+$0xE00] =	vst v5;
	v4 =	vsub.f32 v31, v25;
	v5 =	vsub.f32 v30, v62  }
0x272: {  	[tilespmem:s10+$0xE10] =	vst v2;
	v2 =	vsub.f32 v3, v25;
	v3 =	vsub.f32 v63, v40  }
0x273: {  	[tilespmem:s9+$0xE00] =	vst v4;
	v4 =	vsub.f32 v5, v25  }
0x274: {  	s12 =	sadd.s32 s30, s17;
	[tilespmem:s11+$0xE10] =	vst v2;
	v2 =	vsub.f32 v3, v25  }
0x275: {  	s8 =	sshrl.u32 s12, $0x3;
	[tilespmem:s10+$0xE00] =	vst v4  }
0x276: {  	s8 =	sadd.s32 s2, s8;
	[tilespmem:s11+$0xE00] =	vst v2;
	v2 =	vadd.s32 $0x1, v10  }
0x277: {  	v3 =	vadd.s32 $0x1, v11;
	[hbm4b:s8+s6] =	stream.strided.scatter [tilespmem:s25], [sflag:$0x2], $0x3800, s7, s6, $0x38;
	[tilespmem:$0x1D060] =	vst v63  }
0x278: {  	_ =	swait.ge [sflag:s0], $0x3800  }
0x279: {  	[sflag:s0] =	ssyncset.done $0x0  }
0x27a: {  	[sflag:s0] =	ssyncadd.s32 $0xFFFFC800  }
0x27b: {  	v2 =	vld.idx.msk [tilespmem:v2+s31+$0x0], $0xffff  }
0x27c: {  	v3 =	vld.idx.msk [tilespmem:v3+s31+$0x0], $0xffff;
	_ =	sdelay $0x2  }
0x27d: {  	v5 =	vadd.s32 $0x2, v10  }
0x27e: {  	v30 =	vadd.s32 $0x1, v5  }
0x27f: {  	v2 =	vsub.f32 v2, v3;
	v3 =	vadd.s32 $0x101, v10  }
0x280: {  	v4 =	vadd.s32 $0x101, v11  }
0x281: {  	v33 =	vadd.s32 $0x2, v11;
	v29 =	vld.idx.msk [tilespmem:v10+s31+$0x0], $0xffff;
	v2 =	vsub.f32 v2, v25  }
0x282: {  	s8 =	simm.s32 $0x1B460;
	v31 =	vld.idx.msk [tilespmem:v11+s31+$0x0], $0xffff  }
0x283: {  	v30 =	vld.idx.msk [tilespmem:v30+s31+$0x0], $0xffff;
	[tilespmem:s8+$0xFFFFE410] =	vst v2;
	v2 =	vadd.s32 $0x1, v33  }
0x284: {  	v3 =	vld.idx.msk [tilespmem:v3+s31+$0x0], $0xffff  }
0x285: {  	v4 =	vld.idx.msk [tilespmem:v4+s31+$0x0], $0xffff  }
0x286: {  	v42 =	vld.idx.msk [tilespmem:v33+s31+$0x0], $0xffff  }
0x287: {  	v29 =	vsub.f32 v29, v31;
	v31 =	vld.idx.msk [tilespmem:v5+s31+$0x0], $0xffff  }
0x288: {  	v41 =	vadd.s32 $0x100, v10;
	v2 =	vld.idx.msk [tilespmem:v2+s31+$0x0], $0xffff  }
0x289: {  	v44 =	vadd.s32 $0x100, v11  }
0x28a: {  	v29 =	vsub.f32 v29, v25;
	v3 =	vsub.f32 v3, v4;
	v4 =	vadd.s32 $0x201, v10  }
0x28b: {  	v43 =	vadd.s32 $0x201, v11  }
0x28c: {  	[tilespmem:s8+$0xFFFFE400] =	vst v29;
	v31 =	vsub.f32 v31, v42;
	v3 =	vsub.f32 v3, v25  }
0x28d: {  	v45 =	vadd.s32 $0x101, v5;
	v32 =	vld.idx.msk [tilespmem:v41+s31+$0x0], $0xffff;
	v2 =	vsub.f32 v30, v2  }
0x28e: {  	v36 =	vld.idx.msk [tilespmem:v44+s31+$0x0], $0xffff;
	v31 =	vsub.f32 v31, v25;
	[tilespmem:s8+$0xFFFFF210] =	vst v3;
	v3 =	vadd.s32 $0x101, v33  }
0x28f: {  	s9 =	simm.s32 $0x1B480;
	v29 =	vadd.s32 $0x2, v5;
	v4 =	vld.idx.msk [tilespmem:v4+s31+$0x0], $0xffff;
	v2 =	vsub.f32 v2, v25  }
0x290: {  	[tilespmem:s9+$0xFFFFE400] =	vst v31;
	v31 =	vadd.s32 $0x100, v33;
	v47 =	vld.idx.msk [tilespmem:v43+s31+$0x0], $0xffff  }
0x291: {  	v46 =	vadd.s32 $0x100, v5;
	[tilespmem:s9+$0xFFFFE410] =	vst v2  }
0x292: {  	v48 =	vadd.s32 $0x1, v29;
	v30 =	vadd.s32 $0x2, v33;
	v37 =	vld.idx.msk [tilespmem:v45+s31+$0x0], $0xffff  }
0x293: {  	v2 =	vadd.s32 $0x1, v30;
	v3 =	vld.idx.msk [tilespmem:v3+s31+$0x0], $0xffff  }
0x294: {  	v52 =	vld.idx.msk [tilespmem:v29+s31+$0x0], $0xffff;
	v32 =	vsub.f32 v32, v36  }
0x295: {  	v51 =	vadd.s32 $0x200, v10;
	v42 =	vld.idx.msk [tilespmem:v31+s31+$0x0], $0xffff;
	v31 =	vadd.s32 $0x2, v29;
	v4 =	vsub.f32 v4, v47  }
0x296: {  	v39 =	vld.idx.msk [tilespmem:v46+s31+$0x0], $0xffff;
	v32 =	vsub.f32 v32, v25;
	v60 =	vadd.s32 $0x1, v31  }
0x297: {  	v55 =	vadd.s32 $0x200, v11;
	v35 =	vld.idx.msk [tilespmem:v48+s31+$0x0], $0xffff;
	v4 =	vsub.f32 v4, v25  }
0x298: {  	v54 =	vadd.s32 $0x201, v5;
	[tilespmem:s8+$0xFFFFF200] =	vst v32;
	v2 =	vld.idx.msk [tilespmem:v2+s31+$0x0], $0xffff;
	v3 =	vsub.f32 v37, v3  }
0x299: {  	v53 =	vld.idx.msk [tilespmem:v30+s31+$0x0], $0xffff;
	[tilespmem:s8+$0x10] =	vst v4;
	v4 =	vadd.s32 $0x201, v33  }
0x29a: {  	v49 =	vadd.s32 $0x301, v10;
	v47 =	vld.idx.msk [tilespmem:v51+s31+$0x0], $0xffff;
	v3 =	vsub.f32 v3, v25  }
0x29b: {  	v46 =	vadd.s32 $0x301, v5;
	v32 =	vadd.s32 $0x300, v5;
	v51 =	vadd.s32 $0x200, v5;
	v5 =	vld.idx.msk [tilespmem:v60+s31+$0x0], $0xffff  }
0x29c: {  	v50 =	vadd.s32 $0x301, v11;
	v37 =	vld.idx.msk [tilespmem:v55+s31+$0x0], $0xffff;
	[tilespmem:s9+$0xFFFFF210] =	vst v3  }
0x29d: {  	v56 =	vadd.s32 $0x101, v29;
	v2 =	vsub.f32 v35, v2;
	v59 =	vld.idx.msk [tilespmem:v54+s31+$0x0], $0xffff  }
0x29e: {  	v3 =	vadd.s32 $0x101, v30;
	v4 =	vld.idx.msk [tilespmem:v4+s31+$0x0], $0xffff  }
0x29f: {  	v57 =	vadd.s32 $0x100, v29;
	v58 =	vsub.f32 v52, v53;
	v53 =	vld.idx.msk [tilespmem:v31+s31+$0x0], $0xffff;
	v2 =	vsub.f32 v2, v25  }
0x2a0: {  	s10 =	simm.s32 $0x1B4A0;
	v38 =	vadd.s32 $0x2, v30;
	v62 =	vadd.s32 $0x100, v30;
	v44 =	vld.idx.msk [tilespmem:v49+s31+$0x0], $0xffff  }
0x2a1: {  	v45 =	vld.idx.msk [tilespmem:v50+s31+$0x0], $0xffff;
	v34 =	vsub.f32 v58, v25;
	[tilespmem:s10+$0xFFFFE410] =	vst v2;
	v2 =	vadd.s32 $0x1, v38  }
0x2a2: {  	v61 =	vld.idx.msk [tilespmem:v56+s31+$0x0], $0xffff  }
0x2a3: {  	v63 =	vadd.s32 $0x301, v33;
	[tilespmem:s10+$0xFFFFE400] =	vst v34;
	v3 =	vld.idx.msk [tilespmem:v3+s31+$0x0], $0xffff;
	v4 =	vsub.f32 v59, v4  }
0x2a4: {  	v40 =	vadd.s32 $0x200, v29;
	v36 =	vadd.s32 $0x300, v33;
	v43 =	vadd.s32 $0x200, v38;
	v50 =	vld.idx.msk [tilespmem:v57+s31+$0x0], $0xffff  }
0x2a5: {  	v41 =	vadd.s32 $0x300, v38;
	v60 =	vld.idx.msk [tilespmem:v62+s31+$0x0], $0xffff;
	v59 =	vsub.f32 v39, v42;
	v4 =	vsub.f32 v4, v25  }
0x2a6: {  	v52 =	vadd.s32 $0x200, v33;
	v33 =	vadd.s32 $0x300, v29;
	v55 =	vadd.s32 $0x101, v31;
	v2 =	vld.idx.msk [tilespmem:v2+s31+$0x0], $0xffff  }
0x2a7: {  	v49 =	vadd.s32 $0x300, v10;
	v54 =	vld.idx.msk [tilespmem:v38+s31+$0x0], $0xffff;
	v37 =	vsub.f32 v47, v37;
	v42 =	vsub.f32 v59, v25;
	[tilespmem:s9+$0x10] =	vst v4  }
0x2a8: {  	v34 =	vadd.s32 $0x300, v11;
	v3 =	vsub.f32 v61, v3;
	v61 =	vadd.s32 $0x201, v29;
	v46 =	vld.idx.msk [tilespmem:v46+s31+$0x0], $0xffff  }
0x2a9: {  	v35 =	vadd.s32 $0x300, v30;
	v62 =	vadd.s32 $0x201, v30;
	[tilespmem:s9+$0xFFFFF200] =	vst v42;
	v48 =	vld.idx.msk [tilespmem:v63+s31+$0x0], $0xffff;
	v63 =	vsub.f32 v37, v25  }
0x2aa: {  	v47 =	vadd.s32 $0x100, v38;
	v4 =	vsub.f32 v44, v45;
	v51 =	vld.idx.msk [tilespmem:v51+s31+$0x0], $0xffff;
	v3 =	vsub.f32 v3, v25  }
0x2ab: {  	v56 =	vadd.s32 $0x101, v38;
	v57 =	vsub.f32 v50, v60;
	v52 =	vld.idx.msk [tilespmem:v52+s31+$0x0], $0xffff;
	[tilespmem:s8+$0x0] =	vst v63;
	v2 =	vsub.f32 v5, v2  }
0x2ac: {  	v39 =	vadd.s32 $0x200, v30;
	v4 =	vsub.f32 v4, v25;
	[tilespmem:s10+$0xFFFFF210] =	vst v3;
	v3 =	vsub.f32 v53, v54;
	v49 =	vld.idx.msk [tilespmem:v49+s31+$0x0], $0xffff  }
0x2ad: {  	v50 =	vadd.s32 $0x2, v31;
	v44 =	vadd.s32 $0x100, v31;
	v53 =	vld.idx.msk [tilespmem:v61+s31+$0x0], $0xffff;
	v59 =	vsub.f32 v2, v25  }
0x2ae: {  	s12 =	simm.s32 $0x6;
	s11 =	simm.s32 $0x1B4C0;
	v42 =	vadd.s32 $0x200, v31;
	v45 =	vmovc v38;
	v37 =	vadd.s32 $0x300, v31;
	[tilespmem:s8+$0xE10] =	vst v4;
	v54 =	vld.idx.msk [tilespmem:v62+s31+$0x0], $0xffff;
	v58 =	vsub.f32 v3, v25  }
.LBB2_13:
0x2af: {  	v2 =	vadd.s32 $0x1, v50;
	[tilespmem:s11+$0xFFFFE410] =	vst v59;
	v38 =	vadd.s32 $0x2, v38;
	v3 =	vsub.f32 v46, v48;
	v4 =	vld.idx.msk [tilespmem:v34+s31+$0x0], $0xffff;
	v34 =	vmovc v36  }
0x2b0: {  	v5 =	vadd.s32 $0x100, v50;
	v36 =	vmovc v35;
	v35 =	vmovc v41;
	v48 =	vadd.s32 $0x100, v38;
	v46 =	vadd.s32 $0x1, v38;
	[tilespmem:s11+$0xFFFFE400] =	vst v58;
	v55 =	vld.idx.msk [tilespmem:v55+s31+$0x0], $0xffff  }
0x2b1: {  	v57 =	vsub.f32 v57, v25;
	v58 =	vadd.s32 $0x200, v50;
	v56 =	vld.idx.msk [tilespmem:v56+s31+$0x0], $0xffff;
	v3 =	vsub.f32 v3, v25  }
0x2b2: {  	v60 =	vadd.s32 $0x300, v50;
	v59 =	vadd.s32 $0x200, v38;
	v51 =	vsub.f32 v51, v52;
	v61 =	vld.idx.msk [tilespmem:v44+s31+$0x0], $0xffff;
	v44 =	vmovc v5  }
0x2b3: {  	s12 =	sadd.s32 $0x2, s12;
	v41 =	vadd.s32 $0x300, v38;
	v52 =	vsub.f32 v53, v54;
	v53 =	vadd.s32 $0x301, v29;
	v29 =	vmovc v31;
	v5 =	vld.idx.msk [tilespmem:v50+s31+$0x0], $0xffff;
	[tilespmem:s9+$0xE10] =	vst v3  }
0x2b4: {  	p1 =	slt.u32 s12, $0xDE;
	v51 =	vsub.f32 v51, v25;
	v3 =	vadd.s32 $0x301, v30;
	v30 =	vmovc v45;
	v45 =	vmov v38;
	v2 =	vld.idx.msk [tilespmem:v2+s31+$0x0], $0xffff;
	[tilespmem:s10+$0xFFFFF200] =	vst v57  }
0x2b5: {  	v31 =	vmov v50;
	v4 =	vsub.f32 v49, v4;
	v54 =	vld.idx.msk [tilespmem:v46+s31+$0x0], $0xffff;
	v46 =	vsub.f32 v52, v25  }
0x2b6: {  	v49 =	vld.idx.msk [tilespmem:v38+s31+$0x0], $0xffff;
	[tilespmem:s9+$0x0] =	vst v51  }
0x2b7: {  	v62 =	vadd.s32 $0x201, v29;
	v51 =	vsub.f32 v55, v56;
	v4 =	vsub.f32 v4, v25;
	v57 =	vld.idx.msk [tilespmem:v47+s31+$0x0], $0xffff;
	[tilespmem:s10+$0x10] =	vst v46  }
0x2b8: {  	v63 =	vadd.s32 $0x201, v30;
	v47 =	vmov v48;
	v46 =	vld.idx.msk [tilespmem:v53+s31+$0x0], $0xffff  }
0x2b9: {  	v52 =	vsub.f32 v51, v25;
	v48 =	vld.idx.msk [tilespmem:v3+s31+$0x0], $0xffff;
	[tilespmem:s8+$0xE00] =	vst v4;
	s8 =	smov.u32 s9;
	s9 =	smov.u32 s10;
	s10 =	smov.u32 s11  }
.Ltmp5:
0x2ba: {  	v51 =	vld.idx.msk [tilespmem:v40+s31+$0x0], $0xffff;
	v40 =	vmov v42;
	v42 =	vmov v58;
	(pc) =	sbr.rel @p1 .LBB2_13-.Ltmp5, $4  }
0x2bb: {  	v55 =	vadd.s32 $0x101, v50;
	v2 =	vsub.f32 v2, v54;
	[tilespmem:s11+$0xFFFFF210] =	vst v52;
	v52 =	vld.idx.msk [tilespmem:v39+s31+$0x0], $0xffff;
	v39 =	vmovc v43;
	v43 =	vmov v59  }
0x2bc: {  	v56 =	vadd.s32 $0x101, v38;
	v3 =	vsub.f32 v5, v49;
	v53 =	vld.idx.msk [tilespmem:v62+s31+$0x0], $0xffff  }
0x2bd: {  	v59 =	vsub.f32 v2, v25;
	v57 =	vsub.f32 v61, v57;
	v54 =	vld.idx.msk [tilespmem:v63+s31+$0x0], $0xffff  }
0x2be: {  	v50 =	vadd.s32 $0x2, v50;
	s11 =	sadd.s32 $0x20, s11;
	v58 =	vsub.f32 v3, v25;
	v49 =	vld.idx.msk [tilespmem:v32+s31+$0x0], $0xffff;
	v32 =	vmovc v33;
	v33 =	vmovc v37;
	v37 =	vmov v60  }
0x2bf: {  	_ =	sdelay $0x2  }
0x2c0: {  	[tilespmem:s11+$0xFFFFE410] =	vst v59  }
0x2c1: {  	v2 =	vld.idx.msk [tilespmem:v55+s31+$0x0], $0xffff  }
0x2c2: {  	v3 =	vld.idx.msk [tilespmem:v56+s31+$0x0], $0xffff;
	_ =	sdelay $0x1  }
0x2c3: {  	[tilespmem:s11+$0xFFFFE400] =	vst v58  }
0x2c4: {  	v4 =	vld.idx.msk [tilespmem:v44+s31+$0x0], $0xffff  }
0x2c5: {  	v5 =	vld.idx.msk [tilespmem:v47+s31+$0x0], $0xffff  }
0x2c6: {  	v2 =	vsub.f32 v2, v3;
	v3 =	vadd.s32 $0x201, v31  }
0x2c7: {  	v38 =	vadd.s32 $0x201, v45  }
0x2c8: {  	v2 =	vsub.f32 v2, v25;
	_ =	sdelay $0x1  }
0x2c9: {  	v57 =	vsub.f32 v57, v25;
	[tilespmem:s11+$0xFFFFF210] =	vst v2;
	v2 =	vsub.f32 v4, v5  }
0x2ca: {  	v3 =	vld.idx.msk [tilespmem:v3+s31+$0x0], $0xffff  }
0x2cb: {  	[tilespmem:s10+$0xFFFFF200] =	vst v57;
	v4 =	vld.idx.msk [tilespmem:v38+s31+$0x0], $0xffff;
	v2 =	vsub.f32 v2, v25  }
0x2cc: {  	v29 =	vadd.s32 $0x301, v29;
	v58 =	vld.idx.msk [tilespmem:v40+s31+$0x0], $0xffff;
	v5 =	vsub.f32 v53, v54  }
0x2cd: {  	v30 =	vadd.s32 $0x301, v30;
	v39 =	vld.idx.msk [tilespmem:v39+s31+$0x0], $0xffff;
	[tilespmem:s11+$0xFFFFF200] =	vst v2  }
0x2ce: {  	v5 =	vsub.f32 v5, v25;
	v2 =	vsub.f32 v51, v52;
	v59 =	vld.idx.msk [tilespmem:v42+s31+$0x0], $0xffff  }
0x2cf: {  	v60 =	vld.idx.msk [tilespmem:v43+s31+$0x0], $0xffff  }
0x2d0: {  	v34 =	vld.idx.msk [tilespmem:v34+s31+$0x0], $0xffff;
	[tilespmem:s10+$0x10] =	vst v5;
	v2 =	vsub.f32 v2, v25;
	v3 =	vsub.f32 v3, v4;
	v4 =	vadd.s32 $0x301, v31  }
0x2d1: {  	v5 =	vld.idx.msk [tilespmem:v29+s31+$0x0], $0xffff;
	v29 =	vadd.s32 $0x301, v45  }
0x2d2: {  	[tilespmem:s9+$0x0] =	vst v2;
	v2 =	vld.idx.msk [tilespmem:v30+s31+$0x0], $0xffff;
	v30 =	vsub.f32 v58, v39;
	v3 =	vsub.f32 v3, v25  }
0x2d3: {  	v31 =	vld.idx.msk [tilespmem:v32+s31+$0x0], $0xffff  }
0x2d4: {  	v61 =	vld.idx.msk [tilespmem:v36+s31+$0x0], $0xffff;
	v30 =	vsub.f32 v30, v25;
	[tilespmem:s11+$0x10] =	vst v3;
	v3 =	vsub.f32 v59, v60  }
0x2d5: {  	v4 =	vld.idx.msk [tilespmem:v4+s31+$0x0], $0xffff  }
0x2d6: {  	v29 =	vld.idx.msk [tilespmem:v29+s31+$0x0], $0xffff;
	[tilespmem:s10+$0x0] =	vst v30;
	v3 =	vsub.f32 v3, v25  }
0x2d7: {  	v30 =	vld.idx.msk [tilespmem:v33+s31+$0x0], $0xffff  }
0x2d8: {  	v62 =	vld.idx.msk [tilespmem:v35+s31+$0x0], $0xffff;
	[tilespmem:s11+$0x0] =	vst v3  }
0x2d9: {  	v3 =	vsub.f32 v46, v48;
	v63 =	vld.idx.msk [tilespmem:v37+s31+$0x0], $0xffff  }
0x2da: {  	v34 =	vsub.f32 v49, v34;
	v40 =	vld.idx.msk [tilespmem:v41+s31+$0x0], $0xffff  }
0x2db: {  	v2 =	vsub.f32 v5, v2;
	v3 =	vsub.f32 v3, v25  }
0x2dc: {  	v5 =	vsub.f32 v34, v25;
	v31 =	vsub.f32 v31, v61  }
0x2dd: {  	v2 =	vsub.f32 v2, v25;
	[tilespmem:s9+$0xE10] =	vst v3;
	v3 =	vsub.f32 v4, v29  }
0x2de: {  	[tilespmem:s8+$0xE00] =	vst v5;
	v4 =	vsub.f32 v31, v25;
	v5 =	vsub.f32 v30, v62  }
0x2df: {  	[tilespmem:s10+$0xE10] =	vst v2;
	v2 =	vsub.f32 v3, v25;
	v3 =	vsub.f32 v63, v40  }
0x2e0: {  	[tilespmem:s9+$0xE00] =	vst v4;
	v4 =	vsub.f32 v5, v25  }
0x2e1: {  	s12 =	sadd.s32 s30, s18;
	[tilespmem:s11+$0xE10] =	vst v2;
	v2 =	vsub.f32 v3, v25  }
0x2e2: {  	s8 =	sshrl.u32 s12, $0x3;
	[tilespmem:s10+$0xE00] =	vst v4  }
0x2e3: {  	s8 =	sadd.s32 s2, s8;
	[tilespmem:s11+$0xE00] =	vst v2;
	v2 =	vadd.s32 $0x1, v12  }
0x2e4: {  	v3 =	vadd.s32 $0x1, v13;
	[hbm4b:s8+s6] =	stream.strided.scatter [tilespmem:s29], [sflag:$0x3], $0x3800, s7, s6, $0x38;
	[tilespmem:$0x1D060] =	vst v63  }
0x2e5: {  	_ =	swait.ge [sflag:s1], $0x3800  }
0x2e6: {  	[sflag:s1] =	ssyncset.done $0x0  }
0x2e7: {  	[sflag:s1] =	ssyncadd.s32 $0xFFFFC800  }
0x2e8: {  	v2 =	vld.idx.msk [tilespmem:v2+s31+$0x0], $0xffff  }
0x2e9: {  	v3 =	vld.idx.msk [tilespmem:v3+s31+$0x0], $0xffff;
	_ =	sdelay $0x2  }
0x2ea: {  	v5 =	vadd.s32 $0x2, v12  }
0x2eb: {  	v30 =	vadd.s32 $0x1, v5  }
0x2ec: {  	v2 =	vsub.f32 v2, v3;
	v3 =	vadd.s32 $0x101, v12  }
0x2ed: {  	v4 =	vadd.s32 $0x101, v13  }
0x2ee: {  	v33 =	vadd.s32 $0x2, v13;
	v29 =	vld.idx.msk [tilespmem:v12+s31+$0x0], $0xffff;
	v2 =	vsub.f32 v2, v25  }
0x2ef: {  	s8 =	simm.s32 $0x17C60;
	v31 =	vld.idx.msk [tilespmem:v13+s31+$0x0], $0xffff  }
0x2f0: {  	v30 =	vld.idx.msk [tilespmem:v30+s31+$0x0], $0xffff;
	[tilespmem:s8+$0xFFFFE410] =	vst v2;
	v2 =	vadd.s32 $0x1, v33  }
0x2f1: {  	v3 =	vld.idx.msk [tilespmem:v3+s31+$0x0], $0xffff  }
0x2f2: {  	v4 =	vld.idx.msk [tilespmem:v4+s31+$0x0], $0xffff  }
0x2f3: {  	v42 =	vld.idx.msk [tilespmem:v33+s31+$0x0], $0xffff  }
0x2f4: {  	v29 =	vsub.f32 v29, v31;
	v31 =	vld.idx.msk [tilespmem:v5+s31+$0x0], $0xffff  }
0x2f5: {  	v41 =	vadd.s32 $0x100, v12;
	v2 =	vld.idx.msk [tilespmem:v2+s31+$0x0], $0xffff  }
0x2f6: {  	v44 =	vadd.s32 $0x100, v13  }
0x2f7: {  	v29 =	vsub.f32 v29, v25;
	v3 =	vsub.f32 v3, v4;
	v4 =	vadd.s32 $0x201, v12  }
0x2f8: {  	v43 =	vadd.s32 $0x201, v13  }
0x2f9: {  	[tilespmem:s8+$0xFFFFE400] =	vst v29;
	v31 =	vsub.f32 v31, v42;
	v3 =	vsub.f32 v3, v25  }
0x2fa: {  	v45 =	vadd.s32 $0x101, v5;
	v32 =	vld.idx.msk [tilespmem:v41+s31+$0x0], $0xffff;
	v2 =	vsub.f32 v30, v2  }
0x2fb: {  	v36 =	vld.idx.msk [tilespmem:v44+s31+$0x0], $0xffff;
	v31 =	vsub.f32 v31, v25;
	[tilespmem:s8+$0xFFFFF210] =	vst v3;
	v3 =	vadd.s32 $0x101, v33  }
0x2fc: {  	s9 =	simm.s32 $0x17C80;
	v29 =	vadd.s32 $0x2, v5;
	v4 =	vld.idx.msk [tilespmem:v4+s31+$0x0], $0xffff;
	v2 =	vsub.f32 v2, v25  }
0x2fd: {  	[tilespmem:s9+$0xFFFFE400] =	vst v31;
	v31 =	vadd.s32 $0x100, v33;
	v47 =	vld.idx.msk [tilespmem:v43+s31+$0x0], $0xffff  }
0x2fe: {  	v46 =	vadd.s32 $0x100, v5;
	[tilespmem:s9+$0xFFFFE410] =	vst v2  }
0x2ff: {  	v48 =	vadd.s32 $0x1, v29;
	v30 =	vadd.s32 $0x2, v33;
	v37 =	vld.idx.msk [tilespmem:v45+s31+$0x0], $0xffff  }
0x300: {  	v2 =	vadd.s32 $0x1, v30;
	v3 =	vld.idx.msk [tilespmem:v3+s31+$0x0], $0xffff  }
0x301: {  	v52 =	vld.idx.msk [tilespmem:v29+s31+$0x0], $0xffff;
	v32 =	vsub.f32 v32, v36  }
0x302: {  	v51 =	vadd.s32 $0x200, v12;
	v42 =	vld.idx.msk [tilespmem:v31+s31+$0x0], $0xffff;
	v31 =	vadd.s32 $0x2, v29;
	v4 =	vsub.f32 v4, v47  }
0x303: {  	v39 =	vld.idx.msk [tilespmem:v46+s31+$0x0], $0xffff;
	v32 =	vsub.f32 v32, v25;
	v60 =	vadd.s32 $0x1, v31  }
0x304: {  	v55 =	vadd.s32 $0x200, v13;
	v35 =	vld.idx.msk [tilespmem:v48+s31+$0x0], $0xffff;
	v4 =	vsub.f32 v4, v25  }
0x305: {  	v54 =	vadd.s32 $0x201, v5;
	[tilespmem:s8+$0xFFFFF200] =	vst v32;
	v2 =	vld.idx.msk [tilespmem:v2+s31+$0x0], $0xffff;
	v3 =	vsub.f32 v37, v3  }
0x306: {  	v53 =	vld.idx.msk [tilespmem:v30+s31+$0x0], $0xffff;
	[tilespmem:s8+$0x10] =	vst v4;
	v4 =	vadd.s32 $0x201, v33  }
0x307: {  	v49 =	vadd.s32 $0x301, v12;
	v47 =	vld.idx.msk [tilespmem:v51+s31+$0x0], $0xffff;
	v3 =	vsub.f32 v3, v25  }
0x308: {  	v46 =	vadd.s32 $0x301, v5;
	v32 =	vadd.s32 $0x300, v5;
	v51 =	vadd.s32 $0x200, v5;
	v5 =	vld.idx.msk [tilespmem:v60+s31+$0x0], $0xffff  }
0x309: {  	v50 =	vadd.s32 $0x301, v13;
	v37 =	vld.idx.msk [tilespmem:v55+s31+$0x0], $0xffff;
	[tilespmem:s9+$0xFFFFF210] =	vst v3  }
0x30a: {  	v56 =	vadd.s32 $0x101, v29;
	v2 =	vsub.f32 v35, v2;
	v59 =	vld.idx.msk [tilespmem:v54+s31+$0x0], $0xffff  }
0x30b: {  	v3 =	vadd.s32 $0x101, v30;
	v4 =	vld.idx.msk [tilespmem:v4+s31+$0x0], $0xffff  }
0x30c: {  	v57 =	vadd.s32 $0x100, v29;
	v58 =	vsub.f32 v52, v53;
	v53 =	vld.idx.msk [tilespmem:v31+s31+$0x0], $0xffff;
	v2 =	vsub.f32 v2, v25  }
0x30d: {  	s10 =	simm.s32 $0x17CA0;
	v38 =	vadd.s32 $0x2, v30;
	v62 =	vadd.s32 $0x100, v30;
	v44 =	vld.idx.msk [tilespmem:v49+s31+$0x0], $0xffff  }
0x30e: {  	v45 =	vld.idx.msk [tilespmem:v50+s31+$0x0], $0xffff;
	v34 =	vsub.f32 v58, v25;
	[tilespmem:s10+$0xFFFFE410] =	vst v2;
	v2 =	vadd.s32 $0x1, v38  }
0x30f: {  	v61 =	vld.idx.msk [tilespmem:v56+s31+$0x0], $0xffff  }
0x310: {  	v63 =	vadd.s32 $0x301, v33;
	[tilespmem:s10+$0xFFFFE400] =	vst v34;
	v3 =	vld.idx.msk [tilespmem:v3+s31+$0x0], $0xffff;
	v4 =	vsub.f32 v59, v4  }
0x311: {  	v40 =	vadd.s32 $0x200, v29;
	v36 =	vadd.s32 $0x300, v33;
	v43 =	vadd.s32 $0x200, v38;
	v50 =	vld.idx.msk [tilespmem:v57+s31+$0x0], $0xffff  }
0x312: {  	v41 =	vadd.s32 $0x300, v38;
	v60 =	vld.idx.msk [tilespmem:v62+s31+$0x0], $0xffff;
	v59 =	vsub.f32 v39, v42;
	v4 =	vsub.f32 v4, v25  }
0x313: {  	v52 =	vadd.s32 $0x200, v33;
	v33 =	vadd.s32 $0x300, v29;
	v55 =	vadd.s32 $0x101, v31;
	v2 =	vld.idx.msk [tilespmem:v2+s31+$0x0], $0xffff  }
0x314: {  	v49 =	vadd.s32 $0x300, v12;
	v54 =	vld.idx.msk [tilespmem:v38+s31+$0x0], $0xffff;
	v37 =	vsub.f32 v47, v37;
	v42 =	vsub.f32 v59, v25;
	[tilespmem:s9+$0x10] =	vst v4  }
0x315: {  	v34 =	vadd.s32 $0x300, v13;
	v3 =	vsub.f32 v61, v3;
	v61 =	vadd.s32 $0x201, v29;
	v46 =	vld.idx.msk [tilespmem:v46+s31+$0x0], $0xffff  }
0x316: {  	v35 =	vadd.s32 $0x300, v30;
	v62 =	vadd.s32 $0x201, v30;
	[tilespmem:s9+$0xFFFFF200] =	vst v42;
	v48 =	vld.idx.msk [tilespmem:v63+s31+$0x0], $0xffff;
	v63 =	vsub.f32 v37, v25  }
0x317: {  	v47 =	vadd.s32 $0x100, v38;
	v4 =	vsub.f32 v44, v45;
	v51 =	vld.idx.msk [tilespmem:v51+s31+$0x0], $0xffff;
	v3 =	vsub.f32 v3, v25  }
0x318: {  	v56 =	vadd.s32 $0x101, v38;
	v57 =	vsub.f32 v50, v60;
	v52 =	vld.idx.msk [tilespmem:v52+s31+$0x0], $0xffff;
	[tilespmem:s8+$0x0] =	vst v63;
	v2 =	vsub.f32 v5, v2  }
0x319: {  	v39 =	vadd.s32 $0x200, v30;
	v4 =	vsub.f32 v4, v25;
	[tilespmem:s10+$0xFFFFF210] =	vst v3;
	v3 =	vsub.f32 v53, v54;
	v49 =	vld.idx.msk [tilespmem:v49+s31+$0x0], $0xffff  }
0x31a: {  	v50 =	vadd.s32 $0x2, v31;
	v44 =	vadd.s32 $0x100, v31;
	v53 =	vld.idx.msk [tilespmem:v61+s31+$0x0], $0xffff;
	v59 =	vsub.f32 v2, v25  }
0x31b: {  	s12 =	simm.s32 $0x6;
	s11 =	simm.s32 $0x17CC0;
	v42 =	vadd.s32 $0x200, v31;
	v45 =	vmovc v38;
	v37 =	vadd.s32 $0x300, v31;
	[tilespmem:s8+$0xE10] =	vst v4;
	v54 =	vld.idx.msk [tilespmem:v62+s31+$0x0], $0xffff;
	v58 =	vsub.f32 v3, v25  }
.LBB2_15:
0x31c: {  	v2 =	vadd.s32 $0x1, v50;
	[tilespmem:s11+$0xFFFFE410] =	vst v59;
	v38 =	vadd.s32 $0x2, v38;
	v3 =	vsub.f32 v46, v48;
	v4 =	vld.idx.msk [tilespmem:v34+s31+$0x0], $0xffff;
	v34 =	vmovc v36  }
0x31d: {  	v5 =	vadd.s32 $0x100, v50;
	v36 =	vmovc v35;
	v35 =	vmovc v41;
	v48 =	vadd.s32 $0x100, v38;
	v46 =	vadd.s32 $0x1, v38;
	[tilespmem:s11+$0xFFFFE400] =	vst v58;
	v55 =	vld.idx.msk [tilespmem:v55+s31+$0x0], $0xffff  }
0x31e: {  	v57 =	vsub.f32 v57, v25;
	v58 =	vadd.s32 $0x200, v50;
	v56 =	vld.idx.msk [tilespmem:v56+s31+$0x0], $0xffff;
	v3 =	vsub.f32 v3, v25  }
0x31f: {  	v60 =	vadd.s32 $0x300, v50;
	v59 =	vadd.s32 $0x200, v38;
	v51 =	vsub.f32 v51, v52;
	v61 =	vld.idx.msk [tilespmem:v44+s31+$0x0], $0xffff;
	v44 =	vmovc v5  }
0x320: {  	s12 =	sadd.s32 $0x2, s12;
	v41 =	vadd.s32 $0x300, v38;
	v52 =	vsub.f32 v53, v54;
	v53 =	vadd.s32 $0x301, v29;
	v29 =	vmovc v31;
	v5 =	vld.idx.msk [tilespmem:v50+s31+$0x0], $0xffff;
	[tilespmem:s9+$0xE10] =	vst v3  }
0x321: {  	p1 =	slt.u32 s12, $0xDE;
	v51 =	vsub.f32 v51, v25;
	v3 =	vadd.s32 $0x301, v30;
	v30 =	vmovc v45;
	v45 =	vmov v38;
	v2 =	vld.idx.msk [tilespmem:v2+s31+$0x0], $0xffff;
	[tilespmem:s10+$0xFFFFF200] =	vst v57  }
0x322: {  	v31 =	vmov v50;
	v4 =	vsub.f32 v49, v4;
	v54 =	vld.idx.msk [tilespmem:v46+s31+$0x0], $0xffff;
	v46 =	vsub.f32 v52, v25  }
0x323: {  	v49 =	vld.idx.msk [tilespmem:v38+s31+$0x0], $0xffff;
	[tilespmem:s9+$0x0] =	vst v51  }
0x324: {  	v62 =	vadd.s32 $0x201, v29;
	v51 =	vsub.f32 v55, v56;
	v4 =	vsub.f32 v4, v25;
	v57 =	vld.idx.msk [tilespmem:v47+s31+$0x0], $0xffff;
	[tilespmem:s10+$0x10] =	vst v46  }
0x325: {  	v63 =	vadd.s32 $0x201, v30;
	v47 =	vmov v48;
	v46 =	vld.idx.msk [tilespmem:v53+s31+$0x0], $0xffff  }
0x326: {  	v52 =	vsub.f32 v51, v25;
	v48 =	vld.idx.msk [tilespmem:v3+s31+$0x0], $0xffff;
	[tilespmem:s8+$0xE00] =	vst v4;
	s8 =	smov.u32 s9;
	s9 =	smov.u32 s10;
	s10 =	smov.u32 s11  }
.Ltmp6:
0x327: {  	v51 =	vld.idx.msk [tilespmem:v40+s31+$0x0], $0xffff;
	v40 =	vmov v42;
	v42 =	vmov v58;
	(pc) =	sbr.rel @p1 .LBB2_15-.Ltmp6, $4  }
0x328: {  	v55 =	vadd.s32 $0x101, v50;
	v2 =	vsub.f32 v2, v54;
	[tilespmem:s11+$0xFFFFF210] =	vst v52;
	v52 =	vld.idx.msk [tilespmem:v39+s31+$0x0], $0xffff;
	v39 =	vmovc v43;
	v43 =	vmov v59  }
0x329: {  	v56 =	vadd.s32 $0x101, v38;
	v3 =	vsub.f32 v5, v49;
	v53 =	vld.idx.msk [tilespmem:v62+s31+$0x0], $0xffff  }
0x32a: {  	v59 =	vsub.f32 v2, v25;
	v57 =	vsub.f32 v61, v57;
	v54 =	vld.idx.msk [tilespmem:v63+s31+$0x0], $0xffff  }
0x32b: {  	v50 =	vadd.s32 $0x2, v50;
	s11 =	sadd.s32 $0x20, s11;
	v58 =	vsub.f32 v3, v25;
	v49 =	vld.idx.msk [tilespmem:v32+s31+$0x0], $0xffff;
	v32 =	vmovc v33;
	v33 =	vmovc v37;
	v37 =	vmov v60  }
0x32c: {  	_ =	sdelay $0x2  }
0x32d: {  	[tilespmem:s11+$0xFFFFE410] =	vst v59  }
0x32e: {  	v2 =	vld.idx.msk [tilespmem:v55+s31+$0x0], $0xffff  }
0x32f: {  	v3 =	vld.idx.msk [tilespmem:v56+s31+$0x0], $0xffff;
	_ =	sdelay $0x1  }
0x330: {  	[tilespmem:s11+$0xFFFFE400] =	vst v58  }
0x331: {  	v4 =	vld.idx.msk [tilespmem:v44+s31+$0x0], $0xffff  }
0x332: {  	v5 =	vld.idx.msk [tilespmem:v47+s31+$0x0], $0xffff  }
0x333: {  	v2 =	vsub.f32 v2, v3;
	v3 =	vadd.s32 $0x201, v31  }
0x334: {  	v38 =	vadd.s32 $0x201, v45  }
0x335: {  	v2 =	vsub.f32 v2, v25;
	_ =	sdelay $0x1  }
0x336: {  	v57 =	vsub.f32 v57, v25;
	[tilespmem:s11+$0xFFFFF210] =	vst v2;
	v2 =	vsub.f32 v4, v5  }
0x337: {  	v3 =	vld.idx.msk [tilespmem:v3+s31+$0x0], $0xffff  }
0x338: {  	[tilespmem:s10+$0xFFFFF200] =	vst v57;
	v4 =	vld.idx.msk [tilespmem:v38+s31+$0x0], $0xffff;
	v2 =	vsub.f32 v2, v25  }
0x339: {  	v29 =	vadd.s32 $0x301, v29;
	v58 =	vld.idx.msk [tilespmem:v40+s31+$0x0], $0xffff;
	v5 =	vsub.f32 v53, v54  }
0x33a: {  	v30 =	vadd.s32 $0x301, v30;
	v39 =	vld.idx.msk [tilespmem:v39+s31+$0x0], $0xffff;
	[tilespmem:s11+$0xFFFFF200] =	vst v2  }
0x33b: {  	v5 =	vsub.f32 v5, v25;
	v2 =	vsub.f32 v51, v52;
	v59 =	vld.idx.msk [tilespmem:v42+s31+$0x0], $0xffff  }
0x33c: {  	v60 =	vld.idx.msk [tilespmem:v43+s31+$0x0], $0xffff  }
0x33d: {  	v34 =	vld.idx.msk [tilespmem:v34+s31+$0x0], $0xffff;
	[tilespmem:s10+$0x10] =	vst v5;
	v2 =	vsub.f32 v2, v25;
	v3 =	vsub.f32 v3, v4;
	v4 =	vadd.s32 $0x301, v31  }
0x33e: {  	v5 =	vld.idx.msk [tilespmem:v29+s31+$0x0], $0xffff;
	v29 =	vadd.s32 $0x301, v45  }
0x33f: {  	[tilespmem:s9+$0x0] =	vst v2;
	v2 =	vld.idx.msk [tilespmem:v30+s31+$0x0], $0xffff;
	v30 =	vsub.f32 v58, v39;
	v3 =	vsub.f32 v3, v25  }
0x340: {  	v31 =	vld.idx.msk [tilespmem:v32+s31+$0x0], $0xffff  }
0x341: {  	v61 =	vld.idx.msk [tilespmem:v36+s31+$0x0], $0xffff;
	v30 =	vsub.f32 v30, v25;
	[tilespmem:s11+$0x10] =	vst v3;
	v3 =	vsub.f32 v59, v60  }
0x342: {  	v4 =	vld.idx.msk [tilespmem:v4+s31+$0x0], $0xffff  }
0x343: {  	v29 =	vld.idx.msk [tilespmem:v29+s31+$0x0], $0xffff;
	[tilespmem:s10+$0x0] =	vst v30;
	v3 =	vsub.f32 v3, v25  }
0x344: {  	v30 =	vld.idx.msk [tilespmem:v33+s31+$0x0], $0xffff  }
0x345: {  	v62 =	vld.idx.msk [tilespmem:v35+s31+$0x0], $0xffff;
	[tilespmem:s11+$0x0] =	vst v3  }
0x346: {  	v3 =	vsub.f32 v46, v48;
	v63 =	vld.idx.msk [tilespmem:v37+s31+$0x0], $0xffff  }
0x347: {  	v34 =	vsub.f32 v49, v34;
	v40 =	vld.idx.msk [tilespmem:v41+s31+$0x0], $0xffff  }
0x348: {  	v2 =	vsub.f32 v5, v2;
	v3 =	vsub.f32 v3, v25  }
0x349: {  	v5 =	vsub.f32 v34, v25;
	v31 =	vsub.f32 v31, v61  }
0x34a: {  	v2 =	vsub.f32 v2, v25;
	[tilespmem:s9+$0xE10] =	vst v3;
	v3 =	vsub.f32 v4, v29  }
0x34b: {  	[tilespmem:s8+$0xE00] =	vst v5;
	v4 =	vsub.f32 v31, v25;
	v5 =	vsub.f32 v30, v62  }
0x34c: {  	[tilespmem:s10+$0xE10] =	vst v2;
	v2 =	vsub.f32 v3, v25;
	v3 =	vsub.f32 v63, v40  }
0x34d: {  	[tilespmem:s9+$0xE00] =	vst v4;
	v4 =	vsub.f32 v5, v25  }
0x34e: {  	s12 =	sadd.s32 s30, s19;
	[tilespmem:s11+$0xE10] =	vst v2;
	v2 =	vsub.f32 v3, v25  }
0x34f: {  	s8 =	sshrl.u32 s12, $0x3;
	[tilespmem:s10+$0xE00] =	vst v4  }
0x350: {  	s8 =	sadd.s32 s2, s8;
	[tilespmem:s11+$0xE00] =	vst v2;
	v2 =	vadd.s32 $0x1, v14  }
0x351: {  	v3 =	vadd.s32 $0x1, v15;
	[hbm4b:s8+s6] =	stream.strided.scatter [tilespmem:s25], [sflag:$0x2], $0x3800, s7, s6, $0x38;
	[tilespmem:$0x1D060] =	vst v63  }
0x352: {  	_ =	swait.ge [sflag:s0], $0x3800  }
0x353: {  	[sflag:s0] =	ssyncset.done $0x0  }
0x354: {  	[sflag:s0] =	ssyncadd.s32 $0xFFFFC800  }
0x355: {  	v2 =	vld.idx.msk [tilespmem:v2+s31+$0x0], $0xffff  }
0x356: {  	v3 =	vld.idx.msk [tilespmem:v3+s31+$0x0], $0xffff;
	_ =	sdelay $0x2  }
0x357: {  	v5 =	vadd.s32 $0x2, v14  }
0x358: {  	v30 =	vadd.s32 $0x1, v5  }
0x359: {  	v2 =	vsub.f32 v2, v3;
	v3 =	vadd.s32 $0x101, v14  }
0x35a: {  	v4 =	vadd.s32 $0x101, v15  }
0x35b: {  	v33 =	vadd.s32 $0x2, v15;
	v29 =	vld.idx.msk [tilespmem:v14+s31+$0x0], $0xffff;
	v2 =	vsub.f32 v2, v25  }
0x35c: {  	s8 =	simm.s32 $0x1B460;
	v31 =	vld.idx.msk [tilespmem:v15+s31+$0x0], $0xffff  }
0x35d: {  	v30 =	vld.idx.msk [tilespmem:v30+s31+$0x0], $0xffff;
	[tilespmem:s8+$0xFFFFE410] =	vst v2;
	v2 =	vadd.s32 $0x1, v33  }
0x35e: {  	v3 =	vld.idx.msk [tilespmem:v3+s31+$0x0], $0xffff  }
0x35f: {  	v4 =	vld.idx.msk [tilespmem:v4+s31+$0x0], $0xffff  }
0x360: {  	v42 =	vld.idx.msk [tilespmem:v33+s31+$0x0], $0xffff  }
0x361: {  	v29 =	vsub.f32 v29, v31;
	v31 =	vld.idx.msk [tilespmem:v5+s31+$0x0], $0xffff  }
0x362: {  	v41 =	vadd.s32 $0x100, v14;
	v2 =	vld.idx.msk [tilespmem:v2+s31+$0x0], $0xffff  }
0x363: {  	v44 =	vadd.s32 $0x100, v15  }
0x364: {  	v29 =	vsub.f32 v29, v25;
	v3 =	vsub.f32 v3, v4;
	v4 =	vadd.s32 $0x201, v14  }
0x365: {  	v43 =	vadd.s32 $0x201, v15  }
0x366: {  	[tilespmem:s8+$0xFFFFE400] =	vst v29;
	v31 =	vsub.f32 v31, v42;
	v3 =	vsub.f32 v3, v25  }
0x367: {  	v45 =	vadd.s32 $0x101, v5;
	v32 =	vld.idx.msk [tilespmem:v41+s31+$0x0], $0xffff;
	v2 =	vsub.f32 v30, v2  }
0x368: {  	v36 =	vld.idx.msk [tilespmem:v44+s31+$0x0], $0xffff;
	v31 =	vsub.f32 v31, v25;
	[tilespmem:s8+$0xFFFFF210] =	vst v3;
	v3 =	vadd.s32 $0x101, v33  }
0x369: {  	s9 =	simm.s32 $0x1B480;
	v29 =	vadd.s32 $0x2, v5;
	v4 =	vld.idx.msk [tilespmem:v4+s31+$0x0], $0xffff;
	v2 =	vsub.f32 v2, v25  }
0x36a: {  	[tilespmem:s9+$0xFFFFE400] =	vst v31;
	v31 =	vadd.s32 $0x100, v33;
	v47 =	vld.idx.msk [tilespmem:v43+s31+$0x0], $0xffff  }
0x36b: {  	v46 =	vadd.s32 $0x100, v5;
	[tilespmem:s9+$0xFFFFE410] =	vst v2  }
0x36c: {  	v48 =	vadd.s32 $0x1, v29;
	v30 =	vadd.s32 $0x2, v33;
	v37 =	vld.idx.msk [tilespmem:v45+s31+$0x0], $0xffff  }
0x36d: {  	v2 =	vadd.s32 $0x1, v30;
	v3 =	vld.idx.msk [tilespmem:v3+s31+$0x0], $0xffff  }
0x36e: {  	v52 =	vld.idx.msk [tilespmem:v29+s31+$0x0], $0xffff;
	v32 =	vsub.f32 v32, v36  }
0x36f: {  	v51 =	vadd.s32 $0x200, v14;
	v42 =	vld.idx.msk [tilespmem:v31+s31+$0x0], $0xffff;
	v31 =	vadd.s32 $0x2, v29;
	v4 =	vsub.f32 v4, v47  }
0x370: {  	v39 =	vld.idx.msk [tilespmem:v46+s31+$0x0], $0xffff;
	v32 =	vsub.f32 v32, v25;
	v60 =	vadd.s32 $0x1, v31  }
0x371: {  	v55 =	vadd.s32 $0x200, v15;
	v35 =	vld.idx.msk [tilespmem:v48+s31+$0x0], $0xffff;
	v4 =	vsub.f32 v4, v25  }
0x372: {  	v54 =	vadd.s32 $0x201, v5;
	[tilespmem:s8+$0xFFFFF200] =	vst v32;
	v2 =	vld.idx.msk [tilespmem:v2+s31+$0x0], $0xffff;
	v3 =	vsub.f32 v37, v3  }
0x373: {  	v53 =	vld.idx.msk [tilespmem:v30+s31+$0x0], $0xffff;
	[tilespmem:s8+$0x10] =	vst v4;
	v4 =	vadd.s32 $0x201, v33  }
0x374: {  	v49 =	vadd.s32 $0x301, v14;
	v47 =	vld.idx.msk [tilespmem:v51+s31+$0x0], $0xffff;
	v3 =	vsub.f32 v3, v25  }
0x375: {  	v46 =	vadd.s32 $0x301, v5;
	v32 =	vadd.s32 $0x300, v5;
	v51 =	vadd.s32 $0x200, v5;
	v5 =	vld.idx.msk [tilespmem:v60+s31+$0x0], $0xffff  }
0x376: {  	v50 =	vadd.s32 $0x301, v15;
	v37 =	vld.idx.msk [tilespmem:v55+s31+$0x0], $0xffff;
	[tilespmem:s9+$0xFFFFF210] =	vst v3  }
0x377: {  	v56 =	vadd.s32 $0x101, v29;
	v2 =	vsub.f32 v35, v2;
	v59 =	vld.idx.msk [tilespmem:v54+s31+$0x0], $0xffff  }
0x378: {  	v3 =	vadd.s32 $0x101, v30;
	v4 =	vld.idx.msk [tilespmem:v4+s31+$0x0], $0xffff  }
0x379: {  	v57 =	vadd.s32 $0x100, v29;
	v58 =	vsub.f32 v52, v53;
	v53 =	vld.idx.msk [tilespmem:v31+s31+$0x0], $0xffff;
	v2 =	vsub.f32 v2, v25  }
0x37a: {  	s10 =	simm.s32 $0x1B4A0;
	v38 =	vadd.s32 $0x2, v30;
	v62 =	vadd.s32 $0x100, v30;
	v44 =	vld.idx.msk [tilespmem:v49+s31+$0x0], $0xffff  }
0x37b: {  	v45 =	vld.idx.msk [tilespmem:v50+s31+$0x0], $0xffff;
	v34 =	vsub.f32 v58, v25;
	[tilespmem:s10+$0xFFFFE410] =	vst v2;
	v2 =	vadd.s32 $0x1, v38  }
0x37c: {  	v61 =	vld.idx.msk [tilespmem:v56+s31+$0x0], $0xffff  }
0x37d: {  	v63 =	vadd.s32 $0x301, v33;
	[tilespmem:s10+$0xFFFFE400] =	vst v34;
	v3 =	vld.idx.msk [tilespmem:v3+s31+$0x0], $0xffff;
	v4 =	vsub.f32 v59, v4  }
0x37e: {  	v40 =	vadd.s32 $0x200, v29;
	v36 =	vadd.s32 $0x300, v33;
	v43 =	vadd.s32 $0x200, v38;
	v50 =	vld.idx.msk [tilespmem:v57+s31+$0x0], $0xffff  }
0x37f: {  	v41 =	vadd.s32 $0x300, v38;
	v60 =	vld.idx.msk [tilespmem:v62+s31+$0x0], $0xffff;
	v59 =	vsub.f32 v39, v42;
	v4 =	vsub.f32 v4, v25  }
0x380: {  	v52 =	vadd.s32 $0x200, v33;
	v33 =	vadd.s32 $0x300, v29;
	v55 =	vadd.s32 $0x101, v31;
	v2 =	vld.idx.msk [tilespmem:v2+s31+$0x0], $0xffff  }
0x381: {  	v49 =	vadd.s32 $0x300, v14;
	v54 =	vld.idx.msk [tilespmem:v38+s31+$0x0], $0xffff;
	v37 =	vsub.f32 v47, v37;
	v42 =	vsub.f32 v59, v25;
	[tilespmem:s9+$0x10] =	vst v4  }
0x382: {  	v34 =	vadd.s32 $0x300, v15;
	v3 =	vsub.f32 v61, v3;
	v61 =	vadd.s32 $0x201, v29;
	v46 =	vld.idx.msk [tilespmem:v46+s31+$0x0], $0xffff  }
0x383: {  	v35 =	vadd.s32 $0x300, v30;
	v62 =	vadd.s32 $0x201, v30;
	[tilespmem:s9+$0xFFFFF200] =	vst v42;
	v48 =	vld.idx.msk [tilespmem:v63+s31+$0x0], $0xffff;
	v63 =	vsub.f32 v37, v25  }
0x384: {  	v47 =	vadd.s32 $0x100, v38;
	v4 =	vsub.f32 v44, v45;
	v51 =	vld.idx.msk [tilespmem:v51+s31+$0x0], $0xffff;
	v3 =	vsub.f32 v3, v25  }
0x385: {  	v56 =	vadd.s32 $0x101, v38;
	v57 =	vsub.f32 v50, v60;
	v52 =	vld.idx.msk [tilespmem:v52+s31+$0x0], $0xffff;
	[tilespmem:s8+$0x0] =	vst v63;
	v2 =	vsub.f32 v5, v2  }
0x386: {  	v39 =	vadd.s32 $0x200, v30;
	v4 =	vsub.f32 v4, v25;
	[tilespmem:s10+$0xFFFFF210] =	vst v3;
	v3 =	vsub.f32 v53, v54;
	v49 =	vld.idx.msk [tilespmem:v49+s31+$0x0], $0xffff  }
0x387: {  	v50 =	vadd.s32 $0x2, v31;
	v44 =	vadd.s32 $0x100, v31;
	v53 =	vld.idx.msk [tilespmem:v61+s31+$0x0], $0xffff;
	v59 =	vsub.f32 v2, v25  }
0x388: {  	s12 =	simm.s32 $0x6;
	s11 =	simm.s32 $0x1B4C0;
	v42 =	vadd.s32 $0x200, v31;
	v45 =	vmovc v38;
	v37 =	vadd.s32 $0x300, v31;
	[tilespmem:s8+$0xE10] =	vst v4;
	v54 =	vld.idx.msk [tilespmem:v62+s31+$0x0], $0xffff;
	v58 =	vsub.f32 v3, v25  }
.LBB2_17:
0x389: {  	v2 =	vadd.s32 $0x1, v50;
	[tilespmem:s11+$0xFFFFE410] =	vst v59;
	v38 =	vadd.s32 $0x2, v38;
	v3 =	vsub.f32 v46, v48;
	v4 =	vld.idx.msk [tilespmem:v34+s31+$0x0], $0xffff;
	v34 =	vmovc v36  }
0x38a: {  	v5 =	vadd.s32 $0x100, v50;
	v36 =	vmovc v35;
	v35 =	vmovc v41;
	v48 =	vadd.s32 $0x100, v38;
	v46 =	vadd.s32 $0x1, v38;
	[tilespmem:s11+$0xFFFFE400] =	vst v58;
	v55 =	vld.idx.msk [tilespmem:v55+s31+$0x0], $0xffff  }
0x38b: {  	v57 =	vsub.f32 v57, v25;
	v58 =	vadd.s32 $0x200, v50;
	v56 =	vld.idx.msk [tilespmem:v56+s31+$0x0], $0xffff;
	v3 =	vsub.f32 v3, v25  }
0x38c: {  	v60 =	vadd.s32 $0x300, v50;
	v59 =	vadd.s32 $0x200, v38;
	v51 =	vsub.f32 v51, v52;
	v61 =	vld.idx.msk [tilespmem:v44+s31+$0x0], $0xffff;
	v44 =	vmovc v5  }
0x38d: {  	s12 =	sadd.s32 $0x2, s12;
	v41 =	vadd.s32 $0x300, v38;
	v52 =	vsub.f32 v53, v54;
	v53 =	vadd.s32 $0x301, v29;
	v29 =	vmovc v31;
	v5 =	vld.idx.msk [tilespmem:v50+s31+$0x0], $0xffff;
	[tilespmem:s9+$0xE10] =	vst v3  }
0x38e: {  	p1 =	slt.u32 s12, $0xDE;
	v51 =	vsub.f32 v51, v25;
	v3 =	vadd.s32 $0x301, v30;
	v30 =	vmovc v45;
	v45 =	vmov v38;
	v2 =	vld.idx.msk [tilespmem:v2+s31+$0x0], $0xffff;
	[tilespmem:s10+$0xFFFFF200] =	vst v57  }
0x38f: {  	v31 =	vmov v50;
	v4 =	vsub.f32 v49, v4;
	v54 =	vld.idx.msk [tilespmem:v46+s31+$0x0], $0xffff;
	v46 =	vsub.f32 v52, v25  }
0x390: {  	v49 =	vld.idx.msk [tilespmem:v38+s31+$0x0], $0xffff;
	[tilespmem:s9+$0x0] =	vst v51  }
0x391: {  	v62 =	vadd.s32 $0x201, v29;
	v51 =	vsub.f32 v55, v56;
	v4 =	vsub.f32 v4, v25;
	v57 =	vld.idx.msk [tilespmem:v47+s31+$0x0], $0xffff;
	[tilespmem:s10+$0x10] =	vst v46  }
0x392: {  	v63 =	vadd.s32 $0x201, v30;
	v47 =	vmov v48;
	v46 =	vld.idx.msk [tilespmem:v53+s31+$0x0], $0xffff  }
0x393: {  	v52 =	vsub.f32 v51, v25;
	v48 =	vld.idx.msk [tilespmem:v3+s31+$0x0], $0xffff;
	[tilespmem:s8+$0xE00] =	vst v4;
	s8 =	smov.u32 s9;
	s9 =	smov.u32 s10;
	s10 =	smov.u32 s11  }
.Ltmp7:
0x394: {  	v51 =	vld.idx.msk [tilespmem:v40+s31+$0x0], $0xffff;
	v40 =	vmov v42;
	v42 =	vmov v58;
	(pc) =	sbr.rel @p1 .LBB2_17-.Ltmp7, $4  }
0x395: {  	v55 =	vadd.s32 $0x101, v50;
	v2 =	vsub.f32 v2, v54;
	[tilespmem:s11+$0xFFFFF210] =	vst v52;
	v52 =	vld.idx.msk [tilespmem:v39+s31+$0x0], $0xffff;
	v39 =	vmovc v43;
	v43 =	vmov v59  }
0x396: {  	v56 =	vadd.s32 $0x101, v38;
	v3 =	vsub.f32 v5, v49;
	v53 =	vld.idx.msk [tilespmem:v62+s31+$0x0], $0xffff  }
0x397: {  	v59 =	vsub.f32 v2, v25;
	v57 =	vsub.f32 v61, v57;
	v54 =	vld.idx.msk [tilespmem:v63+s31+$0x0], $0xffff  }
0x398: {  	v50 =	vadd.s32 $0x2, v50;
	s11 =	sadd.s32 $0x20, s11;
	v58 =	vsub.f32 v3, v25;
	v49 =	vld.idx.msk [tilespmem:v32+s31+$0x0], $0xffff;
	v32 =	vmovc v33;
	v33 =	vmovc v37;
	v37 =	vmov v60  }
0x399: {  	_ =	sdelay $0x2  }
0x39a: {  	[tilespmem:s11+$0xFFFFE410] =	vst v59  }
0x39b: {  	v2 =	vld.idx.msk [tilespmem:v55+s31+$0x0], $0xffff  }
0x39c: {  	v3 =	vld.idx.msk [tilespmem:v56+s31+$0x0], $0xffff;
	_ =	sdelay $0x1  }
0x39d: {  	[tilespmem:s11+$0xFFFFE400] =	vst v58  }
0x39e: {  	v4 =	vld.idx.msk [tilespmem:v44+s31+$0x0], $0xffff  }
0x39f: {  	v5 =	vld.idx.msk [tilespmem:v47+s31+$0x0], $0xffff  }
0x3a0: {  	v2 =	vsub.f32 v2, v3;
	v3 =	vadd.s32 $0x201, v31  }
0x3a1: {  	v38 =	vadd.s32 $0x201, v45  }
0x3a2: {  	v2 =	vsub.f32 v2, v25;
	_ =	sdelay $0x1  }
0x3a3: {  	v57 =	vsub.f32 v57, v25;
	[tilespmem:s11+$0xFFFFF210] =	vst v2;
	v2 =	vsub.f32 v4, v5  }
0x3a4: {  	v3 =	vld.idx.msk [tilespmem:v3+s31+$0x0], $0xffff  }
0x3a5: {  	[tilespmem:s10+$0xFFFFF200] =	vst v57;
	v4 =	vld.idx.msk [tilespmem:v38+s31+$0x0], $0xffff;
	v2 =	vsub.f32 v2, v25  }
0x3a6: {  	v29 =	vadd.s32 $0x301, v29;
	v58 =	vld.idx.msk [tilespmem:v40+s31+$0x0], $0xffff;
	v5 =	vsub.f32 v53, v54  }
0x3a7: {  	v30 =	vadd.s32 $0x301, v30;
	v39 =	vld.idx.msk [tilespmem:v39+s31+$0x0], $0xffff;
	[tilespmem:s11+$0xFFFFF200] =	vst v2  }
0x3a8: {  	v5 =	vsub.f32 v5, v25;
	v2 =	vsub.f32 v51, v52;
	v59 =	vld.idx.msk [tilespmem:v42+s31+$0x0], $0xffff  }
0x3a9: {  	v60 =	vld.idx.msk [tilespmem:v43+s31+$0x0], $0xffff  }
0x3aa: {  	v34 =	vld.idx.msk [tilespmem:v34+s31+$0x0], $0xffff;
	[tilespmem:s10+$0x10] =	vst v5;
	v2 =	vsub.f32 v2, v25;
	v3 =	vsub.f32 v3, v4;
	v4 =	vadd.s32 $0x301, v31  }
0x3ab: {  	v5 =	vld.idx.msk [tilespmem:v29+s31+$0x0], $0xffff;
	v29 =	vadd.s32 $0x301, v45  }
0x3ac: {  	[tilespmem:s9+$0x0] =	vst v2;
	v2 =	vld.idx.msk [tilespmem:v30+s31+$0x0], $0xffff;
	v30 =	vsub.f32 v58, v39;
	v3 =	vsub.f32 v3, v25  }
0x3ad: {  	v31 =	vld.idx.msk [tilespmem:v32+s31+$0x0], $0xffff  }
0x3ae: {  	v61 =	vld.idx.msk [tilespmem:v36+s31+$0x0], $0xffff;
	v30 =	vsub.f32 v30, v25;
	[tilespmem:s11+$0x10] =	vst v3;
	v3 =	vsub.f32 v59, v60  }
0x3af: {  	v4 =	vld.idx.msk [tilespmem:v4+s31+$0x0], $0xffff  }
0x3b0: {  	v29 =	vld.idx.msk [tilespmem:v29+s31+$0x0], $0xffff;
	[tilespmem:s10+$0x0] =	vst v30;
	v3 =	vsub.f32 v3, v25  }
0x3b1: {  	v30 =	vld.idx.msk [tilespmem:v33+s31+$0x0], $0xffff  }
0x3b2: {  	v62 =	vld.idx.msk [tilespmem:v35+s31+$0x0], $0xffff;
	[tilespmem:s11+$0x0] =	vst v3  }
0x3b3: {  	v3 =	vsub.f32 v46, v48;
	v63 =	vld.idx.msk [tilespmem:v37+s31+$0x0], $0xffff  }
0x3b4: {  	v34 =	vsub.f32 v49, v34;
	v40 =	vld.idx.msk [tilespmem:v41+s31+$0x0], $0xffff  }
0x3b5: {  	v2 =	vsub.f32 v5, v2;
	v3 =	vsub.f32 v3, v25  }
0x3b6: {  	v5 =	vsub.f32 v34, v25;
	v31 =	vsub.f32 v31, v61  }
0x3b7: {  	v2 =	vsub.f32 v2, v25;
	[tilespmem:s9+$0xE10] =	vst v3;
	v3 =	vsub.f32 v4, v29  }
0x3b8: {  	[tilespmem:s8+$0xE00] =	vst v5;
	v4 =	vsub.f32 v31, v25;
	v5 =	vsub.f32 v30, v62  }
0x3b9: {  	[tilespmem:s10+$0xE10] =	vst v2;
	v2 =	vsub.f32 v3, v25;
	v3 =	vsub.f32 v63, v40  }
0x3ba: {  	[tilespmem:s9+$0xE00] =	vst v4;
	v4 =	vsub.f32 v5, v25  }
0x3bb: {  	s12 =	sadd.s32 s30, s20;
	[tilespmem:s11+$0xE10] =	vst v2;
	v2 =	vsub.f32 v3, v25  }
0x3bc: {  	s8 =	sshrl.u32 s12, $0x3;
	[tilespmem:s10+$0xE00] =	vst v4  }
0x3bd: {  	s8 =	sadd.s32 s2, s8;
	[tilespmem:s11+$0xE00] =	vst v2;
	v2 =	vadd.s32 $0x1, v16  }
0x3be: {  	v3 =	vadd.s32 $0x1, v17;
	[hbm4b:s8+s6] =	stream.strided.scatter [tilespmem:s29], [sflag:$0x3], $0x3800, s7, s6, $0x38;
	[tilespmem:$0x1D060] =	vst v63  }
0x3bf: {  	_ =	swait.ge [sflag:s1], $0x3800  }
0x3c0: {  	[sflag:s1] =	ssyncset.done $0x0  }
0x3c1: {  	[sflag:s1] =	ssyncadd.s32 $0xFFFFC800  }
0x3c2: {  	v2 =	vld.idx.msk [tilespmem:v2+s31+$0x0], $0xffff  }
0x3c3: {  	v3 =	vld.idx.msk [tilespmem:v3+s31+$0x0], $0xffff;
	_ =	sdelay $0x2  }
0x3c4: {  	v5 =	vadd.s32 $0x2, v16  }
0x3c5: {  	v30 =	vadd.s32 $0x1, v5  }
0x3c6: {  	v2 =	vsub.f32 v2, v3;
	v3 =	vadd.s32 $0x101, v16  }
0x3c7: {  	v4 =	vadd.s32 $0x101, v17  }
0x3c8: {  	v33 =	vadd.s32 $0x2, v17;
	v29 =	vld.idx.msk [tilespmem:v16+s31+$0x0], $0xffff;
	v2 =	vsub.f32 v2, v25  }
0x3c9: {  	s8 =	simm.s32 $0x17C60;
	v31 =	vld.idx.msk [tilespmem:v17+s31+$0x0], $0xffff  }
0x3ca: {  	v30 =	vld.idx.msk [tilespmem:v30+s31+$0x0], $0xffff;
	[tilespmem:s8+$0xFFFFE410] =	vst v2;
	v2 =	vadd.s32 $0x1, v33  }
0x3cb: {  	v3 =	vld.idx.msk [tilespmem:v3+s31+$0x0], $0xffff  }
0x3cc: {  	v4 =	vld.idx.msk [tilespmem:v4+s31+$0x0], $0xffff  }
0x3cd: {  	v42 =	vld.idx.msk [tilespmem:v33+s31+$0x0], $0xffff  }
0x3ce: {  	v29 =	vsub.f32 v29, v31;
	v31 =	vld.idx.msk [tilespmem:v5+s31+$0x0], $0xffff  }
0x3cf: {  	v41 =	vadd.s32 $0x100, v16;
	v2 =	vld.idx.msk [tilespmem:v2+s31+$0x0], $0xffff  }
0x3d0: {  	v44 =	vadd.s32 $0x100, v17  }
0x3d1: {  	v29 =	vsub.f32 v29, v25;
	v3 =	vsub.f32 v3, v4;
	v4 =	vadd.s32 $0x201, v16  }
0x3d2: {  	v43 =	vadd.s32 $0x201, v17  }
0x3d3: {  	[tilespmem:s8+$0xFFFFE400] =	vst v29;
	v31 =	vsub.f32 v31, v42;
	v3 =	vsub.f32 v3, v25  }
0x3d4: {  	v45 =	vadd.s32 $0x101, v5;
	v32 =	vld.idx.msk [tilespmem:v41+s31+$0x0], $0xffff;
	v2 =	vsub.f32 v30, v2  }
0x3d5: {  	v36 =	vld.idx.msk [tilespmem:v44+s31+$0x0], $0xffff;
	v31 =	vsub.f32 v31, v25;
	[tilespmem:s8+$0xFFFFF210] =	vst v3;
	v3 =	vadd.s32 $0x101, v33  }
0x3d6: {  	s9 =	simm.s32 $0x17C80;
	v29 =	vadd.s32 $0x2, v5;
	v4 =	vld.idx.msk [tilespmem:v4+s31+$0x0], $0xffff;
	v2 =	vsub.f32 v2, v25  }
0x3d7: {  	[tilespmem:s9+$0xFFFFE400] =	vst v31;
	v31 =	vadd.s32 $0x100, v33;
	v47 =	vld.idx.msk [tilespmem:v43+s31+$0x0], $0xffff  }
0x3d8: {  	v46 =	vadd.s32 $0x100, v5;
	[tilespmem:s9+$0xFFFFE410] =	vst v2  }
0x3d9: {  	v48 =	vadd.s32 $0x1, v29;
	v30 =	vadd.s32 $0x2, v33;
	v37 =	vld.idx.msk [tilespmem:v45+s31+$0x0], $0xffff  }
0x3da: {  	v2 =	vadd.s32 $0x1, v30;
	v3 =	vld.idx.msk [tilespmem:v3+s31+$0x0], $0xffff  }
0x3db: {  	v52 =	vld.idx.msk [tilespmem:v29+s31+$0x0], $0xffff;
	v32 =	vsub.f32 v32, v36  }
0x3dc: {  	v51 =	vadd.s32 $0x200, v16;
	v42 =	vld.idx.msk [tilespmem:v31+s31+$0x0], $0xffff;
	v31 =	vadd.s32 $0x2, v29;
	v4 =	vsub.f32 v4, v47  }
0x3dd: {  	v39 =	vld.idx.msk [tilespmem:v46+s31+$0x0], $0xffff;
	v32 =	vsub.f32 v32, v25;
	v60 =	vadd.s32 $0x1, v31  }
0x3de: {  	v55 =	vadd.s32 $0x200, v17;
	v35 =	vld.idx.msk [tilespmem:v48+s31+$0x0], $0xffff;
	v4 =	vsub.f32 v4, v25  }
0x3df: {  	v54 =	vadd.s32 $0x201, v5;
	[tilespmem:s8+$0xFFFFF200] =	vst v32;
	v2 =	vld.idx.msk [tilespmem:v2+s31+$0x0], $0xffff;
	v3 =	vsub.f32 v37, v3  }
0x3e0: {  	v53 =	vld.idx.msk [tilespmem:v30+s31+$0x0], $0xffff;
	[tilespmem:s8+$0x10] =	vst v4;
	v4 =	vadd.s32 $0x201, v33  }
0x3e1: {  	v49 =	vadd.s32 $0x301, v16;
	v47 =	vld.idx.msk [tilespmem:v51+s31+$0x0], $0xffff;
	v3 =	vsub.f32 v3, v25  }
0x3e2: {  	v46 =	vadd.s32 $0x301, v5;
	v32 =	vadd.s32 $0x300, v5;
	v51 =	vadd.s32 $0x200, v5;
	v5 =	vld.idx.msk [tilespmem:v60+s31+$0x0], $0xffff  }
0x3e3: {  	v50 =	vadd.s32 $0x301, v17;
	v37 =	vld.idx.msk [tilespmem:v55+s31+$0x0], $0xffff;
	[tilespmem:s9+$0xFFFFF210] =	vst v3  }
0x3e4: {  	v56 =	vadd.s32 $0x101, v29;
	v2 =	vsub.f32 v35, v2;
	v59 =	vld.idx.msk [tilespmem:v54+s31+$0x0], $0xffff  }
0x3e5: {  	v3 =	vadd.s32 $0x101, v30;
	v4 =	vld.idx.msk [tilespmem:v4+s31+$0x0], $0xffff  }
0x3e6: {  	v57 =	vadd.s32 $0x100, v29;
	v58 =	vsub.f32 v52, v53;
	v53 =	vld.idx.msk [tilespmem:v31+s31+$0x0], $0xffff;
	v2 =	vsub.f32 v2, v25  }
0x3e7: {  	s10 =	simm.s32 $0x17CA0;
	v38 =	vadd.s32 $0x2, v30;
	v62 =	vadd.s32 $0x100, v30;
	v44 =	vld.idx.msk [tilespmem:v49+s31+$0x0], $0xffff  }
0x3e8: {  	v45 =	vld.idx.msk [tilespmem:v50+s31+$0x0], $0xffff;
	v34 =	vsub.f32 v58, v25;
	[tilespmem:s10+$0xFFFFE410] =	vst v2;
	v2 =	vadd.s32 $0x1, v38  }
0x3e9: {  	v61 =	vld.idx.msk [tilespmem:v56+s31+$0x0], $0xffff  }
0x3ea: {  	v63 =	vadd.s32 $0x301, v33;
	[tilespmem:s10+$0xFFFFE400] =	vst v34;
	v3 =	vld.idx.msk [tilespmem:v3+s31+$0x0], $0xffff;
	v4 =	vsub.f32 v59, v4  }
0x3eb: {  	v40 =	vadd.s32 $0x200, v29;
	v36 =	vadd.s32 $0x300, v33;
	v43 =	vadd.s32 $0x200, v38;
	v50 =	vld.idx.msk [tilespmem:v57+s31+$0x0], $0xffff  }
0x3ec: {  	v41 =	vadd.s32 $0x300, v38;
	v60 =	vld.idx.msk [tilespmem:v62+s31+$0x0], $0xffff;
	v59 =	vsub.f32 v39, v42;
	v4 =	vsub.f32 v4, v25  }
0x3ed: {  	v52 =	vadd.s32 $0x200, v33;
	v33 =	vadd.s32 $0x300, v29;
	v55 =	vadd.s32 $0x101, v31;
	v2 =	vld.idx.msk [tilespmem:v2+s31+$0x0], $0xffff  }
0x3ee: {  	v49 =	vadd.s32 $0x300, v16;
	v54 =	vld.idx.msk [tilespmem:v38+s31+$0x0], $0xffff;
	v37 =	vsub.f32 v47, v37;
	v42 =	vsub.f32 v59, v25;
	[tilespmem:s9+$0x10] =	vst v4  }
0x3ef: {  	v34 =	vadd.s32 $0x300, v17;
	v3 =	vsub.f32 v61, v3;
	v61 =	vadd.s32 $0x201, v29;
	v46 =	vld.idx.msk [tilespmem:v46+s31+$0x0], $0xffff  }
0x3f0: {  	v35 =	vadd.s32 $0x300, v30;
	v62 =	vadd.s32 $0x201, v30;
	[tilespmem:s9+$0xFFFFF200] =	vst v42;
	v48 =	vld.idx.msk [tilespmem:v63+s31+$0x0], $0xffff;
	v63 =	vsub.f32 v37, v25  }
0x3f1: {  	v47 =	vadd.s32 $0x100, v38;
	v4 =	vsub.f32 v44, v45;
	v51 =	vld.idx.msk [tilespmem:v51+s31+$0x0], $0xffff;
	v3 =	vsub.f32 v3, v25  }
0x3f2: {  	v56 =	vadd.s32 $0x101, v38;
	v57 =	vsub.f32 v50, v60;
	v52 =	vld.idx.msk [tilespmem:v52+s31+$0x0], $0xffff;
	[tilespmem:s8+$0x0] =	vst v63;
	v2 =	vsub.f32 v5, v2  }
0x3f3: {  	v39 =	vadd.s32 $0x200, v30;
	v4 =	vsub.f32 v4, v25;
	[tilespmem:s10+$0xFFFFF210] =	vst v3;
	v3 =	vsub.f32 v53, v54;
	v49 =	vld.idx.msk [tilespmem:v49+s31+$0x0], $0xffff  }
0x3f4: {  	v50 =	vadd.s32 $0x2, v31;
	v44 =	vadd.s32 $0x100, v31;
	v53 =	vld.idx.msk [tilespmem:v61+s31+$0x0], $0xffff;
	v59 =	vsub.f32 v2, v25  }
0x3f5: {  	s12 =	simm.s32 $0x6;
	s11 =	simm.s32 $0x17CC0;
	v42 =	vadd.s32 $0x200, v31;
	v45 =	vmovc v38;
	v37 =	vadd.s32 $0x300, v31;
	[tilespmem:s8+$0xE10] =	vst v4;
	v54 =	vld.idx.msk [tilespmem:v62+s31+$0x0], $0xffff;
	v58 =	vsub.f32 v3, v25  }
.LBB2_19:
0x3f6: {  	v2 =	vadd.s32 $0x1, v50;
	[tilespmem:s11+$0xFFFFE410] =	vst v59;
	v38 =	vadd.s32 $0x2, v38;
	v3 =	vsub.f32 v46, v48;
	v4 =	vld.idx.msk [tilespmem:v34+s31+$0x0], $0xffff;
	v34 =	vmovc v36  }
0x3f7: {  	v5 =	vadd.s32 $0x100, v50;
	v36 =	vmovc v35;
	v35 =	vmovc v41;
	v48 =	vadd.s32 $0x100, v38;
	v46 =	vadd.s32 $0x1, v38;
	[tilespmem:s11+$0xFFFFE400] =	vst v58;
	v55 =	vld.idx.msk [tilespmem:v55+s31+$0x0], $0xffff  }
0x3f8: {  	v57 =	vsub.f32 v57, v25;
	v58 =	vadd.s32 $0x200, v50;
	v56 =	vld.idx.msk [tilespmem:v56+s31+$0x0], $0xffff;
	v3 =	vsub.f32 v3, v25  }
0x3f9: {  	v60 =	vadd.s32 $0x300, v50;
	v59 =	vadd.s32 $0x200, v38;
	v51 =	vsub.f32 v51, v52;
	v61 =	vld.idx.msk [tilespmem:v44+s31+$0x0], $0xffff;
	v44 =	vmovc v5  }
0x3fa: {  	s12 =	sadd.s32 $0x2, s12;
	v41 =	vadd.s32 $0x300, v38;
	v52 =	vsub.f32 v53, v54;
	v53 =	vadd.s32 $0x301, v29;
	v29 =	vmovc v31;
	v5 =	vld.idx.msk [tilespmem:v50+s31+$0x0], $0xffff;
	[tilespmem:s9+$0xE10] =	vst v3  }
0x3fb: {  	p1 =	slt.u32 s12, $0xDE;
	v51 =	vsub.f32 v51, v25;
	v3 =	vadd.s32 $0x301, v30;
	v30 =	vmovc v45;
	v45 =	vmov v38;
	v2 =	vld.idx.msk [tilespmem:v2+s31+$0x0], $0xffff;
	[tilespmem:s10+$0xFFFFF200] =	vst v57  }
0x3fc: {  	v31 =	vmov v50;
	v4 =	vsub.f32 v49, v4;
	v54 =	vld.idx.msk [tilespmem:v46+s31+$0x0], $0xffff;
	v46 =	vsub.f32 v52, v25  }
0x3fd: {  	v49 =	vld.idx.msk [tilespmem:v38+s31+$0x0], $0xffff;
	[tilespmem:s9+$0x0] =	vst v51  }
0x3fe: {  	v62 =	vadd.s32 $0x201, v29;
	v51 =	vsub.f32 v55, v56;
	v4 =	vsub.f32 v4, v25;
	v57 =	vld.idx.msk [tilespmem:v47+s31+$0x0], $0xffff;
	[tilespmem:s10+$0x10] =	vst v46  }
0x3ff: {  	v63 =	vadd.s32 $0x201, v30;
	v47 =	vmov v48;
	v46 =	vld.idx.msk [tilespmem:v53+s31+$0x0], $0xffff  }
0x400: {  	v52 =	vsub.f32 v51, v25;
	v48 =	vld.idx.msk [tilespmem:v3+s31+$0x0], $0xffff;
	[tilespmem:s8+$0xE00] =	vst v4;
	s8 =	smov.u32 s9;
	s9 =	smov.u32 s10;
	s10 =	smov.u32 s11  }
.Ltmp8:
0x401: {  	v51 =	vld.idx.msk [tilespmem:v40+s31+$0x0], $0xffff;
	v40 =	vmov v42;
	v42 =	vmov v58;
	(pc) =	sbr.rel @p1 .LBB2_19-.Ltmp8, $4  }
0x402: {  	v55 =	vadd.s32 $0x101, v50;
	v2 =	vsub.f32 v2, v54;
	[tilespmem:s11+$0xFFFFF210] =	vst v52;
	v52 =	vld.idx.msk [tilespmem:v39+s31+$0x0], $0xffff;
	v39 =	vmovc v43;
	v43 =	vmov v59  }
0x403: {  	v56 =	vadd.s32 $0x101, v38;
	v3 =	vsub.f32 v5, v49;
	v53 =	vld.idx.msk [tilespmem:v62+s31+$0x0], $0xffff  }
0x404: {  	v59 =	vsub.f32 v2, v25;
	v57 =	vsub.f32 v61, v57;
	v54 =	vld.idx.msk [tilespmem:v63+s31+$0x0], $0xffff  }
0x405: {  	v50 =	vadd.s32 $0x2, v50;
	s11 =	sadd.s32 $0x20, s11;
	v58 =	vsub.f32 v3, v25;
	v49 =	vld.idx.msk [tilespmem:v32+s31+$0x0], $0xffff;
	v32 =	vmovc v33;
	v33 =	vmovc v37;
	v37 =	vmov v60  }
0x406: {  	_ =	sdelay $0x2  }
0x407: {  	[tilespmem:s11+$0xFFFFE410] =	vst v59  }
0x408: {  	v2 =	vld.idx.msk [tilespmem:v55+s31+$0x0], $0xffff  }
0x409: {  	v3 =	vld.idx.msk [tilespmem:v56+s31+$0x0], $0xffff;
	_ =	sdelay $0x1  }
0x40a: {  	[tilespmem:s11+$0xFFFFE400] =	vst v58  }
0x40b: {  	v4 =	vld.idx.msk [tilespmem:v44+s31+$0x0], $0xffff  }
0x40c: {  	v5 =	vld.idx.msk [tilespmem:v47+s31+$0x0], $0xffff  }
0x40d: {  	v2 =	vsub.f32 v2, v3;
	v3 =	vadd.s32 $0x201, v31  }
0x40e: {  	v38 =	vadd.s32 $0x201, v45  }
0x40f: {  	v2 =	vsub.f32 v2, v25;
	_ =	sdelay $0x1  }
0x410: {  	v57 =	vsub.f32 v57, v25;
	[tilespmem:s11+$0xFFFFF210] =	vst v2;
	v2 =	vsub.f32 v4, v5  }
0x411: {  	v3 =	vld.idx.msk [tilespmem:v3+s31+$0x0], $0xffff  }
0x412: {  	[tilespmem:s10+$0xFFFFF200] =	vst v57;
	v4 =	vld.idx.msk [tilespmem:v38+s31+$0x0], $0xffff;
	v2 =	vsub.f32 v2, v25  }
0x413: {  	v29 =	vadd.s32 $0x301, v29;
	v58 =	vld.idx.msk [tilespmem:v40+s31+$0x0], $0xffff;
	v5 =	vsub.f32 v53, v54  }
0x414: {  	v30 =	vadd.s32 $0x301, v30;
	v39 =	vld.idx.msk [tilespmem:v39+s31+$0x0], $0xffff;
	[tilespmem:s11+$0xFFFFF200] =	vst v2  }
0x415: {  	v5 =	vsub.f32 v5, v25;
	v2 =	vsub.f32 v51, v52;
	v59 =	vld.idx.msk [tilespmem:v42+s31+$0x0], $0xffff  }
0x416: {  	v60 =	vld.idx.msk [tilespmem:v43+s31+$0x0], $0xffff  }
0x417: {  	v34 =	vld.idx.msk [tilespmem:v34+s31+$0x0], $0xffff;
	[tilespmem:s10+$0x10] =	vst v5;
	v2 =	vsub.f32 v2, v25;
	v3 =	vsub.f32 v3, v4;
	v4 =	vadd.s32 $0x301, v31  }
0x418: {  	v5 =	vld.idx.msk [tilespmem:v29+s31+$0x0], $0xffff;
	v29 =	vadd.s32 $0x301, v45  }
0x419: {  	[tilespmem:s9+$0x0] =	vst v2;
	v2 =	vld.idx.msk [tilespmem:v30+s31+$0x0], $0xffff;
	v30 =	vsub.f32 v58, v39;
	v3 =	vsub.f32 v3, v25  }
0x41a: {  	v31 =	vld.idx.msk [tilespmem:v32+s31+$0x0], $0xffff  }
0x41b: {  	v61 =	vld.idx.msk [tilespmem:v36+s31+$0x0], $0xffff;
	v30 =	vsub.f32 v30, v25;
	[tilespmem:s11+$0x10] =	vst v3;
	v3 =	vsub.f32 v59, v60  }
0x41c: {  	v4 =	vld.idx.msk [tilespmem:v4+s31+$0x0], $0xffff  }
0x41d: {  	v29 =	vld.idx.msk [tilespmem:v29+s31+$0x0], $0xffff;
	[tilespmem:s10+$0x0] =	vst v30;
	v3 =	vsub.f32 v3, v25  }
0x41e: {  	v30 =	vld.idx.msk [tilespmem:v33+s31+$0x0], $0xffff  }
0x41f: {  	v62 =	vld.idx.msk [tilespmem:v35+s31+$0x0], $0xffff;
	[tilespmem:s11+$0x0] =	vst v3  }
0x420: {  	v3 =	vsub.f32 v46, v48;
	v63 =	vld.idx.msk [tilespmem:v37+s31+$0x0], $0xffff  }
0x421: {  	v34 =	vsub.f32 v49, v34;
	v40 =	vld.idx.msk [tilespmem:v41+s31+$0x0], $0xffff  }
0x422: {  	v2 =	vsub.f32 v5, v2;
	v3 =	vsub.f32 v3, v25  }
0x423: {  	v5 =	vsub.f32 v34, v25;
	v31 =	vsub.f32 v31, v61  }
0x424: {  	v2 =	vsub.f32 v2, v25;
	[tilespmem:s9+$0xE10] =	vst v3;
	v3 =	vsub.f32 v4, v29  }
0x425: {  	[tilespmem:s8+$0xE00] =	vst v5;
	v4 =	vsub.f32 v31, v25;
	v5 =	vsub.f32 v30, v62  }
0x426: {  	[tilespmem:s10+$0xE10] =	vst v2;
	v2 =	vsub.f32 v3, v25;
	v3 =	vsub.f32 v63, v40  }
0x427: {  	[tilespmem:s9+$0xE00] =	vst v4;
	v4 =	vsub.f32 v5, v25  }
0x428: {  	s12 =	sadd.s32 s30, s21;
	[tilespmem:s11+$0xE10] =	vst v2;
	v2 =	vsub.f32 v3, v25  }
0x429: {  	s8 =	sshrl.u32 s12, $0x3;
	[tilespmem:s10+$0xE00] =	vst v4  }
0x42a: {  	s8 =	sadd.s32 s2, s8;
	[tilespmem:s11+$0xE00] =	vst v2;
	v2 =	vadd.s32 $0x1, v18  }
0x42b: {  	v3 =	vadd.s32 $0x1, v19;
	[hbm4b:s8+s6] =	stream.strided.scatter [tilespmem:s25], [sflag:$0x2], $0x3800, s7, s6, $0x38;
	[tilespmem:$0x1D060] =	vst v63  }
0x42c: {  	_ =	swait.ge [sflag:s0], $0x3800  }
0x42d: {  	[sflag:s0] =	ssyncset.done $0x0  }
0x42e: {  	[sflag:s0] =	ssyncadd.s32 $0xFFFFC800  }
0x42f: {  	v2 =	vld.idx.msk [tilespmem:v2+s31+$0x0], $0xffff  }
0x430: {  	v3 =	vld.idx.msk [tilespmem:v3+s31+$0x0], $0xffff;
	_ =	sdelay $0x2  }
0x431: {  	v5 =	vadd.s32 $0x2, v18  }
0x432: {  	v30 =	vadd.s32 $0x1, v5  }
0x433: {  	v2 =	vsub.f32 v2, v3;
	v3 =	vadd.s32 $0x101, v18  }
0x434: {  	v4 =	vadd.s32 $0x101, v19  }
0x435: {  	v33 =	vadd.s32 $0x2, v19;
	v29 =	vld.idx.msk [tilespmem:v18+s31+$0x0], $0xffff;
	v2 =	vsub.f32 v2, v25  }
0x436: {  	s8 =	simm.s32 $0x1B460;
	v31 =	vld.idx.msk [tilespmem:v19+s31+$0x0], $0xffff  }
0x437: {  	v30 =	vld.idx.msk [tilespmem:v30+s31+$0x0], $0xffff;
	[tilespmem:s8+$0xFFFFE410] =	vst v2;
	v2 =	vadd.s32 $0x1, v33  }
0x438: {  	v3 =	vld.idx.msk [tilespmem:v3+s31+$0x0], $0xffff  }
0x439: {  	v4 =	vld.idx.msk [tilespmem:v4+s31+$0x0], $0xffff  }
0x43a: {  	v42 =	vld.idx.msk [tilespmem:v33+s31+$0x0], $0xffff  }
0x43b: {  	v29 =	vsub.f32 v29, v31;
	v31 =	vld.idx.msk [tilespmem:v5+s31+$0x0], $0xffff  }
0x43c: {  	v41 =	vadd.s32 $0x100, v18;
	v2 =	vld.idx.msk [tilespmem:v2+s31+$0x0], $0xffff  }
0x43d: {  	v44 =	vadd.s32 $0x100, v19  }
0x43e: {  	v29 =	vsub.f32 v29, v25;
	v3 =	vsub.f32 v3, v4;
	v4 =	vadd.s32 $0x201, v18  }
0x43f: {  	v43 =	vadd.s32 $0x201, v19  }
0x440: {  	[tilespmem:s8+$0xFFFFE400] =	vst v29;
	v31 =	vsub.f32 v31, v42;
	v3 =	vsub.f32 v3, v25  }
0x441: {  	v45 =	vadd.s32 $0x101, v5;
	v32 =	vld.idx.msk [tilespmem:v41+s31+$0x0], $0xffff;
	v2 =	vsub.f32 v30, v2  }
0x442: {  	v36 =	vld.idx.msk [tilespmem:v44+s31+$0x0], $0xffff;
	v31 =	vsub.f32 v31, v25;
	[tilespmem:s8+$0xFFFFF210] =	vst v3;
	v3 =	vadd.s32 $0x101, v33  }
0x443: {  	s9 =	simm.s32 $0x1B480;
	v29 =	vadd.s32 $0x2, v5;
	v4 =	vld.idx.msk [tilespmem:v4+s31+$0x0], $0xffff;
	v2 =	vsub.f32 v2, v25  }
0x444: {  	[tilespmem:s9+$0xFFFFE400] =	vst v31;
	v31 =	vadd.s32 $0x100, v33;
	v47 =	vld.idx.msk [tilespmem:v43+s31+$0x0], $0xffff  }
0x445: {  	v46 =	vadd.s32 $0x100, v5;
	[tilespmem:s9+$0xFFFFE410] =	vst v2  }
0x446: {  	v48 =	vadd.s32 $0x1, v29;
	v30 =	vadd.s32 $0x2, v33;
	v37 =	vld.idx.msk [tilespmem:v45+s31+$0x0], $0xffff  }
0x447: {  	v2 =	vadd.s32 $0x1, v30;
	v3 =	vld.idx.msk [tilespmem:v3+s31+$0x0], $0xffff  }
0x448: {  	v52 =	vld.idx.msk [tilespmem:v29+s31+$0x0], $0xffff;
	v32 =	vsub.f32 v32, v36  }
0x449: {  	v51 =	vadd.s32 $0x200, v18;
	v42 =	vld.idx.msk [tilespmem:v31+s31+$0x0], $0xffff;
	v31 =	vadd.s32 $0x2, v29;
	v4 =	vsub.f32 v4, v47  }
0x44a: {  	v39 =	vld.idx.msk [tilespmem:v46+s31+$0x0], $0xffff;
	v32 =	vsub.f32 v32, v25;
	v60 =	vadd.s32 $0x1, v31  }
0x44b: {  	v55 =	vadd.s32 $0x200, v19;
	v35 =	vld.idx.msk [tilespmem:v48+s31+$0x0], $0xffff;
	v4 =	vsub.f32 v4, v25  }
0x44c: {  	v54 =	vadd.s32 $0x201, v5;
	[tilespmem:s8+$0xFFFFF200] =	vst v32;
	v2 =	vld.idx.msk [tilespmem:v2+s31+$0x0], $0xffff;
	v3 =	vsub.f32 v37, v3  }
0x44d: {  	v53 =	vld.idx.msk [tilespmem:v30+s31+$0x0], $0xffff;
	[tilespmem:s8+$0x10] =	vst v4;
	v4 =	vadd.s32 $0x201, v33  }
0x44e: {  	v49 =	vadd.s32 $0x301, v18;
	v47 =	vld.idx.msk [tilespmem:v51+s31+$0x0], $0xffff;
	v3 =	vsub.f32 v3, v25  }
0x44f: {  	v46 =	vadd.s32 $0x301, v5;
	v32 =	vadd.s32 $0x300, v5;
	v51 =	vadd.s32 $0x200, v5;
	v5 =	vld.idx.msk [tilespmem:v60+s31+$0x0], $0xffff  }
0x450: {  	v50 =	vadd.s32 $0x301, v19;
	v37 =	vld.idx.msk [tilespmem:v55+s31+$0x0], $0xffff;
	[tilespmem:s9+$0xFFFFF210] =	vst v3  }
0x451: {  	v56 =	vadd.s32 $0x101, v29;
	v2 =	vsub.f32 v35, v2;
	v59 =	vld.idx.msk [tilespmem:v54+s31+$0x0], $0xffff  }
0x452: {  	v3 =	vadd.s32 $0x101, v30;
	v4 =	vld.idx.msk [tilespmem:v4+s31+$0x0], $0xffff  }
0x453: {  	v57 =	vadd.s32 $0x100, v29;
	v58 =	vsub.f32 v52, v53;
	v53 =	vld.idx.msk [tilespmem:v31+s31+$0x0], $0xffff;
	v2 =	vsub.f32 v2, v25  }
0x454: {  	s10 =	simm.s32 $0x1B4A0;
	v38 =	vadd.s32 $0x2, v30;
	v62 =	vadd.s32 $0x100, v30;
	v44 =	vld.idx.msk [tilespmem:v49+s31+$0x0], $0xffff  }
0x455: {  	v45 =	vld.idx.msk [tilespmem:v50+s31+$0x0], $0xffff;
	v34 =	vsub.f32 v58, v25;
	[tilespmem:s10+$0xFFFFE410] =	vst v2;
	v2 =	vadd.s32 $0x1, v38  }
0x456: {  	v61 =	vld.idx.msk [tilespmem:v56+s31+$0x0], $0xffff  }
0x457: {  	v63 =	vadd.s32 $0x301, v33;
	[tilespmem:s10+$0xFFFFE400] =	vst v34;
	v3 =	vld.idx.msk [tilespmem:v3+s31+$0x0], $0xffff;
	v4 =	vsub.f32 v59, v4  }
0x458: {  	v40 =	vadd.s32 $0x200, v29;
	v36 =	vadd.s32 $0x300, v33;
	v43 =	vadd.s32 $0x200, v38;
	v50 =	vld.idx.msk [tilespmem:v57+s31+$0x0], $0xffff  }
0x459: {  	v41 =	vadd.s32 $0x300, v38;
	v60 =	vld.idx.msk [tilespmem:v62+s31+$0x0], $0xffff;
	v59 =	vsub.f32 v39, v42;
	v4 =	vsub.f32 v4, v25  }
0x45a: {  	v52 =	vadd.s32 $0x200, v33;
	v33 =	vadd.s32 $0x300, v29;
	v55 =	vadd.s32 $0x101, v31;
	v2 =	vld.idx.msk [tilespmem:v2+s31+$0x0], $0xffff  }
0x45b: {  	v49 =	vadd.s32 $0x300, v18;
	v54 =	vld.idx.msk [tilespmem:v38+s31+$0x0], $0xffff;
	v37 =	vsub.f32 v47, v37;
	v42 =	vsub.f32 v59, v25;
	[tilespmem:s9+$0x10] =	vst v4  }
0x45c: {  	v34 =	vadd.s32 $0x300, v19;
	v3 =	vsub.f32 v61, v3;
	v61 =	vadd.s32 $0x201, v29;
	v46 =	vld.idx.msk [tilespmem:v46+s31+$0x0], $0xffff  }
0x45d: {  	v35 =	vadd.s32 $0x300, v30;
	v62 =	vadd.s32 $0x201, v30;
	[tilespmem:s9+$0xFFFFF200] =	vst v42;
	v48 =	vld.idx.msk [tilespmem:v63+s31+$0x0], $0xffff;
	v63 =	vsub.f32 v37, v25  }
0x45e: {  	v47 =	vadd.s32 $0x100, v38;
	v4 =	vsub.f32 v44, v45;
	v51 =	vld.idx.msk [tilespmem:v51+s31+$0x0], $0xffff;
	v3 =	vsub.f32 v3, v25  }
0x45f: {  	v56 =	vadd.s32 $0x101, v38;
	v57 =	vsub.f32 v50, v60;
	v52 =	vld.idx.msk [tilespmem:v52+s31+$0x0], $0xffff;
	[tilespmem:s8+$0x0] =	vst v63;
	v2 =	vsub.f32 v5, v2  }
0x460: {  	v39 =	vadd.s32 $0x200, v30;
	v4 =	vsub.f32 v4, v25;
	[tilespmem:s10+$0xFFFFF210] =	vst v3;
	v3 =	vsub.f32 v53, v54;
	v49 =	vld.idx.msk [tilespmem:v49+s31+$0x0], $0xffff  }
0x461: {  	v50 =	vadd.s32 $0x2, v31;
	v44 =	vadd.s32 $0x100, v31;
	v53 =	vld.idx.msk [tilespmem:v61+s31+$0x0], $0xffff;
	v59 =	vsub.f32 v2, v25  }
0x462: {  	s12 =	simm.s32 $0x6;
	s11 =	simm.s32 $0x1B4C0;
	v42 =	vadd.s32 $0x200, v31;
	v45 =	vmovc v38;
	v37 =	vadd.s32 $0x300, v31;
	[tilespmem:s8+$0xE10] =	vst v4;
	v54 =	vld.idx.msk [tilespmem:v62+s31+$0x0], $0xffff;
	v58 =	vsub.f32 v3, v25  }
.LBB2_21:
0x463: {  	v2 =	vadd.s32 $0x1, v50;
	[tilespmem:s11+$0xFFFFE410] =	vst v59;
	v38 =	vadd.s32 $0x2, v38;
	v3 =	vsub.f32 v46, v48;
	v4 =	vld.idx.msk [tilespmem:v34+s31+$0x0], $0xffff;
	v34 =	vmovc v36  }
0x464: {  	v5 =	vadd.s32 $0x100, v50;
	v36 =	vmovc v35;
	v35 =	vmovc v41;
	v48 =	vadd.s32 $0x100, v38;
	v46 =	vadd.s32 $0x1, v38;
	[tilespmem:s11+$0xFFFFE400] =	vst v58;
	v55 =	vld.idx.msk [tilespmem:v55+s31+$0x0], $0xffff  }
0x465: {  	v57 =	vsub.f32 v57, v25;
	v58 =	vadd.s32 $0x200, v50;
	v56 =	vld.idx.msk [tilespmem:v56+s31+$0x0], $0xffff;
	v3 =	vsub.f32 v3, v25  }
0x466: {  	v60 =	vadd.s32 $0x300, v50;
	v59 =	vadd.s32 $0x200, v38;
	v51 =	vsub.f32 v51, v52;
	v61 =	vld.idx.msk [tilespmem:v44+s31+$0x0], $0xffff;
	v44 =	vmovc v5  }
0x467: {  	s12 =	sadd.s32 $0x2, s12;
	v41 =	vadd.s32 $0x300, v38;
	v52 =	vsub.f32 v53, v54;
	v53 =	vadd.s32 $0x301, v29;
	v29 =	vmovc v31;
	v5 =	vld.idx.msk [tilespmem:v50+s31+$0x0], $0xffff;
	[tilespmem:s9+$0xE10] =	vst v3  }
0x468: {  	p1 =	slt.u32 s12, $0xDE;
	v51 =	vsub.f32 v51, v25;
	v3 =	vadd.s32 $0x301, v30;
	v30 =	vmovc v45;
	v45 =	vmov v38;
	v2 =	vld.idx.msk [tilespmem:v2+s31+$0x0], $0xffff;
	[tilespmem:s10+$0xFFFFF200] =	vst v57  }
0x469: {  	v31 =	vmov v50;
	v4 =	vsub.f32 v49, v4;
	v54 =	vld.idx.msk [tilespmem:v46+s31+$0x0], $0xffff;
	v46 =	vsub.f32 v52, v25  }
0x46a: {  	v49 =	vld.idx.msk [tilespmem:v38+s31+$0x0], $0xffff;
	[tilespmem:s9+$0x0] =	vst v51  }
0x46b: {  	v62 =	vadd.s32 $0x201, v29;
	v51 =	vsub.f32 v55, v56;
	v4 =	vsub.f32 v4, v25;
	v57 =	vld.idx.msk [tilespmem:v47+s31+$0x0], $0xffff;
	[tilespmem:s10+$0x10] =	vst v46  }
0x46c: {  	v63 =	vadd.s32 $0x201, v30;
	v47 =	vmov v48;
	v46 =	vld.idx.msk [tilespmem:v53+s31+$0x0], $0xffff  }
0x46d: {  	v52 =	vsub.f32 v51, v25;
	v48 =	vld.idx.msk [tilespmem:v3+s31+$0x0], $0xffff;
	[tilespmem:s8+$0xE00] =	vst v4;
	s8 =	smov.u32 s9;
	s9 =	smov.u32 s10;
	s10 =	smov.u32 s11  }
.Ltmp9:
0x46e: {  	v51 =	vld.idx.msk [tilespmem:v40+s31+$0x0], $0xffff;
	v40 =	vmov v42;
	v42 =	vmov v58;
	(pc) =	sbr.rel @p1 .LBB2_21-.Ltmp9, $4  }
0x46f: {  	v55 =	vadd.s32 $0x101, v50;
	v2 =	vsub.f32 v2, v54;
	[tilespmem:s11+$0xFFFFF210] =	vst v52;
	v52 =	vld.idx.msk [tilespmem:v39+s31+$0x0], $0xffff;
	v39 =	vmovc v43;
	v43 =	vmov v59  }
0x470: {  	v56 =	vadd.s32 $0x101, v38;
	v3 =	vsub.f32 v5, v49;
	v53 =	vld.idx.msk [tilespmem:v62+s31+$0x0], $0xffff  }
0x471: {  	v59 =	vsub.f32 v2, v25;
	v57 =	vsub.f32 v61, v57;
	v54 =	vld.idx.msk [tilespmem:v63+s31+$0x0], $0xffff  }
0x472: {  	v50 =	vadd.s32 $0x2, v50;
	s11 =	sadd.s32 $0x20, s11;
	v58 =	vsub.f32 v3, v25;
	v49 =	vld.idx.msk [tilespmem:v32+s31+$0x0], $0xffff;
	v32 =	vmovc v33;
	v33 =	vmovc v37;
	v37 =	vmov v60  }
0x473: {  	_ =	sdelay $0x2  }
0x474: {  	[tilespmem:s11+$0xFFFFE410] =	vst v59  }
0x475: {  	v2 =	vld.idx.msk [tilespmem:v55+s31+$0x0], $0xffff  }
0x476: {  	v3 =	vld.idx.msk [tilespmem:v56+s31+$0x0], $0xffff;
	_ =	sdelay $0x1  }
0x477: {  	[tilespmem:s11+$0xFFFFE400] =	vst v58  }
0x478: {  	v4 =	vld.idx.msk [tilespmem:v44+s31+$0x0], $0xffff  }
0x479: {  	v5 =	vld.idx.msk [tilespmem:v47+s31+$0x0], $0xffff  }
0x47a: {  	v2 =	vsub.f32 v2, v3;
	v3 =	vadd.s32 $0x201, v31  }
0x47b: {  	v38 =	vadd.s32 $0x201, v45  }
0x47c: {  	v2 =	vsub.f32 v2, v25;
	_ =	sdelay $0x1  }
0x47d: {  	v57 =	vsub.f32 v57, v25;
	[tilespmem:s11+$0xFFFFF210] =	vst v2;
	v2 =	vsub.f32 v4, v5  }
0x47e: {  	v3 =	vld.idx.msk [tilespmem:v3+s31+$0x0], $0xffff  }
0x47f: {  	[tilespmem:s10+$0xFFFFF200] =	vst v57;
	v4 =	vld.idx.msk [tilespmem:v38+s31+$0x0], $0xffff;
	v2 =	vsub.f32 v2, v25  }
0x480: {  	v29 =	vadd.s32 $0x301, v29;
	v58 =	vld.idx.msk [tilespmem:v40+s31+$0x0], $0xffff;
	v5 =	vsub.f32 v53, v54  }
0x481: {  	v30 =	vadd.s32 $0x301, v30;
	v39 =	vld.idx.msk [tilespmem:v39+s31+$0x0], $0xffff;
	[tilespmem:s11+$0xFFFFF200] =	vst v2  }
0x482: {  	v5 =	vsub.f32 v5, v25;
	v2 =	vsub.f32 v51, v52;
	v59 =	vld.idx.msk [tilespmem:v42+s31+$0x0], $0xffff  }
0x483: {  	v60 =	vld.idx.msk [tilespmem:v43+s31+$0x0], $0xffff  }
0x484: {  	v34 =	vld.idx.msk [tilespmem:v34+s31+$0x0], $0xffff;
	[tilespmem:s10+$0x10] =	vst v5;
	v2 =	vsub.f32 v2, v25;
	v3 =	vsub.f32 v3, v4;
	v4 =	vadd.s32 $0x301, v31  }
0x485: {  	v5 =	vld.idx.msk [tilespmem:v29+s31+$0x0], $0xffff;
	v29 =	vadd.s32 $0x301, v45  }
0x486: {  	[tilespmem:s9+$0x0] =	vst v2;
	v2 =	vld.idx.msk [tilespmem:v30+s31+$0x0], $0xffff;
	v30 =	vsub.f32 v58, v39;
	v3 =	vsub.f32 v3, v25  }
0x487: {  	v31 =	vld.idx.msk [tilespmem:v32+s31+$0x0], $0xffff  }
0x488: {  	v61 =	vld.idx.msk [tilespmem:v36+s31+$0x0], $0xffff;
	v30 =	vsub.f32 v30, v25;
	[tilespmem:s11+$0x10] =	vst v3;
	v3 =	vsub.f32 v59, v60  }
0x489: {  	v4 =	vld.idx.msk [tilespmem:v4+s31+$0x0], $0xffff  }
0x48a: {  	v29 =	vld.idx.msk [tilespmem:v29+s31+$0x0], $0xffff;
	[tilespmem:s10+$0x0] =	vst v30;
	v3 =	vsub.f32 v3, v25  }
0x48b: {  	v30 =	vld.idx.msk [tilespmem:v33+s31+$0x0], $0xffff  }
0x48c: {  	v62 =	vld.idx.msk [tilespmem:v35+s31+$0x0], $0xffff;
	[tilespmem:s11+$0x0] =	vst v3  }
0x48d: {  	v3 =	vsub.f32 v46, v48;
	v63 =	vld.idx.msk [tilespmem:v37+s31+$0x0], $0xffff  }
0x48e: {  	v34 =	vsub.f32 v49, v34;
	v40 =	vld.idx.msk [tilespmem:v41+s31+$0x0], $0xffff  }
0x48f: {  	v2 =	vsub.f32 v5, v2;
	v3 =	vsub.f32 v3, v25  }
0x490: {  	v5 =	vsub.f32 v34, v25;
	v31 =	vsub.f32 v31, v61  }
0x491: {  	v2 =	vsub.f32 v2, v25;
	[tilespmem:s9+$0xE10] =	vst v3;
	v3 =	vsub.f32 v4, v29  }
0x492: {  	[tilespmem:s8+$0xE00] =	vst v5;
	v4 =	vsub.f32 v31, v25;
	v5 =	vsub.f32 v30, v62  }
0x493: {  	[tilespmem:s10+$0xE10] =	vst v2;
	v2 =	vsub.f32 v3, v25;
	v3 =	vsub.f32 v63, v40  }
0x494: {  	[tilespmem:s9+$0xE00] =	vst v4;
	v4 =	vsub.f32 v5, v25  }
0x495: {  	s12 =	sadd.s32 s30, s22;
	[tilespmem:s11+$0xE10] =	vst v2;
	v2 =	vsub.f32 v3, v25  }
0x496: {  	s8 =	sshrl.u32 s12, $0x3;
	[tilespmem:s10+$0xE00] =	vst v4  }
0x497: {  	s8 =	sadd.s32 s2, s8;
	[tilespmem:s11+$0xE00] =	vst v2;
	v2 =	vadd.s32 $0x1, v20  }
0x498: {  	v3 =	vadd.s32 $0x1, v21;
	[hbm4b:s8+s6] =	stream.strided.scatter [tilespmem:s29], [sflag:$0x3], $0x3800, s7, s6, $0x38;
	[tilespmem:$0x1D060] =	vst v63  }
0x499: {  	_ =	swait.ge [sflag:s1], $0x3800  }
0x49a: {  	[sflag:s1] =	ssyncset.done $0x0  }
0x49b: {  	[sflag:s1] =	ssyncadd.s32 $0xFFFFC800  }
0x49c: {  	v2 =	vld.idx.msk [tilespmem:v2+s31+$0x0], $0xffff  }
0x49d: {  	v3 =	vld.idx.msk [tilespmem:v3+s31+$0x0], $0xffff;
	_ =	sdelay $0x2  }
0x49e: {  	v5 =	vadd.s32 $0x2, v20  }
0x49f: {  	v30 =	vadd.s32 $0x1, v5  }
0x4a0: {  	v2 =	vsub.f32 v2, v3;
	v3 =	vadd.s32 $0x101, v20  }
0x4a1: {  	v4 =	vadd.s32 $0x101, v21  }
0x4a2: {  	v33 =	vadd.s32 $0x2, v21;
	v29 =	vld.idx.msk [tilespmem:v20+s31+$0x0], $0xffff;
	v2 =	vsub.f32 v2, v25  }
0x4a3: {  	s8 =	simm.s32 $0x17C60;
	v31 =	vld.idx.msk [tilespmem:v21+s31+$0x0], $0xffff  }
0x4a4: {  	v30 =	vld.idx.msk [tilespmem:v30+s31+$0x0], $0xffff;
	[tilespmem:s8+$0xFFFFE410] =	vst v2;
	v2 =	vadd.s32 $0x1, v33  }
0x4a5: {  	v3 =	vld.idx.msk [tilespmem:v3+s31+$0x0], $0xffff  }
0x4a6: {  	v4 =	vld.idx.msk [tilespmem:v4+s31+$0x0], $0xffff  }
0x4a7: {  	v42 =	vld.idx.msk [tilespmem:v33+s31+$0x0], $0xffff  }
0x4a8: {  	v29 =	vsub.f32 v29, v31;
	v31 =	vld.idx.msk [tilespmem:v5+s31+$0x0], $0xffff  }
0x4a9: {  	v41 =	vadd.s32 $0x100, v20;
	v2 =	vld.idx.msk [tilespmem:v2+s31+$0x0], $0xffff  }
0x4aa: {  	v44 =	vadd.s32 $0x100, v21  }
0x4ab: {  	v29 =	vsub.f32 v29, v25;
	v3 =	vsub.f32 v3, v4;
	v4 =	vadd.s32 $0x201, v20  }
0x4ac: {  	v43 =	vadd.s32 $0x201, v21  }
0x4ad: {  	[tilespmem:s8+$0xFFFFE400] =	vst v29;
	v31 =	vsub.f32 v31, v42;
	v3 =	vsub.f32 v3, v25  }
0x4ae: {  	v45 =	vadd.s32 $0x101, v5;
	v32 =	vld.idx.msk [tilespmem:v41+s31+$0x0], $0xffff;
	v2 =	vsub.f32 v30, v2  }
0x4af: {  	v36 =	vld.idx.msk [tilespmem:v44+s31+$0x0], $0xffff;
	v31 =	vsub.f32 v31, v25;
	[tilespmem:s8+$0xFFFFF210] =	vst v3;
	v3 =	vadd.s32 $0x101, v33  }
0x4b0: {  	s9 =	simm.s32 $0x17C80;
	v29 =	vadd.s32 $0x2, v5;
	v4 =	vld.idx.msk [tilespmem:v4+s31+$0x0], $0xffff;
	v2 =	vsub.f32 v2, v25  }
0x4b1: {  	[tilespmem:s9+$0xFFFFE400] =	vst v31;
	v31 =	vadd.s32 $0x100, v33;
	v47 =	vld.idx.msk [tilespmem:v43+s31+$0x0], $0xffff  }
0x4b2: {  	v46 =	vadd.s32 $0x100, v5;
	[tilespmem:s9+$0xFFFFE410] =	vst v2  }
0x4b3: {  	v48 =	vadd.s32 $0x1, v29;
	v30 =	vadd.s32 $0x2, v33;
	v37 =	vld.idx.msk [tilespmem:v45+s31+$0x0], $0xffff  }
0x4b4: {  	v2 =	vadd.s32 $0x1, v30;
	v3 =	vld.idx.msk [tilespmem:v3+s31+$0x0], $0xffff  }
0x4b5: {  	v52 =	vld.idx.msk [tilespmem:v29+s31+$0x0], $0xffff;
	v32 =	vsub.f32 v32, v36  }
0x4b6: {  	v51 =	vadd.s32 $0x200, v20;
	v42 =	vld.idx.msk [tilespmem:v31+s31+$0x0], $0xffff;
	v31 =	vadd.s32 $0x2, v29;
	v4 =	vsub.f32 v4, v47  }
0x4b7: {  	v39 =	vld.idx.msk [tilespmem:v46+s31+$0x0], $0xffff;
	v32 =	vsub.f32 v32, v25;
	v60 =	vadd.s32 $0x1, v31  }
0x4b8: {  	v55 =	vadd.s32 $0x200, v21;
	v35 =	vld.idx.msk [tilespmem:v48+s31+$0x0], $0xffff;
	v4 =	vsub.f32 v4, v25  }
0x4b9: {  	v54 =	vadd.s32 $0x201, v5;
	[tilespmem:s8+$0xFFFFF200] =	vst v32;
	v2 =	vld.idx.msk [tilespmem:v2+s31+$0x0], $0xffff;
	v3 =	vsub.f32 v37, v3  }
0x4ba: {  	v53 =	vld.idx.msk [tilespmem:v30+s31+$0x0], $0xffff;
	[tilespmem:s8+$0x10] =	vst v4;
	v4 =	vadd.s32 $0x201, v33  }
0x4bb: {  	v49 =	vadd.s32 $0x301, v20;
	v47 =	vld.idx.msk [tilespmem:v51+s31+$0x0], $0xffff;
	v3 =	vsub.f32 v3, v25  }
0x4bc: {  	v46 =	vadd.s32 $0x301, v5;
	v32 =	vadd.s32 $0x300, v5;
	v51 =	vadd.s32 $0x200, v5;
	v5 =	vld.idx.msk [tilespmem:v60+s31+$0x0], $0xffff  }
0x4bd: {  	v50 =	vadd.s32 $0x301, v21;
	v37 =	vld.idx.msk [tilespmem:v55+s31+$0x0], $0xffff;
	[tilespmem:s9+$0xFFFFF210] =	vst v3  }
0x4be: {  	v56 =	vadd.s32 $0x101, v29;
	v2 =	vsub.f32 v35, v2;
	v59 =	vld.idx.msk [tilespmem:v54+s31+$0x0], $0xffff  }
0x4bf: {  	v3 =	vadd.s32 $0x101, v30;
	v4 =	vld.idx.msk [tilespmem:v4+s31+$0x0], $0xffff  }
0x4c0: {  	v57 =	vadd.s32 $0x100, v29;
	v58 =	vsub.f32 v52, v53;
	v53 =	vld.idx.msk [tilespmem:v31+s31+$0x0], $0xffff;
	v2 =	vsub.f32 v2, v25  }
0x4c1: {  	s10 =	simm.s32 $0x17CA0;
	v38 =	vadd.s32 $0x2, v30;
	v62 =	vadd.s32 $0x100, v30;
	v44 =	vld.idx.msk [tilespmem:v49+s31+$0x0], $0xffff  }
0x4c2: {  	v45 =	vld.idx.msk [tilespmem:v50+s31+$0x0], $0xffff;
	v34 =	vsub.f32 v58, v25;
	[tilespmem:s10+$0xFFFFE410] =	vst v2;
	v2 =	vadd.s32 $0x1, v38  }
0x4c3: {  	v61 =	vld.idx.msk [tilespmem:v56+s31+$0x0], $0xffff  }
0x4c4: {  	v63 =	vadd.s32 $0x301, v33;
	[tilespmem:s10+$0xFFFFE400] =	vst v34;
	v3 =	vld.idx.msk [tilespmem:v3+s31+$0x0], $0xffff;
	v4 =	vsub.f32 v59, v4  }
0x4c5: {  	v40 =	vadd.s32 $0x200, v29;
	v36 =	vadd.s32 $0x300, v33;
	v43 =	vadd.s32 $0x200, v38;
	v50 =	vld.idx.msk [tilespmem:v57+s31+$0x0], $0xffff  }
0x4c6: {  	v41 =	vadd.s32 $0x300, v38;
	v60 =	vld.idx.msk [tilespmem:v62+s31+$0x0], $0xffff;
	v59 =	vsub.f32 v39, v42;
	v4 =	vsub.f32 v4, v25  }
0x4c7: {  	v52 =	vadd.s32 $0x200, v33;
	v33 =	vadd.s32 $0x300, v29;
	v55 =	vadd.s32 $0x101, v31;
	v2 =	vld.idx.msk [tilespmem:v2+s31+$0x0], $0xffff  }
0x4c8: {  	v49 =	vadd.s32 $0x300, v20;
	v54 =	vld.idx.msk [tilespmem:v38+s31+$0x0], $0xffff;
	v37 =	vsub.f32 v47, v37;
	v42 =	vsub.f32 v59, v25;
	[tilespmem:s9+$0x10] =	vst v4  }
0x4c9: {  	v34 =	vadd.s32 $0x300, v21;
	v3 =	vsub.f32 v61, v3;
	v61 =	vadd.s32 $0x201, v29;
	v46 =	vld.idx.msk [tilespmem:v46+s31+$0x0], $0xffff  }
0x4ca: {  	v35 =	vadd.s32 $0x300, v30;
	v62 =	vadd.s32 $0x201, v30;
	[tilespmem:s9+$0xFFFFF200] =	vst v42;
	v48 =	vld.idx.msk [tilespmem:v63+s31+$0x0], $0xffff;
	v63 =	vsub.f32 v37, v25  }
0x4cb: {  	v47 =	vadd.s32 $0x100, v38;
	v4 =	vsub.f32 v44, v45;
	v51 =	vld.idx.msk [tilespmem:v51+s31+$0x0], $0xffff;
	v3 =	vsub.f32 v3, v25  }
0x4cc: {  	v56 =	vadd.s32 $0x101, v38;
	v57 =	vsub.f32 v50, v60;
	v52 =	vld.idx.msk [tilespmem:v52+s31+$0x0], $0xffff;
	[tilespmem:s8+$0x0] =	vst v63;
	v2 =	vsub.f32 v5, v2  }
0x4cd: {  	v39 =	vadd.s32 $0x200, v30;
	v4 =	vsub.f32 v4, v25;
	[tilespmem:s10+$0xFFFFF210] =	vst v3;
	v3 =	vsub.f32 v53, v54;
	v49 =	vld.idx.msk [tilespmem:v49+s31+$0x0], $0xffff  }
0x4ce: {  	v50 =	vadd.s32 $0x2, v31;
	v44 =	vadd.s32 $0x100, v31;
	v53 =	vld.idx.msk [tilespmem:v61+s31+$0x0], $0xffff;
	v59 =	vsub.f32 v2, v25  }
0x4cf: {  	s12 =	simm.s32 $0x6;
	s11 =	simm.s32 $0x17CC0;
	v42 =	vadd.s32 $0x200, v31;
	v45 =	vmovc v38;
	v37 =	vadd.s32 $0x300, v31;
	[tilespmem:s8+$0xE10] =	vst v4;
	v54 =	vld.idx.msk [tilespmem:v62+s31+$0x0], $0xffff;
	v58 =	vsub.f32 v3, v25  }
.LBB2_23:
0x4d0: {  	v2 =	vadd.s32 $0x1, v50;
	[tilespmem:s11+$0xFFFFE410] =	vst v59;
	v38 =	vadd.s32 $0x2, v38;
	v3 =	vsub.f32 v46, v48;
	v4 =	vld.idx.msk [tilespmem:v34+s31+$0x0], $0xffff;
	v34 =	vmovc v36  }
0x4d1: {  	v5 =	vadd.s32 $0x100, v50;
	v36 =	vmovc v35;
	v35 =	vmovc v41;
	v48 =	vadd.s32 $0x100, v38;
	v46 =	vadd.s32 $0x1, v38;
	[tilespmem:s11+$0xFFFFE400] =	vst v58;
	v55 =	vld.idx.msk [tilespmem:v55+s31+$0x0], $0xffff  }
0x4d2: {  	v57 =	vsub.f32 v57, v25;
	v58 =	vadd.s32 $0x200, v50;
	v56 =	vld.idx.msk [tilespmem:v56+s31+$0x0], $0xffff;
	v3 =	vsub.f32 v3, v25  }
0x4d3: {  	v60 =	vadd.s32 $0x300, v50;
	v59 =	vadd.s32 $0x200, v38;
	v51 =	vsub.f32 v51, v52;
	v61 =	vld.idx.msk [tilespmem:v44+s31+$0x0], $0xffff;
	v44 =	vmovc v5  }
0x4d4: {  	s12 =	sadd.s32 $0x2, s12;
	v41 =	vadd.s32 $0x300, v38;
	v52 =	vsub.f32 v53, v54;
	v53 =	vadd.s32 $0x301, v29;
	v29 =	vmovc v31;
	v5 =	vld.idx.msk [tilespmem:v50+s31+$0x0], $0xffff;
	[tilespmem:s9+$0xE10] =	vst v3  }
0x4d5: {  	p1 =	slt.u32 s12, $0xDE;
	v51 =	vsub.f32 v51, v25;
	v3 =	vadd.s32 $0x301, v30;
	v30 =	vmovc v45;
	v45 =	vmov v38;
	v2 =	vld.idx.msk [tilespmem:v2+s31+$0x0], $0xffff;
	[tilespmem:s10+$0xFFFFF200] =	vst v57  }
0x4d6: {  	v31 =	vmov v50;
	v4 =	vsub.f32 v49, v4;
	v54 =	vld.idx.msk [tilespmem:v46+s31+$0x0], $0xffff;
	v46 =	vsub.f32 v52, v25  }
0x4d7: {  	v49 =	vld.idx.msk [tilespmem:v38+s31+$0x0], $0xffff;
	[tilespmem:s9+$0x0] =	vst v51  }
0x4d8: {  	v62 =	vadd.s32 $0x201, v29;
	v51 =	vsub.f32 v55, v56;
	v4 =	vsub.f32 v4, v25;
	v57 =	vld.idx.msk [tilespmem:v47+s31+$0x0], $0xffff;
	[tilespmem:s10+$0x10] =	vst v46  }
0x4d9: {  	v63 =	vadd.s32 $0x201, v30;
	v47 =	vmov v48;
	v46 =	vld.idx.msk [tilespmem:v53+s31+$0x0], $0xffff  }
0x4da: {  	v52 =	vsub.f32 v51, v25;
	v48 =	vld.idx.msk [tilespmem:v3+s31+$0x0], $0xffff;
	[tilespmem:s8+$0xE00] =	vst v4;
	s8 =	smov.u32 s9;
	s9 =	smov.u32 s10;
	s10 =	smov.u32 s11  }
.Ltmp10:
0x4db: {  	v51 =	vld.idx.msk [tilespmem:v40+s31+$0x0], $0xffff;
	v40 =	vmov v42;
	v42 =	vmov v58;
	(pc) =	sbr.rel @p1 .LBB2_23-.Ltmp10, $4  }
0x4dc: {  	v55 =	vadd.s32 $0x101, v50;
	v2 =	vsub.f32 v2, v54;
	[tilespmem:s11+$0xFFFFF210] =	vst v52;
	v52 =	vld.idx.msk [tilespmem:v39+s31+$0x0], $0xffff;
	v39 =	vmovc v43;
	v43 =	vmov v59  }
0x4dd: {  	v56 =	vadd.s32 $0x101, v38;
	v3 =	vsub.f32 v5, v49;
	v53 =	vld.idx.msk [tilespmem:v62+s31+$0x0], $0xffff  }
0x4de: {  	v59 =	vsub.f32 v2, v25;
	v57 =	vsub.f32 v61, v57;
	v54 =	vld.idx.msk [tilespmem:v63+s31+$0x0], $0xffff  }
0x4df: {  	v50 =	vadd.s32 $0x2, v50;
	s11 =	sadd.s32 $0x20, s11;
	v58 =	vsub.f32 v3, v25;
	v49 =	vld.idx.msk [tilespmem:v32+s31+$0x0], $0xffff;
	v32 =	vmovc v33;
	v33 =	vmovc v37;
	v37 =	vmov v60  }
0x4e0: {  	_ =	sdelay $0x2  }
0x4e1: {  	[tilespmem:s11+$0xFFFFE410] =	vst v59  }
0x4e2: {  	v2 =	vld.idx.msk [tilespmem:v55+s31+$0x0], $0xffff  }
0x4e3: {  	v3 =	vld.idx.msk [tilespmem:v56+s31+$0x0], $0xffff;
	_ =	sdelay $0x1  }
0x4e4: {  	[tilespmem:s11+$0xFFFFE400] =	vst v58  }
0x4e5: {  	v4 =	vld.idx.msk [tilespmem:v44+s31+$0x0], $0xffff  }
0x4e6: {  	v5 =	vld.idx.msk [tilespmem:v47+s31+$0x0], $0xffff  }
0x4e7: {  	v2 =	vsub.f32 v2, v3;
	v3 =	vadd.s32 $0x201, v31  }
0x4e8: {  	v38 =	vadd.s32 $0x201, v45  }
0x4e9: {  	v2 =	vsub.f32 v2, v25;
	_ =	sdelay $0x1  }
0x4ea: {  	v57 =	vsub.f32 v57, v25;
	[tilespmem:s11+$0xFFFFF210] =	vst v2;
	v2 =	vsub.f32 v4, v5  }
0x4eb: {  	v3 =	vld.idx.msk [tilespmem:v3+s31+$0x0], $0xffff  }
0x4ec: {  	[tilespmem:s10+$0xFFFFF200] =	vst v57;
	v4 =	vld.idx.msk [tilespmem:v38+s31+$0x0], $0xffff;
	v2 =	vsub.f32 v2, v25  }
0x4ed: {  	v29 =	vadd.s32 $0x301, v29;
	v58 =	vld.idx.msk [tilespmem:v40+s31+$0x0], $0xffff;
	v5 =	vsub.f32 v53, v54  }
0x4ee: {  	v30 =	vadd.s32 $0x301, v30;
	v39 =	vld.idx.msk [tilespmem:v39+s31+$0x0], $0xffff;
	[tilespmem:s11+$0xFFFFF200] =	vst v2  }
0x4ef: {  	v5 =	vsub.f32 v5, v25;
	v2 =	vsub.f32 v51, v52;
	v59 =	vld.idx.msk [tilespmem:v42+s31+$0x0], $0xffff  }
0x4f0: {  	v60 =	vld.idx.msk [tilespmem:v43+s31+$0x0], $0xffff  }
0x4f1: {  	v34 =	vld.idx.msk [tilespmem:v34+s31+$0x0], $0xffff;
	[tilespmem:s10+$0x10] =	vst v5;
	v2 =	vsub.f32 v2, v25;
	v3 =	vsub.f32 v3, v4;
	v4 =	vadd.s32 $0x301, v31  }
0x4f2: {  	v5 =	vld.idx.msk [tilespmem:v29+s31+$0x0], $0xffff;
	v29 =	vadd.s32 $0x301, v45  }
0x4f3: {  	[tilespmem:s9+$0x0] =	vst v2;
	v2 =	vld.idx.msk [tilespmem:v30+s31+$0x0], $0xffff;
	v30 =	vsub.f32 v58, v39;
	v3 =	vsub.f32 v3, v25  }
0x4f4: {  	v31 =	vld.idx.msk [tilespmem:v32+s31+$0x0], $0xffff  }
0x4f5: {  	v61 =	vld.idx.msk [tilespmem:v36+s31+$0x0], $0xffff;
	v30 =	vsub.f32 v30, v25;
	[tilespmem:s11+$0x10] =	vst v3;
	v3 =	vsub.f32 v59, v60  }
0x4f6: {  	v4 =	vld.idx.msk [tilespmem:v4+s31+$0x0], $0xffff  }
0x4f7: {  	v29 =	vld.idx.msk [tilespmem:v29+s31+$0x0], $0xffff;
	[tilespmem:s10+$0x0] =	vst v30;
	v3 =	vsub.f32 v3, v25  }
0x4f8: {  	v30 =	vld.idx.msk [tilespmem:v33+s31+$0x0], $0xffff  }
0x4f9: {  	v62 =	vld.idx.msk [tilespmem:v35+s31+$0x0], $0xffff;
	[tilespmem:s11+$0x0] =	vst v3  }
0x4fa: {  	v3 =	vsub.f32 v46, v48;
	v63 =	vld.idx.msk [tilespmem:v37+s31+$0x0], $0xffff  }
0x4fb: {  	v34 =	vsub.f32 v49, v34;
	v40 =	vld.idx.msk [tilespmem:v41+s31+$0x0], $0xffff  }
0x4fc: {  	v2 =	vsub.f32 v5, v2;
	v3 =	vsub.f32 v3, v25  }
0x4fd: {  	v5 =	vsub.f32 v34, v25;
	v31 =	vsub.f32 v31, v61  }
0x4fe: {  	v2 =	vsub.f32 v2, v25;
	[tilespmem:s9+$0xE10] =	vst v3;
	v3 =	vsub.f32 v4, v29  }
0x4ff: {  	[tilespmem:s8+$0xE00] =	vst v5;
	v4 =	vsub.f32 v31, v25;
	v5 =	vsub.f32 v30, v62  }
0x500: {  	[tilespmem:s10+$0xE10] =	vst v2;
	v2 =	vsub.f32 v3, v25;
	v3 =	vsub.f32 v63, v40  }
0x501: {  	[tilespmem:s9+$0xE00] =	vst v4;
	v4 =	vsub.f32 v5, v25  }
0x502: {  	s12 =	sadd.s32 s30, s23;
	[tilespmem:s11+$0xE10] =	vst v2;
	v2 =	vsub.f32 v3, v25  }
0x503: {  	s8 =	sshrl.u32 s12, $0x3;
	[tilespmem:s10+$0xE00] =	vst v4  }
0x504: {  	s8 =	sadd.s32 s2, s8;
	[tilespmem:s11+$0xE00] =	vst v2;
	v2 =	vadd.s32 $0x1, v22  }
0x505: {  	v3 =	vadd.s32 $0x1, v23;
	[hbm4b:s8+s6] =	stream.strided.scatter [tilespmem:s25], [sflag:$0x2], $0x3800, s7, s6, $0x38;
	[tilespmem:$0x1D060] =	vst v63  }
0x506: {  	_ =	swait.ge [sflag:s0], $0x3800  }
0x507: {  	[sflag:s0] =	ssyncset.done $0x0  }
0x508: {  	[sflag:s0] =	ssyncadd.s32 $0xFFFFC800  }
0x509: {  	v2 =	vld.idx.msk [tilespmem:v2+s31+$0x0], $0xffff  }
0x50a: {  	v3 =	vld.idx.msk [tilespmem:v3+s31+$0x0], $0xffff;
	_ =	sdelay $0x2  }
0x50b: {  	v5 =	vadd.s32 $0x2, v22  }
0x50c: {  	v30 =	vadd.s32 $0x1, v5  }
0x50d: {  	v2 =	vsub.f32 v2, v3;
	v3 =	vadd.s32 $0x101, v22  }
0x50e: {  	v4 =	vadd.s32 $0x101, v23  }
0x50f: {  	v33 =	vadd.s32 $0x2, v23;
	v29 =	vld.idx.msk [tilespmem:v22+s31+$0x0], $0xffff;
	v2 =	vsub.f32 v2, v25  }
0x510: {  	s8 =	simm.s32 $0x1B460;
	v31 =	vld.idx.msk [tilespmem:v23+s31+$0x0], $0xffff  }
0x511: {  	v30 =	vld.idx.msk [tilespmem:v30+s31+$0x0], $0xffff;
	[tilespmem:s8+$0xFFFFE410] =	vst v2;
	v2 =	vadd.s32 $0x1, v33  }
0x512: {  	v3 =	vld.idx.msk [tilespmem:v3+s31+$0x0], $0xffff  }
0x513: {  	v4 =	vld.idx.msk [tilespmem:v4+s31+$0x0], $0xffff  }
0x514: {  	v42 =	vld.idx.msk [tilespmem:v33+s31+$0x0], $0xffff  }
0x515: {  	v29 =	vsub.f32 v29, v31;
	v31 =	vld.idx.msk [tilespmem:v5+s31+$0x0], $0xffff  }
0x516: {  	v41 =	vadd.s32 $0x100, v22;
	v2 =	vld.idx.msk [tilespmem:v2+s31+$0x0], $0xffff  }
0x517: {  	v44 =	vadd.s32 $0x100, v23  }
0x518: {  	v29 =	vsub.f32 v29, v25;
	v3 =	vsub.f32 v3, v4;
	v4 =	vadd.s32 $0x201, v22  }
0x519: {  	v43 =	vadd.s32 $0x201, v23  }
0x51a: {  	[tilespmem:s8+$0xFFFFE400] =	vst v29;
	v31 =	vsub.f32 v31, v42;
	v3 =	vsub.f32 v3, v25  }
0x51b: {  	v45 =	vadd.s32 $0x101, v5;
	v32 =	vld.idx.msk [tilespmem:v41+s31+$0x0], $0xffff;
	v2 =	vsub.f32 v30, v2  }
0x51c: {  	v36 =	vld.idx.msk [tilespmem:v44+s31+$0x0], $0xffff;
	v31 =	vsub.f32 v31, v25;
	[tilespmem:s8+$0xFFFFF210] =	vst v3;
	v3 =	vadd.s32 $0x101, v33  }
0x51d: {  	s9 =	simm.s32 $0x1B480;
	v29 =	vadd.s32 $0x2, v5;
	v4 =	vld.idx.msk [tilespmem:v4+s31+$0x0], $0xffff;
	v2 =	vsub.f32 v2, v25  }
0x51e: {  	[tilespmem:s9+$0xFFFFE400] =	vst v31;
	v31 =	vadd.s32 $0x100, v33;
	v47 =	vld.idx.msk [tilespmem:v43+s31+$0x0], $0xffff  }
0x51f: {  	v46 =	vadd.s32 $0x100, v5;
	[tilespmem:s9+$0xFFFFE410] =	vst v2  }
0x520: {  	v48 =	vadd.s32 $0x1, v29;
	v30 =	vadd.s32 $0x2, v33;
	v37 =	vld.idx.msk [tilespmem:v45+s31+$0x0], $0xffff  }
0x521: {  	v2 =	vadd.s32 $0x1, v30;
	v3 =	vld.idx.msk [tilespmem:v3+s31+$0x0], $0xffff  }
0x522: {  	v52 =	vld.idx.msk [tilespmem:v29+s31+$0x0], $0xffff;
	v32 =	vsub.f32 v32, v36  }
0x523: {  	v51 =	vadd.s32 $0x200, v22;
	v42 =	vld.idx.msk [tilespmem:v31+s31+$0x0], $0xffff;
	v31 =	vadd.s32 $0x2, v29;
	v4 =	vsub.f32 v4, v47  }
0x524: {  	v39 =	vld.idx.msk [tilespmem:v46+s31+$0x0], $0xffff;
	v32 =	vsub.f32 v32, v25;
	v60 =	vadd.s32 $0x1, v31  }
0x525: {  	v55 =	vadd.s32 $0x200, v23;
	v35 =	vld.idx.msk [tilespmem:v48+s31+$0x0], $0xffff;
	v4 =	vsub.f32 v4, v25  }
0x526: {  	v54 =	vadd.s32 $0x201, v5;
	[tilespmem:s8+$0xFFFFF200] =	vst v32;
	v2 =	vld.idx.msk [tilespmem:v2+s31+$0x0], $0xffff;
	v3 =	vsub.f32 v37, v3  }
0x527: {  	v53 =	vld.idx.msk [tilespmem:v30+s31+$0x0], $0xffff;
	[tilespmem:s8+$0x10] =	vst v4;
	v4 =	vadd.s32 $0x201, v33  }
0x528: {  	v49 =	vadd.s32 $0x301, v22;
	v47 =	vld.idx.msk [tilespmem:v51+s31+$0x0], $0xffff;
	v3 =	vsub.f32 v3, v25  }
0x529: {  	v46 =	vadd.s32 $0x301, v5;
	v32 =	vadd.s32 $0x300, v5;
	v51 =	vadd.s32 $0x200, v5;
	v5 =	vld.idx.msk [tilespmem:v60+s31+$0x0], $0xffff  }
0x52a: {  	v50 =	vadd.s32 $0x301, v23;
	v37 =	vld.idx.msk [tilespmem:v55+s31+$0x0], $0xffff;
	[tilespmem:s9+$0xFFFFF210] =	vst v3  }
0x52b: {  	v56 =	vadd.s32 $0x101, v29;
	v2 =	vsub.f32 v35, v2;
	v59 =	vld.idx.msk [tilespmem:v54+s31+$0x0], $0xffff  }
0x52c: {  	v3 =	vadd.s32 $0x101, v30;
	v4 =	vld.idx.msk [tilespmem:v4+s31+$0x0], $0xffff  }
0x52d: {  	v57 =	vadd.s32 $0x100, v29;
	v58 =	vsub.f32 v52, v53;
	v53 =	vld.idx.msk [tilespmem:v31+s31+$0x0], $0xffff;
	v2 =	vsub.f32 v2, v25  }
0x52e: {  	s10 =	simm.s32 $0x1B4A0;
	v38 =	vadd.s32 $0x2, v30;
	v62 =	vadd.s32 $0x100, v30;
	v44 =	vld.idx.msk [tilespmem:v49+s31+$0x0], $0xffff  }
0x52f: {  	v45 =	vld.idx.msk [tilespmem:v50+s31+$0x0], $0xffff;
	v34 =	vsub.f32 v58, v25;
	[tilespmem:s10+$0xFFFFE410] =	vst v2;
	v2 =	vadd.s32 $0x1, v38  }
0x530: {  	v61 =	vld.idx.msk [tilespmem:v56+s31+$0x0], $0xffff  }
0x531: {  	v63 =	vadd.s32 $0x301, v33;
	[tilespmem:s10+$0xFFFFE400] =	vst v34;
	v3 =	vld.idx.msk [tilespmem:v3+s31+$0x0], $0xffff;
	v4 =	vsub.f32 v59, v4  }
0x532: {  	v40 =	vadd.s32 $0x200, v29;
	v36 =	vadd.s32 $0x300, v33;
	v43 =	vadd.s32 $0x200, v38;
	v50 =	vld.idx.msk [tilespmem:v57+s31+$0x0], $0xffff  }
0x533: {  	v41 =	vadd.s32 $0x300, v38;
	v60 =	vld.idx.msk [tilespmem:v62+s31+$0x0], $0xffff;
	v59 =	vsub.f32 v39, v42;
	v4 =	vsub.f32 v4, v25  }
0x534: {  	v52 =	vadd.s32 $0x200, v33;
	v33 =	vadd.s32 $0x300, v29;
	v55 =	vadd.s32 $0x101, v31;
	v2 =	vld.idx.msk [tilespmem:v2+s31+$0x0], $0xffff  }
0x535: {  	v49 =	vadd.s32 $0x300, v22;
	v54 =	vld.idx.msk [tilespmem:v38+s31+$0x0], $0xffff;
	v37 =	vsub.f32 v47, v37;
	v42 =	vsub.f32 v59, v25;
	[tilespmem:s9+$0x10] =	vst v4  }
0x536: {  	v34 =	vadd.s32 $0x300, v23;
	v3 =	vsub.f32 v61, v3;
	v61 =	vadd.s32 $0x201, v29;
	v46 =	vld.idx.msk [tilespmem:v46+s31+$0x0], $0xffff  }
0x537: {  	v35 =	vadd.s32 $0x300, v30;
	v62 =	vadd.s32 $0x201, v30;
	[tilespmem:s9+$0xFFFFF200] =	vst v42;
	v48 =	vld.idx.msk [tilespmem:v63+s31+$0x0], $0xffff;
	v63 =	vsub.f32 v37, v25  }
0x538: {  	v47 =	vadd.s32 $0x100, v38;
	v4 =	vsub.f32 v44, v45;
	v51 =	vld.idx.msk [tilespmem:v51+s31+$0x0], $0xffff;
	v3 =	vsub.f32 v3, v25  }
0x539: {  	v56 =	vadd.s32 $0x101, v38;
	v57 =	vsub.f32 v50, v60;
	v52 =	vld.idx.msk [tilespmem:v52+s31+$0x0], $0xffff;
	[tilespmem:s8+$0x0] =	vst v63;
	v2 =	vsub.f32 v5, v2  }
0x53a: {  	v39 =	vadd.s32 $0x200, v30;
	v4 =	vsub.f32 v4, v25;
	[tilespmem:s10+$0xFFFFF210] =	vst v3;
	v3 =	vsub.f32 v53, v54;
	v49 =	vld.idx.msk [tilespmem:v49+s31+$0x0], $0xffff  }
0x53b: {  	v50 =	vadd.s32 $0x2, v31;
	v44 =	vadd.s32 $0x100, v31;
	v53 =	vld.idx.msk [tilespmem:v61+s31+$0x0], $0xffff;
	v59 =	vsub.f32 v2, v25  }
0x53c: {  	s12 =	simm.s32 $0x6;
	s11 =	simm.s32 $0x1B4C0;
	v42 =	vadd.s32 $0x200, v31;
	v45 =	vmovc v38;
	v37 =	vadd.s32 $0x300, v31;
	[tilespmem:s8+$0xE10] =	vst v4;
	v54 =	vld.idx.msk [tilespmem:v62+s31+$0x0], $0xffff;
	v58 =	vsub.f32 v3, v25  }
.LBB2_25:
0x53d: {  	v2 =	vadd.s32 $0x1, v50;
	[tilespmem:s11+$0xFFFFE410] =	vst v59;
	v38 =	vadd.s32 $0x2, v38;
	v3 =	vsub.f32 v46, v48;
	v4 =	vld.idx.msk [tilespmem:v34+s31+$0x0], $0xffff;
	v34 =	vmovc v36  }
0x53e: {  	v5 =	vadd.s32 $0x100, v50;
	v36 =	vmovc v35;
	v35 =	vmovc v41;
	v48 =	vadd.s32 $0x100, v38;
	v46 =	vadd.s32 $0x1, v38;
	[tilespmem:s11+$0xFFFFE400] =	vst v58;
	v55 =	vld.idx.msk [tilespmem:v55+s31+$0x0], $0xffff  }
0x53f: {  	v57 =	vsub.f32 v57, v25;
	v58 =	vadd.s32 $0x200, v50;
	v56 =	vld.idx.msk [tilespmem:v56+s31+$0x0], $0xffff;
	v3 =	vsub.f32 v3, v25  }
0x540: {  	v60 =	vadd.s32 $0x300, v50;
	v59 =	vadd.s32 $0x200, v38;
	v51 =	vsub.f32 v51, v52;
	v61 =	vld.idx.msk [tilespmem:v44+s31+$0x0], $0xffff;
	v44 =	vmovc v5  }
0x541: {  	s12 =	sadd.s32 $0x2, s12;
	v41 =	vadd.s32 $0x300, v38;
	v52 =	vsub.f32 v53, v54;
	v53 =	vadd.s32 $0x301, v29;
	v29 =	vmovc v31;
	v5 =	vld.idx.msk [tilespmem:v50+s31+$0x0], $0xffff;
	[tilespmem:s9+$0xE10] =	vst v3  }
0x542: {  	p1 =	slt.u32 s12, $0xDE;
	v51 =	vsub.f32 v51, v25;
	v3 =	vadd.s32 $0x301, v30;
	v30 =	vmovc v45;
	v45 =	vmov v38;
	v2 =	vld.idx.msk [tilespmem:v2+s31+$0x0], $0xffff;
	[tilespmem:s10+$0xFFFFF200] =	vst v57  }
0x543: {  	v31 =	vmov v50;
	v4 =	vsub.f32 v49, v4;
	v54 =	vld.idx.msk [tilespmem:v46+s31+$0x0], $0xffff;
	v46 =	vsub.f32 v52, v25  }
0x544: {  	v49 =	vld.idx.msk [tilespmem:v38+s31+$0x0], $0xffff;
	[tilespmem:s9+$0x0] =	vst v51  }
0x545: {  	v62 =	vadd.s32 $0x201, v29;
	v51 =	vsub.f32 v55, v56;
	v4 =	vsub.f32 v4, v25;
	v57 =	vld.idx.msk [tilespmem:v47+s31+$0x0], $0xffff;
	[tilespmem:s10+$0x10] =	vst v46  }
0x546: {  	v63 =	vadd.s32 $0x201, v30;
	v47 =	vmov v48;
	v46 =	vld.idx.msk [tilespmem:v53+s31+$0x0], $0xffff  }
0x547: {  	v52 =	vsub.f32 v51, v25;
	v48 =	vld.idx.msk [tilespmem:v3+s31+$0x0], $0xffff;
	[tilespmem:s8+$0xE00] =	vst v4;
	s8 =	smov.u32 s9;
	s9 =	smov.u32 s10;
	s10 =	smov.u32 s11  }
.Ltmp11:
0x548: {  	v51 =	vld.idx.msk [tilespmem:v40+s31+$0x0], $0xffff;
	v40 =	vmov v42;
	v42 =	vmov v58;
	(pc) =	sbr.rel @p1 .LBB2_25-.Ltmp11, $4  }
0x549: {  	v55 =	vadd.s32 $0x101, v50;
	v2 =	vsub.f32 v2, v54;
	[tilespmem:s11+$0xFFFFF210] =	vst v52;
	v52 =	vld.idx.msk [tilespmem:v39+s31+$0x0], $0xffff;
	v39 =	vmovc v43;
	v43 =	vmov v59  }
0x54a: {  	v56 =	vadd.s32 $0x101, v38;
	v3 =	vsub.f32 v5, v49;
	v53 =	vld.idx.msk [tilespmem:v62+s31+$0x0], $0xffff  }
0x54b: {  	v59 =	vsub.f32 v2, v25;
	v57 =	vsub.f32 v61, v57;
	v54 =	vld.idx.msk [tilespmem:v63+s31+$0x0], $0xffff  }
0x54c: {  	v50 =	vadd.s32 $0x2, v50;
	s11 =	sadd.s32 $0x20, s11;
	v58 =	vsub.f32 v3, v25;
	v49 =	vld.idx.msk [tilespmem:v32+s31+$0x0], $0xffff;
	v32 =	vmovc v33;
	v33 =	vmovc v37;
	v37 =	vmov v60  }
0x54d: {  	_ =	sdelay $0x2  }
0x54e: {  	[tilespmem:s11+$0xFFFFE410] =	vst v59  }
0x54f: {  	v2 =	vld.idx.msk [tilespmem:v55+s31+$0x0], $0xffff  }
0x550: {  	v3 =	vld.idx.msk [tilespmem:v56+s31+$0x0], $0xffff;
	_ =	sdelay $0x1  }
0x551: {  	[tilespmem:s11+$0xFFFFE400] =	vst v58  }
0x552: {  	v4 =	vld.idx.msk [tilespmem:v44+s31+$0x0], $0xffff  }
0x553: {  	v5 =	vld.idx.msk [tilespmem:v47+s31+$0x0], $0xffff  }
0x554: {  	v2 =	vsub.f32 v2, v3;
	v3 =	vadd.s32 $0x201, v31  }
0x555: {  	v38 =	vadd.s32 $0x201, v45  }
0x556: {  	v2 =	vsub.f32 v2, v25;
	_ =	sdelay $0x1  }
0x557: {  	v57 =	vsub.f32 v57, v25;
	[tilespmem:s11+$0xFFFFF210] =	vst v2;
	v2 =	vsub.f32 v4, v5  }
0x558: {  	v3 =	vld.idx.msk [tilespmem:v3+s31+$0x0], $0xffff  }
0x559: {  	[tilespmem:s10+$0xFFFFF200] =	vst v57;
	v4 =	vld.idx.msk [tilespmem:v38+s31+$0x0], $0xffff;
	v2 =	vsub.f32 v2, v25  }
0x55a: {  	v29 =	vadd.s32 $0x301, v29;
	v58 =	vld.idx.msk [tilespmem:v40+s31+$0x0], $0xffff;
	v5 =	vsub.f32 v53, v54  }
0x55b: {  	v30 =	vadd.s32 $0x301, v30;
	v39 =	vld.idx.msk [tilespmem:v39+s31+$0x0], $0xffff;
	[tilespmem:s11+$0xFFFFF200] =	vst v2  }
0x55c: {  	v5 =	vsub.f32 v5, v25;
	v2 =	vsub.f32 v51, v52;
	v59 =	vld.idx.msk [tilespmem:v42+s31+$0x0], $0xffff  }
0x55d: {  	v60 =	vld.idx.msk [tilespmem:v43+s31+$0x0], $0xffff  }
0x55e: {  	v34 =	vld.idx.msk [tilespmem:v34+s31+$0x0], $0xffff;
	[tilespmem:s10+$0x10] =	vst v5;
	v2 =	vsub.f32 v2, v25;
	v3 =	vsub.f32 v3, v4;
	v4 =	vadd.s32 $0x301, v31  }
0x55f: {  	v5 =	vld.idx.msk [tilespmem:v29+s31+$0x0], $0xffff;
	v29 =	vadd.s32 $0x301, v45  }
0x560: {  	[tilespmem:s9+$0x0] =	vst v2;
	v2 =	vld.idx.msk [tilespmem:v30+s31+$0x0], $0xffff;
	v30 =	vsub.f32 v58, v39;
	v3 =	vsub.f32 v3, v25  }
0x561: {  	v31 =	vld.idx.msk [tilespmem:v32+s31+$0x0], $0xffff  }
0x562: {  	v61 =	vld.idx.msk [tilespmem:v36+s31+$0x0], $0xffff;
	v30 =	vsub.f32 v30, v25;
	[tilespmem:s11+$0x10] =	vst v3;
	v3 =	vsub.f32 v59, v60  }
0x563: {  	v4 =	vld.idx.msk [tilespmem:v4+s31+$0x0], $0xffff  }
0x564: {  	v29 =	vld.idx.msk [tilespmem:v29+s31+$0x0], $0xffff;
	[tilespmem:s10+$0x0] =	vst v30;
	v3 =	vsub.f32 v3, v25  }
0x565: {  	v30 =	vld.idx.msk [tilespmem:v33+s31+$0x0], $0xffff  }
0x566: {  	v62 =	vld.idx.msk [tilespmem:v35+s31+$0x0], $0xffff;
	[tilespmem:s11+$0x0] =	vst v3  }
0x567: {  	v3 =	vsub.f32 v46, v48;
	v63 =	vld.idx.msk [tilespmem:v37+s31+$0x0], $0xffff  }
0x568: {  	v34 =	vsub.f32 v49, v34;
	v40 =	vld.idx.msk [tilespmem:v41+s31+$0x0], $0xffff  }
0x569: {  	v2 =	vsub.f32 v5, v2;
	v3 =	vsub.f32 v3, v25  }
0x56a: {  	v5 =	vsub.f32 v34, v25;
	v31 =	vsub.f32 v31, v61  }
0x56b: {  	v2 =	vsub.f32 v2, v25;
	[tilespmem:s9+$0xE10] =	vst v3;
	v3 =	vsub.f32 v4, v29  }
0x56c: {  	[tilespmem:s8+$0xE00] =	vst v5;
	v4 =	vsub.f32 v31, v25;
	v5 =	vsub.f32 v30, v62  }
0x56d: {  	[tilespmem:s10+$0xE10] =	vst v2;
	v2 =	vsub.f32 v3, v25;
	v3 =	vsub.f32 v63, v40  }
0x56e: {  	[tilespmem:s9+$0xE00] =	vst v4;
	v4 =	vsub.f32 v5, v25  }
0x56f: {  	s12 =	sadd.s32 s30, s24;
	[tilespmem:s11+$0xE10] =	vst v2;
	v2 =	vsub.f32 v3, v25  }
0x570: {  	s8 =	sshrl.u32 s12, $0x3;
	[tilespmem:s10+$0xE00] =	vst v4  }
0x571: {  	s8 =	sadd.s32 s2, s8;
	[tilespmem:s11+$0xE00] =	vst v2;
	v2 =	vadd.s32 $0x1, v24  }
0x572: {  	v3 =	vadd.s32 $0x1, v26;
	[hbm4b:s8+s6] =	stream.strided.scatter [tilespmem:s29], [sflag:$0x3], $0x3800, s7, s6, $0x38;
	[tilespmem:$0x1D060] =	vst v63  }
0x573: {  	_ =	swait.ge [sflag:s1], $0x3800  }
0x574: {  	[sflag:s1] =	ssyncset.done $0x0  }
0x575: {  	[sflag:s1] =	ssyncadd.s32 $0xFFFFC800  }
0x576: {  	v2 =	vld.idx.msk [tilespmem:v2+s31+$0x0], $0xffff  }
0x577: {  	v3 =	vld.idx.msk [tilespmem:v3+s31+$0x0], $0xffff;
	_ =	sdelay $0x2  }
0x578: {  	v5 =	vadd.s32 $0x2, v24  }
0x579: {  	v30 =	vadd.s32 $0x1, v5  }
0x57a: {  	v2 =	vsub.f32 v2, v3;
	v3 =	vadd.s32 $0x101, v24  }
0x57b: {  	v4 =	vadd.s32 $0x101, v26  }
0x57c: {  	v33 =	vadd.s32 $0x2, v26;
	v29 =	vld.idx.msk [tilespmem:v24+s31+$0x0], $0xffff;
	v2 =	vsub.f32 v2, v25  }
0x57d: {  	s8 =	simm.s32 $0x17C60;
	v31 =	vld.idx.msk [tilespmem:v26+s31+$0x0], $0xffff  }
0x57e: {  	v30 =	vld.idx.msk [tilespmem:v30+s31+$0x0], $0xffff;
	[tilespmem:s8+$0xFFFFE410] =	vst v2;
	v2 =	vadd.s32 $0x1, v33  }
0x57f: {  	v3 =	vld.idx.msk [tilespmem:v3+s31+$0x0], $0xffff  }
0x580: {  	v4 =	vld.idx.msk [tilespmem:v4+s31+$0x0], $0xffff  }
0x581: {  	v42 =	vld.idx.msk [tilespmem:v33+s31+$0x0], $0xffff  }
0x582: {  	v29 =	vsub.f32 v29, v31;
	v31 =	vld.idx.msk [tilespmem:v5+s31+$0x0], $0xffff  }
0x583: {  	v41 =	vadd.s32 $0x100, v24;
	v2 =	vld.idx.msk [tilespmem:v2+s31+$0x0], $0xffff  }
0x584: {  	v44 =	vadd.s32 $0x100, v26  }
0x585: {  	v29 =	vsub.f32 v29, v25;
	v3 =	vsub.f32 v3, v4;
	v4 =	vadd.s32 $0x201, v24  }
0x586: {  	v43 =	vadd.s32 $0x201, v26  }
0x587: {  	[tilespmem:s8+$0xFFFFE400] =	vst v29;
	v31 =	vsub.f32 v31, v42;
	v3 =	vsub.f32 v3, v25  }
0x588: {  	v45 =	vadd.s32 $0x101, v5;
	v32 =	vld.idx.msk [tilespmem:v41+s31+$0x0], $0xffff;
	v2 =	vsub.f32 v30, v2  }
0x589: {  	v36 =	vld.idx.msk [tilespmem:v44+s31+$0x0], $0xffff;
	v31 =	vsub.f32 v31, v25;
	[tilespmem:s8+$0xFFFFF210] =	vst v3;
	v3 =	vadd.s32 $0x101, v33  }
0x58a: {  	s9 =	simm.s32 $0x17C80;
	v29 =	vadd.s32 $0x2, v5;
	v4 =	vld.idx.msk [tilespmem:v4+s31+$0x0], $0xffff;
	v2 =	vsub.f32 v2, v25  }
0x58b: {  	[tilespmem:s9+$0xFFFFE400] =	vst v31;
	v31 =	vadd.s32 $0x100, v33;
	v47 =	vld.idx.msk [tilespmem:v43+s31+$0x0], $0xffff  }
0x58c: {  	v46 =	vadd.s32 $0x100, v5;
	[tilespmem:s9+$0xFFFFE410] =	vst v2  }
0x58d: {  	v48 =	vadd.s32 $0x1, v29;
	v30 =	vadd.s32 $0x2, v33;
	v37 =	vld.idx.msk [tilespmem:v45+s31+$0x0], $0xffff  }
0x58e: {  	v2 =	vadd.s32 $0x1, v30;
	v3 =	vld.idx.msk [tilespmem:v3+s31+$0x0], $0xffff  }
0x58f: {  	v52 =	vld.idx.msk [tilespmem:v29+s31+$0x0], $0xffff;
	v32 =	vsub.f32 v32, v36  }
0x590: {  	v51 =	vadd.s32 $0x200, v24;
	v42 =	vld.idx.msk [tilespmem:v31+s31+$0x0], $0xffff;
	v31 =	vadd.s32 $0x2, v29;
	v4 =	vsub.f32 v4, v47  }
0x591: {  	v39 =	vld.idx.msk [tilespmem:v46+s31+$0x0], $0xffff;
	v32 =	vsub.f32 v32, v25;
	v60 =	vadd.s32 $0x1, v31  }
0x592: {  	v55 =	vadd.s32 $0x200, v26;
	v35 =	vld.idx.msk [tilespmem:v48+s31+$0x0], $0xffff;
	v4 =	vsub.f32 v4, v25  }
0x593: {  	v54 =	vadd.s32 $0x201, v5;
	[tilespmem:s8+$0xFFFFF200] =	vst v32;
	v2 =	vld.idx.msk [tilespmem:v2+s31+$0x0], $0xffff;
	v3 =	vsub.f32 v37, v3  }
0x594: {  	v53 =	vld.idx.msk [tilespmem:v30+s31+$0x0], $0xffff;
	[tilespmem:s8+$0x10] =	vst v4;
	v4 =	vadd.s32 $0x201, v33  }
0x595: {  	v49 =	vadd.s32 $0x301, v24;
	v47 =	vld.idx.msk [tilespmem:v51+s31+$0x0], $0xffff;
	v3 =	vsub.f32 v3, v25  }
0x596: {  	v46 =	vadd.s32 $0x301, v5;
	v32 =	vadd.s32 $0x300, v5;
	v51 =	vadd.s32 $0x200, v5;
	v5 =	vld.idx.msk [tilespmem:v60+s31+$0x0], $0xffff  }
0x597: {  	v50 =	vadd.s32 $0x301, v26;
	v37 =	vld.idx.msk [tilespmem:v55+s31+$0x0], $0xffff;
	[tilespmem:s9+$0xFFFFF210] =	vst v3  }
0x598: {  	v56 =	vadd.s32 $0x101, v29;
	v2 =	vsub.f32 v35, v2;
	v59 =	vld.idx.msk [tilespmem:v54+s31+$0x0], $0xffff  }
0x599: {  	v3 =	vadd.s32 $0x101, v30;
	v4 =	vld.idx.msk [tilespmem:v4+s31+$0x0], $0xffff  }
0x59a: {  	v57 =	vadd.s32 $0x100, v29;
	v58 =	vsub.f32 v52, v53;
	v53 =	vld.idx.msk [tilespmem:v31+s31+$0x0], $0xffff;
	v2 =	vsub.f32 v2, v25  }
0x59b: {  	s10 =	simm.s32 $0x17CA0;
	v38 =	vadd.s32 $0x2, v30;
	v62 =	vadd.s32 $0x100, v30;
	v44 =	vld.idx.msk [tilespmem:v49+s31+$0x0], $0xffff  }
0x59c: {  	v45 =	vld.idx.msk [tilespmem:v50+s31+$0x0], $0xffff;
	v34 =	vsub.f32 v58, v25;
	[tilespmem:s10+$0xFFFFE410] =	vst v2;
	v2 =	vadd.s32 $0x1, v38  }
0x59d: {  	v61 =	vld.idx.msk [tilespmem:v56+s31+$0x0], $0xffff  }
0x59e: {  	v63 =	vadd.s32 $0x301, v33;
	[tilespmem:s10+$0xFFFFE400] =	vst v34;
	v3 =	vld.idx.msk [tilespmem:v3+s31+$0x0], $0xffff;
	v4 =	vsub.f32 v59, v4  }
0x59f: {  	v40 =	vadd.s32 $0x200, v29;
	v36 =	vadd.s32 $0x300, v33;
	v43 =	vadd.s32 $0x200, v38;
	v50 =	vld.idx.msk [tilespmem:v57+s31+$0x0], $0xffff  }
0x5a0: {  	v41 =	vadd.s32 $0x300, v38;
	v60 =	vld.idx.msk [tilespmem:v62+s31+$0x0], $0xffff;
	v59 =	vsub.f32 v39, v42;
	v4 =	vsub.f32 v4, v25  }
0x5a1: {  	v52 =	vadd.s32 $0x200, v33;
	v33 =	vadd.s32 $0x300, v29;
	v55 =	vadd.s32 $0x101, v31;
	v2 =	vld.idx.msk [tilespmem:v2+s31+$0x0], $0xffff  }
0x5a2: {  	v49 =	vadd.s32 $0x300, v24;
	v54 =	vld.idx.msk [tilespmem:v38+s31+$0x0], $0xffff;
	v37 =	vsub.f32 v47, v37;
	v42 =	vsub.f32 v59, v25;
	[tilespmem:s9+$0x10] =	vst v4  }
0x5a3: {  	v34 =	vadd.s32 $0x300, v26;
	v3 =	vsub.f32 v61, v3;
	v61 =	vadd.s32 $0x201, v29;
	v46 =	vld.idx.msk [tilespmem:v46+s31+$0x0], $0xffff  }
0x5a4: {  	v35 =	vadd.s32 $0x300, v30;
	v62 =	vadd.s32 $0x201, v30;
	[tilespmem:s9+$0xFFFFF200] =	vst v42;
	v48 =	vld.idx.msk [tilespmem:v63+s31+$0x0], $0xffff;
	v63 =	vsub.f32 v37, v25  }
0x5a5: {  	v47 =	vadd.s32 $0x100, v38;
	v4 =	vsub.f32 v44, v45;
	v51 =	vld.idx.msk [tilespmem:v51+s31+$0x0], $0xffff;
	v3 =	vsub.f32 v3, v25  }
0x5a6: {  	v56 =	vadd.s32 $0x101, v38;
	v57 =	vsub.f32 v50, v60;
	v52 =	vld.idx.msk [tilespmem:v52+s31+$0x0], $0xffff;
	[tilespmem:s8+$0x0] =	vst v63;
	v2 =	vsub.f32 v5, v2  }
0x5a7: {  	v39 =	vadd.s32 $0x200, v30;
	v4 =	vsub.f32 v4, v25;
	[tilespmem:s10+$0xFFFFF210] =	vst v3;
	v3 =	vsub.f32 v53, v54;
	v49 =	vld.idx.msk [tilespmem:v49+s31+$0x0], $0xffff  }
0x5a8: {  	v50 =	vadd.s32 $0x2, v31;
	v44 =	vadd.s32 $0x100, v31;
	v53 =	vld.idx.msk [tilespmem:v61+s31+$0x0], $0xffff;
	v59 =	vsub.f32 v2, v25  }
0x5a9: {  	s12 =	simm.s32 $0x6;
	s11 =	simm.s32 $0x17CC0;
	v42 =	vadd.s32 $0x200, v31;
	v45 =	vmovc v38;
	v37 =	vadd.s32 $0x300, v31;
	[tilespmem:s8+$0xE10] =	vst v4;
	v54 =	vld.idx.msk [tilespmem:v62+s31+$0x0], $0xffff;
	v58 =	vsub.f32 v3, v25  }
.LBB2_27:
0x5aa: {  	v2 =	vadd.s32 $0x1, v50;
	[tilespmem:s11+$0xFFFFE410] =	vst v59;
	v38 =	vadd.s32 $0x2, v38;
	v3 =	vsub.f32 v46, v48;
	v4 =	vld.idx.msk [tilespmem:v34+s31+$0x0], $0xffff;
	v34 =	vmovc v36  }
0x5ab: {  	v5 =	vadd.s32 $0x100, v50;
	v36 =	vmovc v35;
	v35 =	vmovc v41;
	v48 =	vadd.s32 $0x100, v38;
	v46 =	vadd.s32 $0x1, v38;
	[tilespmem:s11+$0xFFFFE400] =	vst v58;
	v55 =	vld.idx.msk [tilespmem:v55+s31+$0x0], $0xffff  }
0x5ac: {  	v57 =	vsub.f32 v57, v25;
	v58 =	vadd.s32 $0x200, v50;
	v56 =	vld.idx.msk [tilespmem:v56+s31+$0x0], $0xffff;
	v3 =	vsub.f32 v3, v25  }
0x5ad: {  	v60 =	vadd.s32 $0x300, v50;
	v59 =	vadd.s32 $0x200, v38;
	v51 =	vsub.f32 v51, v52;
	v61 =	vld.idx.msk [tilespmem:v44+s31+$0x0], $0xffff;
	v44 =	vmovc v5  }
0x5ae: {  	s12 =	sadd.s32 $0x2, s12;
	v41 =	vadd.s32 $0x300, v38;
	v52 =	vsub.f32 v53, v54;
	v53 =	vadd.s32 $0x301, v29;
	v29 =	vmovc v31;
	v5 =	vld.idx.msk [tilespmem:v50+s31+$0x0], $0xffff;
	[tilespmem:s9+$0xE10] =	vst v3  }
0x5af: {  	p1 =	slt.u32 s12, $0xDE;
	v51 =	vsub.f32 v51, v25;
	v3 =	vadd.s32 $0x301, v30;
	v30 =	vmovc v45;
	v45 =	vmov v38;
	v2 =	vld.idx.msk [tilespmem:v2+s31+$0x0], $0xffff;
	[tilespmem:s10+$0xFFFFF200] =	vst v57  }
0x5b0: {  	v31 =	vmov v50;
	v4 =	vsub.f32 v49, v4;
	v54 =	vld.idx.msk [tilespmem:v46+s31+$0x0], $0xffff;
	v46 =	vsub.f32 v52, v25  }
0x5b1: {  	v49 =	vld.idx.msk [tilespmem:v38+s31+$0x0], $0xffff;
	[tilespmem:s9+$0x0] =	vst v51  }
0x5b2: {  	v62 =	vadd.s32 $0x201, v29;
	v51 =	vsub.f32 v55, v56;
	v4 =	vsub.f32 v4, v25;
	v57 =	vld.idx.msk [tilespmem:v47+s31+$0x0], $0xffff;
	[tilespmem:s10+$0x10] =	vst v46  }
0x5b3: {  	v63 =	vadd.s32 $0x201, v30;
	v47 =	vmov v48;
	v46 =	vld.idx.msk [tilespmem:v53+s31+$0x0], $0xffff  }
0x5b4: {  	v52 =	vsub.f32 v51, v25;
	v48 =	vld.idx.msk [tilespmem:v3+s31+$0x0], $0xffff;
	[tilespmem:s8+$0xE00] =	vst v4;
	s8 =	smov.u32 s9;
	s9 =	smov.u32 s10;
	s10 =	smov.u32 s11  }
.Ltmp12:
0x5b5: {  	v51 =	vld.idx.msk [tilespmem:v40+s31+$0x0], $0xffff;
	v40 =	vmov v42;
	v42 =	vmov v58;
	(pc) =	sbr.rel @p1 .LBB2_27-.Ltmp12, $4  }
0x5b6: {  	v55 =	vadd.s32 $0x101, v50;
	v2 =	vsub.f32 v2, v54;
	[tilespmem:s11+$0xFFFFF210] =	vst v52;
	v52 =	vld.idx.msk [tilespmem:v39+s31+$0x0], $0xffff;
	v39 =	vmovc v43;
	v43 =	vmov v59  }
0x5b7: {  	v56 =	vadd.s32 $0x101, v38;
	v3 =	vsub.f32 v5, v49;
	v53 =	vld.idx.msk [tilespmem:v62+s31+$0x0], $0xffff  }
0x5b8: {  	v59 =	vsub.f32 v2, v25;
	v57 =	vsub.f32 v61, v57;
	v54 =	vld.idx.msk [tilespmem:v63+s31+$0x0], $0xffff  }
0x5b9: {  	v50 =	vadd.s32 $0x2, v50;
	s11 =	sadd.s32 $0x20, s11;
	v58 =	vsub.f32 v3, v25;
	v49 =	vld.idx.msk [tilespmem:v32+s31+$0x0], $0xffff;
	v32 =	vmovc v33;
	v33 =	vmovc v37;
	v37 =	vmov v60  }
0x5ba: {  	_ =	sdelay $0x2  }
0x5bb: {  	[tilespmem:s11+$0xFFFFE410] =	vst v59  }
0x5bc: {  	v2 =	vld.idx.msk [tilespmem:v55+s31+$0x0], $0xffff  }
0x5bd: {  	v3 =	vld.idx.msk [tilespmem:v56+s31+$0x0], $0xffff;
	_ =	sdelay $0x1  }
0x5be: {  	[tilespmem:s11+$0xFFFFE400] =	vst v58  }
0x5bf: {  	v4 =	vld.idx.msk [tilespmem:v44+s31+$0x0], $0xffff  }
0x5c0: {  	v5 =	vld.idx.msk [tilespmem:v47+s31+$0x0], $0xffff  }
0x5c1: {  	v2 =	vsub.f32 v2, v3;
	v3 =	vadd.s32 $0x201, v31  }
0x5c2: {  	v38 =	vadd.s32 $0x201, v45  }
0x5c3: {  	v2 =	vsub.f32 v2, v25;
	_ =	sdelay $0x1  }
0x5c4: {  	v57 =	vsub.f32 v57, v25;
	[tilespmem:s11+$0xFFFFF210] =	vst v2;
	v2 =	vsub.f32 v4, v5  }
0x5c5: {  	v3 =	vld.idx.msk [tilespmem:v3+s31+$0x0], $0xffff  }
0x5c6: {  	[tilespmem:s10+$0xFFFFF200] =	vst v57;
	v4 =	vld.idx.msk [tilespmem:v38+s31+$0x0], $0xffff;
	v2 =	vsub.f32 v2, v25  }
0x5c7: {  	v29 =	vadd.s32 $0x301, v29;
	v58 =	vld.idx.msk [tilespmem:v40+s31+$0x0], $0xffff;
	v5 =	vsub.f32 v53, v54  }
0x5c8: {  	v30 =	vadd.s32 $0x301, v30;
	v39 =	vld.idx.msk [tilespmem:v39+s31+$0x0], $0xffff;
	[tilespmem:s11+$0xFFFFF200] =	vst v2  }
0x5c9: {  	v5 =	vsub.f32 v5, v25;
	v2 =	vsub.f32 v51, v52;
	v59 =	vld.idx.msk [tilespmem:v42+s31+$0x0], $0xffff  }
0x5ca: {  	v60 =	vld.idx.msk [tilespmem:v43+s31+$0x0], $0xffff  }
0x5cb: {  	v34 =	vld.idx.msk [tilespmem:v34+s31+$0x0], $0xffff;
	[tilespmem:s10+$0x10] =	vst v5;
	v2 =	vsub.f32 v2, v25;
	v3 =	vsub.f32 v3, v4;
	v4 =	vadd.s32 $0x301, v31  }
0x5cc: {  	v5 =	vld.idx.msk [tilespmem:v29+s31+$0x0], $0xffff;
	v29 =	vadd.s32 $0x301, v45  }
0x5cd: {  	[tilespmem:s9+$0x0] =	vst v2;
	v2 =	vld.idx.msk [tilespmem:v30+s31+$0x0], $0xffff;
	v30 =	vsub.f32 v58, v39;
	v3 =	vsub.f32 v3, v25  }
0x5ce: {  	v31 =	vld.idx.msk [tilespmem:v32+s31+$0x0], $0xffff  }
0x5cf: {  	v61 =	vld.idx.msk [tilespmem:v36+s31+$0x0], $0xffff;
	v30 =	vsub.f32 v30, v25;
	[tilespmem:s11+$0x10] =	vst v3;
	v3 =	vsub.f32 v59, v60  }
0x5d0: {  	v4 =	vld.idx.msk [tilespmem:v4+s31+$0x0], $0xffff  }
0x5d1: {  	v29 =	vld.idx.msk [tilespmem:v29+s31+$0x0], $0xffff;
	[tilespmem:s10+$0x0] =	vst v30;
	v3 =	vsub.f32 v3, v25  }
0x5d2: {  	v30 =	vld.idx.msk [tilespmem:v33+s31+$0x0], $0xffff  }
0x5d3: {  	v62 =	vld.idx.msk [tilespmem:v35+s31+$0x0], $0xffff;
	[tilespmem:s11+$0x0] =	vst v3  }
0x5d4: {  	v3 =	vsub.f32 v46, v48;
	v63 =	vld.idx.msk [tilespmem:v37+s31+$0x0], $0xffff  }
0x5d5: {  	v34 =	vsub.f32 v49, v34;
	v40 =	vld.idx.msk [tilespmem:v41+s31+$0x0], $0xffff  }
0x5d6: {  	v2 =	vsub.f32 v5, v2;
	v3 =	vsub.f32 v3, v25  }
0x5d7: {  	v5 =	vsub.f32 v34, v25;
	v31 =	vsub.f32 v31, v61  }
0x5d8: {  	v2 =	vsub.f32 v2, v25;
	[tilespmem:s9+$0xE10] =	vst v3;
	v3 =	vsub.f32 v4, v29  }
0x5d9: {  	[tilespmem:s8+$0xE00] =	vst v5;
	v4 =	vsub.f32 v31, v25;
	v5 =	vsub.f32 v30, v62  }
0x5da: {  	[tilespmem:s10+$0xE10] =	vst v2;
	v2 =	vsub.f32 v3, v25;
	v3 =	vsub.f32 v63, v40  }
0x5db: {  	[tilespmem:s9+$0xE00] =	vst v4;
	v4 =	vsub.f32 v5, v25  }
0x5dc: {  	s12 =	sadd.s32 s30, s26;
	[tilespmem:s11+$0xE10] =	vst v2;
	v2 =	vsub.f32 v3, v25  }
0x5dd: {  	s8 =	sshrl.u32 s12, $0x3;
	[tilespmem:s10+$0xE00] =	vst v4  }
0x5de: {  	s8 =	sadd.s32 s2, s8;
	[tilespmem:s11+$0xE00] =	vst v2;
	v2 =	vadd.s32 $0x1, v27  }
0x5df: {  	v3 =	vadd.s32 $0x1, v28;
	[hbm4b:s8+s6] =	stream.strided.scatter [tilespmem:s25], [sflag:$0x2], $0x3800, s7, s6, $0x38;
	[tilespmem:$0x1D060] =	vst v63  }
0x5e0: {  	_ =	swait.ge [sflag:s0], $0x3800  }
0x5e1: {  	[sflag:s0] =	ssyncset.done $0x0  }
0x5e2: {  	[sflag:s0] =	ssyncadd.s32 $0xFFFFC800  }
0x5e3: {  	v2 =	vld.idx.msk [tilespmem:v2+s31+$0x0], $0xffff  }
0x5e4: {  	v3 =	vld.idx.msk [tilespmem:v3+s31+$0x0], $0xffff;
	_ =	sdelay $0x2  }
0x5e5: {  	v5 =	vadd.s32 $0x2, v27  }
0x5e6: {  	v30 =	vadd.s32 $0x1, v5  }
0x5e7: {  	v2 =	vsub.f32 v2, v3;
	v3 =	vadd.s32 $0x101, v27  }
0x5e8: {  	v4 =	vadd.s32 $0x101, v28  }
0x5e9: {  	v33 =	vadd.s32 $0x2, v28;
	v29 =	vld.idx.msk [tilespmem:v27+s31+$0x0], $0xffff;
	v2 =	vsub.f32 v2, v25  }
0x5ea: {  	s8 =	simm.s32 $0x1B460;
	v31 =	vld.idx.msk [tilespmem:v28+s31+$0x0], $0xffff  }
0x5eb: {  	v30 =	vld.idx.msk [tilespmem:v30+s31+$0x0], $0xffff;
	[tilespmem:s8+$0xFFFFE410] =	vst v2;
	v2 =	vadd.s32 $0x1, v33  }
0x5ec: {  	v3 =	vld.idx.msk [tilespmem:v3+s31+$0x0], $0xffff  }
0x5ed: {  	v4 =	vld.idx.msk [tilespmem:v4+s31+$0x0], $0xffff  }
0x5ee: {  	v42 =	vld.idx.msk [tilespmem:v33+s31+$0x0], $0xffff  }
0x5ef: {  	v29 =	vsub.f32 v29, v31;
	v31 =	vld.idx.msk [tilespmem:v5+s31+$0x0], $0xffff  }
0x5f0: {  	v41 =	vadd.s32 $0x100, v27;
	v2 =	vld.idx.msk [tilespmem:v2+s31+$0x0], $0xffff  }
0x5f1: {  	v44 =	vadd.s32 $0x100, v28  }
0x5f2: {  	v29 =	vsub.f32 v29, v25;
	v3 =	vsub.f32 v3, v4;
	v4 =	vadd.s32 $0x201, v27  }
0x5f3: {  	v43 =	vadd.s32 $0x201, v28  }
0x5f4: {  	[tilespmem:s8+$0xFFFFE400] =	vst v29;
	v31 =	vsub.f32 v31, v42;
	v3 =	vsub.f32 v3, v25  }
0x5f5: {  	v45 =	vadd.s32 $0x101, v5;
	v32 =	vld.idx.msk [tilespmem:v41+s31+$0x0], $0xffff;
	v2 =	vsub.f32 v30, v2  }
0x5f6: {  	v36 =	vld.idx.msk [tilespmem:v44+s31+$0x0], $0xffff;
	v31 =	vsub.f32 v31, v25;
	[tilespmem:s8+$0xFFFFF210] =	vst v3;
	v3 =	vadd.s32 $0x101, v33  }
0x5f7: {  	s9 =	simm.s32 $0x1B480;
	v29 =	vadd.s32 $0x2, v5;
	v4 =	vld.idx.msk [tilespmem:v4+s31+$0x0], $0xffff;
	v2 =	vsub.f32 v2, v25  }
0x5f8: {  	[tilespmem:s9+$0xFFFFE400] =	vst v31;
	v31 =	vadd.s32 $0x100, v33;
	v47 =	vld.idx.msk [tilespmem:v43+s31+$0x0], $0xffff  }
0x5f9: {  	v46 =	vadd.s32 $0x100, v5;
	[tilespmem:s9+$0xFFFFE410] =	vst v2  }
0x5fa: {  	v48 =	vadd.s32 $0x1, v29;
	v30 =	vadd.s32 $0x2, v33;
	v37 =	vld.idx.msk [tilespmem:v45+s31+$0x0], $0xffff  }
0x5fb: {  	v2 =	vadd.s32 $0x1, v30;
	v3 =	vld.idx.msk [tilespmem:v3+s31+$0x0], $0xffff  }
0x5fc: {  	v52 =	vld.idx.msk [tilespmem:v29+s31+$0x0], $0xffff;
	v32 =	vsub.f32 v32, v36  }
0x5fd: {  	v51 =	vadd.s32 $0x200, v27;
	v42 =	vld.idx.msk [tilespmem:v31+s31+$0x0], $0xffff;
	v31 =	vadd.s32 $0x2, v29;
	v4 =	vsub.f32 v4, v47  }
0x5fe: {  	v39 =	vld.idx.msk [tilespmem:v46+s31+$0x0], $0xffff;
	v32 =	vsub.f32 v32, v25;
	v60 =	vadd.s32 $0x1, v31  }
0x5ff: {  	v55 =	vadd.s32 $0x200, v28;
	v35 =	vld.idx.msk [tilespmem:v48+s31+$0x0], $0xffff;
	v4 =	vsub.f32 v4, v25  }
0x600: {  	v54 =	vadd.s32 $0x201, v5;
	[tilespmem:s8+$0xFFFFF200] =	vst v32;
	v2 =	vld.idx.msk [tilespmem:v2+s31+$0x0], $0xffff;
	v3 =	vsub.f32 v37, v3  }
0x601: {  	v53 =	vld.idx.msk [tilespmem:v30+s31+$0x0], $0xffff;
	[tilespmem:s8+$0x10] =	vst v4;
	v4 =	vadd.s32 $0x201, v33  }
0x602: {  	v49 =	vadd.s32 $0x301, v27;
	v47 =	vld.idx.msk [tilespmem:v51+s31+$0x0], $0xffff;
	v3 =	vsub.f32 v3, v25  }
0x603: {  	v46 =	vadd.s32 $0x301, v5;
	v32 =	vadd.s32 $0x300, v5;
	v51 =	vadd.s32 $0x200, v5;
	v5 =	vld.idx.msk [tilespmem:v60+s31+$0x0], $0xffff  }
0x604: {  	v50 =	vadd.s32 $0x301, v28;
	v37 =	vld.idx.msk [tilespmem:v55+s31+$0x0], $0xffff;
	[tilespmem:s9+$0xFFFFF210] =	vst v3  }
0x605: {  	v56 =	vadd.s32 $0x101, v29;
	v2 =	vsub.f32 v35, v2;
	v59 =	vld.idx.msk [tilespmem:v54+s31+$0x0], $0xffff  }
0x606: {  	v3 =	vadd.s32 $0x101, v30;
	v4 =	vld.idx.msk [tilespmem:v4+s31+$0x0], $0xffff  }
0x607: {  	v57 =	vadd.s32 $0x100, v29;
	v58 =	vsub.f32 v52, v53;
	v53 =	vld.idx.msk [tilespmem:v31+s31+$0x0], $0xffff;
	v2 =	vsub.f32 v2, v25  }
0x608: {  	s10 =	simm.s32 $0x1B4A0;
	v38 =	vadd.s32 $0x2, v30;
	v62 =	vadd.s32 $0x100, v30;
	v44 =	vld.idx.msk [tilespmem:v49+s31+$0x0], $0xffff  }
0x609: {  	v45 =	vld.idx.msk [tilespmem:v50+s31+$0x0], $0xffff;
	v34 =	vsub.f32 v58, v25;
	[tilespmem:s10+$0xFFFFE410] =	vst v2;
	v2 =	vadd.s32 $0x1, v38  }
0x60a: {  	v61 =	vld.idx.msk [tilespmem:v56+s31+$0x0], $0xffff  }
0x60b: {  	v63 =	vadd.s32 $0x301, v33;
	[tilespmem:s10+$0xFFFFE400] =	vst v34;
	v3 =	vld.idx.msk [tilespmem:v3+s31+$0x0], $0xffff;
	v4 =	vsub.f32 v59, v4  }
0x60c: {  	v40 =	vadd.s32 $0x200, v29;
	v36 =	vadd.s32 $0x300, v33;
	v43 =	vadd.s32 $0x200, v38;
	v50 =	vld.idx.msk [tilespmem:v57+s31+$0x0], $0xffff  }
0x60d: {  	v41 =	vadd.s32 $0x300, v38;
	v60 =	vld.idx.msk [tilespmem:v62+s31+$0x0], $0xffff;
	v59 =	vsub.f32 v39, v42;
	v4 =	vsub.f32 v4, v25  }
0x60e: {  	v52 =	vadd.s32 $0x200, v33;
	v33 =	vadd.s32 $0x300, v29;
	v55 =	vadd.s32 $0x101, v31;
	v2 =	vld.idx.msk [tilespmem:v2+s31+$0x0], $0xffff  }
0x60f: {  	v49 =	vadd.s32 $0x300, v27;
	v54 =	vld.idx.msk [tilespmem:v38+s31+$0x0], $0xffff;
	v37 =	vsub.f32 v47, v37;
	v42 =	vsub.f32 v59, v25;
	[tilespmem:s9+$0x10] =	vst v4  }
0x610: {  	v34 =	vadd.s32 $0x300, v28;
	v3 =	vsub.f32 v61, v3;
	v61 =	vadd.s32 $0x201, v29;
	v46 =	vld.idx.msk [tilespmem:v46+s31+$0x0], $0xffff  }
0x611: {  	v35 =	vadd.s32 $0x300, v30;
	v62 =	vadd.s32 $0x201, v30;
	[tilespmem:s9+$0xFFFFF200] =	vst v42;
	v48 =	vld.idx.msk [tilespmem:v63+s31+$0x0], $0xffff;
	v63 =	vsub.f32 v37, v25  }
0x612: {  	v47 =	vadd.s32 $0x100, v38;
	v4 =	vsub.f32 v44, v45;
	v51 =	vld.idx.msk [tilespmem:v51+s31+$0x0], $0xffff;
	v3 =	vsub.f32 v3, v25  }
0x613: {  	v56 =	vadd.s32 $0x101, v38;
	v57 =	vsub.f32 v50, v60;
	v52 =	vld.idx.msk [tilespmem:v52+s31+$0x0], $0xffff;
	[tilespmem:s8+$0x0] =	vst v63;
	v2 =	vsub.f32 v5, v2  }
0x614: {  	v39 =	vadd.s32 $0x200, v30;
	v4 =	vsub.f32 v4, v25;
	[tilespmem:s10+$0xFFFFF210] =	vst v3;
	v3 =	vsub.f32 v53, v54;
	v49 =	vld.idx.msk [tilespmem:v49+s31+$0x0], $0xffff  }
0x615: {  	v50 =	vadd.s32 $0x2, v31;
	v44 =	vadd.s32 $0x100, v31;
	v53 =	vld.idx.msk [tilespmem:v61+s31+$0x0], $0xffff;
	v59 =	vsub.f32 v2, v25  }
0x616: {  	s12 =	simm.s32 $0x6;
	s11 =	simm.s32 $0x1B4C0;
	v42 =	vadd.s32 $0x200, v31;
	v45 =	vmovc v38;
	v37 =	vadd.s32 $0x300, v31;
	[tilespmem:s8+$0xE10] =	vst v4;
	v54 =	vld.idx.msk [tilespmem:v62+s31+$0x0], $0xffff;
	v58 =	vsub.f32 v3, v25  }
.LBB2_29:
0x617: {  	v2 =	vadd.s32 $0x1, v50;
	[tilespmem:s11+$0xFFFFE410] =	vst v59;
	v38 =	vadd.s32 $0x2, v38;
	v3 =	vsub.f32 v46, v48;
	v4 =	vld.idx.msk [tilespmem:v34+s31+$0x0], $0xffff;
	v34 =	vmovc v36  }
0x618: {  	v5 =	vadd.s32 $0x100, v50;
	v36 =	vmovc v35;
	v35 =	vmovc v41;
	v48 =	vadd.s32 $0x100, v38;
	v46 =	vadd.s32 $0x1, v38;
	[tilespmem:s11+$0xFFFFE400] =	vst v58;
	v55 =	vld.idx.msk [tilespmem:v55+s31+$0x0], $0xffff  }
0x619: {  	v57 =	vsub.f32 v57, v25;
	v58 =	vadd.s32 $0x200, v50;
	v56 =	vld.idx.msk [tilespmem:v56+s31+$0x0], $0xffff;
	v3 =	vsub.f32 v3, v25  }
0x61a: {  	v60 =	vadd.s32 $0x300, v50;
	v59 =	vadd.s32 $0x200, v38;
	v51 =	vsub.f32 v51, v52;
	v61 =	vld.idx.msk [tilespmem:v44+s31+$0x0], $0xffff;
	v44 =	vmovc v5  }
0x61b: {  	s12 =	sadd.s32 $0x2, s12;
	v41 =	vadd.s32 $0x300, v38;
	v52 =	vsub.f32 v53, v54;
	v53 =	vadd.s32 $0x301, v29;
	v29 =	vmovc v31;
	v5 =	vld.idx.msk [tilespmem:v50+s31+$0x0], $0xffff;
	[tilespmem:s9+$0xE10] =	vst v3  }
0x61c: {  	p1 =	slt.u32 s12, $0xDE;
	v51 =	vsub.f32 v51, v25;
	v3 =	vadd.s32 $0x301, v30;
	v30 =	vmovc v45;
	v45 =	vmov v38;
	v2 =	vld.idx.msk [tilespmem:v2+s31+$0x0], $0xffff;
	[tilespmem:s10+$0xFFFFF200] =	vst v57  }
0x61d: {  	v31 =	vmov v50;
	v4 =	vsub.f32 v49, v4;
	v54 =	vld.idx.msk [tilespmem:v46+s31+$0x0], $0xffff;
	v46 =	vsub.f32 v52, v25  }
0x61e: {  	v49 =	vld.idx.msk [tilespmem:v38+s31+$0x0], $0xffff;
	[tilespmem:s9+$0x0] =	vst v51  }
0x61f: {  	v62 =	vadd.s32 $0x201, v29;
	v51 =	vsub.f32 v55, v56;
	v4 =	vsub.f32 v4, v25;
	v57 =	vld.idx.msk [tilespmem:v47+s31+$0x0], $0xffff;
	[tilespmem:s10+$0x10] =	vst v46  }
0x620: {  	v63 =	vadd.s32 $0x201, v30;
	v47 =	vmov v48;
	v46 =	vld.idx.msk [tilespmem:v53+s31+$0x0], $0xffff  }
0x621: {  	v52 =	vsub.f32 v51, v25;
	v48 =	vld.idx.msk [tilespmem:v3+s31+$0x0], $0xffff;
	[tilespmem:s8+$0xE00] =	vst v4;
	s8 =	smov.u32 s9;
	s9 =	smov.u32 s10;
	s10 =	smov.u32 s11  }
.Ltmp13:
0x622: {  	v51 =	vld.idx.msk [tilespmem:v40+s31+$0x0], $0xffff;
	v40 =	vmov v42;
	v42 =	vmov v58;
	(pc) =	sbr.rel @p1 .LBB2_29-.Ltmp13, $4  }
0x623: {  	v55 =	vadd.s32 $0x101, v50;
	v2 =	vsub.f32 v2, v54;
	[tilespmem:s11+$0xFFFFF210] =	vst v52;
	v52 =	vld.idx.msk [tilespmem:v39+s31+$0x0], $0xffff;
	v39 =	vmovc v43;
	v43 =	vmov v59  }
0x624: {  	v56 =	vadd.s32 $0x101, v38;
	v3 =	vsub.f32 v5, v49;
	v53 =	vld.idx.msk [tilespmem:v62+s31+$0x0], $0xffff  }
0x625: {  	v59 =	vsub.f32 v2, v25;
	v57 =	vsub.f32 v61, v57;
	v54 =	vld.idx.msk [tilespmem:v63+s31+$0x0], $0xffff  }
0x626: {  	v50 =	vadd.s32 $0x2, v50;
	s11 =	sadd.s32 $0x20, s11;
	v58 =	vsub.f32 v3, v25;
	v49 =	vld.idx.msk [tilespmem:v32+s31+$0x0], $0xffff;
	v32 =	vmovc v33;
	v33 =	vmovc v37;
	v37 =	vmov v60  }
0x627: {  	_ =	sdelay $0x2  }
0x628: {  	[tilespmem:s11+$0xFFFFE410] =	vst v59  }
0x629: {  	v2 =	vld.idx.msk [tilespmem:v55+s31+$0x0], $0xffff  }
0x62a: {  	v3 =	vld.idx.msk [tilespmem:v56+s31+$0x0], $0xffff;
	_ =	sdelay $0x1  }
0x62b: {  	[tilespmem:s11+$0xFFFFE400] =	vst v58  }
0x62c: {  	v4 =	vld.idx.msk [tilespmem:v44+s31+$0x0], $0xffff  }
0x62d: {  	v5 =	vld.idx.msk [tilespmem:v47+s31+$0x0], $0xffff  }
0x62e: {  	v2 =	vsub.f32 v2, v3;
	v3 =	vadd.s32 $0x201, v31  }
0x62f: {  	v38 =	vadd.s32 $0x201, v45  }
0x630: {  	v2 =	vsub.f32 v2, v25;
	_ =	sdelay $0x1  }
0x631: {  	v56 =	vsub.f32 v57, v25;
	[tilespmem:s11+$0xFFFFF210] =	vst v2;
	v2 =	vsub.f32 v4, v5  }
0x632: {  	v3 =	vld.idx.msk [tilespmem:v3+s31+$0x0], $0xffff  }
0x633: {  	[tilespmem:s10+$0xFFFFF200] =	vst v56;
	v4 =	vld.idx.msk [tilespmem:v38+s31+$0x0], $0xffff;
	v2 =	vsub.f32 v2, v25  }
0x634: {  	v29 =	vadd.s32 $0x301, v29;
	v57 =	vld.idx.msk [tilespmem:v40+s31+$0x0], $0xffff;
	v5 =	vsub.f32 v53, v54  }
0x635: {  	v30 =	vadd.s32 $0x301, v30;
	v39 =	vld.idx.msk [tilespmem:v39+s31+$0x0], $0xffff;
	[tilespmem:s11+$0xFFFFF200] =	vst v2  }
0x636: {  	v5 =	vsub.f32 v5, v25;
	v2 =	vsub.f32 v51, v52;
	v58 =	vld.idx.msk [tilespmem:v42+s31+$0x0], $0xffff  }
0x637: {  	v59 =	vld.idx.msk [tilespmem:v43+s31+$0x0], $0xffff  }
0x638: {  	v34 =	vld.idx.msk [tilespmem:v34+s31+$0x0], $0xffff;
	[tilespmem:s10+$0x10] =	vst v5;
	v2 =	vsub.f32 v2, v25;
	v3 =	vsub.f32 v3, v4;
	v4 =	vadd.s32 $0x301, v31  }
0x639: {  	v5 =	vld.idx.msk [tilespmem:v29+s31+$0x0], $0xffff;
	v29 =	vadd.s32 $0x301, v45  }
0x63a: {  	[tilespmem:s9+$0x0] =	vst v2;
	v2 =	vld.idx.msk [tilespmem:v30+s31+$0x0], $0xffff;
	v30 =	vsub.f32 v57, v39;
	v3 =	vsub.f32 v3, v25  }
0x63b: {  	v31 =	vld.idx.msk [tilespmem:v32+s31+$0x0], $0xffff  }
0x63c: {  	v60 =	vld.idx.msk [tilespmem:v36+s31+$0x0], $0xffff;
	v30 =	vsub.f32 v30, v25;
	[tilespmem:s11+$0x10] =	vst v3;
	v3 =	vsub.f32 v58, v59  }
0x63d: {  	v4 =	vld.idx.msk [tilespmem:v4+s31+$0x0], $0xffff  }
0x63e: {  	v29 =	vld.idx.msk [tilespmem:v29+s31+$0x0], $0xffff;
	[tilespmem:s10+$0x0] =	vst v30;
	v3 =	vsub.f32 v3, v25  }
0x63f: {  	v30 =	vld.idx.msk [tilespmem:v33+s31+$0x0], $0xffff  }
0x640: {  	v61 =	vld.idx.msk [tilespmem:v35+s31+$0x0], $0xffff;
	[tilespmem:s11+$0x0] =	vst v3  }
0x641: {  	v3 =	vsub.f32 v46, v48;
	v62 =	vld.idx.msk [tilespmem:v37+s31+$0x0], $0xffff  }
0x642: {  	v34 =	vsub.f32 v49, v34;
	v63 =	vld.idx.msk [tilespmem:v41+s31+$0x0], $0xffff  }
0x643: {  	v2 =	vsub.f32 v5, v2;
	v3 =	vsub.f32 v3, v25  }
0x644: {  	v5 =	vsub.f32 v34, v25;
	v31 =	vsub.f32 v31, v60  }
0x645: {  	v2 =	vsub.f32 v2, v25;
	[tilespmem:s9+$0xE10] =	vst v3;
	v3 =	vsub.f32 v4, v29  }
0x646: {  	[tilespmem:s8+$0xE00] =	vst v5;
	v4 =	vsub.f32 v31, v25;
	v5 =	vsub.f32 v30, v61  }
0x647: {  	[tilespmem:s10+$0xE10] =	vst v2;
	v2 =	vsub.f32 v3, v25;
	v3 =	vsub.f32 v62, v63  }
0x648: {  	[tilespmem:s9+$0xE00] =	vst v4;
	v4 =	vsub.f32 v5, v25  }
0x649: {  	s30 =	sadd.s32 s30, s28;
	[tilespmem:s11+$0xE10] =	vst v2;
	v2 =	vsub.f32 v3, v25  }
0x64a: {  	s8 =	sshrl.u32 s30, $0x3;
	[tilespmem:s10+$0xE00] =	vst v4  }
0x64b: {  	s8 =	sadd.s32 s2, s8;
	[tilespmem:s11+$0xE00] =	vst v2  }
0x64c: {  	[hbm4b:s8+s6] =	stream.strided.scatter [tilespmem:s29], [sflag:$0x3], $0x3800, s7, s6, $0x38;
	[tilespmem:$0x1D060] =	vst v63  }
0x64d: {  	_ =	swait.ge [sflag:s1], $0x3800  }
.Ltmp14:
0x64e: {  	[sflag:s1] =	ssyncset.done $0x0;
	(pc) =	sbr.rel @p0 .LBB2_2-.Ltmp14, $4  }
0x64f: {  	[sflag:s1] =	ssyncadd.s32 $0xFFFFC800  }
0x650: {  	_ =	swait.ge [sflag:s0], $0x3800  }
0x651: {  	[sflag:s0] =	ssyncset.done $0x0  }
0x652: {  	p1 =	por $0x0, $0x0;
	s8 =	simm.s32 $0x38;
	[sflag:s0] =	ssyncadd.s32 $0xFFFFC800  }
0x653: {  	s9 =	rddreg [dreg:$0xc]  }
0x654: {  	s8 =	rddreg [dreg:$0xb];
	s9 =	sadd.s32 $0x1, s9  }
0x655: {  	p0 =	sne.s32 s9, s8  }
.Ltmp15:
0x656: {  	_ = 	snop;
	(pc) =	sbr.rel @p0 .LBB2_1-.Ltmp15, $1  }
0x657: {  	_ =	sdelay $0x3  }
0x658: {  	_ =	sfence.sel $0x180000  }
0x659: {  	[bflag:$0x0] =	sbarrier.arrive $0xFFFF  }
0x65a: {  	_ =	strace $0x90000047  }
0x65b: {  	s0 =	stileid.u32;
	[bflag:$0x2] =	sbarrier.arrive $0xFFFF  }
0x65c: {  	p0 =	sne.s32 s0, $0x0;
	s0 =	rddreg [dreg:$0x3]  }
0x65d: {  	s0 =	sadd.s32 @!p0 $0x100000, s0  }
0x65e: {  	[sflag:s0] =	ssyncadd.tile.s32 @!p0 $0x1;
	_ =	shalt  }
.Lfunc_end2:
_tile_overlayer_lowered:
.L_overlay_start_2:
0x65f: {  	(tag) =	ssettag $0x2  }
0x660: {  	s0 =	rddreg [dreg:$0x0];
	s2 =	stileid.u32  }
0x661: {  	s1 =	rddreg [dreg:$0x1];
	p0 =	sne.s32 s2, $0x0  }
0x662: {  	s3 =	rddreg [dreg:$0x2];
	[bflag:$0x3] =	sbarrier.arrive $0xFFFF;
	s2 =	simm.s32 @!p0 $0x1C04  }
0x663: {  	[timem:s3], [sflag:s2] =	dma.local @!p0 [hbm:s0], s1  }
0x664: {  	s0 =	simm.s32 @!p0 $0x4  }
0x665: {  	_ =	swait.ge @!p0 [sflag:s0], s1  }
0x666: {  	s1 =	ssub.s32 @!p0 $0x0, s1;
	[sflag:s0] =	ssyncset.done @!p0 $0x0  }
0x667: {  	[sflag:s0] =	ssyncadd.s32 @!p0 s1  }
0x668: {  	[bflag:$0x3] =	sbarrier.arrive $0xFFFF  }
0x669: {  	_ =	shalt  }

</sc_bundles>
